<compile_context>
chip_gen: v7x
topology: tpu7x:2x2x1
jax: 0.10.2.dev20260603
libtpu: 0.0.44.dev20260713+nightly
codegen_flags: <defaults>
</compile_context>

<pallas_src>
import functools

import jax
import jax.numpy as jnp
from jax import lax
from jax.experimental import pallas as pl
from jax.experimental.pallas import tpu as pltpu
from jax.experimental.pallas import tpu_sc as plsc

B = 16384
D = 64
NUM_CORES = 2
NUM_SUBCORES = 16
NW = NUM_CORES * NUM_SUBCORES
BPW = B // NW
L = 16
TG = 8


@functools.partial(
    pl.kernel,
    out_type=(
        jax.ShapeDtypeStruct((B,), jnp.float32),
        jax.ShapeDtypeStruct((B,), jnp.float32),
    ),
    mesh=plsc.VectorSubcoreMesh(core_axis_name="c", subcore_axis_name="s"),
    scratch_types=[
        pltpu.VMEM((BPW,), jnp.int32),
        pltpu.VMEM((BPW,), jnp.int32),
        pltpu.VMEM((BPW,), jnp.int32),
        pltpu.VMEM((L, TG, D), jnp.float32),
        pltpu.VMEM((L, TG, D), jnp.float32),
        pltpu.VMEM((L, TG, D), jnp.float32),
        pltpu.VMEM((BPW,), jnp.float32),
        pltpu.VMEM((BPW,), jnp.float32),
        pltpu.SemaphoreType.DMA,
    ],
    compiler_params=pltpu.CompilerParams(needs_layout_passes=False),
)
def _mfbpr(user_h, item_i_h, item_j_h, eu_h, ei_h, oi_h, oj_h,
           idx_u, idx_i, idx_j, tb_u, tb_i, tb_j, oi_v, oj_v, sem):
    wid = lax.axis_index("s") * NUM_CORES + lax.axis_index("c")
    base = wid * BPW
    pltpu.sync_copy(user_h.at[pl.ds(base, BPW)], idx_u)
    pltpu.sync_copy(item_i_h.at[pl.ds(base, BPW)], idx_i)
    pltpu.sync_copy(item_j_h.at[pl.ds(base, BPW)], idx_j)

    lanes = lax.iota(jnp.int32, L)

    def chunk_body(c, carry):
        rbase = c * L
        iu = idx_u[pl.ds(rbase, L)]
        ii = idx_i[pl.ds(rbase, L)]
        ij = idx_j[pl.ds(rbase, L)]
        copies = []
        for t in range(L):
            gu = (iu[t] >> 3) * TG
            gi = (ii[t] >> 3) * TG
            gj = (ij[t] >> 3) * TG
            copies.append(
                pltpu.async_copy(eu_h.at[pl.ds(gu, TG)], tb_u.at[t], sem))
            copies.append(
                pltpu.async_copy(ei_h.at[pl.ds(gi, TG)], tb_i.at[t], sem))
            copies.append(
                pltpu.async_copy(ei_h.at[pl.ds(gj, TG)], tb_j.at[t], sem))
        for cp in copies:
            cp.wait()
        ru = iu & 7
        ri = ii & 7
        rj = ij & 7
        acc_i = jnp.zeros((L,), jnp.float32)
        acc_j = jnp.zeros((L,), jnp.float32)
        for k in range(D):
            col = jnp.full((L,), k, dtype=jnp.int32)
            u = plsc.load_gather(tb_u, [lanes, ru, col])
            vi = plsc.load_gather(tb_i, [lanes, ri, col])
            vj = plsc.load_gather(tb_j, [lanes, rj, col])
            acc_i = acc_i + u * vi
            acc_j = acc_j + u * vj
        oi_v[pl.ds(rbase, L)] = acc_i
        oj_v[pl.ds(rbase, L)] = acc_j
        return carry

    lax.fori_loop(0, BPW // L, chunk_body, 0)

    pltpu.sync_copy(oi_v, oi_h.at[pl.ds(base, BPW)])
    pltpu.sync_copy(oj_v, oj_h.at[pl.ds(base, BPW)])


def kernel(user, item_i, item_j, embed_user, embed_item):
    return _mfbpr(user.astype(jnp.int32), item_i.astype(jnp.int32),
                  item_j.astype(jnp.int32), embed_user, embed_item)

# --- scband reference (transcript-rebuilt; emitter-appended) ---
"""Pipeline reference for scband-mfbpr-25142738551458 (READ-ONLY COPY).

The authoritative reference and input builder live on the scoring server;
editing this copy changes nothing except your own understanding.
"""

import jax, jax.numpy as jnp
import numpy as np

USER_NUM = 1000000
ITEM_NUM = 1000000
FACTOR_NUM = 64
BATCH = 16384

def setup_inputs(seed: int = 0) -> dict:
    key = jax.random.key(seed)
    k1, k2, k3, k4, k5 = jax.random.split(key, 5)
    user = jax.random.randint(k1, (BATCH,), 0, USER_NUM, dtype=jnp.int64 if jax.config.jax_enable_x64 else jnp.int32)
    item_i = jax.random.randint(k2, (BATCH,), 0, ITEM_NUM, dtype=jnp.int64 if jax.config.jax_enable_x64 else jnp.int32)
    item_j = jax.random.randint(k3, (BATCH,), 0, ITEM_NUM, dtype=jnp.int64 if jax.config.jax_enable_x64 else jnp.int32)
    embed_user = jax.random.normal(k4, (USER_NUM, FACTOR_NUM), dtype=jnp.float32) * 0.01
    embed_item = jax.random.normal(k5, (ITEM_NUM, FACTOR_NUM), dtype=jnp.float32) * 0.01
    return {"user": user, "item_i": item_i, "item_j": item_j, "embed_user": embed_user, "embed_item": embed_item}

def reference(user, item_i, item_j, embed_user, embed_item):
    u = jnp.take(embed_user, user, axis=0)
    vi = jnp.take(embed_item, item_i, axis=0)
    vj = jnp.take(embed_item, item_j, axis=0)
    prediction_i = (u * vi).sum(axis=-1)
    prediction_j = (u * vj).sum(axis=-1)
    return (prediction_i, prediction_j)

if __name__ == "__main__":
    import jax
    _d = setup_inputs()
    print(jax.jit(kernel)(*tuple(_d.values())))

</pallas_src>

<mosaic_0001>
#map = affine_map<(d0, d1) -> (0)>
#map1 = affine_map<(d0, d1) -> (0, 0)>
module attributes {stable_mosaic.version = 14 : i64} {
  func.func @_mfbpr(%arg0: i32, %arg1: i32, %arg2: memref<16384xi32, #tpu.memory_space<hbm>>, %arg3: memref<16384xi32, #tpu.memory_space<hbm>>, %arg4: memref<16384xi32, #tpu.memory_space<hbm>>, %arg5: memref<1000000x64xf32, #tpu.memory_space<hbm>>, %arg6: memref<1000000x64xf32, #tpu.memory_space<hbm>>, %arg7: memref<16384xf32, #tpu.memory_space<hbm>>, %arg8: memref<16384xf32, #tpu.memory_space<hbm>>, %arg9: memref<512xi32, #tpu.memory_space<vmem>>, %arg10: memref<512xi32, #tpu.memory_space<vmem>>, %arg11: memref<512xi32, #tpu.memory_space<vmem>>, %arg12: memref<16x8x64xf32, #tpu.memory_space<vmem>>, %arg13: memref<16x8x64xf32, #tpu.memory_space<vmem>>, %arg14: memref<16x8x64xf32, #tpu.memory_space<vmem>>, %arg15: memref<512xf32, #tpu.memory_space<vmem>>, %arg16: memref<512xf32, #tpu.memory_space<vmem>>, %arg17: memref<!tpu.dma_semaphore, #tpu.memory_space<semaphore_mem>>) attributes {dimension_semantics = [#tpu.dimension_semantics<core_parallel>, #tpu.dimension_semantics<subcore_parallel>], iteration_bounds = array<i64: 2, 16>, scalar_prefetch = 0 : i64, scratch_operands = 9 : i64, tpu.core_type = #tpu.core_type<sc_vector_subcore>, window_params = [{transform_indices = #map}, {transform_indices = #map}, {transform_indices = #map}, {transform_indices = #map1}, {transform_indices = #map1}, {transform_indices = #map}, {transform_indices = #map}]} {
    %mul3A = arith.constant 2 : i32
    %mul3A_0 = arith.muli %arg1, %mul3A : i32
    %add3A = arith.addi %mul3A_0, %arg0 : i32
    %mul3A_1 = arith.constant 512 : i32
    %mul3A_2 = arith.muli %add3A, %mul3A_1 : i32
    "tpu.region"() ({
      %run_scoped3A = tpu.sem_alloc : memref<!tpu.dma_semaphore, #tpu.memory_space<semaphore_mem>>
      %dma_start3A = tpu.memref_slice %arg2[%mul3A_2] : memref<16384xi32, #tpu.memory_space<hbm>> -> memref<512xi32, #tpu.memory_space<hbm>>
      %dma_start3A_8 = tpu.memref_slice %arg2[%mul3A_2] : memref<16384xi32, #tpu.memory_space<hbm>> -> memref<512xi32, #tpu.memory_space<hbm>>
      tpu.enqueue_dma source(%dma_start3A_8 : memref<512xi32, #tpu.memory_space<hbm>>) target(%arg9 : memref<512xi32, #tpu.memory_space<vmem>>) target_semaphore(%run_scoped3A : memref<!tpu.dma_semaphore, #tpu.memory_space<semaphore_mem>>)
      %dma_wait3A = tpu.memref_slice %arg2[%mul3A_2] : memref<16384xi32, #tpu.memory_space<hbm>> -> memref<512xi32, #tpu.memory_space<hbm>>
      %dma_wait3A_9 = tpu.memref_slice %arg2[%mul3A_2] : memref<16384xi32, #tpu.memory_space<hbm>> -> memref<512xi32, #tpu.memory_space<hbm>>
      tpu.wait_dma2 semaphore(%run_scoped3A : memref<!tpu.dma_semaphore, #tpu.memory_space<semaphore_mem>>) src(%dma_wait3A_9 : memref<512xi32, #tpu.memory_space<hbm>>) dst(%arg9 : memref<512xi32, #tpu.memory_space<vmem>>)
      tpu.yield
    }) : () -> ()
    "tpu.region"() ({
      %run_scoped3A = tpu.sem_alloc : memref<!tpu.dma_semaphore, #tpu.memory_space<semaphore_mem>>
      %dma_start3A = tpu.memref_slice %arg3[%mul3A_2] : memref<16384xi32, #tpu.memory_space<hbm>> -> memref<512xi32, #tpu.memory_space<hbm>>
      %dma_start3A_8 = tpu.memref_slice %arg3[%mul3A_2] : memref<16384xi32, #tpu.memory_space<hbm>> -> memref<512xi32, #tpu.memory_space<hbm>>
      tpu.enqueue_dma source(%dma_start3A_8 : memref<512xi32, #tpu.memory_space<hbm>>) target(%arg10 : memref<512xi32, #tpu.memory_space<vmem>>) target_semaphore(%run_scoped3A : memref<!tpu.dma_semaphore, #tpu.memory_space<semaphore_mem>>)
      %dma_wait3A = tpu.memref_slice %arg3[%mul3A_2] : memref<16384xi32, #tpu.memory_space<hbm>> -> memref<512xi32, #tpu.memory_space<hbm>>
      %dma_wait3A_9 = tpu.memref_slice %arg3[%mul3A_2] : memref<16384xi32, #tpu.memory_space<hbm>> -> memref<512xi32, #tpu.memory_space<hbm>>
      tpu.wait_dma2 semaphore(%run_scoped3A : memref<!tpu.dma_semaphore, #tpu.memory_space<semaphore_mem>>) src(%dma_wait3A_9 : memref<512xi32, #tpu.memory_space<hbm>>) dst(%arg10 : memref<512xi32, #tpu.memory_space<vmem>>)
      tpu.yield
    }) : () -> ()
    "tpu.region"() ({
      %run_scoped3A = tpu.sem_alloc : memref<!tpu.dma_semaphore, #tpu.memory_space<semaphore_mem>>
      %dma_start3A = tpu.memref_slice %arg4[%mul3A_2] : memref<16384xi32, #tpu.memory_space<hbm>> -> memref<512xi32, #tpu.memory_space<hbm>>
      %dma_start3A_8 = tpu.memref_slice %arg4[%mul3A_2] : memref<16384xi32, #tpu.memory_space<hbm>> -> memref<512xi32, #tpu.memory_space<hbm>>
      tpu.enqueue_dma source(%dma_start3A_8 : memref<512xi32, #tpu.memory_space<hbm>>) target(%arg11 : memref<512xi32, #tpu.memory_space<vmem>>) target_semaphore(%run_scoped3A : memref<!tpu.dma_semaphore, #tpu.memory_space<semaphore_mem>>)
      %dma_wait3A = tpu.memref_slice %arg4[%mul3A_2] : memref<16384xi32, #tpu.memory_space<hbm>> -> memref<512xi32, #tpu.memory_space<hbm>>
      %dma_wait3A_9 = tpu.memref_slice %arg4[%mul3A_2] : memref<16384xi32, #tpu.memory_space<hbm>> -> memref<512xi32, #tpu.memory_space<hbm>>
      tpu.wait_dma2 semaphore(%run_scoped3A : memref<!tpu.dma_semaphore, #tpu.memory_space<semaphore_mem>>) src(%dma_wait3A_9 : memref<512xi32, #tpu.memory_space<hbm>>) dst(%arg11 : memref<512xi32, #tpu.memory_space<vmem>>)
      tpu.yield
    }) : () -> ()
    %iota3A = tpu.iota {dimensions = array<i32: 0>} : vector<16xi32>
    %scan3A = arith.constant 0 : i32
    %scan3A_3 = arith.constant 0 : i32
    %scan3A_4 = arith.constant 32 : i32
    %scan3A_5 = arith.addi %scan3A_3, %scan3A_4 : i32
    %scan3A_6 = arith.constant 1 : i32
    scf.for %scan3A_8 = %scan3A_3 to %scan3A_5 step %scan3A_6  : i32 {
      %mul3A_9 = arith.constant 16 : i32
      %mul3A_10 = arith.muli %scan3A_8, %mul3A_9 : i32
      %get3A = arith.index_cast %mul3A_10 : i32 to index
      %get3A_11 = tpu.vector_load %arg9[%get3A] {strides = array<i32>} : memref<512xi32, #tpu.memory_space<vmem>>, vector<16xi32>,
      %get3A_12 = arith.index_cast %mul3A_10 : i32 to index
      %get3A_13 = tpu.vector_load %arg10[%get3A_12] {strides = array<i32>} : memref<512xi32, #tpu.memory_space<vmem>>, vector<16xi32>,
      %get3A_14 = arith.index_cast %mul3A_10 : i32 to index
      %get3A_15 = tpu.vector_load %arg11[%get3A_14] {strides = array<i32>} : memref<512xi32, #tpu.memory_space<vmem>>, vector<16xi32>,
      %slice3A = vector.extract_strided_slice %get3A_11 {offsets = [0], sizes = [1], strides = [1]} : vector<16xi32> to vector<1xi32>
      %squeeze3A = vector.extract %slice3A[0] : i32 from vector<1xi32>
      %shift_right_arithmetic3A = arith.constant 3 : i32
      %shift_right_arithmetic3A_16 = arith.shrsi %squeeze3A, %shift_right_arithmetic3A : i32
      %mul3A_17 = arith.constant 8 : i32
      %mul3A_18 = arith.muli %shift_right_arithmetic3A_16, %mul3A_17 : i32
      %slice3A_19 = vector.extract_strided_slice %get3A_13 {offsets = [0], sizes = [1], strides = [1]} : vector<16xi32> to vector<1xi32>
      %squeeze3A_20 = vector.extract %slice3A_19[0] : i32 from vector<1xi32>
      %shift_right_arithmetic3A_21 = arith.constant 3 : i32
      %shift_right_arithmetic3A_22 = arith.shrsi %squeeze3A_20, %shift_right_arithmetic3A_21 : i32
      %mul3A_23 = arith.constant 8 : i32
      %mul3A_24 = arith.muli %shift_right_arithmetic3A_22, %mul3A_23 : i32
      %slice3A_25 = vector.extract_strided_slice %get3A_15 {offsets = [0], sizes = [1], strides = [1]} : vector<16xi32> to vector<1xi32>
      %squeeze3A_26 = vector.extract %slice3A_25[0] : i32 from vector<1xi32>
      %shift_right_arithmetic3A_27 = arith.constant 3 : i32
      %shift_right_arithmetic3A_28 = arith.shrsi %squeeze3A_26, %shift_right_arithmetic3A_27 : i32
      %mul3A_29 = arith.constant 8 : i32
      %mul3A_30 = arith.muli %shift_right_arithmetic3A_28, %mul3A_29 : i32
      %dma_start3A = arith.constant 0 : i32
      %dma_start3A_31 = arith.constant 0 : i32
      %dma_start3A_32 = arith.constant 0 : i32
      %dma_start3A_33 = tpu.memref_slice %arg12[%dma_start3A, %dma_start3A_31, %dma_start3A_32] : memref<16x8x64xf32, #tpu.memory_space<vmem>> -> memref<1x8x64xf32, #tpu.memory_space<vmem>>
      %dma_start3A_34 = tpu.memref_squeeze %dma_start3A_33 : memref<1x8x64xf32, #tpu.memory_space<vmem>> -> memref<8x64xf32, #tpu.memory_space<vmem>>
      %dma_start3A_35 = arith.constant 0 : i32
      %dma_start3A_36 = tpu.memref_slice %arg5[%mul3A_18, %dma_start3A_35] : memref<1000000x64xf32, #tpu.memory_space<hbm>> -> memref<8x64xf32, #tpu.memory_space<hbm>>
      %dma_start3A_37 = arith.constant 0 : i32
      %dma_start3A_38 = arith.constant 0 : i32
      %dma_start3A_39 = tpu.memref_slice %arg12[%dma_start3A, %dma_start3A_37, %dma_start3A_38] : memref<16x8x64xf32, #tpu.memory_space<vmem>> -> memref<1x8x64xf32, #tpu.memory_space<vmem>>
      %dma_start3A_40 = tpu.memref_squeeze %dma_start3A_39 : memref<1x8x64xf32, #tpu.memory_space<vmem>> -> memref<8x64xf32, #tpu.memory_space<vmem>>
      %dma_start3A_41 = arith.constant 0 : i32
      %dma_start3A_42 = tpu.memref_slice %arg5[%mul3A_18, %dma_start3A_41] : memref<1000000x64xf32, #tpu.memory_space<hbm>> -> memref<8x64xf32, #tpu.memory_space<hbm>>
      tpu.enqueue_dma source(%dma_start3A_42 : memref<8x64xf32, #tpu.memory_space<hbm>>) target(%dma_start3A_40 : memref<8x64xf32, #tpu.memory_space<vmem>>) target_semaphore(%arg17 : memref<!tpu.dma_semaphore, #tpu.memory_space<semaphore_mem>>)
      %dma_start3A_43 = arith.constant 0 : i32
      %dma_start3A_44 = arith.constant 0 : i32
      %dma_start3A_45 = arith.constant 0 : i32
      %dma_start3A_46 = tpu.memref_slice %arg13[%dma_start3A_43, %dma_start3A_44, %dma_start3A_45] : memref<16x8x64xf32, #tpu.memory_space<vmem>> -> memref<1x8x64xf32, #tpu.memory_space<vmem>>
      %dma_start3A_47 = tpu.memref_squeeze %dma_start3A_46 : memref<1x8x64xf32, #tpu.memory_space<vmem>> -> memref<8x64xf32, #tpu.memory_space<vmem>>
      %dma_start3A_48 = arith.constant 0 : i32
      %dma_start3A_49 = tpu.memref_slice %arg6[%mul3A_24, %dma_start3A_48] : memref<1000000x64xf32, #tpu.memory_space<hbm>> -> memref<8x64xf32, #tpu.memory_space<hbm>>
      %dma_start3A_50 = arith.constant 0 : i32
      %dma_start3A_51 = arith.constant 0 : i32
      %dma_start3A_52 = tpu.memref_slice %arg13[%dma_start3A_43, %dma_start3A_50, %dma_start3A_51] : memref<16x8x64xf32, #tpu.memory_space<vmem>> -> memref<1x8x64xf32, #tpu.memory_space<vmem>>
      %dma_start3A_53 = tpu.memref_squeeze %dma_start3A_52 : memref<1x8x64xf32, #tpu.memory_space<vmem>> -> memref<8x64xf32, #tpu.memory_space<vmem>>
      %dma_start3A_54 = arith.constant 0 : i32
      %dma_start3A_55 = tpu.memref_slice %arg6[%mul3A_24, %dma_start3A_54] : memref<1000000x64xf32, #tpu.memory_space<hbm>> -> memref<8x64xf32, #tpu.memory_space<hbm>>
      tpu.enqueue_dma source(%dma_start3A_55 : memref<8x64xf32, #tpu.memory_space<hbm>>) target(%dma_start3A_53 : memref<8x64xf32, #tpu.memory_space<vmem>>) target_semaphore(%arg17 : memref<!tpu.dma_semaphore, #tpu.memory_space<semaphore_mem>>)
      %dma_start3A_56 = arith.constant 0 : i32
      %dma_start3A_57 = arith.constant 0 : i32
      %dma_start3A_58 = arith.constant 0 : i32
      %dma_start3A_59 = tpu.memref_slice %arg14[%dma_start3A_56, %dma_start3A_57, %dma_start3A_58] : memref<16x8x64xf32, #tpu.memory_space<vmem>> -> memref<1x8x64xf32, #tpu.memory_space<vmem>>
      %dma_start3A_60 = tpu.memref_squeeze %dma_start3A_59 : memref<1x8x64xf32, #tpu.memory_space<vmem>> -> memref<8x64xf32, #tpu.memory_space<vmem>>
      %dma_start3A_61 = arith.constant 0 : i32
      %dma_start3A_62 = tpu.memref_slice %arg6[%mul3A_30, %dma_start3A_61] : memref<1000000x64xf32, #tpu.memory_space<hbm>> -> memref<8x64xf32, #tpu.memory_space<hbm>>
      %dma_start3A_63 = arith.constant 0 : i32
      %dma_start3A_64 = arith.constant 0 : i32
      %dma_start3A_65 = tpu.memref_slice %arg14[%dma_start3A_56, %dma_start3A_63, %dma_start3A_64] : memref<16x8x64xf32, #tpu.memory_space<vmem>> -> memref<1x8x64xf32, #tpu.memory_space<vmem>>
      %dma_start3A_66 = tpu.memref_squeeze %dma_start3A_65 : memref<1x8x64xf32, #tpu.memory_space<vmem>> -> memref<8x64xf32, #tpu.memory_space<vmem>>
      %dma_start3A_67 = arith.constant 0 : i32
      %dma_start3A_68 = tpu.memref_slice %arg6[%mul3A_30, %dma_start3A_67] : memref<1000000x64xf32, #tpu.memory_space<hbm>> -> memref<8x64xf32, #tpu.memory_space<hbm>>
      tpu.enqueue_dma source(%dma_start3A_68 : memref<8x64xf32, #tpu.memory_space<hbm>>) target(%dma_start3A_66 : memref<8x64xf32, #tpu.memory_space<vmem>>) target_semaphore(%arg17 : memref<!tpu.dma_semaphore, #tpu.memory_space<semaphore_mem>>)
      %slice3A_69 = vector.extract_strided_slice %get3A_11 {offsets = [1], sizes = [1], strides = [1]} : vector<16xi32> to vector<1xi32>
      %squeeze3A_70 = vector.extract %slice3A_69[0] : i32 from vector<1xi32>
      %shift_right_arithmetic3A_71 = arith.constant 3 : i32
      %shift_right_arithmetic3A_72 = arith.shrsi %squeeze3A_70, %shift_right_arithmetic3A_71 : i32
      %mul3A_73 = arith.constant 8 : i32
      %mul3A_74 = arith.muli %shift_right_arithmetic3A_72, %mul3A_73 : i32
      %slice3A_75 = vector.extract_strided_slice %get3A_13 {offsets = [1], sizes = [1], strides = [1]} : vector<16xi32> to vector<1xi32>
      %squeeze3A_76 = vector.extract %slice3A_75[0] : i32 from vector<1xi32>
      %shift_right_arithmetic3A_77 = arith.constant 3 : i32
      %shift_right_arithmetic3A_78 = arith.shrsi %squeeze3A_76, %shift_right_arithmetic3A_77 : i32
      %mul3A_79 = arith.constant 8 : i32
      %mul3A_80 = arith.muli %shift_right_arithmetic3A_78, %mul3A_79 : i32
      %slice3A_81 = vector.extract_strided_slice %get3A_15 {offsets = [1], sizes = [1], strides = [1]} : vector<16xi32> to vector<1xi32>
      %squeeze3A_82 = vector.extract %slice3A_81[0] : i32 from vector<1xi32>
      %shift_right_arithmetic3A_83 = arith.constant 3 : i32
      %shift_right_arithmetic3A_84 = arith.shrsi %squeeze3A_82, %shift_right_arithmetic3A_83 : i32
      %mul3A_85 = arith.constant 8 : i32
      %mul3A_86 = arith.muli %shift_right_arithmetic3A_84, %mul3A_85 : i32
      %dma_start3A_87 = arith.constant 1 : i32
      %dma_start3A_88 = arith.constant 0 : i32
      %dma_start3A_89 = arith.constant 0 : i32
      %dma_start3A_90 = tpu.memref_slice %arg12[%dma_start3A_87, %dma_start3A_88, %dma_start3A_89] : memref<16x8x64xf32, #tpu.memory_space<vmem>> -> memref<1x8x64xf32, #tpu.memory_space<vmem>>
      %dma_start3A_91 = tpu.memref_squeeze %dma_start3A_90 : memref<1x8x64xf32, #tpu.memory_space<vmem>> -> memref<8x64xf32, #tpu.memory_space<vmem>>
      %dma_start3A_92 = arith.constant 0 : i32
      %dma_start3A_93 = tpu.memref_slice %arg5[%mul3A_74, %dma_start3A_92] : memref<1000000x64xf32, #tpu.memory_space<hbm>> -> memref<8x64xf32, #tpu.memory_space<hbm>>
      %dma_start3A_94 = arith.constant 0 : i32
      %dma_start3A_95 = arith.constant 0 : i32
      %dma_start3A_96 = tpu.memref_slice %arg12[%dma_start3A_87, %dma_start3A_94, %dma_start3A_95] : memref<16x8x64xf32, #tpu.memory_space<vmem>> -> memref<1x8x64xf32, #tpu.memory_space<vmem>>
      %dma_start3A_97 = tpu.memref_squeeze %dma_start3A_96 : memref<1x8x64xf32, #tpu.memory_space<vmem>> -> memref<8x64xf32, #tpu.memory_space<vmem>>
      %dma_start3A_98 = arith.constant 0 : i32
      %dma_start3A_99 = tpu.memref_slice %arg5[%mul3A_74, %dma_start3A_98] : memref<1000000x64xf32, #tpu.memory_space<hbm>> -> memref<8x64xf32, #tpu.memory_space<hbm>>
      tpu.enqueue_dma source(%dma_start3A_99 : memref<8x64xf32, #tpu.memory_space<hbm>>) target(%dma_start3A_97 : memref<8x64xf32, #tpu.memory_space<vmem>>) target_semaphore(%arg17 : memref<!tpu.dma_semaphore, #tpu.memory_space<semaphore_mem>>)
      %dma_start3A_100 = arith.constant 1 : i32
      %dma_start3A_101 = arith.constant 0 : i32
      %dma_start3A_102 = arith.constant 0 : i32
      %dma_start3A_103 = tpu.memref_slice %arg13[%dma_start3A_100, %dma_start3A_101, %dma_start3A_102] : memref<16x8x64xf32, #tpu.memory_space<vmem>> -> memref<1x8x64xf32, #tpu.memory_space<vmem>>
      %dma_start3A_104 = tpu.memref_squeeze %dma_start3A_103 : memref<1x8x64xf32, #tpu.memory_space<vmem>> -> memref<8x64xf32, #tpu.memory_space<vmem>>
      %dma_start3A_105 = arith.constant 0 : i32
      %dma_start3A_106 = tpu.memref_slice %arg6[%mul3A_80, %dma_start3A_105] : memref<1000000x64xf32, #tpu.memory_space<hbm>> -> memref<8x64xf32, #tpu.memory_space<hbm>>
      %dma_start3A_107 = arith.constant 0 : i32
      %dma_start3A_108 = arith.constant 0 : i32
      %dma_start3A_109 = tpu.memref_slice %arg13[%dma_start3A_100, %dma_start3A_107, %dma_start3A_108] : memref<16x8x64xf32, #tpu.memory_space<vmem>> -> memref<1x8x64xf32, #tpu.memory_space<vmem>>
      %dma_start3A_110 = tpu.memref_squeeze %dma_start3A_109 : memref<1x8x64xf32, #tpu.memory_space<vmem>> -> memref<8x64xf32, #tpu.memory_space<vmem>>
      %dma_start3A_111 = arith.constant 0 : i32
      %dma_start3A_112 = tpu.memref_slice %arg6[%mul3A_80, %dma_start3A_111] : memref<1000000x64xf32, #tpu.memory_space<hbm>> -> memref<8x64xf32, #tpu.memory_space<hbm>>
      tpu.enqueue_dma source(%dma_start3A_112 : memref<8x64xf32, #tpu.memory_space<hbm>>) target(%dma_start3A_110 : memref<8x64xf32, #tpu.memory_space<vmem>>) target_semaphore(%arg17 : memref<!tpu.dma_semaphore, #tpu.memory_space<semaphore_mem>>)
      %dma_start3A_113 = arith.constant 1 : i32
      %dma_start3A_114 = arith.constant 0 : i32
      %dma_start3A_115 = arith.constant 0 : i32
      %dma_start3A_116 = tpu.memref_slice %arg14[%dma_start3A_113, %dma_start3A_114, %dma_start3A_115] : memref<16x8x64xf32, #tpu.memory_space<vmem>> -> memref<1x8x64xf32, #tpu.memory_space<vmem>>
      %dma_start3A_117 = tpu.memref_squeeze %dma_start3A_116 : memref<1x8x64xf32, #tpu.memory_space<vmem>> -> memref<8x64xf32, #tpu.memory_space<vmem>>
      %dma_start3A_118 = arith.constant 0 : i32
      %dma_start3A_119 = tpu.memref_slice %arg6[%mul3A_86, %dma_start3A_118] : memref<1000000x64xf32, #tpu.memory_space<hbm>> -> memref<8x64xf32, #tpu.memory_space<hbm>>
      %dma_start3A_120 = arith.constant 0 : i32
      %dma_start3A_121 = arith.constant 0 : i32
      %dma_start3A_122 = tpu.memref_slice %arg14[%dma_start3A_113, %dma_start3A_120, %dma_start3A_121] : memref<16x8x64xf32, #tpu.memory_space<vmem>> -> memref<1x8x64xf32, #tpu.memory_space<vmem>>
      %dma_start3A_123 = tpu.memref_squeeze %dma_start3A_122 : memref<1x8x64xf32, #tpu.memory_space<vmem>> -> memref<8x64xf32, #tpu.memory_space<vmem>>
      %dma_start3A_124 = arith.constant 0 : i32
      %dma_start3A_125 = tpu.memref_slice %arg6[%mul3A_86, %dma_start3A_124] : memref<1000000x64xf32, #tpu.memory_space<hbm>> -> memref<8x64xf32, #tpu.memory_space<hbm>>
      tpu.enqueue_dma source(%dma_start3A_125 : memref<8x64xf32, #tpu.memory_space<hbm>>) target(%dma_start3A_123 : memref<8x64xf32, #tpu.memory_space<vmem>>) target_semaphore(%arg17 : memref<!tpu.dma_semaphore, #tpu.memory_space<semaphore_mem>>)
      %slice3A_126 = vector.extract_strided_slice %get3A_11 {offsets = [2], sizes = [1], strides = [1]} : vector<16xi32> to vector<1xi32>
      %squeeze3A_127 = vector.extract %slice3A_126[0] : i32 from vector<1xi32>
      %shift_right_arithmetic3A_128 = arith.constant 3 : i32
      %shift_right_arithmetic3A_129 = arith.shrsi %squeeze3A_127, %shift_right_arithmetic3A_128 : i32
      %mul3A_130 = arith.constant 8 : i32
      %mul3A_131 = arith.muli %shift_right_arithmetic3A_129, %mul3A_130 : i32
      %slice3A_132 = vector.extract_strided_slice %get3A_13 {offsets = [2], sizes = [1], strides = [1]} : vector<16xi32> to vector<1xi32>
      %squeeze3A_133 = vector.extract %slice3A_132[0] : i32 from vector<1xi32>
      %shift_right_arithmetic3A_134 = arith.constant 3 : i32
      %shift_right_arithmetic3A_135 = arith.shrsi %squeeze3A_133, %shift_right_arithmetic3A_134 : i32
      %mul3A_136 = arith.constant 8 : i32
      %mul3A_137 = arith.muli %shift_right_arithmetic3A_135, %mul3A_136 : i32
      %slice3A_138 = vector.extract_strided_slice %get3A_15 {offsets = [2], sizes = [1], strides = [1]} : vector<16xi32> to vector<1xi32>
      %squeeze3A_139 = vector.extract %slice3A_138[0] : i32 from vector<1xi32>
      %shift_right_arithmetic3A_140 = arith.constant 3 : i32
      %shift_right_arithmetic3A_141 = arith.shrsi %squeeze3A_139, %shift_right_arithmetic3A_140 : i32
      %mul3A_142 = arith.constant 8 : i32
      %mul3A_143 = arith.muli %shift_right_arithmetic3A_141, %mul3A_142 : i32
      %dma_start3A_144 = arith.constant 2 : i32
      %dma_start3A_145 = arith.constant 0 : i32
      %dma_start3A_146 = arith.constant 0 : i32
      %dma_start3A_147 = tpu.memref_slice %arg12[%dma_start3A_144, %dma_start3A_145, %dma_start3A_146] : memref<16x8x64xf32, #tpu.memory_space<vmem>> -> memref<1x8x64xf32, #tpu.memory_space<vmem>>
      %dma_start3A_148 = tpu.memref_squeeze %dma_start3A_147 : memref<1x8x64xf32, #tpu.memory_space<vmem>> -> memref<8x64xf32, #tpu.memory_space<vmem>>
      %dma_start3A_149 = arith.constant 0 : i32
      %dma_start3A_150 = tpu.memref_slice %arg5[%mul3A_131, %dma_start3A_149] : memref<1000000x64xf32, #tpu.memory_space<hbm>> -> memref<8x64xf32, #tpu.memory_space<hbm>>
      %dma_start3A_151 = arith.constant 0 : i32
      %dma_start3A_152 = arith.constant 0 : i32
      %dma_start3A_153 = tpu.memref_slice %arg12[%dma_start3A_144, %dma_start3A_151, %dma_start3A_152] : memref<16x8x64xf32, #tpu.memory_space<vmem>> -> memref<1x8x64xf32, #tpu.memory_space<vmem>>
      %dma_start3A_154 = tpu.memref_squeeze %dma_start3A_153 : memref<1x8x64xf32, #tpu.memory_space<vmem>> -> memref<8x64xf32, #tpu.memory_space<vmem>>
      %dma_start3A_155 = arith.constant 0 : i32
      %dma_start3A_156 = tpu.memref_slice %arg5[%mul3A_131, %dma_start3A_155] : memref<1000000x64xf32, #tpu.memory_space<hbm>> -> memref<8x64xf32, #tpu.memory_space<hbm>>
      tpu.enqueue_dma source(%dma_start3A_156 : memref<8x64xf32, #tpu.memory_space<hbm>>) target(%dma_start3A_154 : memref<8x64xf32, #tpu.memory_space<vmem>>) target_semaphore(%arg17 : memref<!tpu.dma_semaphore, #tpu.memory_space<semaphore_mem>>)
      %dma_start3A_157 = arith.constant 2 : i32
      %dma_start3A_158 = arith.constant 0 : i32
      %dma_start3A_159 = arith.constant 0 : i32
      %dma_start3A_160 = tpu.memref_slice %arg13[%dma_start3A_157, %dma_start3A_158, %dma_start3A_159] : memref<16x8x64xf32, #tpu.memory_space<vmem>> -> memref<1x8x64xf32, #tpu.memory_space<vmem>>
      %dma_start3A_161 = tpu.memref_squeeze %dma_start3A_160 : memref<1x8x64xf32, #tpu.memory_space<vmem>> -> memref<8x64xf32, #tpu.memory_space<vmem>>
      %dma_start3A_162 = arith.constant 0 : i32
      %dma_start3A_163 = tpu.memref_slice %arg6[%mul3A_137, %dma_start3A_162] : memref<1000000x64xf32, #tpu.memory_space<hbm>> -> memref<8x64xf32, #tpu.memory_space<hbm>>
      %dma_start3A_164 = arith.constant 0 : i32
      %dma_start3A_165 = arith.constant 0 : i32
      %dma_start3A_166 = tpu.memref_slice %arg13[%dma_start3A_157, %dma_start3A_164, %dma_start3A_165] : memref<16x8x64xf32, #tpu.memory_space<vmem>> -> memref<1x8x64xf32, #tpu.memory_space<vmem>>
      %dma_start3A_167 = tpu.memref_squeeze %dma_start3A_166 : memref<1x8x64xf32, #tpu.memory_space<vmem>> -> memref<8x64xf32, #tpu.memory_space<vmem>>
      %dma_start3A_168 = arith.constant 0 : i32
      %dma_start3A_169 = tpu.memref_slice %arg6[%mul3A_137, %dma_start3A_168] : memref<1000000x64xf32, #tpu.memory_space<hbm>> -> memref<8x64xf32, #tpu.memory_space<hbm>>
      tpu.enqueue_dma source(%dma_start3A_169 : memref<8x64xf32, #tpu.memory_space<hbm>>) target(%dma_start3A_167 : memref<8x64xf32, #tpu.memory_space<vmem>>) target_semaphore(%arg17 : memref<!tpu.dma_semaphore, #tpu.memory_space<semaphore_mem>>)
      %dma_start3A_170 = arith.constant 2 : i32
      %dma_start3A_171 = arith.constant 0 : i32
      %dma_start3A_172 = arith.constant 0 : i32
      %dma_start3A_173 = tpu.memref_slice %arg14[%dma_start3A_170, %dma_start3A_171, %dma_start3A_172] : memref<16x8x64xf32, #tpu.memory_space<vmem>> -> memref<1x8x64xf32, #tpu.memory_space<vmem>>
      %dma_start3A_174 = tpu.memref_squeeze %dma_start3A_173 : memref<1x8x64xf32, #tpu.memory_space<vmem>> -> memref<8x64xf32, #tpu.memory_space<vmem>>
      %dma_start3A_175 = arith.constant 0 : i32
      %dma_start3A_176 = tpu.memref_slice %arg6[%mul3A_143, %dma_start3A_175] : memref<1000000x64xf32, #tpu.memory_space<hbm>> -> memref<8x64xf32, #tpu.memory_space<hbm>>
      %dma_start3A_177 = arith.constant 0 : i32
      %dma_start3A_178 = arith.constant 0 : i32
      %dma_start3A_179 = tpu.memref_slice %arg14[%dma_start3A_170, %dma_start3A_177, %dma_start3A_178] : memref<16x8x64xf32, #tpu.memory_space<vmem>> -> memref<1x8x64xf32, #tpu.memory_space<vmem>>
      %dma_start3A_180 = tpu.memref_squeeze %dma_start3A_179 : memref<1x8x64xf32, #tpu.memory_space<vmem>> -> memref<8x64xf32, #tpu.memory_space<vmem>>
      %dma_start3A_181 = arith.constant 0 : i32
      %dma_start3A_182 = tpu.memref_slice %arg6[%mul3A_143, %dma_start3A_181] : memref<1000000x64xf32, #tpu.memory_space<hbm>> -> memref<8x64xf32, #tpu.memory_space<hbm>>
      tpu.enqueue_dma source(%dma_start3A_182 : memref<8x64xf32, #tpu.memory_space<hbm>>) target(%dma_start3A_180 : memref<8x64xf32, #tpu.memory_space<vmem>>) target_semaphore(%arg17 : memref<!tpu.dma_semaphore, #tpu.memory_space<semaphore_mem>>)
      %slice3A_183 = vector.extract_strided_slice %get3A_11 {offsets = [3], sizes = [1], strides = [1]} : vector<16xi32> to vector<1xi32>
      %squeeze3A_184 = vector.extract %slice3A_183[0] : i32 from vector<1xi32>
      %shift_right_arithmetic3A_185 = arith.constant 3 : i32
      %shift_right_arithmetic3A_186 = arith.shrsi %squeeze3A_184, %shift_right_arithmetic3A_185 : i32
      %mul3A_187 = arith.constant 8 : i32
      %mul3A_188 = arith.muli %shift_right_arithmetic3A_186, %mul3A_187 : i32
      %slice3A_189 = vector.extract_strided_slice %get3A_13 {offsets = [3], sizes = [1], strides = [1]} : vector<16xi32> to vector<1xi32>
      %squeeze3A_190 = vector.extract %slice3A_189[0] : i32 from vector<1xi32>
      %shift_right_arithmetic3A_191 = arith.constant 3 : i32
      %shift_right_arithmetic3A_192 = arith.shrsi %squeeze3A_190, %shift_right_arithmetic3A_191 : i32
      %mul3A_193 = arith.constant 8 : i32
      %mul3A_194 = arith.muli %shift_right_arithmetic3A_192, %mul3A_193 : i32
      %slice3A_195 = vector.extract_strided_slice %get3A_15 {offsets = [3], sizes = [1], strides = [1]} : vector<16xi32> to vector<1xi32>
      %squeeze3A_196 = vector.extract %slice3A_195[0] : i32 from vector<1xi32>
      %shift_right_arithmetic3A_197 = arith.constant 3 : i32
      %shift_right_arithmetic3A_198 = arith.shrsi %squeeze3A_196, %shift_right_arithmetic3A_197 : i32
      %mul3A_199 = arith.constant 8 : i32
      %mul3A_200 = arith.muli %shift_right_arithmetic3A_198, %mul3A_199 : i32
      %dma_start3A_201 = arith.constant 3 : i32
      %dma_start3A_202 = arith.constant 0 : i32
      %dma_start3A_203 = arith.constant 0 : i32
      %dma_start3A_204 = tpu.memref_slice %arg12[%dma_start3A_201, %dma_start3A_202, %dma_start3A_203] : memref<16x8x64xf32, #tpu.memory_space<vmem>> -> memref<1x8x64xf32, #tpu.memory_space<vmem>>
      %dma_start3A_205 = tpu.memref_squeeze %dma_start3A_204 : memref<1x8x64xf32, #tpu.memory_space<vmem>> -> memref<8x64xf32, #tpu.memory_space<vmem>>
      %dma_start3A_206 = arith.constant 0 : i32
      %dma_start3A_207 = tpu.memref_slice %arg5[%mul3A_188, %dma_start3A_206] : memref<1000000x64xf32, #tpu.memory_space<hbm>> -> memref<8x64xf32, #tpu.memory_space<hbm>>
      %dma_start3A_208 = arith.constant 0 : i32
      %dma_start3A_209 = arith.constant 0 : i32
      %dma_start3A_210 = tpu.memref_slice %arg12[%dma_start3A_201, %dma_start3A_208, %dma_start3A_209] : memref<16x8x64xf32, #tpu.memory_space<vmem>> -> memref<1x8x64xf32, #tpu.memory_space<vmem>>
      %dma_start3A_211 = tpu.memref_squeeze %dma_start3A_210 : memref<1x8x64xf32, #tpu.memory_space<vmem>> -> memref<8x64xf32, #tpu.memory_space<vmem>>
      %dma_start3A_212 = arith.constant 0 : i32
      %dma_start3A_213 = tpu.memref_slice %arg5[%mul3A_188, %dma_start3A_212] : memref<1000000x64xf32, #tpu.memory_space<hbm>> -> memref<8x64xf32, #tpu.memory_space<hbm>>
      tpu.enqueue_dma source(%dma_start3A_213 : memref<8x64xf32, #tpu.memory_space<hbm>>) target(%dma_start3A_211 : memref<8x64xf32, #tpu.memory_space<vmem>>) target_semaphore(%arg17 : memref<!tpu.dma_semaphore, #tpu.memory_space<semaphore_mem>>)
      %dma_start3A_214 = arith.constant 3 : i32
      %dma_start3A_215 = arith.constant 0 : i32
      %dma_start3A_216 = arith.constant 0 : i32
      %dma_start3A_217 = tpu.memref_slice %arg13[%dma_start3A_214, %dma_start3A_215, %dma_start3A_216] : memref<16x8x64xf32, #tpu.memory_space<vmem>> -> memref<1x8x64xf32, #tpu.memory_space<vmem>>
      %dma_start3A_218 = tpu.memref_squeeze %dma_start3A_217 : memref<1x8x64xf32, #tpu.memory_space<vmem>> -> memref<8x64xf32, #tpu.memory_space<vmem>>
      %dma_start3A_219 = arith.constant 0 : i32
      %dma_start3A_220 = tpu.memref_slice %arg6[%mul3A_194, %dma_start3A_219] : memref<1000000x64xf32, #tpu.memory_space<hbm>> -> memref<8x64xf32, #tpu.memory_space<hbm>>
      %dma_start3A_221 = arith.constant 0 : i32
      %dma_start3A_222 = arith.constant 0 : i32
      %dma_start3A_223 = tpu.memref_slice %arg13[%dma_start3A_214, %dma_start3A_221, %dma_start3A_222] : memref<16x8x64xf32, #tpu.memory_space<vmem>> -> memref<1x8x64xf32, #tpu.memory_space<vmem>>
      %dma_start3A_224 = tpu.memref_squeeze %dma_start3A_223 : memref<1x8x64xf32, #tpu.memory_space<vmem>> -> memref<8x64xf32, #tpu.memory_space<vmem>>
      %dma_start3A_225 = arith.constant 0 : i32
      %dma_start3A_226 = tpu.memref_slice %arg6[%mul3A_194, %dma_start3A_225] : memref<1000000x64xf32, #tpu.memory_space<hbm>> -> memref<8x64xf32, #tpu.memory_space<hbm>>
      tpu.enqueue_dma source(%dma_start3A_226 : memref<8x64xf32, #tpu.memory_space<hbm>>) target(%dma_start3A_224 : memref<8x64xf32, #tpu.memory_space<vmem>>) target_semaphore(%arg17 : memref<!tpu.dma_semaphore, #tpu.memory_space<semaphore_mem>>)
      %dma_start3A_227 = arith.constant 3 : i32
      %dma_start3A_228 = arith.constant 0 : i32
      %dma_start3A_229 = arith.constant 0 : i32
      %dma_start3A_230 = tpu.memref_slice %arg14[%dma_start3A_227, %dma_start3A_228, %dma_start3A_229] : memref<16x8x64xf32, #tpu.memory_space<vmem>> -> memref<1x8x64xf32, #tpu.memory_space<vmem>>
      %dma_start3A_231 = tpu.memref_squeeze %dma_start3A_230 : memref<1x8x64xf32, #tpu.memory_space<vmem>> -> memref<8x64xf32, #tpu.memory_space<vmem>>
      %dma_start3A_232 = arith.constant 0 : i32
      %dma_start3A_233 = tpu.memref_slice %arg6[%mul3A_200, %dma_start3A_232] : memref<1000000x64xf32, #tpu.memory_space<hbm>> -> memref<8x64xf32, #tpu.memory_space<hbm>>
      %dma_start3A_234 = arith.constant 0 : i32
      %dma_start3A_235 = arith.constant 0 : i32
      %dma_start3A_236 = tpu.memref_slice %arg14[%dma_start3A_227, %dma_start3A_234, %dma_start3A_235] : memref<16x8x64xf32, #tpu.memory_space<vmem>> -> memref<1x8x64xf32, #tpu.memory_space<vmem>>
      %dma_start3A_237 = tpu.memref_squeeze %dma_start3A_236 : memref<1x8x64xf32, #tpu.memory_space<vmem>> -> memref<8x64xf32, #tpu.memory_space<vmem>>
      %dma_start3A_238 = arith.constant 0 : i32
      %dma_start3A_239 = tpu.memref_slice %arg6[%mul3A_200, %dma_start3A_238] : memref<1000000x64xf32, #tpu.memory_space<hbm>> -> memref<8x64xf32, #tpu.memory_space<hbm>>
      tpu.enqueue_dma source(%dma_start3A_239 : memref<8x64xf32, #tpu.memory_space<hbm>>) target(%dma_start3A_237 : memref<8x64xf32, #tpu.memory_space<vmem>>) target_semaphore(%arg17 : memref<!tpu.dma_semaphore, #tpu.memory_space<semaphore_mem>>)
      %slice3A_240 = vector.extract_strided_slice %get3A_11 {offsets = [4], sizes = [1], strides = [1]} : vector<16xi32> to vector<1xi32>
      %squeeze3A_241 = vector.extract %slice3A_240[0] : i32 from vector<1xi32>
      %shift_right_arithmetic3A_242 = arith.constant 3 : i32
      %shift_right_arithmetic3A_243 = arith.shrsi %squeeze3A_241, %shift_right_arithmetic3A_242 : i32
      %mul3A_244 = arith.constant 8 : i32
      %mul3A_245 = arith.muli %shift_right_arithmetic3A_243, %mul3A_244 : i32
      %slice3A_246 = vector.extract_strided_slice %get3A_13 {offsets = [4], sizes = [1], strides = [1]} : vector<16xi32> to vector<1xi32>
      %squeeze3A_247 = vector.extract %slice3A_246[0] : i32 from vector<1xi32>
      %shift_right_arithmetic3A_248 = arith.constant 3 : i32
      %shift_right_arithmetic3A_249 = arith.shrsi %squeeze3A_247, %shift_right_arithmetic3A_248 : i32
      %mul3A_250 = arith.constant 8 : i32
      %mul3A_251 = arith.muli %shift_right_arithmetic3A_249, %mul3A_250 : i32
      %slice3A_252 = vector.extract_strided_slice %get3A_15 {offsets = [4], sizes = [1], strides = [1]} : vector<16xi32> to vector<1xi32>
      %squeeze3A_253 = vector.extract %slice3A_252[0] : i32 from vector<1xi32>
      %shift_right_arithmetic3A_254 = arith.constant 3 : i32
      %shift_right_arithmetic3A_255 = arith.shrsi %squeeze3A_253, %shift_right_arithmetic3A_254 : i32
      %mul3A_256 = arith.constant 8 : i32
      %mul3A_257 = arith.muli %shift_right_arithmetic3A_255, %mul3A_256 : i32
      %dma_start3A_258 = arith.constant 4 : i32
      %dma_start3A_259 = arith.constant 0 : i32
      %dma_start3A_260 = arith.constant 0 : i32
      %dma_start3A_261 = tpu.memref_slice %arg12[%dma_start3A_258, %dma_start3A_259, %dma_start3A_260] : memref<16x8x64xf32, #tpu.memory_space<vmem>> -> memref<1x8x64xf32, #tpu.memory_space<vmem>>
      %dma_start3A_262 = tpu.memref_squeeze %dma_start3A_261 : memref<1x8x64xf32, #tpu.memory_space<vmem>> -> memref<8x64xf32, #tpu.memory_space<vmem>>
      %dma_start3A_263 = arith.constant 0 : i32
      %dma_start3A_264 = tpu.memref_slice %arg5[%mul3A_245, %dma_start3A_263] : memref<1000000x64xf32, #tpu.memory_space<hbm>> -> memref<8x64xf32, #tpu.memory_space<hbm>>
      %dma_start3A_265 = arith.constant 0 : i32
      %dma_start3A_266 = arith.constant 0 : i32
      %dma_start3A_267 = tpu.memref_slice %arg12[%dma_start3A_258, %dma_start3A_265, %dma_start3A_266] : memref<16x8x64xf32, #tpu.memory_space<vmem>> -> memref<1x8x64xf32, #tpu.memory_space<vmem>>
      %dma_start3A_268 = tpu.memref_squeeze %dma_start3A_267 : memref<1x8x64xf32, #tpu.memory_space<vmem>> -> memref<8x64xf32, #tpu.memory_space<vmem>>
      %dma_start3A_269 = arith.constant 0 : i32
      %dma_start3A_270 = tpu.memref_slice %arg5[%mul3A_245, %dma_start3A_269] : memref<1000000x64xf32, #tpu.memory_space<hbm>> -> memref<8x64xf32, #tpu.memory_space<hbm>>
      tpu.enqueue_dma source(%dma_start3A_270 : memref<8x64xf32, #tpu.memory_space<hbm>>) target(%dma_start3A_268 : memref<8x64xf32, #tpu.memory_space<vmem>>) target_semaphore(%arg17 : memref<!tpu.dma_semaphore, #tpu.memory_space<semaphore_mem>>)
      %dma_start3A_271 = arith.constant 4 : i32
      %dma_start3A_272 = arith.constant 0 : i32
      %dma_start3A_273 = arith.constant 0 : i32
      %dma_start3A_274 = tpu.memref_slice %arg13[%dma_start3A_271, %dma_start3A_272, %dma_start3A_273] : memref<16x8x64xf32, #tpu.memory_space<vmem>> -> memref<1x8x64xf32, #tpu.memory_space<vmem>>
      %dma_start3A_275 = tpu.memref_squeeze %dma_start3A_274 : memref<1x8x64xf32, #tpu.memory_space<vmem>> -> memref<8x64xf32, #tpu.memory_space<vmem>>
      %dma_start3A_276 = arith.constant 0 : i32
      %dma_start3A_277 = tpu.memref_slice %arg6[%mul3A_251, %dma_start3A_276] : memref<1000000x64xf32, #tpu.memory_space<hbm>> -> memref<8x64xf32, #tpu.memory_space<hbm>>
      %dma_start3A_278 = arith.constant 0 : i32
      %dma_start3A_279 = arith.constant 0 : i32
      %dma_start3A_280 = tpu.memref_slice %arg13[%dma_start3A_271, %dma_start3A_278, %dma_start3A_279] : memref<16x8x64xf32, #tpu.memory_space<vmem>> -> memref<1x8x64xf32, #tpu.memory_space<vmem>>
      %dma_start3A_281 = tpu.memref_squeeze %dma_start3A_280 : memref<1x8x64xf32, #tpu.memory_space<vmem>> -> memref<8x64xf32, #tpu.memory_space<vmem>>
      %dma_start3A_282 = arith.constant 0 : i32
      %dma_start3A_283 = tpu.memref_slice %arg6[%mul3A_251, %dma_start3A_282] : memref<1000000x64xf32, #tpu.memory_space<hbm>> -> memref<8x64xf32, #tpu.memory_space<hbm>>
      tpu.enqueue_dma source(%dma_start3A_283 : memref<8x64xf32, #tpu.memory_space<hbm>>) target(%dma_start3A_281 : memref<8x64xf32, #tpu.memory_space<vmem>>) target_semaphore(%arg17 : memref<!tpu.dma_semaphore, #tpu.memory_space<semaphore_mem>>)
      %dma_start3A_284 = arith.constant 4 : i32
      %dma_start3A_285 = arith.constant 0 : i32
      %dma_start3A_286 = arith.constant 0 : i32
      %dma_start3A_287 = tpu.memref_slice %arg14[%dma_start3A_284, %dma_start3A_285, %dma_start3A_286] : memref<16x8x64xf32, #tpu.memory_space<vmem>> -> memref<1x8x64xf32, #tpu.memory_space<vmem>>
      %dma_start3A_288 = tpu.memref_squeeze %dma_start3A_287 : memref<1x8x64xf32, #tpu.memory_space<vmem>> -> memref<8x64xf32, #tpu.memory_space<vmem>>
      %dma_start3A_289 = arith.constant 0 : i32
      %dma_start3A_290 = tpu.memref_slice %arg6[%mul3A_257, %dma_start3A_289] : memref<1000000x64xf32, #tpu.memory_space<hbm>> -> memref<8x64xf32, #tpu.memory_space<hbm>>
      %dma_start3A_291 = arith.constant 0 : i32
      %dma_start3A_292 = arith.constant 0 : i32
      %dma_start3A_293 = tpu.memref_slice %arg14[%dma_start3A_284, %dma_start3A_291, %dma_start3A_292] : memref<16x8x64xf32, #tpu.memory_space<vmem>> -> memref<1x8x64xf32, #tpu.memory_space<vmem>>
      %dma_start3A_294 = tpu.memref_squeeze %dma_start3A_293 : memref<1x8x64xf32, #tpu.memory_space<vmem>> -> memref<8x64xf32, #tpu.memory_space<vmem>>
      %dma_start3A_295 = arith.constant 0 : i32
      %dma_start3A_296 = tpu.memref_slice %arg6[%mul3A_257, %dma_start3A_295] : memref<1000000x64xf32, #tpu.memory_space<hbm>> -> memref<8x64xf32, #tpu.memory_space<hbm>>
      tpu.enqueue_dma source(%dma_start3A_296 : memref<8x64xf32, #tpu.memory_space<hbm>>) target(%dma_start3A_294 : memref<8x64xf32, #tpu.memory_space<vmem>>) target_semaphore(%arg17 : memref<!tpu.dma_semaphore, #tpu.memory_space<semaphore_mem>>)
      %slice3A_297 = vector.extract_strided_slice %get3A_11 {offsets = [5], sizes = [1], strides = [1]} : vector<16xi32> to vector<1xi32>
      %squeeze3A_298 = vector.extract %slice3A_297[0] : i32 from vector<1xi32>
      %shift_right_arithmetic3A_299 = arith.constant 3 : i32
      %shift_right_arithmetic3A_300 = arith.shrsi %squeeze3A_298, %shift_right_arithmetic3A_299 : i32
      %mul3A_301 = arith.constant 8 : i32
      %mul3A_302 = arith.muli %shift_right_arithmetic3A_300, %mul3A_301 : i32
      %slice3A_303 = vector.extract_strided_slice %get3A_13 {offsets = [5], sizes = [1], strides = [1]} : vector<16xi32> to vector<1xi32>
      %squeeze3A_304 = vector.extract %slice3A_303[0] : i32 from vector<1xi32>
      %shift_right_arithmetic3A_305 = arith.constant 3 : i32
      %shift_right_arithmetic3A_306 = arith.shrsi %squeeze3A_304, %shift_right_arithmetic3A_305 : i32
      %mul3A_307 = arith.constant 8 : i32
      %mul3A_308 = arith.muli %shift_right_arithmetic3A_306, %mul3A_307 : i32
      %slice3A_309 = vector.extract_strided_slice %get3A_15 {offsets = [5], sizes = [1], strides = [1]} : vector<16xi32> to vector<1xi32>
      %squeeze3A_310 = vector.extract %slice3A_309[0] : i32 from vector<1xi32>
      %shift_right_arithmetic3A_311 = arith.constant 3 : i32
      %shift_right_arithmetic3A_312 = arith.shrsi %squeeze3A_310, %shift_right_arithmetic3A_311 : i32
      %mul3A_313 = arith.constant 8 : i32
      %mul3A_314 = arith.muli %shift_right_arithmetic3A_312, %mul3A_313 : i32
      %dma_start3A_315 = arith.constant 5 : i32
      %dma_start3A_316 = arith.constant 0 : i32
      %dma_start3A_317 = arith.constant 0 : i32
      %dma_start3A_318 = tpu.memref_slice %arg12[%dma_start3A_315, %dma_start3A_316, %dma_start3A_317] : memref<16x8x64xf32, #tpu.memory_space<vmem>> -> memref<1x8x64xf32, #tpu.memory_space<vmem>>
      %dma_start3A_319 = tpu.memref_squeeze %dma_start3A_318 : memref<1x8x64xf32, #tpu.memory_space<vmem>> -> memref<8x64xf32, #tpu.memory_space<vmem>>
      %dma_start3A_320 = arith.constant 0 : i32
      %dma_start3A_321 = tpu.memref_slice %arg5[%mul3A_302, %dma_start3A_320] : memref<1000000x64xf32, #tpu.memory_space<hbm>> -> memref<8x64xf32, #tpu.memory_space<hbm>>
      %dma_start3A_322 = arith.constant 0 : i32
      %dma_start3A_323 = arith.constant 0 : i32
      %dma_start3A_324 = tpu.memref_slice %arg12[%dma_start3A_315, %dma_start3A_322, %dma_start3A_323] : memref<16x8x64xf32, #tpu.memory_space<vmem>> -> memref<1x8x64xf32, #tpu.memory_space<vmem>>
      %dma_start3A_325 = tpu.memref_squeeze %dma_start3A_324 : memref<1x8x64xf32, #tpu.memory_space<vmem>> -> memref<8x64xf32, #tpu.memory_space<vmem>>
      %dma_start3A_326 = arith.constant 0 : i32
      %dma_start3A_327 = tpu.memref_slice %arg5[%mul3A_302, %dma_start3A_326] : memref<1000000x64xf32, #tpu.memory_space<hbm>> -> memref<8x64xf32, #tpu.memory_space<hbm>>
      tpu.enqueue_dma source(%dma_start3A_327 : memref<8x64xf32, #tpu.memory_space<hbm>>) target(%dma_start3A_325 : memref<8x64xf32, #tpu.memory_space<vmem>>) target_semaphore(%arg17 : memref<!tpu.dma_semaphore, #tpu.memory_space<semaphore_mem>>)
      %dma_start3A_328 = arith.constant 5 : i32
      %dma_start3A_329 = arith.constant 0 : i32
      %dma_start3A_330 = arith.constant 0 : i32
      %dma_start3A_331 = tpu.memref_slice %arg13[%dma_start3A_328, %dma_start3A_329, %dma_start3A_330] : memref<16x8x64xf32, #tpu.memory_space<vmem>> -> memref<1x8x64xf32, #tpu.memory_space<vmem>>
      %dma_start3A_332 = tpu.memref_squeeze %dma_start3A_331 : memref<1x8x64xf32, #tpu.memory_space<vmem>> -> memref<8x64xf32, #tpu.memory_space<vmem>>
      %dma_start3A_333 = arith.constant 0 : i32
      %dma_start3A_334 = tpu.memref_slice %arg6[%mul3A_308, %dma_start3A_333] : memref<1000000x64xf32, #tpu.memory_space<hbm>> -> memref<8x64xf32, #tpu.memory_space<hbm>>
      %dma_start3A_335 = arith.constant 0 : i32
      %dma_start3A_336 = arith.constant 0 : i32
      %dma_start3A_337 = tpu.memref_slice %arg13[%dma_start3A_328, %dma_start3A_335, %dma_start3A_336] : memref<16x8x64xf32, #tpu.memory_space<vmem>> -> memref<1x8x64xf32, #tpu.memory_space<vmem>>
      %dma_start3A_338 = tpu.memref_squeeze %dma_start3A_337 : memref<1x8x64xf32, #tpu.memory_space<vmem>> -> memref<8x64xf32, #tpu.memory_space<vmem>>
      %dma_start3A_339 = arith.constant 0 : i32
      %dma_start3A_340 = tpu.memref_slice %arg6[%mul3A_308, %dma_start3A_339] : memref<1000000x64xf32, #tpu.memory_space<hbm>> -> memref<8x64xf32, #tpu.memory_space<hbm>>
      tpu.enqueue_dma source(%dma_start3A_340 : memref<8x64xf32, #tpu.memory_space<hbm>>) target(%dma_start3A_338 : memref<8x64xf32, #tpu.memory_space<vmem>>) target_semaphore(%arg17 : memref<!tpu.dma_semaphore, #tpu.memory_space<semaphore_mem>>)
      %dma_start3A_341 = arith.constant 5 : i32
      %dma_start3A_342 = arith.constant 0 : i32
      %dma_start3A_343 = arith.constant 0 : i32
      %dma_start3A_344 = tpu.memref_slice %arg14[%dma_start3A_341, %dma_start3A_342, %dma_start3A_343] : memref<16x8x64xf32, #tpu.memory_space<vmem>> -> memref<1x8x64xf32, #tpu.memory_space<vmem>>
      %dma_start3A_345 = tpu.memref_squeeze %dma_start3A_344 : memref<1x8x64xf32, #tpu.memory_space<vmem>> -> memref<8x64xf32, #tpu.memory_space<vmem>>
      %dma_start3A_346 = arith.constant 0 : i32
      %dma_start3A_347 = tpu.memref_slice %arg6[%mul3A_314, %dma_start3A_346] : memref<1000000x64xf32, #tpu.memory_space<hbm>> -> memref<8x64xf32, #tpu.memory_space<hbm>>
      %dma_start3A_348 = arith.constant 0 : i32
      %dma_start3A_349 = arith.constant 0 : i32
      %dma_start3A_350 = tpu.memref_slice %arg14[%dma_start3A_341, %dma_start3A_348, %dma_start3A_349] : memref<16x8x64xf32, #tpu.memory_space<vmem>> -> memref<1x8x64xf32, #tpu.memory_space<vmem>>
      %dma_start3A_351 = tpu.memref_squeeze %dma_start3A_350 : memref<1x8x64xf32, #tpu.memory_space<vmem>> -> memref<8x64xf32, #tpu.memory_space<vmem>>
      %dma_start3A_352 = arith.constant 0 : i32
      %dma_start3A_353 = tpu.memref_slice %arg6[%mul3A_314, %dma_start3A_352] : memref<1000000x64xf32, #tpu.memory_space<hbm>> -> memref<8x64xf32, #tpu.memory_space<hbm>>
      tpu.enqueue_dma source(%dma_start3A_353 : memref<8x64xf32, #tpu.memory_space<hbm>>) target(%dma_start3A_351 : memref<8x64xf32, #tpu.memory_space<vmem>>) target_semaphore(%arg17 : memref<!tpu.dma_semaphore, #tpu.memory_space<semaphore_mem>>)
      %slice3A_354 = vector.extract_strided_slice %get3A_11 {offsets = [6], sizes = [1], strides = [1]} : vector<16xi32> to vector<1xi32>
      %squeeze3A_355 = vector.extract %slice3A_354[0] : i32 from vector<1xi32>
      %shift_right_arithmetic3A_356 = arith.constant 3 : i32
      %shift_right_arithmetic3A_357 = arith.shrsi %squeeze3A_355, %shift_right_arithmetic3A_356 : i32
      %mul3A_358 = arith.constant 8 : i32
      %mul3A_359 = arith.muli %shift_right_arithmetic3A_357, %mul3A_358 : i32
      %slice3A_360 = vector.extract_strided_slice %get3A_13 {offsets = [6], sizes = [1], strides = [1]} : vector<16xi32> to vector<1xi32>
      %squeeze3A_361 = vector.extract %slice3A_360[0] : i32 from vector<1xi32>
      %shift_right_arithmetic3A_362 = arith.constant 3 : i32
      %shift_right_arithmetic3A_363 = arith.shrsi %squeeze3A_361, %shift_right_arithmetic3A_362 : i32
      %mul3A_364 = arith.constant 8 : i32
      %mul3A_365 = arith.muli %shift_right_arithmetic3A_363, %mul3A_364 : i32
      %slice3A_366 = vector.extract_strided_slice %get3A_15 {offsets = [6], sizes = [1], strides = [1]} : vector<16xi32> to vector<1xi32>
      %squeeze3A_367 = vector.extract %slice3A_366[0] : i32 from vector<1xi32>
      %shift_right_arithmetic3A_368 = arith.constant 3 : i32
      %shift_right_arithmetic3A_369 = arith.shrsi %squeeze3A_367, %shift_right_arithmetic3A_368 : i32
      %mul3A_370 = arith.constant 8 : i32
      %mul3A_371 = arith.muli %shift_right_arithmetic3A_369, %mul3A_370 : i32
      %dma_start3A_372 = arith.constant 6 : i32
      %dma_start3A_373 = arith.constant 0 : i32
      %dma_start3A_374 = arith.constant 0 : i32
      %dma_start3A_375 = tpu.memref_slice %arg12[%dma_start3A_372, %dma_start3A_373, %dma_start3A_374] : memref<16x8x64xf32, #tpu.memory_space<vmem>> -> memref<1x8x64xf32, #tpu.memory_space<vmem>>
      %dma_start3A_376 = tpu.memref_squeeze %dma_start3A_375 : memref<1x8x64xf32, #tpu.memory_space<vmem>> -> memref<8x64xf32, #tpu.memory_space<vmem>>
      %dma_start3A_377 = arith.constant 0 : i32
      %dma_start3A_378 = tpu.memref_slice %arg5[%mul3A_359, %dma_start3A_377] : memref<1000000x64xf32, #tpu.memory_space<hbm>> -> memref<8x64xf32, #tpu.memory_space<hbm>>
      %dma_start3A_379 = arith.constant 0 : i32
      %dma_start3A_380 = arith.constant 0 : i32
      %dma_start3A_381 = tpu.memref_slice %arg12[%dma_start3A_372, %dma_start3A_379, %dma_start3A_380] : memref<16x8x64xf32, #tpu.memory_space<vmem>> -> memref<1x8x64xf32, #tpu.memory_space<vmem>>
      %dma_start3A_382 = tpu.memref_squeeze %dma_start3A_381 : memref<1x8x64xf32, #tpu.memory_space<vmem>> -> memref<8x64xf32, #tpu.memory_space<vmem>>
      %dma_start3A_383 = arith.constant 0 : i32
      %dma_start3A_384 = tpu.memref_slice %arg5[%mul3A_359, %dma_start3A_383] : memref<1000000x64xf32, #tpu.memory_space<hbm>> -> memref<8x64xf32, #tpu.memory_space<hbm>>
      tpu.enqueue_dma source(%dma_start3A_384 : memref<8x64xf32, #tpu.memory_space<hbm>>) target(%dma_start3A_382 : memref<8x64xf32, #tpu.memory_space<vmem>>) target_semaphore(%arg17 : memref<!tpu.dma_semaphore, #tpu.memory_space<semaphore_mem>>)
      %dma_start3A_385 = arith.constant 6 : i32
      %dma_start3A_386 = arith.constant 0 : i32
      %dma_start3A_387 = arith.constant 0 : i32
      %dma_start3A_388 = tpu.memref_slice %arg13[%dma_start3A_385, %dma_start3A_386, %dma_start3A_387] : memref<16x8x64xf32, #tpu.memory_space<vmem>> -> memref<1x8x64xf32, #tpu.memory_space<vmem>>
      %dma_start3A_389 = tpu.memref_squeeze %dma_start3A_388 : memref<1x8x64xf32, #tpu.memory_space<vmem>> -> memref<8x64xf32, #tpu.memory_space<vmem>>
      %dma_start3A_390 = arith.constant 0 : i32
      %dma_start3A_391 = tpu.memref_slice %arg6[%mul3A_365, %dma_start3A_390] : memref<1000000x64xf32, #tpu.memory_space<hbm>> -> memref<8x64xf32, #tpu.memory_space<hbm>>
      %dma_start3A_392 = arith.constant 0 : i32
      %dma_start3A_393 = arith.constant 0 : i32
      %dma_start3A_394 = tpu.memref_slice %arg13[%dma_start3A_385, %dma_start3A_392, %dma_start3A_393] : memref<16x8x64xf32, #tpu.memory_space<vmem>> -> memref<1x8x64xf32, #tpu.memory_space<vmem>>
      %dma_start3A_395 = tpu.memref_squeeze %dma_start3A_394 : memref<1x8x64xf32, #tpu.memory_space<vmem>> -> memref<8x64xf32, #tpu.memory_space<vmem>>
      %dma_start3A_396 = arith.constant 0 : i32
      %dma_start3A_397 = tpu.memref_slice %arg6[%mul3A_365, %dma_start3A_396] : memref<1000000x64xf32, #tpu.memory_space<hbm>> -> memref<8x64xf32, #tpu.memory_space<hbm>>
      tpu.enqueue_dma source(%dma_start3A_397 : memref<8x64xf32, #tpu.memory_space<hbm>>) target(%dma_start3A_395 : memref<8x64xf32, #tpu.memory_space<vmem>>) target_semaphore(%arg17 : memref<!tpu.dma_semaphore, #tpu.memory_space<semaphore_mem>>)
      %dma_start3A_398 = arith.constant 6 : i32
      %dma_start3A_399 = arith.constant 0 : i32
      %dma_start3A_400 = arith.constant 0 : i32
      %dma_start3A_401 = tpu.memref_slice %arg14[%dma_start3A_398, %dma_start3A_399, %dma_start3A_400] : memref<16x8x64xf32, #tpu.memory_space<vmem>> -> memref<1x8x64xf32, #tpu.memory_space<vmem>>
      %dma_start3A_402 = tpu.memref_squeeze %dma_start3A_401 : memref<1x8x64xf32, #tpu.memory_space<vmem>> -> memref<8x64xf32, #tpu.memory_space<vmem>>
      %dma_start3A_403 = arith.constant 0 : i32
      %dma_start3A_404 = tpu.memref_slice %arg6[%mul3A_371, %dma_start3A_403] : memref<1000000x64xf32, #tpu.memory_space<hbm>> -> memref<8x64xf32, #tpu.memory_space<hbm>>
      %dma_start3A_405 = arith.constant 0 : i32
      %dma_start3A_406 = arith.constant 0 : i32
      %dma_start3A_407 = tpu.memref_slice %arg14[%dma_start3A_398, %dma_start3A_405, %dma_start3A_406] : memref<16x8x64xf32, #tpu.memory_space<vmem>> -> memref<1x8x64xf32, #tpu.memory_space<vmem>>
      %dma_start3A_408 = tpu.memref_squeeze %dma_start3A_407 : memref<1x8x64xf32, #tpu.memory_space<vmem>> -> memref<8x64xf32, #tpu.memory_space<vmem>>
      %dma_start3A_409 = arith.constant 0 : i32
      %dma_start3A_410 = tpu.memref_slice %arg6[%mul3A_371, %dma_start3A_409] : memref<1000000x64xf32, #tpu.memory_space<hbm>> -> memref<8x64xf32, #tpu.memory_space<hbm>>
      tpu.enqueue_dma source(%dma_start3A_410 : memref<8x64xf32, #tpu.memory_space<hbm>>) target(%dma_start3A_408 : memref<8x64xf32, #tpu.memory_space<vmem>>) target_semaphore(%arg17 : memref<!tpu.dma_semaphore, #tpu.memory_space<semaphore_mem>>)
      %slice3A_411 = vector.extract_strided_slice %get3A_11 {offsets = [7], sizes = [1], strides = [1]} : vector<16xi32> to vector<1xi32>
      %squeeze3A_412 = vector.extract %slice3A_411[0] : i32 from vector<1xi32>
      %shift_right_arithmetic3A_413 = arith.constant 3 : i32
      %shift_right_arithmetic3A_414 = arith.shrsi %squeeze3A_412, %shift_right_arithmetic3A_413 : i32
      %mul3A_415 = arith.constant 8 : i32
      %mul3A_416 = arith.muli %shift_right_arithmetic3A_414, %mul3A_415 : i32
      %slice3A_417 = vector.extract_strided_slice %get3A_13 {offsets = [7], sizes = [1], strides = [1]} : vector<16xi32> to vector<1xi32>
      %squeeze3A_418 = vector.extract %slice3A_417[0] : i32 from vector<1xi32>
      %shift_right_arithmetic3A_419 = arith.constant 3 : i32
      %shift_right_arithmetic3A_420 = arith.shrsi %squeeze3A_418, %shift_right_arithmetic3A_419 : i32
      %mul3A_421 = arith.constant 8 : i32
      %mul3A_422 = arith.muli %shift_right_arithmetic3A_420, %mul3A_421 : i32
      %slice3A_423 = vector.extract_strided_slice %get3A_15 {offsets = [7], sizes = [1], strides = [1]} : vector<16xi32> to vector<1xi32>
      %squeeze3A_424 = vector.extract %slice3A_423[0] : i32 from vector<1xi32>
      %shift_right_arithmetic3A_425 = arith.constant 3 : i32
      %shift_right_arithmetic3A_426 = arith.shrsi %squeeze3A_424, %shift_right_arithmetic3A_425 : i32
      %mul3A_427 = arith.constant 8 : i32
      %mul3A_428 = arith.muli %shift_right_arithmetic3A_426, %mul3A_427 : i32
      %dma_start3A_429 = arith.constant 7 : i32
      %dma_start3A_430 = arith.constant 0 : i32
      %dma_start3A_431 = arith.constant 0 : i32
      %dma_start3A_432 = tpu.memref_slice %arg12[%dma_start3A_429, %dma_start3A_430, %dma_start3A_431] : memref<16x8x64xf32, #tpu.memory_space<vmem>> -> memref<1x8x64xf32, #tpu.memory_space<vmem>>
      %dma_start3A_433 = tpu.memref_squeeze %dma_start3A_432 : memref<1x8x64xf32, #tpu.memory_space<vmem>> -> memref<8x64xf32, #tpu.memory_space<vmem>>
      %dma_start3A_434 = arith.constant 0 : i32
      %dma_start3A_435 = tpu.memref_slice %arg5[%mul3A_416, %dma_start3A_434] : memref<1000000x64xf32, #tpu.memory_space<hbm>> -> memref<8x64xf32, #tpu.memory_space<hbm>>
      %dma_start3A_436 = arith.constant 0 : i32
      %dma_start3A_437 = arith.constant 0 : i32
      %dma_start3A_438 = tpu.memref_slice %arg12[%dma_start3A_429, %dma_start3A_436, %dma_start3A_437] : memref<16x8x64xf32, #tpu.memory_space<vmem>> -> memref<1x8x64xf32, #tpu.memory_space<vmem>>
      %dma_start3A_439 = tpu.memref_squeeze %dma_start3A_438 : memref<1x8x64xf32, #tpu.memory_space<vmem>> -> memref<8x64xf32, #tpu.memory_space<vmem>>
      %dma_start3A_440 = arith.constant 0 : i32
      %dma_start3A_441 = tpu.memref_slice %arg5[%mul3A_416, %dma_start3A_440] : memref<1000000x64xf32, #tpu.memory_space<hbm>> -> memref<8x64xf32, #tpu.memory_space<hbm>>
      tpu.enqueue_dma source(%dma_start3A_441 : memref<8x64xf32, #tpu.memory_space<hbm>>) target(%dma_start3A_439 : memref<8x64xf32, #tpu.memory_space<vmem>>) target_semaphore(%arg17 : memref<!tpu.dma_semaphore, #tpu.memory_space<semaphore_mem>>)
      %dma_start3A_442 = arith.constant 7 : i32
      %dma_start3A_443 = arith.constant 0 : i32
      %dma_start3A_444 = arith.constant 0 : i32
      %dma_start3A_445 = tpu.memref_slice %arg13[%dma_start3A_442, %dma_start3A_443, %dma_start3A_444] : memref<16x8x64xf32, #tpu.memory_space<vmem>> -> memref<1x8x64xf32, #tpu.memory_space<vmem>>
      %dma_start3A_446 = tpu.memref_squeeze %dma_start3A_445 : memref<1x8x64xf32, #tpu.memory_space<vmem>> -> memref<8x64xf32, #tpu.memory_space<vmem>>
      %dma_start3A_447 = arith.constant 0 : i32
      %dma_start3A_448 = tpu.memref_slice %arg6[%mul3A_422, %dma_start3A_447] : memref<1000000x64xf32, #tpu.memory_space<hbm>> -> memref<8x64xf32, #tpu.memory_space<hbm>>
      %dma_start3A_449 = arith.constant 0 : i32
      %dma_start3A_450 = arith.constant 0 : i32
      %dma_start3A_451 = tpu.memref_slice %arg13[%dma_start3A_442, %dma_start3A_449, %dma_start3A_450] : memref<16x8x64xf32, #tpu.memory_space<vmem>> -> memref<1x8x64xf32, #tpu.memory_space<vmem>>
      %dma_start3A_452 = tpu.memref_squeeze %dma_start3A_451 : memref<1x8x64xf32, #tpu.memory_space<vmem>> -> memref<8x64xf32, #tpu.memory_space<vmem>>
      %dma_start3A_453 = arith.constant 0 : i32
      %dma_start3A_454 = tpu.memref_slice %arg6[%mul3A_422, %dma_start3A_453] : memref<1000000x64xf32, #tpu.memory_space<hbm>> -> memref<8x64xf32, #tpu.memory_space<hbm>>
      tpu.enqueue_dma source(%dma_start3A_454 : memref<8x64xf32, #tpu.memory_space<hbm>>) target(%dma_start3A_452 : memref<8x64xf32, #tpu.memory_space<vmem>>) target_semaphore(%arg17 : memref<!tpu.dma_semaphore, #tpu.memory_space<semaphore_mem>>)
      %dma_start3A_455 = arith.constant 7 : i32
      %dma_start3A_456 = arith.constant 0 : i32
      %dma_start3A_457 = arith.constant 0 : i32
      %dma_start3A_458 = tpu.memref_slice %arg14[%dma_start3A_455, %dma_start3A_456, %dma_start3A_457] : memref<16x8x64xf32, #tpu.memory_space<vmem>> -> memref<1x8x64xf32, #tpu.memory_space<vmem>>
      %dma_start3A_459 = tpu.memref_squeeze %dma_start3A_458 : memref<1x8x64xf32, #tpu.memory_space<vmem>> -> memref<8x64xf32, #tpu.memory_space<vmem>>
      %dma_start3A_460 = arith.constant 0 : i32
      %dma_start3A_461 = tpu.memref_slice %arg6[%mul3A_428, %dma_start3A_460] : memref<1000000x64xf32, #tpu.memory_space<hbm>> -> memref<8x64xf32, #tpu.memory_space<hbm>>
      %dma_start3A_462 = arith.constant 0 : i32
      %dma_start3A_463 = arith.constant 0 : i32
      %dma_start3A_464 = tpu.memref_slice %arg14[%dma_start3A_455, %dma_start3A_462, %dma_start3A_463] : memref<16x8x64xf32, #tpu.memory_space<vmem>> -> memref<1x8x64xf32, #tpu.memory_space<vmem>>
      %dma_start3A_465 = tpu.memref_squeeze %dma_start3A_464 : memref<1x8x64xf32, #tpu.memory_space<vmem>> -> memref<8x64xf32, #tpu.memory_space<vmem>>
      %dma_start3A_466 = arith.constant 0 : i32
      %dma_start3A_467 = tpu.memref_slice %arg6[%mul3A_428, %dma_start3A_466] : memref<1000000x64xf32, #tpu.memory_space<hbm>> -> memref<8x64xf32, #tpu.memory_space<hbm>>
      tpu.enqueue_dma source(%dma_start3A_467 : memref<8x64xf32, #tpu.memory_space<hbm>>) target(%dma_start3A_465 : memref<8x64xf32, #tpu.memory_space<vmem>>) target_semaphore(%arg17 : memref<!tpu.dma_semaphore, #tpu.memory_space<semaphore_mem>>)
      %slice3A_468 = vector.extract_strided_slice %get3A_11 {offsets = [8], sizes = [1], strides = [1]} : vector<16xi32> to vector<1xi32>
      %squeeze3A_469 = vector.extract %slice3A_468[0] : i32 from vector<1xi32>
      %shift_right_arithmetic3A_470 = arith.constant 3 : i32
      %shift_right_arithmetic3A_471 = arith.shrsi %squeeze3A_469, %shift_right_arithmetic3A_470 : i32
      %mul3A_472 = arith.constant 8 : i32
      %mul3A_473 = arith.muli %shift_right_arithmetic3A_471, %mul3A_472 : i32
      %slice3A_474 = vector.extract_strided_slice %get3A_13 {offsets = [8], sizes = [1], strides = [1]} : vector<16xi32> to vector<1xi32>
      %squeeze3A_475 = vector.extract %slice3A_474[0] : i32 from vector<1xi32>
      %shift_right_arithmetic3A_476 = arith.constant 3 : i32
      %shift_right_arithmetic3A_477 = arith.shrsi %squeeze3A_475, %shift_right_arithmetic3A_476 : i32
      %mul3A_478 = arith.constant 8 : i32
      %mul3A_479 = arith.muli %shift_right_arithmetic3A_477, %mul3A_478 : i32
      %slice3A_480 = vector.extract_strided_slice %get3A_15 {offsets = [8], sizes = [1], strides = [1]} : vector<16xi32> to vector<1xi32>
      %squeeze3A_481 = vector.extract %slice3A_480[0] : i32 from vector<1xi32>
      %shift_right_arithmetic3A_482 = arith.constant 3 : i32
      %shift_right_arithmetic3A_483 = arith.shrsi %squeeze3A_481, %shift_right_arithmetic3A_482 : i32
      %mul3A_484 = arith.constant 8 : i32
      %mul3A_485 = arith.muli %shift_right_arithmetic3A_483, %mul3A_484 : i32
      %dma_start3A_486 = arith.constant 8 : i32
      %dma_start3A_487 = arith.constant 0 : i32
      %dma_start3A_488 = arith.constant 0 : i32
      %dma_start3A_489 = tpu.memref_slice %arg12[%dma_start3A_486, %dma_start3A_487, %dma_start3A_488] : memref<16x8x64xf32, #tpu.memory_space<vmem>> -> memref<1x8x64xf32, #tpu.memory_space<vmem>>
      %dma_start3A_490 = tpu.memref_squeeze %dma_start3A_489 : memref<1x8x64xf32, #tpu.memory_space<vmem>> -> memref<8x64xf32, #tpu.memory_space<vmem>>
      %dma_start3A_491 = arith.constant 0 : i32
      %dma_start3A_492 = tpu.memref_slice %arg5[%mul3A_473, %dma_start3A_491] : memref<1000000x64xf32, #tpu.memory_space<hbm>> -> memref<8x64xf32, #tpu.memory_space<hbm>>
      %dma_start3A_493 = arith.constant 0 : i32
      %dma_start3A_494 = arith.constant 0 : i32
      %dma_start3A_495 = tpu.memref_slice %arg12[%dma_start3A_486, %dma_start3A_493, %dma_start3A_494] : memref<16x8x64xf32, #tpu.memory_space<vmem>> -> memref<1x8x64xf32, #tpu.memory_space<vmem>>
      %dma_start3A_496 = tpu.memref_squeeze %dma_start3A_495 : memref<1x8x64xf32, #tpu.memory_space<vmem>> -> memref<8x64xf32, #tpu.memory_space<vmem>>
      %dma_start3A_497 = arith.constant 0 : i32
      %dma_start3A_498 = tpu.memref_slice %arg5[%mul3A_473, %dma_start3A_497] : memref<1000000x64xf32, #tpu.memory_space<hbm>> -> memref<8x64xf32, #tpu.memory_space<hbm>>
      tpu.enqueue_dma source(%dma_start3A_498 : memref<8x64xf32, #tpu.memory_space<hbm>>) target(%dma_start3A_496 : memref<8x64xf32, #tpu.memory_space<vmem>>) target_semaphore(%arg17 : memref<!tpu.dma_semaphore, #tpu.memory_space<semaphore_mem>>)
      %dma_start3A_499 = arith.constant 8 : i32
      %dma_start3A_500 = arith.constant 0 : i32
      %dma_start3A_501 = arith.constant 0 : i32
      %dma_start3A_502 = tpu.memref_slice %arg13[%dma_start3A_499, %dma_start3A_500, %dma_start3A_501] : memref<16x8x64xf32, #tpu.memory_space<vmem>> -> memref<1x8x64xf32, #tpu.memory_space<vmem>>
      %dma_start3A_503 = tpu.memref_squeeze %dma_start3A_502 : memref<1x8x64xf32, #tpu.memory_space<vmem>> -> memref<8x64xf32, #tpu.memory_space<vmem>>
      %dma_start3A_504 = arith.constant 0 : i32
      %dma_start3A_505 = tpu.memref_slice %arg6[%mul3A_479, %dma_start3A_504] : memref<1000000x64xf32, #tpu.memory_space<hbm>> -> memref<8x64xf32, #tpu.memory_space<hbm>>
      %dma_start3A_506 = arith.constant 0 : i32
      %dma_start3A_507 = arith.constant 0 : i32
      %dma_start3A_508 = tpu.memref_slice %arg13[%dma_start3A_499, %dma_start3A_506, %dma_start3A_507] : memref<16x8x64xf32, #tpu.memory_space<vmem>> -> memref<1x8x64xf32, #tpu.memory_space<vmem>>
      %dma_start3A_509 = tpu.memref_squeeze %dma_start3A_508 : memref<1x8x64xf32, #tpu.memory_space<vmem>> -> memref<8x64xf32, #tpu.memory_space<vmem>>
      %dma_start3A_510 = arith.constant 0 : i32
      %dma_start3A_511 = tpu.memref_slice %arg6[%mul3A_479, %dma_start3A_510] : memref<1000000x64xf32, #tpu.memory_space<hbm>> -> memref<8x64xf32, #tpu.memory_space<hbm>>
      tpu.enqueue_dma source(%dma_start3A_511 : memref<8x64xf32, #tpu.memory_space<hbm>>) target(%dma_start3A_509 : memref<8x64xf32, #tpu.memory_space<vmem>>) target_semaphore(%arg17 : memref<!tpu.dma_semaphore, #tpu.memory_space<semaphore_mem>>)
      %dma_start3A_512 = arith.constant 8 : i32
      %dma_start3A_513 = arith.constant 0 : i32
      %dma_start3A_514 = arith.constant 0 : i32
      %dma_start3A_515 = tpu.memref_slice %arg14[%dma_start3A_512, %dma_start3A_513, %dma_start3A_514] : memref<16x8x64xf32, #tpu.memory_space<vmem>> -> memref<1x8x64xf32, #tpu.memory_space<vmem>>
      %dma_start3A_516 = tpu.memref_squeeze %dma_start3A_515 : memref<1x8x64xf32, #tpu.memory_space<vmem>> -> memref<8x64xf32, #tpu.memory_space<vmem>>
      %dma_start3A_517 = arith.constant 0 : i32
      %dma_start3A_518 = tpu.memref_slice %arg6[%mul3A_485, %dma_start3A_517] : memref<1000000x64xf32, #tpu.memory_space<hbm>> -> memref<8x64xf32, #tpu.memory_space<hbm>>
      %dma_start3A_519 = arith.constant 0 : i32
      %dma_start3A_520 = arith.constant 0 : i32
      %dma_start3A_521 = tpu.memref_slice %arg14[%dma_start3A_512, %dma_start3A_519, %dma_start3A_520] : memref<16x8x64xf32, #tpu.memory_space<vmem>> -> memref<1x8x64xf32, #tpu.memory_space<vmem>>
      %dma_start3A_522 = tpu.memref_squeeze %dma_start3A_521 : memref<1x8x64xf32, #tpu.memory_space<vmem>> -> memref<8x64xf32, #tpu.memory_space<vmem>>
      %dma_start3A_523 = arith.constant 0 : i32
      %dma_start3A_524 = tpu.memref_slice %arg6[%mul3A_485, %dma_start3A_523] : memref<1000000x64xf32, #tpu.memory_space<hbm>> -> memref<8x64xf32, #tpu.memory_space<hbm>>
      tpu.enqueue_dma source(%dma_start3A_524 : memref<8x64xf32, #tpu.memory_space<hbm>>) target(%dma_start3A_522 : memref<8x64xf32, #tpu.memory_space<vmem>>) target_semaphore(%arg17 : memref<!tpu.dma_semaphore, #tpu.memory_space<semaphore_mem>>)
      %slice3A_525 = vector.extract_strided_slice %get3A_11 {offsets = [9], sizes = [1], strides = [1]} : vector<16xi32> to vector<1xi32>
      %squeeze3A_526 = vector.extract %slice3A_525[0] : i32 from vector<1xi32>
      %shift_right_arithmetic3A_527 = arith.constant 3 : i32
      %shift_right_arithmetic3A_528 = arith.shrsi %squeeze3A_526, %shift_right_arithmetic3A_527 : i32
      %mul3A_529 = arith.constant 8 : i32
      %mul3A_530 = arith.muli %shift_right_arithmetic3A_528, %mul3A_529 : i32
      %slice3A_531 = vector.extract_strided_slice %get3A_13 {offsets = [9], sizes = [1], strides = [1]} : vector<16xi32> to vector<1xi32>
      %squeeze3A_532 = vector.extract %slice3A_531[0] : i32 from vector<1xi32>
      %shift_right_arithmetic3A_533 = arith.constant 3 : i32
      %shift_right_arithmetic3A_534 = arith.shrsi %squeeze3A_532, %shift_right_arithmetic3A_533 : i32
      %mul3A_535 = arith.constant 8 : i32
      %mul3A_536 = arith.muli %shift_right_arithmetic3A_534, %mul3A_535 : i32
      %slice3A_537 = vector.extract_strided_slice %get3A_15 {offsets = [9], sizes = [1], strides = [1]} : vector<16xi32> to vector<1xi32>
      %squeeze3A_538 = vector.extract %slice3A_537[0] : i32 from vector<1xi32>
      %shift_right_arithmetic3A_539 = arith.constant 3 : i32
      %shift_right_arithmetic3A_540 = arith.shrsi %squeeze3A_538, %shift_right_arithmetic3A_539 : i32
      %mul3A_541 = arith.constant 8 : i32
      %mul3A_542 = arith.muli %shift_right_arithmetic3A_540, %mul3A_541 : i32
      %dma_start3A_543 = arith.constant 9 : i32
      %dma_start3A_544 = arith.constant 0 : i32
      %dma_start3A_545 = arith.constant 0 : i32
      %dma_start3A_546 = tpu.memref_slice %arg12[%dma_start3A_543, %dma_start3A_544, %dma_start3A_545] : memref<16x8x64xf32, #tpu.memory_space<vmem>> -> memref<1x8x64xf32, #tpu.memory_space<vmem>>
      %dma_start3A_547 = tpu.memref_squeeze %dma_start3A_546 : memref<1x8x64xf32, #tpu.memory_space<vmem>> -> memref<8x64xf32, #tpu.memory_space<vmem>>
      %dma_start3A_548 = arith.constant 0 : i32
      %dma_start3A_549 = tpu.memref_slice %arg5[%mul3A_530, %dma_start3A_548] : memref<1000000x64xf32, #tpu.memory_space<hbm>> -> memref<8x64xf32, #tpu.memory_space<hbm>>
      %dma_start3A_550 = arith.constant 0 : i32
      %dma_start3A_551 = arith.constant 0 : i32
      %dma_start3A_552 = tpu.memref_slice %arg12[%dma_start3A_543, %dma_start3A_550, %dma_start3A_551] : memref<16x8x64xf32, #tpu.memory_space<vmem>> -> memref<1x8x64xf32, #tpu.memory_space<vmem>>
      %dma_start3A_553 = tpu.memref_squeeze %dma_start3A_552 : memref<1x8x64xf32, #tpu.memory_space<vmem>> -> memref<8x64xf32, #tpu.memory_space<vmem>>
      %dma_start3A_554 = arith.constant 0 : i32
      %dma_start3A_555 = tpu.memref_slice %arg5[%mul3A_530, %dma_start3A_554] : memref<1000000x64xf32, #tpu.memory_space<hbm>> -> memref<8x64xf32, #tpu.memory_space<hbm>>
      tpu.enqueue_dma source(%dma_start3A_555 : memref<8x64xf32, #tpu.memory_space<hbm>>) target(%dma_start3A_553 : memref<8x64xf32, #tpu.memory_space<vmem>>) target_semaphore(%arg17 : memref<!tpu.dma_semaphore, #tpu.memory_space<semaphore_mem>>)
      %dma_start3A_556 = arith.constant 9 : i32
      %dma_start3A_557 = arith.constant 0 : i32
      %dma_start3A_558 = arith.constant 0 : i32
      %dma_start3A_559 = tpu.memref_slice %arg13[%dma_start3A_556, %dma_start3A_557, %dma_start3A_558] : memref<16x8x64xf32, #tpu.memory_space<vmem>> -> memref<1x8x64xf32, #tpu.memory_space<vmem>>
      %dma_start3A_560 = tpu.memref_squeeze %dma_start3A_559 : memref<1x8x64xf32, #tpu.memory_space<vmem>> -> memref<8x64xf32, #tpu.memory_space<vmem>>
      %dma_start3A_561 = arith.constant 0 : i32
      %dma_start3A_562 = tpu.memref_slice %arg6[%mul3A_536, %dma_start3A_561] : memref<1000000x64xf32, #tpu.memory_space<hbm>> -> memref<8x64xf32, #tpu.memory_space<hbm>>
      %dma_start3A_563 = arith.constant 0 : i32
      %dma_start3A_564 = arith.constant 0 : i32
      %dma_start3A_565 = tpu.memref_slice %arg13[%dma_start3A_556, %dma_start3A_563, %dma_start3A_564] : memref<16x8x64xf32, #tpu.memory_space<vmem>> -> memref<1x8x64xf32, #tpu.memory_space<vmem>>
      %dma_start3A_566 = tpu.memref_squeeze %dma_start3A_565 : memref<1x8x64xf32, #tpu.memory_space<vmem>> -> memref<8x64xf32, #tpu.memory_space<vmem>>
      %dma_start3A_567 = arith.constant 0 : i32
      %dma_start3A_568 = tpu.memref_slice %arg6[%mul3A_536, %dma_start3A_567] : memref<1000000x64xf32, #tpu.memory_space<hbm>> -> memref<8x64xf32, #tpu.memory_space<hbm>>
      tpu.enqueue_dma source(%dma_start3A_568 : memref<8x64xf32, #tpu.memory_space<hbm>>) target(%dma_start3A_566 : memref<8x64xf32, #tpu.memory_space<vmem>>) target_semaphore(%arg17 : memref<!tpu.dma_semaphore, #tpu.memory_space<semaphore_mem>>)
      %dma_start3A_569 = arith.constant 9 : i32
      %dma_start3A_570 = arith.constant 0 : i32
      %dma_start3A_571 = arith.constant 0 : i32
      %dma_start3A_572 = tpu.memref_slice %arg14[%dma_start3A_569, %dma_start3A_570, %dma_start3A_571] : memref<16x8x64xf32, #tpu.memory_space<vmem>> -> memref<1x8x64xf32, #tpu.memory_space<vmem>>
      %dma_start3A_573 = tpu.memref_squeeze %dma_start3A_572 : memref<1x8x64xf32, #tpu.memory_space<vmem>> -> memref<8x64xf32, #tpu.memory_space<vmem>>
      %dma_start3A_574 = arith.constant 0 : i32
      %dma_start3A_575 = tpu.memref_slice %arg6[%mul3A_542, %dma_start3A_574] : memref<1000000x64xf32, #tpu.memory_space<hbm>> -> memref<8x64xf32, #tpu.memory_space<hbm>>
      %dma_start3A_576 = arith.constant 0 : i32
      %dma_start3A_577 = arith.constant 0 : i32
      %dma_start3A_578 = tpu.memref_slice %arg14[%dma_start3A_569, %dma_start3A_576, %dma_start3A_577] : memref<16x8x64xf32, #tpu.memory_space<vmem>> -> memref<1x8x64xf32, #tpu.memory_space<vmem>>
      %dma_start3A_579 = tpu.memref_squeeze %dma_start3A_578 : memref<1x8x64xf32, #tpu.memory_space<vmem>> -> memref<8x64xf32, #tpu.memory_space<vmem>>
      %dma_start3A_580 = arith.constant 0 : i32
      %dma_start3A_581 = tpu.memref_slice %arg6[%mul3A_542, %dma_start3A_580] : memref<1000000x64xf32, #tpu.memory_space<hbm>> -> memref<8x64xf32, #tpu.memory_space<hbm>>
      tpu.enqueue_dma source(%dma_start3A_581 : memref<8x64xf32, #tpu.memory_space<hbm>>) target(%dma_start3A_579 : memref<8x64xf32, #tpu.memory_space<vmem>>) target_semaphore(%arg17 : memref<!tpu.dma_semaphore, #tpu.memory_space<semaphore_mem>>)
      %slice3A_582 = vector.extract_strided_slice %get3A_11 {offsets = [10], sizes = [1], strides = [1]} : vector<16xi32> to vector<1xi32>
      %squeeze3A_583 = vector.extract %slice3A_582[0] : i32 from vector<1xi32>
      %shift_right_arithmetic3A_584 = arith.constant 3 : i32
      %shift_right_arithmetic3A_585 = arith.shrsi %squeeze3A_583, %shift_right_arithmetic3A_584 : i32
      %mul3A_586 = arith.constant 8 : i32
      %mul3A_587 = arith.muli %shift_right_arithmetic3A_585, %mul3A_586 : i32
      %slice3A_588 = vector.extract_strided_slice %get3A_13 {offsets = [10], sizes = [1], strides = [1]} : vector<16xi32> to vector<1xi32>
      %squeeze3A_589 = vector.extract %slice3A_588[0] : i32 from vector<1xi32>
      %shift_right_arithmetic3A_590 = arith.constant 3 : i32
      %shift_right_arithmetic3A_591 = arith.shrsi %squeeze3A_589, %shift_right_arithmetic3A_590 : i32
      %mul3A_592 = arith.constant 8 : i32
      %mul3A_593 = arith.muli %shift_right_arithmetic3A_591, %mul3A_592 : i32
      %slice3A_594 = vector.extract_strided_slice %get3A_15 {offsets = [10], sizes = [1], strides = [1]} : vector<16xi32> to vector<1xi32>
      %squeeze3A_595 = vector.extract %slice3A_594[0] : i32 from vector<1xi32>
      %shift_right_arithmetic3A_596 = arith.constant 3 : i32
      %shift_right_arithmetic3A_597 = arith.shrsi %squeeze3A_595, %shift_right_arithmetic3A_596 : i32
      %mul3A_598 = arith.constant 8 : i32
      %mul3A_599 = arith.muli %shift_right_arithmetic3A_597, %mul3A_598 : i32
      %dma_start3A_600 = arith.constant 10 : i32
      %dma_start3A_601 = arith.constant 0 : i32
      %dma_start3A_602 = arith.constant 0 : i32
      %dma_start3A_603 = tpu.memref_slice %arg12[%dma_start3A_600, %dma_start3A_601, %dma_start3A_602] : memref<16x8x64xf32, #tpu.memory_space<vmem>> -> memref<1x8x64xf32, #tpu.memory_space<vmem>>
      %dma_start3A_604 = tpu.memref_squeeze %dma_start3A_603 : memref<1x8x64xf32, #tpu.memory_space<vmem>> -> memref<8x64xf32, #tpu.memory_space<vmem>>
      %dma_start3A_605 = arith.constant 0 : i32
      %dma_start3A_606 = tpu.memref_slice %arg5[%mul3A_587, %dma_start3A_605] : memref<1000000x64xf32, #tpu.memory_space<hbm>> -> memref<8x64xf32, #tpu.memory_space<hbm>>
      %dma_start3A_607 = arith.constant 0 : i32
      %dma_start3A_608 = arith.constant 0 : i32
      %dma_start3A_609 = tpu.memref_slice %arg12[%dma_start3A_600, %dma_start3A_607, %dma_start3A_608] : memref<16x8x64xf32, #tpu.memory_space<vmem>> -> memref<1x8x64xf32, #tpu.memory_space<vmem>>
      %dma_start3A_610 = tpu.memref_squeeze %dma_start3A_609 : memref<1x8x64xf32, #tpu.memory_space<vmem>> -> memref<8x64xf32, #tpu.memory_space<vmem>>
      %dma_start3A_611 = arith.constant 0 : i32
      %dma_start3A_612 = tpu.memref_slice %arg5[%mul3A_587, %dma_start3A_611] : memref<1000000x64xf32, #tpu.memory_space<hbm>> -> memref<8x64xf32, #tpu.memory_space<hbm>>
      tpu.enqueue_dma source(%dma_start3A_612 : memref<8x64xf32, #tpu.memory_space<hbm>>) target(%dma_start3A_610 : memref<8x64xf32, #tpu.memory_space<vmem>>) target_semaphore(%arg17 : memref<!tpu.dma_semaphore, #tpu.memory_space<semaphore_mem>>)
      %dma_start3A_613 = arith.constant 10 : i32
      %dma_start3A_614 = arith.constant 0 : i32
      %dma_start3A_615 = arith.constant 0 : i32
      %dma_start3A_616 = tpu.memref_slice %arg13[%dma_start3A_613, %dma_start3A_614, %dma_start3A_615] : memref<16x8x64xf32, #tpu.memory_space<vmem>> -> memref<1x8x64xf32, #tpu.memory_space<vmem>>
      %dma_start3A_617 = tpu.memref_squeeze %dma_start3A_616 : memref<1x8x64xf32, #tpu.memory_space<vmem>> -> memref<8x64xf32, #tpu.memory_space<vmem>>
      %dma_start3A_618 = arith.constant 0 : i32
      %dma_start3A_619 = tpu.memref_slice %arg6[%mul3A_593, %dma_start3A_618] : memref<1000000x64xf32, #tpu.memory_space<hbm>> -> memref<8x64xf32, #tpu.memory_space<hbm>>
      %dma_start3A_620 = arith.constant 0 : i32
      %dma_start3A_621 = arith.constant 0 : i32
      %dma_start3A_622 = tpu.memref_slice %arg13[%dma_start3A_613, %dma_start3A_620, %dma_start3A_621] : memref<16x8x64xf32, #tpu.memory_space<vmem>> -> memref<1x8x64xf32, #tpu.memory_space<vmem>>
      %dma_start3A_623 = tpu.memref_squeeze %dma_start3A_622 : memref<1x8x64xf32, #tpu.memory_space<vmem>> -> memref<8x64xf32, #tpu.memory_space<vmem>>
      %dma_start3A_624 = arith.constant 0 : i32
      %dma_start3A_625 = tpu.memref_slice %arg6[%mul3A_593, %dma_start3A_624] : memref<1000000x64xf32, #tpu.memory_space<hbm>> -> memref<8x64xf32, #tpu.memory_space<hbm>>
      tpu.enqueue_dma source(%dma_start3A_625 : memref<8x64xf32, #tpu.memory_space<hbm>>) target(%dma_start3A_623 : memref<8x64xf32, #tpu.memory_space<vmem>>) target_semaphore(%arg17 : memref<!tpu.dma_semaphore, #tpu.memory_space<semaphore_mem>>)
      %dma_start3A_626 = arith.constant 10 : i32
      %dma_start3A_627 = arith.constant 0 : i32
      %dma_start3A_628 = arith.constant 0 : i32
      %dma_start3A_629 = tpu.memref_slice %arg14[%dma_start3A_626, %dma_start3A_627, %dma_start3A_628] : memref<16x8x64xf32, #tpu.memory_space<vmem>> -> memref<1x8x64xf32, #tpu.memory_space<vmem>>
      %dma_start3A_630 = tpu.memref_squeeze %dma_start3A_629 : memref<1x8x64xf32, #tpu.memory_space<vmem>> -> memref<8x64xf32, #tpu.memory_space<vmem>>
      %dma_start3A_631 = arith.constant 0 : i32
      %dma_start3A_632 = tpu.memref_slice %arg6[%mul3A_599, %dma_start3A_631] : memref<1000000x64xf32, #tpu.memory_space<hbm>> -> memref<8x64xf32, #tpu.memory_space<hbm>>
      %dma_start3A_633 = arith.constant 0 : i32
      %dma_start3A_634 = arith.constant 0 : i32
      %dma_start3A_635 = tpu.memref_slice %arg14[%dma_start3A_626, %dma_start3A_633, %dma_start3A_634] : memref<16x8x64xf32, #tpu.memory_space<vmem>> -> memref<1x8x64xf32, #tpu.memory_space<vmem>>
      %dma_start3A_636 = tpu.memref_squeeze %dma_start3A_635 : memref<1x8x64xf32, #tpu.memory_space<vmem>> -> memref<8x64xf32, #tpu.memory_space<vmem>>
      %dma_start3A_637 = arith.constant 0 : i32
      %dma_start3A_638 = tpu.memref_slice %arg6[%mul3A_599, %dma_start3A_637] : memref<1000000x64xf32, #tpu.memory_space<hbm>> -> memref<8x64xf32, #tpu.memory_space<hbm>>
      tpu.enqueue_dma source(%dma_start3A_638 : memref<8x64xf32, #tpu.memory_space<hbm>>) target(%dma_start3A_636 : memref<8x64xf32, #tpu.memory_space<vmem>>) target_semaphore(%arg17 : memref<!tpu.dma_semaphore, #tpu.memory_space<semaphore_mem>>)
      %slice3A_639 = vector.extract_strided_slice %get3A_11 {offsets = [11], sizes = [1], strides = [1]} : vector<16xi32> to vector<1xi32>
      %squeeze3A_640 = vector.extract %slice3A_639[0] : i32 from vector<1xi32>
      %shift_right_arithmetic3A_641 = arith.constant 3 : i32
      %shift_right_arithmetic3A_642 = arith.shrsi %squeeze3A_640, %shift_right_arithmetic3A_641 : i32
      %mul3A_643 = arith.constant 8 : i32
      %mul3A_644 = arith.muli %shift_right_arithmetic3A_642, %mul3A_643 : i32
      %slice3A_645 = vector.extract_strided_slice %get3A_13 {offsets = [11], sizes = [1], strides = [1]} : vector<16xi32> to vector<1xi32>
      %squeeze3A_646 = vector.extract %slice3A_645[0] : i32 from vector<1xi32>
      %shift_right_arithmetic3A_647 = arith.constant 3 : i32
      %shift_right_arithmetic3A_648 = arith.shrsi %squeeze3A_646, %shift_right_arithmetic3A_647 : i32
      %mul3A_649 = arith.constant 8 : i32
      %mul3A_650 = arith.muli %shift_right_arithmetic3A_648, %mul3A_649 : i32
      %slice3A_651 = vector.extract_strided_slice %get3A_15 {offsets = [11], sizes = [1], strides = [1]} : vector<16xi32> to vector<1xi32>
      %squeeze3A_652 = vector.extract %slice3A_651[0] : i32 from vector<1xi32>
      %shift_right_arithmetic3A_653 = arith.constant 3 : i32
      %shift_right_arithmetic3A_654 = arith.shrsi %squeeze3A_652, %shift_right_arithmetic3A_653 : i32
      %mul3A_655 = arith.constant 8 : i32
      %mul3A_656 = arith.muli %shift_right_arithmetic3A_654, %mul3A_655 : i32
      %dma_start3A_657 = arith.constant 11 : i32
      %dma_start3A_658 = arith.constant 0 : i32
      %dma_start3A_659 = arith.constant 0 : i32
      %dma_start3A_660 = tpu.memref_slice %arg12[%dma_start3A_657, %dma_start3A_658, %dma_start3A_659] : memref<16x8x64xf32, #tpu.memory_space<vmem>> -> memref<1x8x64xf32, #tpu.memory_space<vmem>>
      %dma_start3A_661 = tpu.memref_squeeze %dma_start3A_660 : memref<1x8x64xf32, #tpu.memory_space<vmem>> -> memref<8x64xf32, #tpu.memory_space<vmem>>
      %dma_start3A_662 = arith.constant 0 : i32
      %dma_start3A_663 = tpu.memref_slice %arg5[%mul3A_644, %dma_start3A_662] : memref<1000000x64xf32, #tpu.memory_space<hbm>> -> memref<8x64xf32, #tpu.memory_space<hbm>>
      %dma_start3A_664 = arith.constant 0 : i32
      %dma_start3A_665 = arith.constant 0 : i32
      %dma_start3A_666 = tpu.memref_slice %arg12[%dma_start3A_657, %dma_start3A_664, %dma_start3A_665] : memref<16x8x64xf32, #tpu.memory_space<vmem>> -> memref<1x8x64xf32, #tpu.memory_space<vmem>>
      %dma_start3A_667 = tpu.memref_squeeze %dma_start3A_666 : memref<1x8x64xf32, #tpu.memory_space<vmem>> -> memref<8x64xf32, #tpu.memory_space<vmem>>
      %dma_start3A_668 = arith.constant 0 : i32
      %dma_start3A_669 = tpu.memref_slice %arg5[%mul3A_644, %dma_start3A_668] : memref<1000000x64xf32, #tpu.memory_space<hbm>> -> memref<8x64xf32, #tpu.memory_space<hbm>>
      tpu.enqueue_dma source(%dma_start3A_669 : memref<8x64xf32, #tpu.memory_space<hbm>>) target(%dma_start3A_667 : memref<8x64xf32, #tpu.memory_space<vmem>>) target_semaphore(%arg17 : memref<!tpu.dma_semaphore, #tpu.memory_space<semaphore_mem>>)
      %dma_start3A_670 = arith.constant 11 : i32
      %dma_start3A_671 = arith.constant 0 : i32
      %dma_start3A_672 = arith.constant 0 : i32
      %dma_start3A_673 = tpu.memref_slice %arg13[%dma_start3A_670, %dma_start3A_671, %dma_start3A_672] : memref<16x8x64xf32, #tpu.memory_space<vmem>> -> memref<1x8x64xf32, #tpu.memory_space<vmem>>
      %dma_start3A_674 = tpu.memref_squeeze %dma_start3A_673 : memref<1x8x64xf32, #tpu.memory_space<vmem>> -> memref<8x64xf32, #tpu.memory_space<vmem>>
      %dma_start3A_675 = arith.constant 0 : i32
      %dma_start3A_676 = tpu.memref_slice %arg6[%mul3A_650, %dma_start3A_675] : memref<1000000x64xf32, #tpu.memory_space<hbm>> -> memref<8x64xf32, #tpu.memory_space<hbm>>
      %dma_start3A_677 = arith.constant 0 : i32
      %dma_start3A_678 = arith.constant 0 : i32
      %dma_start3A_679 = tpu.memref_slice %arg13[%dma_start3A_670, %dma_start3A_677, %dma_start3A_678] : memref<16x8x64xf32, #tpu.memory_space<vmem>> -> memref<1x8x64xf32, #tpu.memory_space<vmem>>
      %dma_start3A_680 = tpu.memref_squeeze %dma_start3A_679 : memref<1x8x64xf32, #tpu.memory_space<vmem>> -> memref<8x64xf32, #tpu.memory_space<vmem>>
      %dma_start3A_681 = arith.constant 0 : i32
      %dma_start3A_682 = tpu.memref_slice %arg6[%mul3A_650, %dma_start3A_681] : memref<1000000x64xf32, #tpu.memory_space<hbm>> -> memref<8x64xf32, #tpu.memory_space<hbm>>
      tpu.enqueue_dma source(%dma_start3A_682 : memref<8x64xf32, #tpu.memory_space<hbm>>) target(%dma_start3A_680 : memref<8x64xf32, #tpu.memory_space<vmem>>) target_semaphore(%arg17 : memref<!tpu.dma_semaphore, #tpu.memory_space<semaphore_mem>>)
      %dma_start3A_683 = arith.constant 11 : i32
      %dma_start3A_684 = arith.constant 0 : i32
      %dma_start3A_685 = arith.constant 0 : i32
      %dma_start3A_686 = tpu.memref_slice %arg14[%dma_start3A_683, %dma_start3A_684, %dma_start3A_685] : memref<16x8x64xf32, #tpu.memory_space<vmem>> -> memref<1x8x64xf32, #tpu.memory_space<vmem>>
      %dma_start3A_687 = tpu.memref_squeeze %dma_start3A_686 : memref<1x8x64xf32, #tpu.memory_space<vmem>> -> memref<8x64xf32, #tpu.memory_space<vmem>>
      %dma_start3A_688 = arith.constant 0 : i32
      %dma_start3A_689 = tpu.memref_slice %arg6[%mul3A_656, %dma_start3A_688] : memref<1000000x64xf32, #tpu.memory_space<hbm>> -> memref<8x64xf32, #tpu.memory_space<hbm>>
      %dma_start3A_690 = arith.constant 0 : i32
      %dma_start3A_691 = arith.constant 0 : i32
      %dma_start3A_692 = tpu.memref_slice %arg14[%dma_start3A_683, %dma_start3A_690, %dma_start3A_691] : memref<16x8x64xf32, #tpu.memory_space<vmem>> -> memref<1x8x64xf32, #tpu.memory_space<vmem>>
      %dma_start3A_693 = tpu.memref_squeeze %dma_start3A_692 : memref<1x8x64xf32, #tpu.memory_space<vmem>> -> memref<8x64xf32, #tpu.memory_space<vmem>>
      %dma_start3A_694 = arith.constant 0 : i32
      %dma_start3A_695 = tpu.memref_slice %arg6[%mul3A_656, %dma_start3A_694] : memref<1000000x64xf32, #tpu.memory_space<hbm>> -> memref<8x64xf32, #tpu.memory_space<hbm>>
      tpu.enqueue_dma source(%dma_start3A_695 : memref<8x64xf32, #tpu.memory_space<hbm>>) target(%dma_start3A_693 : memref<8x64xf32, #tpu.memory_space<vmem>>) target_semaphore(%arg17 : memref<!tpu.dma_semaphore, #tpu.memory_space<semaphore_mem>>)
      %slice3A_696 = vector.extract_strided_slice %get3A_11 {offsets = [12], sizes = [1], strides = [1]} : vector<16xi32> to vector<1xi32>
      %squeeze3A_697 = vector.extract %slice3A_696[0] : i32 from vector<1xi32>
      %shift_right_arithmetic3A_698 = arith.constant 3 : i32
      %shift_right_arithmetic3A_699 = arith.shrsi %squeeze3A_697, %shift_right_arithmetic3A_698 : i32
      %mul3A_700 = arith.constant 8 : i32
      %mul3A_701 = arith.muli %shift_right_arithmetic3A_699, %mul3A_700 : i32
      %slice3A_702 = vector.extract_strided_slice %get3A_13 {offsets = [12], sizes = [1], strides = [1]} : vector<16xi32> to vector<1xi32>
      %squeeze3A_703 = vector.extract %slice3A_702[0] : i32 from vector<1xi32>
      %shift_right_arithmetic3A_704 = arith.constant 3 : i32
      %shift_right_arithmetic3A_705 = arith.shrsi %squeeze3A_703, %shift_right_arithmetic3A_704 : i32
      %mul3A_706 = arith.constant 8 : i32
      %mul3A_707 = arith.muli %shift_right_arithmetic3A_705, %mul3A_706 : i32
      %slice3A_708 = vector.extract_strided_slice %get3A_15 {offsets = [12], sizes = [1], strides = [1]} : vector<16xi32> to vector<1xi32>
      %squeeze3A_709 = vector.extract %slice3A_708[0] : i32 from vector<1xi32>
      %shift_right_arithmetic3A_710 = arith.constant 3 : i32
      %shift_right_arithmetic3A_711 = arith.shrsi %squeeze3A_709, %shift_right_arithmetic3A_710 : i32
      %mul3A_712 = arith.constant 8 : i32
      %mul3A_713 = arith.muli %shift_right_arithmetic3A_711, %mul3A_712 : i32
      %dma_start3A_714 = arith.constant 12 : i32
      %dma_start3A_715 = arith.constant 0 : i32
      %dma_start3A_716 = arith.constant 0 : i32
      %dma_start3A_717 = tpu.memref_slice %arg12[%dma_start3A_714, %dma_start3A_715, %dma_start3A_716] : memref<16x8x64xf32, #tpu.memory_space<vmem>> -> memref<1x8x64xf32, #tpu.memory_space<vmem>>
      %dma_start3A_718 = tpu.memref_squeeze %dma_start3A_717 : memref<1x8x64xf32, #tpu.memory_space<vmem>> -> memref<8x64xf32, #tpu.memory_space<vmem>>
      %dma_start3A_719 = arith.constant 0 : i32
      %dma_start3A_720 = tpu.memref_slice %arg5[%mul3A_701, %dma_start3A_719] : memref<1000000x64xf32, #tpu.memory_space<hbm>> -> memref<8x64xf32, #tpu.memory_space<hbm>>
      %dma_start3A_721 = arith.constant 0 : i32
      %dma_start3A_722 = arith.constant 0 : i32
      %dma_start3A_723 = tpu.memref_slice %arg12[%dma_start3A_714, %dma_start3A_721, %dma_start3A_722] : memref<16x8x64xf32, #tpu.memory_space<vmem>> -> memref<1x8x64xf32, #tpu.memory_space<vmem>>
      %dma_start3A_724 = tpu.memref_squeeze %dma_start3A_723 : memref<1x8x64xf32, #tpu.memory_space<vmem>> -> memref<8x64xf32, #tpu.memory_space<vmem>>
      %dma_start3A_725 = arith.constant 0 : i32
      %dma_start3A_726 = tpu.memref_slice %arg5[%mul3A_701, %dma_start3A_725] : memref<1000000x64xf32, #tpu.memory_space<hbm>> -> memref<8x64xf32, #tpu.memory_space<hbm>>
      tpu.enqueue_dma source(%dma_start3A_726 : memref<8x64xf32, #tpu.memory_space<hbm>>) target(%dma_start3A_724 : memref<8x64xf32, #tpu.memory_space<vmem>>) target_semaphore(%arg17 : memref<!tpu.dma_semaphore, #tpu.memory_space<semaphore_mem>>)
      %dma_start3A_727 = arith.constant 12 : i32
      %dma_start3A_728 = arith.constant 0 : i32
      %dma_start3A_729 = arith.constant 0 : i32
      %dma_start3A_730 = tpu.memref_slice %arg13[%dma_start3A_727, %dma_start3A_728, %dma_start3A_729] : memref<16x8x64xf32, #tpu.memory_space<vmem>> -> memref<1x8x64xf32, #tpu.memory_space<vmem>>
      %dma_start3A_731 = tpu.memref_squeeze %dma_start3A_730 : memref<1x8x64xf32, #tpu.memory_space<vmem>> -> memref<8x64xf32, #tpu.memory_space<vmem>>
      %dma_start3A_732 = arith.constant 0 : i32
      %dma_start3A_733 = tpu.memref_slice %arg6[%mul3A_707, %dma_start3A_732] : memref<1000000x64xf32, #tpu.memory_space<hbm>> -> memref<8x64xf32, #tpu.memory_space<hbm>>
      %dma_start3A_734 = arith.constant 0 : i32
      %dma_start3A_735 = arith.constant 0 : i32
      %dma_start3A_736 = tpu.memref_slice %arg13[%dma_start3A_727, %dma_start3A_734, %dma_start3A_735] : memref<16x8x64xf32, #tpu.memory_space<vmem>> -> memref<1x8x64xf32, #tpu.memory_space<vmem>>
      %dma_start3A_737 = tpu.memref_squeeze %dma_start3A_736 : memref<1x8x64xf32, #tpu.memory_space<vmem>> -> memref<8x64xf32, #tpu.memory_space<vmem>>
      %dma_start3A_738 = arith.constant 0 : i32
      %dma_start3A_739 = tpu.memref_slice %arg6[%mul3A_707, %dma_start3A_738] : memref<1000000x64xf32, #tpu.memory_space<hbm>> -> memref<8x64xf32, #tpu.memory_space<hbm>>
      tpu.enqueue_dma source(%dma_start3A_739 : memref<8x64xf32, #tpu.memory_space<hbm>>) target(%dma_start3A_737 : memref<8x64xf32, #tpu.memory_space<vmem>>) target_semaphore(%arg17 : memref<!tpu.dma_semaphore, #tpu.memory_space<semaphore_mem>>)
      %dma_start3A_740 = arith.constant 12 : i32
      %dma_start3A_741 = arith.constant 0 : i32
      %dma_start3A_742 = arith.constant 0 : i32
      %dma_start3A_743 = tpu.memref_slice %arg14[%dma_start3A_740, %dma_start3A_741, %dma_start3A_742] : memref<16x8x64xf32, #tpu.memory_space<vmem>> -> memref<1x8x64xf32, #tpu.memory_space<vmem>>
      %dma_start3A_744 = tpu.memref_squeeze %dma_start3A_743 : memref<1x8x64xf32, #tpu.memory_space<vmem>> -> memref<8x64xf32, #tpu.memory_space<vmem>>
      %dma_start3A_745 = arith.constant 0 : i32
      %dma_start3A_746 = tpu.memref_slice %arg6[%mul3A_713, %dma_start3A_745] : memref<1000000x64xf32, #tpu.memory_space<hbm>> -> memref<8x64xf32, #tpu.memory_space<hbm>>
      %dma_start3A_747 = arith.constant 0 : i32
      %dma_start3A_748 = arith.constant 0 : i32
      %dma_start3A_749 = tpu.memref_slice %arg14[%dma_start3A_740, %dma_start3A_747, %dma_start3A_748] : memref<16x8x64xf32, #tpu.memory_space<vmem>> -> memref<1x8x64xf32, #tpu.memory_space<vmem>>
      %dma_start3A_750 = tpu.memref_squeeze %dma_start3A_749 : memref<1x8x64xf32, #tpu.memory_space<vmem>> -> memref<8x64xf32, #tpu.memory_space<vmem>>
      %dma_start3A_751 = arith.constant 0 : i32
      %dma_start3A_752 = tpu.memref_slice %arg6[%mul3A_713, %dma_start3A_751] : memref<1000000x64xf32, #tpu.memory_space<hbm>> -> memref<8x64xf32, #tpu.memory_space<hbm>>
      tpu.enqueue_dma source(%dma_start3A_752 : memref<8x64xf32, #tpu.memory_space<hbm>>) target(%dma_start3A_750 : memref<8x64xf32, #tpu.memory_space<vmem>>) target_semaphore(%arg17 : memref<!tpu.dma_semaphore, #tpu.memory_space<semaphore_mem>>)
      %slice3A_753 = vector.extract_strided_slice %get3A_11 {offsets = [13], sizes = [1], strides = [1]} : vector<16xi32> to vector<1xi32>
      %squeeze3A_754 = vector.extract %slice3A_753[0] : i32 from vector<1xi32>
      %shift_right_arithmetic3A_755 = arith.constant 3 : i32
      %shift_right_arithmetic3A_756 = arith.shrsi %squeeze3A_754, %shift_right_arithmetic3A_755 : i32
      %mul3A_757 = arith.constant 8 : i32
      %mul3A_758 = arith.muli %shift_right_arithmetic3A_756, %mul3A_757 : i32
      %slice3A_759 = vector.extract_strided_slice %get3A_13 {offsets = [13], sizes = [1], strides = [1]} : vector<16xi32> to vector<1xi32>
      %squeeze3A_760 = vector.extract %slice3A_759[0] : i32 from vector<1xi32>
      %shift_right_arithmetic3A_761 = arith.constant 3 : i32
      %shift_right_arithmetic3A_762 = arith.shrsi %squeeze3A_760, %shift_right_arithmetic3A_761 : i32
      %mul3A_763 = arith.constant 8 : i32
      %mul3A_764 = arith.muli %shift_right_arithmetic3A_762, %mul3A_763 : i32
      %slice3A_765 = vector.extract_strided_slice %get3A_15 {offsets = [13], sizes = [1], strides = [1]} : vector<16xi32> to vector<1xi32>
      %squeeze3A_766 = vector.extract %slice3A_765[0] : i32 from vector<1xi32>
      %shift_right_arithmetic3A_767 = arith.constant 3 : i32
      %shift_right_arithmetic3A_768 = arith.shrsi %squeeze3A_766, %shift_right_arithmetic3A_767 : i32
      %mul3A_769 = arith.constant 8 : i32
      %mul3A_770 = arith.muli %shift_right_arithmetic3A_768, %mul3A_769 : i32
      %dma_start3A_771 = arith.constant 13 : i32
      %dma_start3A_772 = arith.constant 0 : i32
      %dma_start3A_773 = arith.constant 0 : i32
      %dma_start3A_774 = tpu.memref_slice %arg12[%dma_start3A_771, %dma_start3A_772, %dma_start3A_773] : memref<16x8x64xf32, #tpu.memory_space<vmem>> -> memref<1x8x64xf32, #tpu.memory_space<vmem>>
      %dma_start3A_775 = tpu.memref_squeeze %dma_start3A_774 : memref<1x8x64xf32, #tpu.memory_space<vmem>> -> memref<8x64xf32, #tpu.memory_space<vmem>>
      %dma_start3A_776 = arith.constant 0 : i32
      %dma_start3A_777 = tpu.memref_slice %arg5[%mul3A_758, %dma_start3A_776] : memref<1000000x64xf32, #tpu.memory_space<hbm>> -> memref<8x64xf32, #tpu.memory_space<hbm>>
      %dma_start3A_778 = arith.constant 0 : i32
      %dma_start3A_779 = arith.constant 0 : i32
      %dma_start3A_780 = tpu.memref_slice %arg12[%dma_start3A_771, %dma_start3A_778, %dma_start3A_779] : memref<16x8x64xf32, #tpu.memory_space<vmem>> -> memref<1x8x64xf32, #tpu.memory_space<vmem>>
      %dma_start3A_781 = tpu.memref_squeeze %dma_start3A_780 : memref<1x8x64xf32, #tpu.memory_space<vmem>> -> memref<8x64xf32, #tpu.memory_space<vmem>>
      %dma_start3A_782 = arith.constant 0 : i32
      %dma_start3A_783 = tpu.memref_slice %arg5[%mul3A_758, %dma_start3A_782] : memref<1000000x64xf32, #tpu.memory_space<hbm>> -> memref<8x64xf32, #tpu.memory_space<hbm>>
      tpu.enqueue_dma source(%dma_start3A_783 : memref<8x64xf32, #tpu.memory_space<hbm>>) target(%dma_start3A_781 : memref<8x64xf32, #tpu.memory_space<vmem>>) target_semaphore(%arg17 : memref<!tpu.dma_semaphore, #tpu.memory_space<semaphore_mem>>)
      %dma_start3A_784 = arith.constant 13 : i32
      %dma_start3A_785 = arith.constant 0 : i32
      %dma_start3A_786 = arith.constant 0 : i32
      %dma_start3A_787 = tpu.memref_slice %arg13[%dma_start3A_784, %dma_start3A_785, %dma_start3A_786] : memref<16x8x64xf32, #tpu.memory_space<vmem>> -> memref<1x8x64xf32, #tpu.memory_space<vmem>>
      %dma_start3A_788 = tpu.memref_squeeze %dma_start3A_787 : memref<1x8x64xf32, #tpu.memory_space<vmem>> -> memref<8x64xf32, #tpu.memory_space<vmem>>
      %dma_start3A_789 = arith.constant 0 : i32
      %dma_start3A_790 = tpu.memref_slice %arg6[%mul3A_764, %dma_start3A_789] : memref<1000000x64xf32, #tpu.memory_space<hbm>> -> memref<8x64xf32, #tpu.memory_space<hbm>>
      %dma_start3A_791 = arith.constant 0 : i32
      %dma_start3A_792 = arith.constant 0 : i32
      %dma_start3A_793 = tpu.memref_slice %arg13[%dma_start3A_784, %dma_start3A_791, %dma_start3A_792] : memref<16x8x64xf32, #tpu.memory_space<vmem>> -> memref<1x8x64xf32, #tpu.memory_space<vmem>>
      %dma_start3A_794 = tpu.memref_squeeze %dma_start3A_793 : memref<1x8x64xf32, #tpu.memory_space<vmem>> -> memref<8x64xf32, #tpu.memory_space<vmem>>
      %dma_start3A_795 = arith.constant 0 : i32
      %dma_start3A_796 = tpu.memref_slice %arg6[%mul3A_764, %dma_start3A_795] : memref<1000000x64xf32, #tpu.memory_space<hbm>> -> memref<8x64xf32, #tpu.memory_space<hbm>>
      tpu.enqueue_dma source(%dma_start3A_796 : memref<8x64xf32, #tpu.memory_space<hbm>>) target(%dma_start3A_794 : memref<8x64xf32, #tpu.memory_space<vmem>>) target_semaphore(%arg17 : memref<!tpu.dma_semaphore, #tpu.memory_space<semaphore_mem>>)
      %dma_start3A_797 = arith.constant 13 : i32
      %dma_start3A_798 = arith.constant 0 : i32
      %dma_start3A_799 = arith.constant 0 : i32
      %dma_start3A_800 = tpu.memref_slice %arg14[%dma_start3A_797, %dma_start3A_798, %dma_start3A_799] : memref<16x8x64xf32, #tpu.memory_space<vmem>> -> memref<1x8x64xf32, #tpu.memory_space<vmem>>
      %dma_start3A_801 = tpu.memref_squeeze %dma_start3A_800 : memref<1x8x64xf32, #tpu.memory_space<vmem>> -> memref<8x64xf32, #tpu.memory_space<vmem>>
      %dma_start3A_802 = arith.constant 0 : i32
      %dma_start3A_803 = tpu.memref_slice %arg6[%mul3A_770, %dma_start3A_802] : memref<1000000x64xf32, #tpu.memory_space<hbm>> -> memref<8x64xf32, #tpu.memory_space<hbm>>
      %dma_start3A_804 = arith.constant 0 : i32
      %dma_start3A_805 = arith.constant 0 : i32
      %dma_start3A_806 = tpu.memref_slice %arg14[%dma_start3A_797, %dma_start3A_804, %dma_start3A_805] : memref<16x8x64xf32, #tpu.memory_space<vmem>> -> memref<1x8x64xf32, #tpu.memory_space<vmem>>
      %dma_start3A_807 = tpu.memref_squeeze %dma_start3A_806 : memref<1x8x64xf32, #tpu.memory_space<vmem>> -> memref<8x64xf32, #tpu.memory_space<vmem>>
      %dma_start3A_808 = arith.constant 0 : i32
      %dma_start3A_809 = tpu.memref_slice %arg6[%mul3A_770, %dma_start3A_808] : memref<1000000x64xf32, #tpu.memory_space<hbm>> -> memref<8x64xf32, #tpu.memory_space<hbm>>
      tpu.enqueue_dma source(%dma_start3A_809 : memref<8x64xf32, #tpu.memory_space<hbm>>) target(%dma_start3A_807 : memref<8x64xf32, #tpu.memory_space<vmem>>) target_semaphore(%arg17 : memref<!tpu.dma_semaphore, #tpu.memory_space<semaphore_mem>>)
      %slice3A_810 = vector.extract_strided_slice %get3A_11 {offsets = [14], sizes = [1], strides = [1]} : vector<16xi32> to vector<1xi32>
      %squeeze3A_811 = vector.extract %slice3A_810[0] : i32 from vector<1xi32>
      %shift_right_arithmetic3A_812 = arith.constant 3 : i32
      %shift_right_arithmetic3A_813 = arith.shrsi %squeeze3A_811, %shift_right_arithmetic3A_812 : i32
      %mul3A_814 = arith.constant 8 : i32
      %mul3A_815 = arith.muli %shift_right_arithmetic3A_813, %mul3A_814 : i32
      %slice3A_816 = vector.extract_strided_slice %get3A_13 {offsets = [14], sizes = [1], strides = [1]} : vector<16xi32> to vector<1xi32>
      %squeeze3A_817 = vector.extract %slice3A_816[0] : i32 from vector<1xi32>
      %shift_right_arithmetic3A_818 = arith.constant 3 : i32
      %shift_right_arithmetic3A_819 = arith.shrsi %squeeze3A_817, %shift_right_arithmetic3A_818 : i32
      %mul3A_820 = arith.constant 8 : i32
      %mul3A_821 = arith.muli %shift_right_arithmetic3A_819, %mul3A_820 : i32
      %slice3A_822 = vector.extract_strided_slice %get3A_15 {offsets = [14], sizes = [1], strides = [1]} : vector<16xi32> to vector<1xi32>
      %squeeze3A_823 = vector.extract %slice3A_822[0] : i32 from vector<1xi32>
      %shift_right_arithmetic3A_824 = arith.constant 3 : i32
      %shift_right_arithmetic3A_825 = arith.shrsi %squeeze3A_823, %shift_right_arithmetic3A_824 : i32
      %mul3A_826 = arith.constant 8 : i32
      %mul3A_827 = arith.muli %shift_right_arithmetic3A_825, %mul3A_826 : i32
      %dma_start3A_828 = arith.constant 14 : i32
      %dma_start3A_829 = arith.constant 0 : i32
      %dma_start3A_830 = arith.constant 0 : i32
      %dma_start3A_831 = tpu.memref_slice %arg12[%dma_start3A_828, %dma_start3A_829, %dma_start3A_830] : memref<16x8x64xf32, #tpu.memory_space<vmem>> -> memref<1x8x64xf32, #tpu.memory_space<vmem>>
      %dma_start3A_832 = tpu.memref_squeeze %dma_start3A_831 : memref<1x8x64xf32, #tpu.memory_space<vmem>> -> memref<8x64xf32, #tpu.memory_space<vmem>>
      %dma_start3A_833 = arith.constant 0 : i32
      %dma_start3A_834 = tpu.memref_slice %arg5[%mul3A_815, %dma_start3A_833] : memref<1000000x64xf32, #tpu.memory_space<hbm>> -> memref<8x64xf32, #tpu.memory_space<hbm>>
      %dma_start3A_835 = arith.constant 0 : i32
      %dma_start3A_836 = arith.constant 0 : i32
      %dma_start3A_837 = tpu.memref_slice %arg12[%dma_start3A_828, %dma_start3A_835, %dma_start3A_836] : memref<16x8x64xf32, #tpu.memory_space<vmem>> -> memref<1x8x64xf32, #tpu.memory_space<vmem>>
      %dma_start3A_838 = tpu.memref_squeeze %dma_start3A_837 : memref<1x8x64xf32, #tpu.memory_space<vmem>> -> memref<8x64xf32, #tpu.memory_space<vmem>>
      %dma_start3A_839 = arith.constant 0 : i32
      %dma_start3A_840 = tpu.memref_slice %arg5[%mul3A_815, %dma_start3A_839] : memref<1000000x64xf32, #tpu.memory_space<hbm>> -> memref<8x64xf32, #tpu.memory_space<hbm>>
      tpu.enqueue_dma source(%dma_start3A_840 : memref<8x64xf32, #tpu.memory_space<hbm>>) target(%dma_start3A_838 : memref<8x64xf32, #tpu.memory_space<vmem>>) target_semaphore(%arg17 : memref<!tpu.dma_semaphore, #tpu.memory_space<semaphore_mem>>)
      %dma_start3A_841 = arith.constant 14 : i32
      %dma_start3A_842 = arith.constant 0 : i32
      %dma_start3A_843 = arith.constant 0 : i32
      %dma_start3A_844 = tpu.memref_slice %arg13[%dma_start3A_841, %dma_start3A_842, %dma_start3A_843] : memref<16x8x64xf32, #tpu.memory_space<vmem>> -> memref<1x8x64xf32, #tpu.memory_space<vmem>>
      %dma_start3A_845 = tpu.memref_squeeze %dma_start3A_844 : memref<1x8x64xf32, #tpu.memory_space<vmem>> -> memref<8x64xf32, #tpu.memory_space<vmem>>
      %dma_start3A_846 = arith.constant 0 : i32
      %dma_start3A_847 = tpu.memref_slice %arg6[%mul3A_821, %dma_start3A_846] : memref<1000000x64xf32, #tpu.memory_space<hbm>> -> memref<8x64xf32, #tpu.memory_space<hbm>>
      %dma_start3A_848 = arith.constant 0 : i32
      %dma_start3A_849 = arith.constant 0 : i32
      %dma_start3A_850 = tpu.memref_slice %arg13[%dma_start3A_841, %dma_start3A_848, %dma_start3A_849] : memref<16x8x64xf32, #tpu.memory_space<vmem>> -> memref<1x8x64xf32, #tpu.memory_space<vmem>>
      %dma_start3A_851 = tpu.memref_squeeze %dma_start3A_850 : memref<1x8x64xf32, #tpu.memory_space<vmem>> -> memref<8x64xf32, #tpu.memory_space<vmem>>
      %dma_start3A_852 = arith.constant 0 : i32
      %dma_start3A_853 = tpu.memref_slice %arg6[%mul3A_821, %dma_start3A_852] : memref<1000000x64xf32, #tpu.memory_space<hbm>> -> memref<8x64xf32, #tpu.memory_space<hbm>>
      tpu.enqueue_dma source(%dma_start3A_853 : memref<8x64xf32, #tpu.memory_space<hbm>>) target(%dma_start3A_851 : memref<8x64xf32, #tpu.memory_space<vmem>>) target_semaphore(%arg17 : memref<!tpu.dma_semaphore, #tpu.memory_space<semaphore_mem>>)
      %dma_start3A_854 = arith.constant 14 : i32
      %dma_start3A_855 = arith.constant 0 : i32
      %dma_start3A_856 = arith.constant 0 : i32
      %dma_start3A_857 = tpu.memref_slice %arg14[%dma_start3A_854, %dma_start3A_855, %dma_start3A_856] : memref<16x8x64xf32, #tpu.memory_space<vmem>> -> memref<1x8x64xf32, #tpu.memory_space<vmem>>
      %dma_start3A_858 = tpu.memref_squeeze %dma_start3A_857 : memref<1x8x64xf32, #tpu.memory_space<vmem>> -> memref<8x64xf32, #tpu.memory_space<vmem>>
      %dma_start3A_859 = arith.constant 0 : i32
      %dma_start3A_860 = tpu.memref_slice %arg6[%mul3A_827, %dma_start3A_859] : memref<1000000x64xf32, #tpu.memory_space<hbm>> -> memref<8x64xf32, #tpu.memory_space<hbm>>
      %dma_start3A_861 = arith.constant 0 : i32
      %dma_start3A_862 = arith.constant 0 : i32
      %dma_start3A_863 = tpu.memref_slice %arg14[%dma_start3A_854, %dma_start3A_861, %dma_start3A_862] : memref<16x8x64xf32, #tpu.memory_space<vmem>> -> memref<1x8x64xf32, #tpu.memory_space<vmem>>
      %dma_start3A_864 = tpu.memref_squeeze %dma_start3A_863 : memref<1x8x64xf32, #tpu.memory_space<vmem>> -> memref<8x64xf32, #tpu.memory_space<vmem>>
      %dma_start3A_865 = arith.constant 0 : i32
      %dma_start3A_866 = tpu.memref_slice %arg6[%mul3A_827, %dma_start3A_865] : memref<1000000x64xf32, #tpu.memory_space<hbm>> -> memref<8x64xf32, #tpu.memory_space<hbm>>
      tpu.enqueue_dma source(%dma_start3A_866 : memref<8x64xf32, #tpu.memory_space<hbm>>) target(%dma_start3A_864 : memref<8x64xf32, #tpu.memory_space<vmem>>) target_semaphore(%arg17 : memref<!tpu.dma_semaphore, #tpu.memory_space<semaphore_mem>>)
      %slice3A_867 = vector.extract_strided_slice %get3A_11 {offsets = [15], sizes = [1], strides = [1]} : vector<16xi32> to vector<1xi32>
      %squeeze3A_868 = vector.extract %slice3A_867[0] : i32 from vector<1xi32>
      %shift_right_arithmetic3A_869 = arith.constant 3 : i32
      %shift_right_arithmetic3A_870 = arith.shrsi %squeeze3A_868, %shift_right_arithmetic3A_869 : i32
      %mul3A_871 = arith.constant 8 : i32
      %mul3A_872 = arith.muli %shift_right_arithmetic3A_870, %mul3A_871 : i32
      %slice3A_873 = vector.extract_strided_slice %get3A_13 {offsets = [15], sizes = [1], strides = [1]} : vector<16xi32> to vector<1xi32>
      %squeeze3A_874 = vector.extract %slice3A_873[0] : i32 from vector<1xi32>
      %shift_right_arithmetic3A_875 = arith.constant 3 : i32
      %shift_right_arithmetic3A_876 = arith.shrsi %squeeze3A_874, %shift_right_arithmetic3A_875 : i32
      %mul3A_877 = arith.constant 8 : i32
      %mul3A_878 = arith.muli %shift_right_arithmetic3A_876, %mul3A_877 : i32
      %slice3A_879 = vector.extract_strided_slice %get3A_15 {offsets = [15], sizes = [1], strides = [1]} : vector<16xi32> to vector<1xi32>
      %squeeze3A_880 = vector.extract %slice3A_879[0] : i32 from vector<1xi32>
      %shift_right_arithmetic3A_881 = arith.constant 3 : i32
      %shift_right_arithmetic3A_882 = arith.shrsi %squeeze3A_880, %shift_right_arithmetic3A_881 : i32
      %mul3A_883 = arith.constant 8 : i32
      %mul3A_884 = arith.muli %shift_right_arithmetic3A_882, %mul3A_883 : i32
      %dma_start3A_885 = arith.constant 15 : i32
      %dma_start3A_886 = arith.constant 0 : i32
      %dma_start3A_887 = arith.constant 0 : i32
      %dma_start3A_888 = tpu.memref_slice %arg12[%dma_start3A_885, %dma_start3A_886, %dma_start3A_887] : memref<16x8x64xf32, #tpu.memory_space<vmem>> -> memref<1x8x64xf32, #tpu.memory_space<vmem>>
      %dma_start3A_889 = tpu.memref_squeeze %dma_start3A_888 : memref<1x8x64xf32, #tpu.memory_space<vmem>> -> memref<8x64xf32, #tpu.memory_space<vmem>>
      %dma_start3A_890 = arith.constant 0 : i32
      %dma_start3A_891 = tpu.memref_slice %arg5[%mul3A_872, %dma_start3A_890] : memref<1000000x64xf32, #tpu.memory_space<hbm>> -> memref<8x64xf32, #tpu.memory_space<hbm>>
      %dma_start3A_892 = arith.constant 0 : i32
      %dma_start3A_893 = arith.constant 0 : i32
      %dma_start3A_894 = tpu.memref_slice %arg12[%dma_start3A_885, %dma_start3A_892, %dma_start3A_893] : memref<16x8x64xf32, #tpu.memory_space<vmem>> -> memref<1x8x64xf32, #tpu.memory_space<vmem>>
      %dma_start3A_895 = tpu.memref_squeeze %dma_start3A_894 : memref<1x8x64xf32, #tpu.memory_space<vmem>> -> memref<8x64xf32, #tpu.memory_space<vmem>>
      %dma_start3A_896 = arith.constant 0 : i32
      %dma_start3A_897 = tpu.memref_slice %arg5[%mul3A_872, %dma_start3A_896] : memref<1000000x64xf32, #tpu.memory_space<hbm>> -> memref<8x64xf32, #tpu.memory_space<hbm>>
      tpu.enqueue_dma source(%dma_start3A_897 : memref<8x64xf32, #tpu.memory_space<hbm>>) target(%dma_start3A_895 : memref<8x64xf32, #tpu.memory_space<vmem>>) target_semaphore(%arg17 : memref<!tpu.dma_semaphore, #tpu.memory_space<semaphore_mem>>)
      %dma_start3A_898 = arith.constant 15 : i32
      %dma_start3A_899 = arith.constant 0 : i32
      %dma_start3A_900 = arith.constant 0 : i32
      %dma_start3A_901 = tpu.memref_slice %arg13[%dma_start3A_898, %dma_start3A_899, %dma_start3A_900] : memref<16x8x64xf32, #tpu.memory_space<vmem>> -> memref<1x8x64xf32, #tpu.memory_space<vmem>>
      %dma_start3A_902 = tpu.memref_squeeze %dma_start3A_901 : memref<1x8x64xf32, #tpu.memory_space<vmem>> -> memref<8x64xf32, #tpu.memory_space<vmem>>
      %dma_start3A_903 = arith.constant 0 : i32
      %dma_start3A_904 = tpu.memref_slice %arg6[%mul3A_878, %dma_start3A_903] : memref<1000000x64xf32, #tpu.memory_space<hbm>> -> memref<8x64xf32, #tpu.memory_space<hbm>>
      %dma_start3A_905 = arith.constant 0 : i32
      %dma_start3A_906 = arith.constant 0 : i32
      %dma_start3A_907 = tpu.memref_slice %arg13[%dma_start3A_898, %dma_start3A_905, %dma_start3A_906] : memref<16x8x64xf32, #tpu.memory_space<vmem>> -> memref<1x8x64xf32, #tpu.memory_space<vmem>>
      %dma_start3A_908 = tpu.memref_squeeze %dma_start3A_907 : memref<1x8x64xf32, #tpu.memory_space<vmem>> -> memref<8x64xf32, #tpu.memory_space<vmem>>
      %dma_start3A_909 = arith.constant 0 : i32
      %dma_start3A_910 = tpu.memref_slice %arg6[%mul3A_878, %dma_start3A_909] : memref<1000000x64xf32, #tpu.memory_space<hbm>> -> memref<8x64xf32, #tpu.memory_space<hbm>>
      tpu.enqueue_dma source(%dma_start3A_910 : memref<8x64xf32, #tpu.memory_space<hbm>>) target(%dma_start3A_908 : memref<8x64xf32, #tpu.memory_space<vmem>>) target_semaphore(%arg17 : memref<!tpu.dma_semaphore, #tpu.memory_space<semaphore_mem>>)
      %dma_start3A_911 = arith.constant 15 : i32
      %dma_start3A_912 = arith.constant 0 : i32
      %dma_start3A_913 = arith.constant 0 : i32
      %dma_start3A_914 = tpu.memref_slice %arg14[%dma_start3A_911, %dma_start3A_912, %dma_start3A_913] : memref<16x8x64xf32, #tpu.memory_space<vmem>> -> memref<1x8x64xf32, #tpu.memory_space<vmem>>
      %dma_start3A_915 = tpu.memref_squeeze %dma_start3A_914 : memref<1x8x64xf32, #tpu.memory_space<vmem>> -> memref<8x64xf32, #tpu.memory_space<vmem>>
      %dma_start3A_916 = arith.constant 0 : i32
      %dma_start3A_917 = tpu.memref_slice %arg6[%mul3A_884, %dma_start3A_916] : memref<1000000x64xf32, #tpu.memory_space<hbm>> -> memref<8x64xf32, #tpu.memory_space<hbm>>
      %dma_start3A_918 = arith.constant 0 : i32
      %dma_start3A_919 = arith.constant 0 : i32
      %dma_start3A_920 = tpu.memref_slice %arg14[%dma_start3A_911, %dma_start3A_918, %dma_start3A_919] : memref<16x8x64xf32, #tpu.memory_space<vmem>> -> memref<1x8x64xf32, #tpu.memory_space<vmem>>
      %dma_start3A_921 = tpu.memref_squeeze %dma_start3A_920 : memref<1x8x64xf32, #tpu.memory_space<vmem>> -> memref<8x64xf32, #tpu.memory_space<vmem>>
      %dma_start3A_922 = arith.constant 0 : i32
      %dma_start3A_923 = tpu.memref_slice %arg6[%mul3A_884, %dma_start3A_922] : memref<1000000x64xf32, #tpu.memory_space<hbm>> -> memref<8x64xf32, #tpu.memory_space<hbm>>
      tpu.enqueue_dma source(%dma_start3A_923 : memref<8x64xf32, #tpu.memory_space<hbm>>) target(%dma_start3A_921 : memref<8x64xf32, #tpu.memory_space<vmem>>) target_semaphore(%arg17 : memref<!tpu.dma_semaphore, #tpu.memory_space<semaphore_mem>>)
      %dma_wait3A = arith.constant 0 : i32
      %dma_wait3A_924 = arith.constant 0 : i32
      %dma_wait3A_925 = arith.constant 0 : i32
      %dma_wait3A_926 = tpu.memref_slice %arg12[%dma_wait3A, %dma_wait3A_924, %dma_wait3A_925] : memref<16x8x64xf32, #tpu.memory_space<vmem>> -> memref<1x8x64xf32, #tpu.memory_space<vmem>>
      %dma_wait3A_927 = tpu.memref_squeeze %dma_wait3A_926 : memref<1x8x64xf32, #tpu.memory_space<vmem>> -> memref<8x64xf32, #tpu.memory_space<vmem>>
      %dma_wait3A_928 = arith.constant 0 : i32
      %dma_wait3A_929 = tpu.memref_slice %arg5[%mul3A_18, %dma_wait3A_928] : memref<1000000x64xf32, #tpu.memory_space<hbm>> -> memref<8x64xf32, #tpu.memory_space<hbm>>
      %dma_wait3A_930 = arith.constant 0 : i32
      %dma_wait3A_931 = arith.constant 0 : i32
      %dma_wait3A_932 = tpu.memref_slice %arg12[%dma_wait3A, %dma_wait3A_930, %dma_wait3A_931] : memref<16x8x64xf32, #tpu.memory_space<vmem>> -> memref<1x8x64xf32, #tpu.memory_space<vmem>>
      %dma_wait3A_933 = tpu.memref_squeeze %dma_wait3A_932 : memref<1x8x64xf32, #tpu.memory_space<vmem>> -> memref<8x64xf32, #tpu.memory_space<vmem>>
      %dma_wait3A_934 = arith.constant 0 : i32
      %dma_wait3A_935 = tpu.memref_slice %arg5[%mul3A_18, %dma_wait3A_934] : memref<1000000x64xf32, #tpu.memory_space<hbm>> -> memref<8x64xf32, #tpu.memory_space<hbm>>
      tpu.wait_dma2 semaphore(%arg17 : memref<!tpu.dma_semaphore, #tpu.memory_space<semaphore_mem>>) src(%dma_wait3A_935 : memref<8x64xf32, #tpu.memory_space<hbm>>) dst(%dma_wait3A_933 : memref<8x64xf32, #tpu.memory_space<vmem>>)
      %dma_wait3A_936 = arith.constant 0 : i32
      %dma_wait3A_937 = arith.constant 0 : i32
      %dma_wait3A_938 = arith.constant 0 : i32
      %dma_wait3A_939 = tpu.memref_slice %arg13[%dma_wait3A_936, %dma_wait3A_937, %dma_wait3A_938] : memref<16x8x64xf32, #tpu.memory_space<vmem>> -> memref<1x8x64xf32, #tpu.memory_space<vmem>>
      %dma_wait3A_940 = tpu.memref_squeeze %dma_wait3A_939 : memref<1x8x64xf32, #tpu.memory_space<vmem>> -> memref<8x64xf32, #tpu.memory_space<vmem>>
      %dma_wait3A_941 = arith.constant 0 : i32
      %dma_wait3A_942 = tpu.memref_slice %arg6[%mul3A_24, %dma_wait3A_941] : memref<1000000x64xf32, #tpu.memory_space<hbm>> -> memref<8x64xf32, #tpu.memory_space<hbm>>
      %dma_wait3A_943 = arith.constant 0 : i32
      %dma_wait3A_944 = arith.constant 0 : i32
      %dma_wait3A_945 = tpu.memref_slice %arg13[%dma_wait3A_936, %dma_wait3A_943, %dma_wait3A_944] : memref<16x8x64xf32, #tpu.memory_space<vmem>> -> memref<1x8x64xf32, #tpu.memory_space<vmem>>
      %dma_wait3A_946 = tpu.memref_squeeze %dma_wait3A_945 : memref<1x8x64xf32, #tpu.memory_space<vmem>> -> memref<8x64xf32, #tpu.memory_space<vmem>>
      %dma_wait3A_947 = arith.constant 0 : i32
      %dma_wait3A_948 = tpu.memref_slice %arg6[%mul3A_24, %dma_wait3A_947] : memref<1000000x64xf32, #tpu.memory_space<hbm>> -> memref<8x64xf32, #tpu.memory_space<hbm>>
      tpu.wait_dma2 semaphore(%arg17 : memref<!tpu.dma_semaphore, #tpu.memory_space<semaphore_mem>>) src(%dma_wait3A_948 : memref<8x64xf32, #tpu.memory_space<hbm>>) dst(%dma_wait3A_946 : memref<8x64xf32, #tpu.memory_space<vmem>>)
      %dma_wait3A_949 = arith.constant 0 : i32
      %dma_wait3A_950 = arith.constant 0 : i32
      %dma_wait3A_951 = arith.constant 0 : i32
      %dma_wait3A_952 = tpu.memref_slice %arg14[%dma_wait3A_949, %dma_wait3A_950, %dma_wait3A_951] : memref<16x8x64xf32, #tpu.memory_space<vmem>> -> memref<1x8x64xf32, #tpu.memory_space<vmem>>
      %dma_wait3A_953 = tpu.memref_squeeze %dma_wait3A_952 : memref<1x8x64xf32, #tpu.memory_space<vmem>> -> memref<8x64xf32, #tpu.memory_space<vmem>>
      %dma_wait3A_954 = arith.constant 0 : i32
      %dma_wait3A_955 = tpu.memref_slice %arg6[%mul3A_30, %dma_wait3A_954] : memref<1000000x64xf32, #tpu.memory_space<hbm>> -> memref<8x64xf32, #tpu.memory_space<hbm>>
      %dma_wait3A_956 = arith.constant 0 : i32
      %dma_wait3A_957 = arith.constant 0 : i32
      %dma_wait3A_958 = tpu.memref_slice %arg14[%dma_wait3A_949, %dma_wait3A_956, %dma_wait3A_957] : memref<16x8x64xf32, #tpu.memory_space<vmem>> -> memref<1x8x64xf32, #tpu.memory_space<vmem>>
      %dma_wait3A_959 = tpu.memref_squeeze %dma_wait3A_958 : memref<1x8x64xf32, #tpu.memory_space<vmem>> -> memref<8x64xf32, #tpu.memory_space<vmem>>
      %dma_wait3A_960 = arith.constant 0 : i32
      %dma_wait3A_961 = tpu.memref_slice %arg6[%mul3A_30, %dma_wait3A_960] : memref<1000000x64xf32, #tpu.memory_space<hbm>> -> memref<8x64xf32, #tpu.memory_space<hbm>>
      tpu.wait_dma2 semaphore(%arg17 : memref<!tpu.dma_semaphore, #tpu.memory_space<semaphore_mem>>) src(%dma_wait3A_961 : memref<8x64xf32, #tpu.memory_space<hbm>>) dst(%dma_wait3A_959 : memref<8x64xf32, #tpu.memory_space<vmem>>)
      %dma_wait3A_962 = arith.constant 1 : i32
      %dma_wait3A_963 = arith.constant 0 : i32
      %dma_wait3A_964 = arith.constant 0 : i32
      %dma_wait3A_965 = tpu.memref_slice %arg12[%dma_wait3A_962, %dma_wait3A_963, %dma_wait3A_964] : memref<16x8x64xf32, #tpu.memory_space<vmem>> -> memref<1x8x64xf32, #tpu.memory_space<vmem>>
      %dma_wait3A_966 = tpu.memref_squeeze %dma_wait3A_965 : memref<1x8x64xf32, #tpu.memory_space<vmem>> -> memref<8x64xf32, #tpu.memory_space<vmem>>
      %dma_wait3A_967 = arith.constant 0 : i32
      %dma_wait3A_968 = tpu.memref_slice %arg5[%mul3A_74, %dma_wait3A_967] : memref<1000000x64xf32, #tpu.memory_space<hbm>> -> memref<8x64xf32, #tpu.memory_space<hbm>>
      %dma_wait3A_969 = arith.constant 0 : i32
      %dma_wait3A_970 = arith.constant 0 : i32
      %dma_wait3A_971 = tpu.memref_slice %arg12[%dma_wait3A_962, %dma_wait3A_969, %dma_wait3A_970] : memref<16x8x64xf32, #tpu.memory_space<vmem>> -> memref<1x8x64xf32, #tpu.memory_space<vmem>>
      %dma_wait3A_972 = tpu.memref_squeeze %dma_wait3A_971 : memref<1x8x64xf32, #tpu.memory_space<vmem>> -> memref<8x64xf32, #tpu.memory_space<vmem>>
      %dma_wait3A_973 = arith.constant 0 : i32
      %dma_wait3A_974 = tpu.memref_slice %arg5[%mul3A_74, %dma_wait3A_973] : memref<1000000x64xf32, #tpu.memory_space<hbm>> -> memref<8x64xf32, #tpu.memory_space<hbm>>
      tpu.wait_dma2 semaphore(%arg17 : memref<!tpu.dma_semaphore, #tpu.memory_space<semaphore_mem>>) src(%dma_wait3A_974 : memref<8x64xf32, #tpu.memory_space<hbm>>) dst(%dma_wait3A_972 : memref<8x64xf32, #tpu.memory_space<vmem>>)
      %dma_wait3A_975 = arith.constant 1 : i32
      %dma_wait3A_976 = arith.constant 0 : i32
      %dma_wait3A_977 = arith.constant 0 : i32
      %dma_wait3A_978 = tpu.memref_slice %arg13[%dma_wait3A_975, %dma_wait3A_976, %dma_wait3A_977] : memref<16x8x64xf32, #tpu.memory_space<vmem>> -> memref<1x8x64xf32, #tpu.memory_space<vmem>>
      %dma_wait3A_979 = tpu.memref_squeeze %dma_wait3A_978 : memref<1x8x64xf32, #tpu.memory_space<vmem>> -> memref<8x64xf32, #tpu.memory_space<vmem>>
      %dma_wait3A_980 = arith.constant 0 : i32
      %dma_wait3A_981 = tpu.memref_slice %arg6[%mul3A_80, %dma_wait3A_980] : memref<1000000x64xf32, #tpu.memory_space<hbm>> -> memref<8x64xf32, #tpu.memory_space<hbm>>
      %dma_wait3A_982 = arith.constant 0 : i32
      %dma_wait3A_983 = arith.constant 0 : i32
      %dma_wait3A_984 = tpu.memref_slice %arg13[%dma_wait3A_975, %dma_wait3A_982, %dma_wait3A_983] : memref<16x8x64xf32, #tpu.memory_space<vmem>> -> memref<1x8x64xf32, #tpu.memory_space<vmem>>
      %dma_wait3A_985 = tpu.memref_squeeze %dma_wait3A_984 : memref<1x8x64xf32, #tpu.memory_space<vmem>> -> memref<8x64xf32, #tpu.memory_space<vmem>>
      %dma_wait3A_986 = arith.constant 0 : i32
      %dma_wait3A_987 = tpu.memref_slice %arg6[%mul3A_80, %dma_wait3A_986] : memref<1000000x64xf32, #tpu.memory_space<hbm>> -> memref<8x64xf32, #tpu.memory_space<hbm>>
      tpu.wait_dma2 semaphore(%arg17 : memref<!tpu.dma_semaphore, #tpu.memory_space<semaphore_mem>>) src(%dma_wait3A_987 : memref<8x64xf32, #tpu.memory_space<hbm>>) dst(%dma_wait3A_985 : memref<8x64xf32, #tpu.memory_space<vmem>>)
      %dma_wait3A_988 = arith.constant 1 : i32
      %dma_wait3A_989 = arith.constant 0 : i32
      %dma_wait3A_990 = arith.constant 0 : i32
      %dma_wait3A_991 = tpu.memref_slice %arg14[%dma_wait3A_988, %dma_wait3A_989, %dma_wait3A_990] : memref<16x8x64xf32, #tpu.memory_space<vmem>> -> memref<1x8x64xf32, #tpu.memory_space<vmem>>
      %dma_wait3A_992 = tpu.memref_squeeze %dma_wait3A_991 : memref<1x8x64xf32, #tpu.memory_space<vmem>> -> memref<8x64xf32, #tpu.memory_space<vmem>>
      %dma_wait3A_993 = arith.constant 0 : i32
      %dma_wait3A_994 = tpu.memref_slice %arg6[%mul3A_86, %dma_wait3A_993] : memref<1000000x64xf32, #tpu.memory_space<hbm>> -> memref<8x64xf32, #tpu.memory_space<hbm>>
      %dma_wait3A_995 = arith.constant 0 : i32
      %dma_wait3A_996 = arith.constant 0 : i32
      %dma_wait3A_997 = tpu.memref_slice %arg14[%dma_wait3A_988, %dma_wait3A_995, %dma_wait3A_996] : memref<16x8x64xf32, #tpu.memory_space<vmem>> -> memref<1x8x64xf32, #tpu.memory_space<vmem>>
      %dma_wait3A_998 = tpu.memref_squeeze %dma_wait3A_997 : memref<1x8x64xf32, #tpu.memory_space<vmem>> -> memref<8x64xf32, #tpu.memory_space<vmem>>
      %dma_wait3A_999 = arith.constant 0 : i32
      %dma_wait3A_1000 = tpu.memref_slice %arg6[%mul3A_86, %dma_wait3A_999] : memref<1000000x64xf32, #tpu.memory_space<hbm>> -> memref<8x64xf32, #tpu.memory_space<hbm>>
      tpu.wait_dma2 semaphore(%arg17 : memref<!tpu.dma_semaphore, #tpu.memory_space<semaphore_mem>>) src(%dma_wait3A_1000 : memref<8x64xf32, #tpu.memory_space<hbm>>) dst(%dma_wait3A_998 : memref<8x64xf32, #tpu.memory_space<vmem>>)
      %dma_wait3A_1001 = arith.constant 2 : i32
      %dma_wait3A_1002 = arith.constant 0 : i32
      %dma_wait3A_1003 = arith.constant 0 : i32
      %dma_wait3A_1004 = tpu.memref_slice %arg12[%dma_wait3A_1001, %dma_wait3A_1002, %dma_wait3A_1003] : memref<16x8x64xf32, #tpu.memory_space<vmem>> -> memref<1x8x64xf32, #tpu.memory_space<vmem>>
      %dma_wait3A_1005 = tpu.memref_squeeze %dma_wait3A_1004 : memref<1x8x64xf32, #tpu.memory_space<vmem>> -> memref<8x64xf32, #tpu.memory_space<vmem>>
      %dma_wait3A_1006 = arith.constant 0 : i32
      %dma_wait3A_1007 = tpu.memref_slice %arg5[%mul3A_131, %dma_wait3A_1006] : memref<1000000x64xf32, #tpu.memory_space<hbm>> -> memref<8x64xf32, #tpu.memory_space<hbm>>
      %dma_wait3A_1008 = arith.constant 0 : i32
      %dma_wait3A_1009 = arith.constant 0 : i32
      %dma_wait3A_1010 = tpu.memref_slice %arg12[%dma_wait3A_1001, %dma_wait3A_1008, %dma_wait3A_1009] : memref<16x8x64xf32, #tpu.memory_space<vmem>> -> memref<1x8x64xf32, #tpu.memory_space<vmem>>
      %dma_wait3A_1011 = tpu.memref_squeeze %dma_wait3A_1010 : memref<1x8x64xf32, #tpu.memory_space<vmem>> -> memref<8x64xf32, #tpu.memory_space<vmem>>
      %dma_wait3A_1012 = arith.constant 0 : i32
      %dma_wait3A_1013 = tpu.memref_slice %arg5[%mul3A_131, %dma_wait3A_1012] : memref<1000000x64xf32, #tpu.memory_space<hbm>> -> memref<8x64xf32, #tpu.memory_space<hbm>>
      tpu.wait_dma2 semaphore(%arg17 : memref<!tpu.dma_semaphore, #tpu.memory_space<semaphore_mem>>) src(%dma_wait3A_1013 : memref<8x64xf32, #tpu.memory_space<hbm>>) dst(%dma_wait3A_1011 : memref<8x64xf32, #tpu.memory_space<vmem>>)
      %dma_wait3A_1014 = arith.constant 2 : i32
      %dma_wait3A_1015 = arith.constant 0 : i32
      %dma_wait3A_1016 = arith.constant 0 : i32
      %dma_wait3A_1017 = tpu.memref_slice %arg13[%dma_wait3A_1014, %dma_wait3A_1015, %dma_wait3A_1016] : memref<16x8x64xf32, #tpu.memory_space<vmem>> -> memref<1x8x64xf32, #tpu.memory_space<vmem>>
      %dma_wait3A_1018 = tpu.memref_squeeze %dma_wait3A_1017 : memref<1x8x64xf32, #tpu.memory_space<vmem>> -> memref<8x64xf32, #tpu.memory_space<vmem>>
      %dma_wait3A_1019 = arith.constant 0 : i32
      %dma_wait3A_1020 = tpu.memref_slice %arg6[%mul3A_137, %dma_wait3A_1019] : memref<1000000x64xf32, #tpu.memory_space<hbm>> -> memref<8x64xf32, #tpu.memory_space<hbm>>
      %dma_wait3A_1021 = arith.constant 0 : i32
      %dma_wait3A_1022 = arith.constant 0 : i32
      %dma_wait3A_1023 = tpu.memref_slice %arg13[%dma_wait3A_1014, %dma_wait3A_1021, %dma_wait3A_1022] : memref<16x8x64xf32, #tpu.memory_space<vmem>> -> memref<1x8x64xf32, #tpu.memory_space<vmem>>
      %dma_wait3A_1024 = tpu.memref_squeeze %dma_wait3A_1023 : memref<1x8x64xf32, #tpu.memory_space<vmem>> -> memref<8x64xf32, #tpu.memory_space<vmem>>
      %dma_wait3A_1025 = arith.constant 0 : i32
      %dma_wait3A_1026 = tpu.memref_slice %arg6[%mul3A_137, %dma_wait3A_1025] : memref<1000000x64xf32, #tpu.memory_space<hbm>> -> memref<8x64xf32, #tpu.memory_space<hbm>>
      tpu.wait_dma2 semaphore(%arg17 : memref<!tpu.dma_semaphore, #tpu.memory_space<semaphore_mem>>) src(%dma_wait3A_1026 : memref<8x64xf32, #tpu.memory_space<hbm>>) dst(%dma_wait3A_1024 : memref<8x64xf32, #tpu.memory_space<vmem>>)
      %dma_wait3A_1027 = arith.constant 2 : i32
      %dma_wait3A_1028 = arith.constant 0 : i32
      %dma_wait3A_1029 = arith.constant 0 : i32
      %dma_wait3A_1030 = tpu.memref_slice %arg14[%dma_wait3A_1027, %dma_wait3A_1028, %dma_wait3A_1029] : memref<16x8x64xf32, #tpu.memory_space<vmem>> -> memref<1x8x64xf32, #tpu.memory_space<vmem>>
      %dma_wait3A_1031 = tpu.memref_squeeze %dma_wait3A_1030 : memref<1x8x64xf32, #tpu.memory_space<vmem>> -> memref<8x64xf32, #tpu.memory_space<vmem>>
      %dma_wait3A_1032 = arith.constant 0 : i32
      %dma_wait3A_1033 = tpu.memref_slice %arg6[%mul3A_143, %dma_wait3A_1032] : memref<1000000x64xf32, #tpu.memory_space<hbm>> -> memref<8x64xf32, #tpu.memory_space<hbm>>
      %dma_wait3A_1034 = arith.constant 0 : i32
      %dma_wait3A_1035 = arith.constant 0 : i32
      %dma_wait3A_1036 = tpu.memref_slice %arg14[%dma_wait3A_1027, %dma_wait3A_1034, %dma_wait3A_1035] : memref<16x8x64xf32, #tpu.memory_space<vmem>> -> memref<1x8x64xf32, #tpu.memory_space<vmem>>
      %dma_wait3A_1037 = tpu.memref_squeeze %dma_wait3A_1036 : memref<1x8x64xf32, #tpu.memory_space<vmem>> -> memref<8x64xf32, #tpu.memory_space<vmem>>
      %dma_wait3A_1038 = arith.constant 0 : i32
      %dma_wait3A_1039 = tpu.memref_slice %arg6[%mul3A_143, %dma_wait3A_1038] : memref<1000000x64xf32, #tpu.memory_space<hbm>> -> memref<8x64xf32, #tpu.memory_space<hbm>>
      tpu.wait_dma2 semaphore(%arg17 : memref<!tpu.dma_semaphore, #tpu.memory_space<semaphore_mem>>) src(%dma_wait3A_1039 : memref<8x64xf32, #tpu.memory_space<hbm>>) dst(%dma_wait3A_1037 : memref<8x64xf32, #tpu.memory_space<vmem>>)
      %dma_wait3A_1040 = arith.constant 3 : i32
      %dma_wait3A_1041 = arith.constant 0 : i32
      %dma_wait3A_1042 = arith.constant 0 : i32
      %dma_wait3A_1043 = tpu.memref_slice %arg12[%dma_wait3A_1040, %dma_wait3A_1041, %dma_wait3A_1042] : memref<16x8x64xf32, #tpu.memory_space<vmem>> -> memref<1x8x64xf32, #tpu.memory_space<vmem>>
      %dma_wait3A_1044 = tpu.memref_squeeze %dma_wait3A_1043 : memref<1x8x64xf32, #tpu.memory_space<vmem>> -> memref<8x64xf32, #tpu.memory_space<vmem>>
      %dma_wait3A_1045 = arith.constant 0 : i32
      %dma_wait3A_1046 = tpu.memref_slice %arg5[%mul3A_188, %dma_wait3A_1045] : memref<1000000x64xf32, #tpu.memory_space<hbm>> -> memref<8x64xf32, #tpu.memory_space<hbm>>
      %dma_wait3A_1047 = arith.constant 0 : i32
      %dma_wait3A_1048 = arith.constant 0 : i32
      %dma_wait3A_1049 = tpu.memref_slice %arg12[%dma_wait3A_1040, %dma_wait3A_1047, %dma_wait3A_1048] : memref<16x8x64xf32, #tpu.memory_space<vmem>> -> memref<1x8x64xf32, #tpu.memory_space<vmem>>
      %dma_wait3A_1050 = tpu.memref_squeeze %dma_wait3A_1049 : memref<1x8x64xf32, #tpu.memory_space<vmem>> -> memref<8x64xf32, #tpu.memory_space<vmem>>
      %dma_wait3A_1051 = arith.constant 0 : i32
      %dma_wait3A_1052 = tpu.memref_slice %arg5[%mul3A_188, %dma_wait3A_1051] : memref<1000000x64xf32, #tpu.memory_space<hbm>> -> memref<8x64xf32, #tpu.memory_space<hbm>>
      tpu.wait_dma2 semaphore(%arg17 : memref<!tpu.dma_semaphore, #tpu.memory_space<semaphore_mem>>) src(%dma_wait3A_1052 : memref<8x64xf32, #tpu.memory_space<hbm>>) dst(%dma_wait3A_1050 : memref<8x64xf32, #tpu.memory_space<vmem>>)
      %dma_wait3A_1053 = arith.constant 3 : i32
      %dma_wait3A_1054 = arith.constant 0 : i32
      %dma_wait3A_1055 = arith.constant 0 : i32
      %dma_wait3A_1056 = tpu.memref_slice %arg13[%dma_wait3A_1053, %dma_wait3A_1054, %dma_wait3A_1055] : memref<16x8x64xf32, #tpu.memory_space<vmem>> -> memref<1x8x64xf32, #tpu.memory_space<vmem>>
      %dma_wait3A_1057 = tpu.memref_squeeze %dma_wait3A_1056 : memref<1x8x64xf32, #tpu.memory_space<vmem>> -> memref<8x64xf32, #tpu.memory_space<vmem>>
      %dma_wait3A_1058 = arith.constant 0 : i32
      %dma_wait3A_1059 = tpu.memref_slice %arg6[%mul3A_194, %dma_wait3A_1058] : memref<1000000x64xf32, #tpu.memory_space<hbm>> -> memref<8x64xf32, #tpu.memory_space<hbm>>
      %dma_wait3A_1060 = arith.constant 0 : i32
      %dma_wait3A_1061 = arith.constant 0 : i32
      %dma_wait3A_1062 = tpu.memref_slice %arg13[%dma_wait3A_1053, %dma_wait3A_1060, %dma_wait3A_1061] : memref<16x8x64xf32, #tpu.memory_space<vmem>> -> memref<1x8x64xf32, #tpu.memory_space<vmem>>
      %dma_wait3A_1063 = tpu.memref_squeeze %dma_wait3A_1062 : memref<1x8x64xf32, #tpu.memory_space<vmem>> -> memref<8x64xf32, #tpu.memory_space<vmem>>
      %dma_wait3A_1064 = arith.constant 0 : i32
      %dma_wait3A_1065 = tpu.memref_slice %arg6[%mul3A_194, %dma_wait3A_1064] : memref<1000000x64xf32, #tpu.memory_space<hbm>> -> memref<8x64xf32, #tpu.memory_space<hbm>>
      tpu.wait_dma2 semaphore(%arg17 : memref<!tpu.dma_semaphore, #tpu.memory_space<semaphore_mem>>) src(%dma_wait3A_1065 : memref<8x64xf32, #tpu.memory_space<hbm>>) dst(%dma_wait3A_1063 : memref<8x64xf32, #tpu.memory_space<vmem>>)
      %dma_wait3A_1066 = arith.constant 3 : i32
      %dma_wait3A_1067 = arith.constant 0 : i32
      %dma_wait3A_1068 = arith.constant 0 : i32
      %dma_wait3A_1069 = tpu.memref_slice %arg14[%dma_wait3A_1066, %dma_wait3A_1067, %dma_wait3A_1068] : memref<16x8x64xf32, #tpu.memory_space<vmem>> -> memref<1x8x64xf32, #tpu.memory_space<vmem>>
      %dma_wait3A_1070 = tpu.memref_squeeze %dma_wait3A_1069 : memref<1x8x64xf32, #tpu.memory_space<vmem>> -> memref<8x64xf32, #tpu.memory_space<vmem>>
      %dma_wait3A_1071 = arith.constant 0 : i32
      %dma_wait3A_1072 = tpu.memref_slice %arg6[%mul3A_200, %dma_wait3A_1071] : memref<1000000x64xf32, #tpu.memory_space<hbm>> -> memref<8x64xf32, #tpu.memory_space<hbm>>
      %dma_wait3A_1073 = arith.constant 0 : i32
      %dma_wait3A_1074 = arith.constant 0 : i32
      %dma_wait3A_1075 = tpu.memref_slice %arg14[%dma_wait3A_1066, %dma_wait3A_1073, %dma_wait3A_1074] : memref<16x8x64xf32, #tpu.memory_space<vmem>> -> memref<1x8x64xf32, #tpu.memory_space<vmem>>
      %dma_wait3A_1076 = tpu.memref_squeeze %dma_wait3A_1075 : memref<1x8x64xf32, #tpu.memory_space<vmem>> -> memref<8x64xf32, #tpu.memory_space<vmem>>
      %dma_wait3A_1077 = arith.constant 0 : i32
      %dma_wait3A_1078 = tpu.memref_slice %arg6[%mul3A_200, %dma_wait3A_1077] : memref<1000000x64xf32, #tpu.memory_space<hbm>> -> memref<8x64xf32, #tpu.memory_space<hbm>>
      tpu.wait_dma2 semaphore(%arg17 : memref<!tpu.dma_semaphore, #tpu.memory_space<semaphore_mem>>) src(%dma_wait3A_1078 : memref<8x64xf32, #tpu.memory_space<hbm>>) dst(%dma_wait3A_1076 : memref<8x64xf32, #tpu.memory_space<vmem>>)
      %dma_wait3A_1079 = arith.constant 4 : i32
      %dma_wait3A_1080 = arith.constant 0 : i32
      %dma_wait3A_1081 = arith.constant 0 : i32
      %dma_wait3A_1082 = tpu.memref_slice %arg12[%dma_wait3A_1079, %dma_wait3A_1080, %dma_wait3A_1081] : memref<16x8x64xf32, #tpu.memory_space<vmem>> -> memref<1x8x64xf32, #tpu.memory_space<vmem>>
      %dma_wait3A_1083 = tpu.memref_squeeze %dma_wait3A_1082 : memref<1x8x64xf32, #tpu.memory_space<vmem>> -> memref<8x64xf32, #tpu.memory_space<vmem>>
      %dma_wait3A_1084 = arith.constant 0 : i32
      %dma_wait3A_1085 = tpu.memref_slice %arg5[%mul3A_245, %dma_wait3A_1084] : memref<1000000x64xf32, #tpu.memory_space<hbm>> -> memref<8x64xf32, #tpu.memory_space<hbm>>
      %dma_wait3A_1086 = arith.constant 0 : i32
      %dma_wait3A_1087 = arith.constant 0 : i32
      %dma_wait3A_1088 = tpu.memref_slice %arg12[%dma_wait3A_1079, %dma_wait3A_1086, %dma_wait3A_1087] : memref<16x8x64xf32, #tpu.memory_space<vmem>> -> memref<1x8x64xf32, #tpu.memory_space<vmem>>
      %dma_wait3A_1089 = tpu.memref_squeeze %dma_wait3A_1088 : memref<1x8x64xf32, #tpu.memory_space<vmem>> -> memref<8x64xf32, #tpu.memory_space<vmem>>
      %dma_wait3A_1090 = arith.constant 0 : i32
      %dma_wait3A_1091 = tpu.memref_slice %arg5[%mul3A_245, %dma_wait3A_1090] : memref<1000000x64xf32, #tpu.memory_space<hbm>> -> memref<8x64xf32, #tpu.memory_space<hbm>>
      tpu.wait_dma2 semaphore(%arg17 : memref<!tpu.dma_semaphore, #tpu.memory_space<semaphore_mem>>) src(%dma_wait3A_1091 : memref<8x64xf32, #tpu.memory_space<hbm>>) dst(%dma_wait3A_1089 : memref<8x64xf32, #tpu.memory_space<vmem>>)
      %dma_wait3A_1092 = arith.constant 4 : i32
      %dma_wait3A_1093 = arith.constant 0 : i32
      %dma_wait3A_1094 = arith.constant 0 : i32
      %dma_wait3A_1095 = tpu.memref_slice %arg13[%dma_wait3A_1092, %dma_wait3A_1093, %dma_wait3A_1094] : memref<16x8x64xf32, #tpu.memory_space<vmem>> -> memref<1x8x64xf32, #tpu.memory_space<vmem>>
      %dma_wait3A_1096 = tpu.memref_squeeze %dma_wait3A_1095 : memref<1x8x64xf32, #tpu.memory_space<vmem>> -> memref<8x64xf32, #tpu.memory_space<vmem>>
      %dma_wait3A_1097 = arith.constant 0 : i32
      %dma_wait3A_1098 = tpu.memref_slice %arg6[%mul3A_251, %dma_wait3A_1097] : memref<1000000x64xf32, #tpu.memory_space<hbm>> -> memref<8x64xf32, #tpu.memory_space<hbm>>
      %dma_wait3A_1099 = arith.constant 0 : i32
      %dma_wait3A_1100 = arith.constant 0 : i32
      %dma_wait3A_1101 = tpu.memref_slice %arg13[%dma_wait3A_1092, %dma_wait3A_1099, %dma_wait3A_1100] : memref<16x8x64xf32, #tpu.memory_space<vmem>> -> memref<1x8x64xf32, #tpu.memory_space<vmem>>
      %dma_wait3A_1102 = tpu.memref_squeeze %dma_wait3A_1101 : memref<1x8x64xf32, #tpu.memory_space<vmem>> -> memref<8x64xf32, #tpu.memory_space<vmem>>
      %dma_wait3A_1103 = arith.constant 0 : i32
      %dma_wait3A_1104 = tpu.memref_slice %arg6[%mul3A_251, %dma_wait3A_1103] : memref<1000000x64xf32, #tpu.memory_space<hbm>> -> memref<8x64xf32, #tpu.memory_space<hbm>>
      tpu.wait_dma2 semaphore(%arg17 : memref<!tpu.dma_semaphore, #tpu.memory_space<semaphore_mem>>) src(%dma_wait3A_1104 : memref<8x64xf32, #tpu.memory_space<hbm>>) dst(%dma_wait3A_1102 : memref<8x64xf32, #tpu.memory_space<vmem>>)
      %dma_wait3A_1105 = arith.constant 4 : i32
      %dma_wait3A_1106 = arith.constant 0 : i32
      %dma_wait3A_1107 = arith.constant 0 : i32
      %dma_wait3A_1108 = tpu.memref_slice %arg14[%dma_wait3A_1105, %dma_wait3A_1106, %dma_wait3A_1107] : memref<16x8x64xf32, #tpu.memory_space<vmem>> -> memref<1x8x64xf32, #tpu.memory_space<vmem>>
      %dma_wait3A_1109 = tpu.memref_squeeze %dma_wait3A_1108 : memref<1x8x64xf32, #tpu.memory_space<vmem>> -> memref<8x64xf32, #tpu.memory_space<vmem>>
      %dma_wait3A_1110 = arith.constant 0 : i32
      %dma_wait3A_1111 = tpu.memref_slice %arg6[%mul3A_257, %dma_wait3A_1110] : memref<1000000x64xf32, #tpu.memory_space<hbm>> -> memref<8x64xf32, #tpu.memory_space<hbm>>
      %dma_wait3A_1112 = arith.constant 0 : i32
      %dma_wait3A_1113 = arith.constant 0 : i32
      %dma_wait3A_1114 = tpu.memref_slice %arg14[%dma_wait3A_1105, %dma_wait3A_1112, %dma_wait3A_1113] : memref<16x8x64xf32, #tpu.memory_space<vmem>> -> memref<1x8x64xf32, #tpu.memory_space<vmem>>
      %dma_wait3A_1115 = tpu.memref_squeeze %dma_wait3A_1114 : memref<1x8x64xf32, #tpu.memory_space<vmem>> -> memref<8x64xf32, #tpu.memory_space<vmem>>
      %dma_wait3A_1116 = arith.constant 0 : i32
      %dma_wait3A_1117 = tpu.memref_slice %arg6[%mul3A_257, %dma_wait3A_1116] : memref<1000000x64xf32, #tpu.memory_space<hbm>> -> memref<8x64xf32, #tpu.memory_space<hbm>>
      tpu.wait_dma2 semaphore(%arg17 : memref<!tpu.dma_semaphore, #tpu.memory_space<semaphore_mem>>) src(%dma_wait3A_1117 : memref<8x64xf32, #tpu.memory_space<hbm>>) dst(%dma_wait3A_1115 : memref<8x64xf32, #tpu.memory_space<vmem>>)
      %dma_wait3A_1118 = arith.constant 5 : i32
      %dma_wait3A_1119 = arith.constant 0 : i32
      %dma_wait3A_1120 = arith.constant 0 : i32
      %dma_wait3A_1121 = tpu.memref_slice %arg12[%dma_wait3A_1118, %dma_wait3A_1119, %dma_wait3A_1120] : memref<16x8x64xf32, #tpu.memory_space<vmem>> -> memref<1x8x64xf32, #tpu.memory_space<vmem>>
      %dma_wait3A_1122 = tpu.memref_squeeze %dma_wait3A_1121 : memref<1x8x64xf32, #tpu.memory_space<vmem>> -> memref<8x64xf32, #tpu.memory_space<vmem>>
      %dma_wait3A_1123 = arith.constant 0 : i32
      %dma_wait3A_1124 = tpu.memref_slice %arg5[%mul3A_302, %dma_wait3A_1123] : memref<1000000x64xf32, #tpu.memory_space<hbm>> -> memref<8x64xf32, #tpu.memory_space<hbm>>
      %dma_wait3A_1125 = arith.constant 0 : i32
      %dma_wait3A_1126 = arith.constant 0 : i32
      %dma_wait3A_1127 = tpu.memref_slice %arg12[%dma_wait3A_1118, %dma_wait3A_1125, %dma_wait3A_1126] : memref<16x8x64xf32, #tpu.memory_space<vmem>> -> memref<1x8x64xf32, #tpu.memory_space<vmem>>
      %dma_wait3A_1128 = tpu.memref_squeeze %dma_wait3A_1127 : memref<1x8x64xf32, #tpu.memory_space<vmem>> -> memref<8x64xf32, #tpu.memory_space<vmem>>
      %dma_wait3A_1129 = arith.constant 0 : i32
      %dma_wait3A_1130 = tpu.memref_slice %arg5[%mul3A_302, %dma_wait3A_1129] : memref<1000000x64xf32, #tpu.memory_space<hbm>> -> memref<8x64xf32, #tpu.memory_space<hbm>>
      tpu.wait_dma2 semaphore(%arg17 : memref<!tpu.dma_semaphore, #tpu.memory_space<semaphore_mem>>) src(%dma_wait3A_1130 : memref<8x64xf32, #tpu.memory_space<hbm>>) dst(%dma_wait3A_1128 : memref<8x64xf32, #tpu.memory_space<vmem>>)
      %dma_wait3A_1131 = arith.constant 5 : i32
      %dma_wait3A_1132 = arith.constant 0 : i32
      %dma_wait3A_1133 = arith.constant 0 : i32
      %dma_wait3A_1134 = tpu.memref_slice %arg13[%dma_wait3A_1131, %dma_wait3A_1132, %dma_wait3A_1133] : memref<16x8x64xf32, #tpu.memory_space<vmem>> -> memref<1x8x64xf32, #tpu.memory_space<vmem>>
      %dma_wait3A_1135 = tpu.memref_squeeze %dma_wait3A_1134 : memref<1x8x64xf32, #tpu.memory_space<vmem>> -> memref<8x64xf32, #tpu.memory_space<vmem>>
      %dma_wait3A_1136 = arith.constant 0 : i32
      %dma_wait3A_1137 = tpu.memref_slice %arg6[%mul3A_308, %dma_wait3A_1136] : memref<1000000x64xf32, #tpu.memory_space<hbm>> -> memref<8x64xf32, #tpu.memory_space<hbm>>
      %dma_wait3A_1138 = arith.constant 0 : i32
      %dma_wait3A_1139 = arith.constant 0 : i32
      %dma_wait3A_1140 = tpu.memref_slice %arg13[%dma_wait3A_1131, %dma_wait3A_1138, %dma_wait3A_1139] : memref<16x8x64xf32, #tpu.memory_space<vmem>> -> memref<1x8x64xf32, #tpu.memory_space<vmem>>
      %dma_wait3A_1141 = tpu.memref_squeeze %dma_wait3A_1140 : memref<1x8x64xf32, #tpu.memory_space<vmem>> -> memref<8x64xf32, #tpu.memory_space<vmem>>
      %dma_wait3A_1142 = arith.constant 0 : i32
      %dma_wait3A_1143 = tpu.memref_slice %arg6[%mul3A_308, %dma_wait3A_1142] : memref<1000000x64xf32, #tpu.memory_space<hbm>> -> memref<8x64xf32, #tpu.memory_space<hbm>>
      tpu.wait_dma2 semaphore(%arg17 : memref<!tpu.dma_semaphore, #tpu.memory_space<semaphore_mem>>) src(%dma_wait3A_1143 : memref<8x64xf32, #tpu.memory_space<hbm>>) dst(%dma_wait3A_1141 : memref<8x64xf32, #tpu.memory_space<vmem>>)
      %dma_wait3A_1144 = arith.constant 5 : i32
      %dma_wait3A_1145 = arith.constant 0 : i32
      %dma_wait3A_1146 = arith.constant 0 : i32
      %dma_wait3A_1147 = tpu.memref_slice %arg14[%dma_wait3A_1144, %dma_wait3A_1145, %dma_wait3A_1146] : memref<16x8x64xf32, #tpu.memory_space<vmem>> -> memref<1x8x64xf32, #tpu.memory_space<vmem>>
      %dma_wait3A_1148 = tpu.memref_squeeze %dma_wait3A_1147 : memref<1x8x64xf32, #tpu.memory_space<vmem>> -> memref<8x64xf32, #tpu.memory_space<vmem>>
      %dma_wait3A_1149 = arith.constant 0 : i32
      %dma_wait3A_1150 = tpu.memref_slice %arg6[%mul3A_314, %dma_wait3A_1149] : memref<1000000x64xf32, #tpu.memory_space<hbm>> -> memref<8x64xf32, #tpu.memory_space<hbm>>
      %dma_wait3A_1151 = arith.constant 0 : i32
      %dma_wait3A_1152 = arith.constant 0 : i32
      %dma_wait3A_1153 = tpu.memref_slice %arg14[%dma_wait3A_1144, %dma_wait3A_1151, %dma_wait3A_1152] : memref<16x8x64xf32, #tpu.memory_space<vmem>> -> memref<1x8x64xf32, #tpu.memory_space<vmem>>
      %dma_wait3A_1154 = tpu.memref_squeeze %dma_wait3A_1153 : memref<1x8x64xf32, #tpu.memory_space<vmem>> -> memref<8x64xf32, #tpu.memory_space<vmem>>
      %dma_wait3A_1155 = arith.constant 0 : i32
      %dma_wait3A_1156 = tpu.memref_slice %arg6[%mul3A_314, %dma_wait3A_1155] : memref<1000000x64xf32, #tpu.memory_space<hbm>> -> memref<8x64xf32, #tpu.memory_space<hbm>>
      tpu.wait_dma2 semaphore(%arg17 : memref<!tpu.dma_semaphore, #tpu.memory_space<semaphore_mem>>) src(%dma_wait3A_1156 : memref<8x64xf32, #tpu.memory_space<hbm>>) dst(%dma_wait3A_1154 : memref<8x64xf32, #tpu.memory_space<vmem>>)
      %dma_wait3A_1157 = arith.constant 6 : i32
      %dma_wait3A_1158 = arith.constant 0 : i32
      %dma_wait3A_1159 = arith.constant 0 : i32
      %dma_wait3A_1160 = tpu.memref_slice %arg12[%dma_wait3A_1157, %dma_wait3A_1158, %dma_wait3A_1159] : memref<16x8x64xf32, #tpu.memory_space<vmem>> -> memref<1x8x64xf32, #tpu.memory_space<vmem>>
      %dma_wait3A_1161 = tpu.memref_squeeze %dma_wait3A_1160 : memref<1x8x64xf32, #tpu.memory_space<vmem>> -> memref<8x64xf32, #tpu.memory_space<vmem>>
      %dma_wait3A_1162 = arith.constant 0 : i32
      %dma_wait3A_1163 = tpu.memref_slice %arg5[%mul3A_359, %dma_wait3A_1162] : memref<1000000x64xf32, #tpu.memory_space<hbm>> -> memref<8x64xf32, #tpu.memory_space<hbm>>
      %dma_wait3A_1164 = arith.constant 0 : i32
      %dma_wait3A_1165 = arith.constant 0 : i32
      %dma_wait3A_1166 = tpu.memref_slice %arg12[%dma_wait3A_1157, %dma_wait3A_1164, %dma_wait3A_1165] : memref<16x8x64xf32, #tpu.memory_space<vmem>> -> memref<1x8x64xf32, #tpu.memory_space<vmem>>
      %dma_wait3A_1167 = tpu.memref_squeeze %dma_wait3A_1166 : memref<1x8x64xf32, #tpu.memory_space<vmem>> -> memref<8x64xf32, #tpu.memory_space<vmem>>
      %dma_wait3A_1168 = arith.constant 0 : i32
      %dma_wait3A_1169 = tpu.memref_slice %arg5[%mul3A_359, %dma_wait3A_1168] : memref<1000000x64xf32, #tpu.memory_space<hbm>> -> memref<8x64xf32, #tpu.memory_space<hbm>>
      tpu.wait_dma2 semaphore(%arg17 : memref<!tpu.dma_semaphore, #tpu.memory_space<semaphore_mem>>) src(%dma_wait3A_1169 : memref<8x64xf32, #tpu.memory_space<hbm>>) dst(%dma_wait3A_1167 : memref<8x64xf32, #tpu.memory_space<vmem>>)
      %dma_wait3A_1170 = arith.constant 6 : i32
      %dma_wait3A_1171 = arith.constant 0 : i32
      %dma_wait3A_1172 = arith.constant 0 : i32
      %dma_wait3A_1173 = tpu.memref_slice %arg13[%dma_wait3A_1170, %dma_wait3A_1171, %dma_wait3A_1172] : memref<16x8x64xf32, #tpu.memory_space<vmem>> -> memref<1x8x64xf32, #tpu.memory_space<vmem>>
      %dma_wait3A_1174 = tpu.memref_squeeze %dma_wait3A_1173 : memref<1x8x64xf32, #tpu.memory_space<vmem>> -> memref<8x64xf32, #tpu.memory_space<vmem>>
      %dma_wait3A_1175 = arith.constant 0 : i32
      %dma_wait3A_1176 = tpu.memref_slice %arg6[%mul3A_365, %dma_wait3A_1175] : memref<1000000x64xf32, #tpu.memory_space<hbm>> -> memref<8x64xf32, #tpu.memory_space<hbm>>
      %dma_wait3A_1177 = arith.constant 0 : i32
      %dma_wait3A_1178 = arith.constant 0 : i32
      %dma_wait3A_1179 = tpu.memref_slice %arg13[%dma_wait3A_1170, %dma_wait3A_1177, %dma_wait3A_1178] : memref<16x8x64xf32, #tpu.memory_space<vmem>> -> memref<1x8x64xf32, #tpu.memory_space<vmem>>
      %dma_wait3A_1180 = tpu.memref_squeeze %dma_wait3A_1179 : memref<1x8x64xf32, #tpu.memory_space<vmem>> -> memref<8x64xf32, #tpu.memory_space<vmem>>
      %dma_wait3A_1181 = arith.constant 0 : i32
      %dma_wait3A_1182 = tpu.memref_slice %arg6[%mul3A_365, %dma_wait3A_1181] : memref<1000000x64xf32, #tpu.memory_space<hbm>> -> memref<8x64xf32, #tpu.memory_space<hbm>>
      tpu.wait_dma2 semaphore(%arg17 : memref<!tpu.dma_semaphore, #tpu.memory_space<semaphore_mem>>) src(%dma_wait3A_1182 : memref<8x64xf32, #tpu.memory_space<hbm>>) dst(%dma_wait3A_1180 : memref<8x64xf32, #tpu.memory_space<vmem>>)
      %dma_wait3A_1183 = arith.constant 6 : i32
      %dma_wait3A_1184 = arith.constant 0 : i32
      %dma_wait3A_1185 = arith.constant 0 : i32
      %dma_wait3A_1186 = tpu.memref_slice %arg14[%dma_wait3A_1183, %dma_wait3A_1184, %dma_wait3A_1185] : memref<16x8x64xf32, #tpu.memory_space<vmem>> -> memref<1x8x64xf32, #tpu.memory_space<vmem>>
      %dma_wait3A_1187 = tpu.memref_squeeze %dma_wait3A_1186 : memref<1x8x64xf32, #tpu.memory_space<vmem>> -> memref<8x64xf32, #tpu.memory_space<vmem>>
      %dma_wait3A_1188 = arith.constant 0 : i32
      %dma_wait3A_1189 = tpu.memref_slice %arg6[%mul3A_371, %dma_wait3A_1188] : memref<1000000x64xf32, #tpu.memory_space<hbm>> -> memref<8x64xf32, #tpu.memory_space<hbm>>
      %dma_wait3A_1190 = arith.constant 0 : i32
      %dma_wait3A_1191 = arith.constant 0 : i32
      %dma_wait3A_1192 = tpu.memref_slice %arg14[%dma_wait3A_1183, %dma_wait3A_1190, %dma_wait3A_1191] : memref<16x8x64xf32, #tpu.memory_space<vmem>> -> memref<1x8x64xf32, #tpu.memory_space<vmem>>
      %dma_wait3A_1193 = tpu.memref_squeeze %dma_wait3A_1192 : memref<1x8x64xf32, #tpu.memory_space<vmem>> -> memref<8x64xf32, #tpu.memory_space<vmem>>
      %dma_wait3A_1194 = arith.constant 0 : i32
      %dma_wait3A_1195 = tpu.memref_slice %arg6[%mul3A_371, %dma_wait3A_1194] : memref<1000000x64xf32, #tpu.memory_space<hbm>> -> memref<8x64xf32, #tpu.memory_space<hbm>>
      tpu.wait_dma2 semaphore(%arg17 : memref<!tpu.dma_semaphore, #tpu.memory_space<semaphore_mem>>) src(%dma_wait3A_1195 : memref<8x64xf32, #tpu.memory_space<hbm>>) dst(%dma_wait3A_1193 : memref<8x64xf32, #tpu.memory_space<vmem>>)
      %dma_wait3A_1196 = arith.constant 7 : i32
      %dma_wait3A_1197 = arith.constant 0 : i32
      %dma_wait3A_1198 = arith.constant 0 : i32
      %dma_wait3A_1199 = tpu.memref_slice %arg12[%dma_wait3A_1196, %dma_wait3A_1197, %dma_wait3A_1198] : memref<16x8x64xf32, #tpu.memory_space<vmem>> -> memref<1x8x64xf32, #tpu.memory_space<vmem>>
      %dma_wait3A_1200 = tpu.memref_squeeze %dma_wait3A_1199 : memref<1x8x64xf32, #tpu.memory_space<vmem>> -> memref<8x64xf32, #tpu.memory_space<vmem>>
      %dma_wait3A_1201 = arith.constant 0 : i32
      %dma_wait3A_1202 = tpu.memref_slice %arg5[%mul3A_416, %dma_wait3A_1201] : memref<1000000x64xf32, #tpu.memory_space<hbm>> -> memref<8x64xf32, #tpu.memory_space<hbm>>
      %dma_wait3A_1203 = arith.constant 0 : i32
      %dma_wait3A_1204 = arith.constant 0 : i32
      %dma_wait3A_1205 = tpu.memref_slice %arg12[%dma_wait3A_1196, %dma_wait3A_1203, %dma_wait3A_1204] : memref<16x8x64xf32, #tpu.memory_space<vmem>> -> memref<1x8x64xf32, #tpu.memory_space<vmem>>
      %dma_wait3A_1206 = tpu.memref_squeeze %dma_wait3A_1205 : memref<1x8x64xf32, #tpu.memory_space<vmem>> -> memref<8x64xf32, #tpu.memory_space<vmem>>
      %dma_wait3A_1207 = arith.constant 0 : i32
      %dma_wait3A_1208 = tpu.memref_slice %arg5[%mul3A_416, %dma_wait3A_1207] : memref<1000000x64xf32, #tpu.memory_space<hbm>> -> memref<8x64xf32, #tpu.memory_space<hbm>>
      tpu.wait_dma2 semaphore(%arg17 : memref<!tpu.dma_semaphore, #tpu.memory_space<semaphore_mem>>) src(%dma_wait3A_1208 : memref<8x64xf32, #tpu.memory_space<hbm>>) dst(%dma_wait3A_1206 : memref<8x64xf32, #tpu.memory_space<vmem>>)
      %dma_wait3A_1209 = arith.constant 7 : i32
      %dma_wait3A_1210 = arith.constant 0 : i32
      %dma_wait3A_1211 = arith.constant 0 : i32
      %dma_wait3A_1212 = tpu.memref_slice %arg13[%dma_wait3A_1209, %dma_wait3A_1210, %dma_wait3A_1211] : memref<16x8x64xf32, #tpu.memory_space<vmem>> -> memref<1x8x64xf32, #tpu.memory_space<vmem>>
      %dma_wait3A_1213 = tpu.memref_squeeze %dma_wait3A_1212 : memref<1x8x64xf32, #tpu.memory_space<vmem>> -> memref<8x64xf32, #tpu.memory_space<vmem>>
      %dma_wait3A_1214 = arith.constant 0 : i32
      %dma_wait3A_1215 = tpu.memref_slice %arg6[%mul3A_422, %dma_wait3A_1214] : memref<1000000x64xf32, #tpu.memory_space<hbm>> -> memref<8x64xf32, #tpu.memory_space<hbm>>
      %dma_wait3A_1216 = arith.constant 0 : i32
      %dma_wait3A_1217 = arith.constant 0 : i32
      %dma_wait3A_1218 = tpu.memref_slice %arg13[%dma_wait3A_1209, %dma_wait3A_1216, %dma_wait3A_1217] : memref<16x8x64xf32, #tpu.memory_space<vmem>> -> memref<1x8x64xf32, #tpu.memory_space<vmem>>
      %dma_wait3A_1219 = tpu.memref_squeeze %dma_wait3A_1218 : memref<1x8x64xf32, #tpu.memory_space<vmem>> -> memref<8x64xf32, #tpu.memory_space<vmem>>
      %dma_wait3A_1220 = arith.constant 0 : i32
      %dma_wait3A_1221 = tpu.memref_slice %arg6[%mul3A_422, %dma_wait3A_1220] : memref<1000000x64xf32, #tpu.memory_space<hbm>> -> memref<8x64xf32, #tpu.memory_space<hbm>>
      tpu.wait_dma2 semaphore(%arg17 : memref<!tpu.dma_semaphore, #tpu.memory_space<semaphore_mem>>) src(%dma_wait3A_1221 : memref<8x64xf32, #tpu.memory_space<hbm>>) dst(%dma_wait3A_1219 : memref<8x64xf32, #tpu.memory_space<vmem>>)
      %dma_wait3A_1222 = arith.constant 7 : i32
      %dma_wait3A_1223 = arith.constant 0 : i32
      %dma_wait3A_1224 = arith.constant 0 : i32
      %dma_wait3A_1225 = tpu.memref_slice %arg14[%dma_wait3A_1222, %dma_wait3A_1223, %dma_wait3A_1224] : memref<16x8x64xf32, #tpu.memory_space<vmem>> -> memref<1x8x64xf32, #tpu.memory_space<vmem>>
      %dma_wait3A_1226 = tpu.memref_squeeze %dma_wait3A_1225 : memref<1x8x64xf32, #tpu.memory_space<vmem>> -> memref<8x64xf32, #tpu.memory_space<vmem>>
      %dma_wait3A_1227 = arith.constant 0 : i32
      %dma_wait3A_1228 = tpu.memref_slice %arg6[%mul3A_428, %dma_wait3A_1227] : memref<1000000x64xf32, #tpu.memory_space<hbm>> -> memref<8x64xf32, #tpu.memory_space<hbm>>
      %dma_wait3A_1229 = arith.constant 0 : i32
      %dma_wait3A_1230 = arith.constant 0 : i32
      %dma_wait3A_1231 = tpu.memref_slice %arg14[%dma_wait3A_1222, %dma_wait3A_1229, %dma_wait3A_1230] : memref<16x8x64xf32, #tpu.memory_space<vmem>> -> memref<1x8x64xf32, #tpu.memory_space<vmem>>
      %dma_wait3A_1232 = tpu.memref_squeeze %dma_wait3A_1231 : memref<1x8x64xf32, #tpu.memory_space<vmem>> -> memref<8x64xf32, #tpu.memory_space<vmem>>
      %dma_wait3A_1233 = arith.constant 0 : i32
      %dma_wait3A_1234 = tpu.memref_slice %arg6[%mul3A_428, %dma_wait3A_1233] : memref<1000000x64xf32, #tpu.memory_space<hbm>> -> memref<8x64xf32, #tpu.memory_space<hbm>>
      tpu.wait_dma2 semaphore(%arg17 : memref<!tpu.dma_semaphore, #tpu.memory_space<semaphore_mem>>) src(%dma_wait3A_1234 : memref<8x64xf32, #tpu.memory_space<hbm>>) dst(%dma_wait3A_1232 : memref<8x64xf32, #tpu.memory_space<vmem>>)
      %dma_wait3A_1235 = arith.constant 8 : i32
      %dma_wait3A_1236 = arith.constant 0 : i32
      %dma_wait3A_1237 = arith.constant 0 : i32
      %dma_wait3A_1238 = tpu.memref_slice %arg12[%dma_wait3A_1235, %dma_wait3A_1236, %dma_wait3A_1237] : memref<16x8x64xf32, #tpu.memory_space<vmem>> -> memref<1x8x64xf32, #tpu.memory_space<vmem>>
      %dma_wait3A_1239 = tpu.memref_squeeze %dma_wait3A_1238 : memref<1x8x64xf32, #tpu.memory_space<vmem>> -> memref<8x64xf32, #tpu.memory_space<vmem>>
      %dma_wait3A_1240 = arith.constant 0 : i32
      %dma_wait3A_1241 = tpu.memref_slice %arg5[%mul3A_473, %dma_wait3A_1240] : memref<1000000x64xf32, #tpu.memory_space<hbm>> -> memref<8x64xf32, #tpu.memory_space<hbm>>
      %dma_wait3A_1242 = arith.constant 0 : i32
      %dma_wait3A_1243 = arith.constant 0 : i32
      %dma_wait3A_1244 = tpu.memref_slice %arg12[%dma_wait3A_1235, %dma_wait3A_1242, %dma_wait3A_1243] : memref<16x8x64xf32, #tpu.memory_space<vmem>> -> memref<1x8x64xf32, #tpu.memory_space<vmem>>
      %dma_wait3A_1245 = tpu.memref_squeeze %dma_wait3A_1244 : memref<1x8x64xf32, #tpu.memory_space<vmem>> -> memref<8x64xf32, #tpu.memory_space<vmem>>
      %dma_wait3A_1246 = arith.constant 0 : i32
      %dma_wait3A_1247 = tpu.memref_slice %arg5[%mul3A_473, %dma_wait3A_1246] : memref<1000000x64xf32, #tpu.memory_space<hbm>> -> memref<8x64xf32, #tpu.memory_space<hbm>>
      tpu.wait_dma2 semaphore(%arg17 : memref<!tpu.dma_semaphore, #tpu.memory_space<semaphore_mem>>) src(%dma_wait3A_1247 : memref<8x64xf32, #tpu.memory_space<hbm>>) dst(%dma_wait3A_1245 : memref<8x64xf32, #tpu.memory_space<vmem>>)
      %dma_wait3A_1248 = arith.constant 8 : i32
      %dma_wait3A_1249 = arith.constant 0 : i32
      %dma_wait3A_1250 = arith.constant 0 : i32
      %dma_wait3A_1251 = tpu.memref_slice %arg13[%dma_wait3A_1248, %dma_wait3A_1249, %dma_wait3A_1250] : memref<16x8x64xf32, #tpu.memory_space<vmem>> -> memref<1x8x64xf32, #tpu.memory_space<vmem>>
      %dma_wait3A_1252 = tpu.memref_squeeze %dma_wait3A_1251 : memref<1x8x64xf32, #tpu.memory_space<vmem>> -> memref<8x64xf32, #tpu.memory_space<vmem>>
      %dma_wait3A_1253 = arith.constant 0 : i32
      %dma_wait3A_1254 = tpu.memref_slice %arg6[%mul3A_479, %dma_wait3A_1253] : memref<1000000x64xf32, #tpu.memory_space<hbm>> -> memref<8x64xf32, #tpu.memory_space<hbm>>
      %dma_wait3A_1255 = arith.constant 0 : i32
      %dma_wait3A_1256 = arith.constant 0 : i32
      %dma_wait3A_1257 = tpu.memref_slice %arg13[%dma_wait3A_1248, %dma_wait3A_1255, %dma_wait3A_1256] : memref<16x8x64xf32, #tpu.memory_space<vmem>> -> memref<1x8x64xf32, #tpu.memory_space<vmem>>
      %dma_wait3A_1258 = tpu.memref_squeeze %dma_wait3A_1257 : memref<1x8x64xf32, #tpu.memory_space<vmem>> -> memref<8x64xf32, #tpu.memory_space<vmem>>
      %dma_wait3A_1259 = arith.constant 0 : i32
      %dma_wait3A_1260 = tpu.memref_slice %arg6[%mul3A_479, %dma_wait3A_1259] : memref<1000000x64xf32, #tpu.memory_space<hbm>> -> memref<8x64xf32, #tpu.memory_space<hbm>>
      tpu.wait_dma2 semaphore(%arg17 : memref<!tpu.dma_semaphore, #tpu.memory_space<semaphore_mem>>) src(%dma_wait3A_1260 : memref<8x64xf32, #tpu.memory_space<hbm>>) dst(%dma_wait3A_1258 : memref<8x64xf32, #tpu.memory_space<vmem>>)
      %dma_wait3A_1261 = arith.constant 8 : i32
      %dma_wait3A_1262 = arith.constant 0 : i32
      %dma_wait3A_1263 = arith.constant 0 : i32
      %dma_wait3A_1264 = tpu.memref_slice %arg14[%dma_wait3A_1261, %dma_wait3A_1262, %dma_wait3A_1263] : memref<16x8x64xf32, #tpu.memory_space<vmem>> -> memref<1x8x64xf32, #tpu.memory_space<vmem>>
      %dma_wait3A_1265 = tpu.memref_squeeze %dma_wait3A_1264 : memref<1x8x64xf32, #tpu.memory_space<vmem>> -> memref<8x64xf32, #tpu.memory_space<vmem>>
      %dma_wait3A_1266 = arith.constant 0 : i32
      %dma_wait3A_1267 = tpu.memref_slice %arg6[%mul3A_485, %dma_wait3A_1266] : memref<1000000x64xf32, #tpu.memory_space<hbm>> -> memref<8x64xf32, #tpu.memory_space<hbm>>
      %dma_wait3A_1268 = arith.constant 0 : i32
      %dma_wait3A_1269 = arith.constant 0 : i32
      %dma_wait3A_1270 = tpu.memref_slice %arg14[%dma_wait3A_1261, %dma_wait3A_1268, %dma_wait3A_1269] : memref<16x8x64xf32, #tpu.memory_space<vmem>> -> memref<1x8x64xf32, #tpu.memory_space<vmem>>
      %dma_wait3A_1271 = tpu.memref_squeeze %dma_wait3A_1270 : memref<1x8x64xf32, #tpu.memory_space<vmem>> -> memref<8x64xf32, #tpu.memory_space<vmem>>
      %dma_wait3A_1272 = arith.constant 0 : i32
      %dma_wait3A_1273 = tpu.memref_slice %arg6[%mul3A_485, %dma_wait3A_1272] : memref<1000000x64xf32, #tpu.memory_space<hbm>> -> memref<8x64xf32, #tpu.memory_space<hbm>>
      tpu.wait_dma2 semaphore(%arg17 : memref<!tpu.dma_semaphore, #tpu.memory_space<semaphore_mem>>) src(%dma_wait3A_1273 : memref<8x64xf32, #tpu.memory_space<hbm>>) dst(%dma_wait3A_1271 : memref<8x64xf32, #tpu.memory_space<vmem>>)
      %dma_wait3A_1274 = arith.constant 9 : i32
      %dma_wait3A_1275 = arith.constant 0 : i32
      %dma_wait3A_1276 = arith.constant 0 : i32
      %dma_wait3A_1277 = tpu.memref_slice %arg12[%dma_wait3A_1274, %dma_wait3A_1275, %dma_wait3A_1276] : memref<16x8x64xf32, #tpu.memory_space<vmem>> -> memref<1x8x64xf32, #tpu.memory_space<vmem>>
      %dma_wait3A_1278 = tpu.memref_squeeze %dma_wait3A_1277 : memref<1x8x64xf32, #tpu.memory_space<vmem>> -> memref<8x64xf32, #tpu.memory_space<vmem>>
      %dma_wait3A_1279 = arith.constant 0 : i32
      %dma_wait3A_1280 = tpu.memref_slice %arg5[%mul3A_530, %dma_wait3A_1279] : memref<1000000x64xf32, #tpu.memory_space<hbm>> -> memref<8x64xf32, #tpu.memory_space<hbm>>
      %dma_wait3A_1281 = arith.constant 0 : i32
      %dma_wait3A_1282 = arith.constant 0 : i32
      %dma_wait3A_1283 = tpu.memref_slice %arg12[%dma_wait3A_1274, %dma_wait3A_1281, %dma_wait3A_1282] : memref<16x8x64xf32, #tpu.memory_space<vmem>> -> memref<1x8x64xf32, #tpu.memory_space<vmem>>
      %dma_wait3A_1284 = tpu.memref_squeeze %dma_wait3A_1283 : memref<1x8x64xf32, #tpu.memory_space<vmem>> -> memref<8x64xf32, #tpu.memory_space<vmem>>
      %dma_wait3A_1285 = arith.constant 0 : i32
      %dma_wait3A_1286 = tpu.memref_slice %arg5[%mul3A_530, %dma_wait3A_1285] : memref<1000000x64xf32, #tpu.memory_space<hbm>> -> memref<8x64xf32, #tpu.memory_space<hbm>>
      tpu.wait_dma2 semaphore(%arg17 : memref<!tpu.dma_semaphore, #tpu.memory_space<semaphore_mem>>) src(%dma_wait3A_1286 : memref<8x64xf32, #tpu.memory_space<hbm>>) dst(%dma_wait3A_1284 : memref<8x64xf32, #tpu.memory_space<vmem>>)
      %dma_wait3A_1287 = arith.constant 9 : i32
      %dma_wait3A_1288 = arith.constant 0 : i32
      %dma_wait3A_1289 = arith.constant 0 : i32
      %dma_wait3A_1290 = tpu.memref_slice %arg13[%dma_wait3A_1287, %dma_wait3A_1288, %dma_wait3A_1289] : memref<16x8x64xf32, #tpu.memory_space<vmem>> -> memref<1x8x64xf32, #tpu.memory_space<vmem>>
      %dma_wait3A_1291 = tpu.memref_squeeze %dma_wait3A_1290 : memref<1x8x64xf32, #tpu.memory_space<vmem>> -> memref<8x64xf32, #tpu.memory_space<vmem>>
      %dma_wait3A_1292 = arith.constant 0 : i32
      %dma_wait3A_1293 = tpu.memref_slice %arg6[%mul3A_536, %dma_wait3A_1292] : memref<1000000x64xf32, #tpu.memory_space<hbm>> -> memref<8x64xf32, #tpu.memory_space<hbm>>
      %dma_wait3A_1294 = arith.constant 0 : i32
      %dma_wait3A_1295 = arith.constant 0 : i32
      %dma_wait3A_1296 = tpu.memref_slice %arg13[%dma_wait3A_1287, %dma_wait3A_1294, %dma_wait3A_1295] : memref<16x8x64xf32, #tpu.memory_space<vmem>> -> memref<1x8x64xf32, #tpu.memory_space<vmem>>
      %dma_wait3A_1297 = tpu.memref_squeeze %dma_wait3A_1296 : memref<1x8x64xf32, #tpu.memory_space<vmem>> -> memref<8x64xf32, #tpu.memory_space<vmem>>
      %dma_wait3A_1298 = arith.constant 0 : i32
      %dma_wait3A_1299 = tpu.memref_slice %arg6[%mul3A_536, %dma_wait3A_1298] : memref<1000000x64xf32, #tpu.memory_space<hbm>> -> memref<8x64xf32, #tpu.memory_space<hbm>>
      tpu.wait_dma2 semaphore(%arg17 : memref<!tpu.dma_semaphore, #tpu.memory_space<semaphore_mem>>) src(%dma_wait3A_1299 : memref<8x64xf32, #tpu.memory_space<hbm>>) dst(%dma_wait3A_1297 : memref<8x64xf32, #tpu.memory_space<vmem>>)
      %dma_wait3A_1300 = arith.constant 9 : i32
      %dma_wait3A_1301 = arith.constant 0 : i32
      %dma_wait3A_1302 = arith.constant 0 : i32
      %dma_wait3A_1303 = tpu.memref_slice %arg14[%dma_wait3A_1300, %dma_wait3A_1301, %dma_wait3A_1302] : memref<16x8x64xf32, #tpu.memory_space<vmem>> -> memref<1x8x64xf32, #tpu.memory_space<vmem>>
      %dma_wait3A_1304 = tpu.memref_squeeze %dma_wait3A_1303 : memref<1x8x64xf32, #tpu.memory_space<vmem>> -> memref<8x64xf32, #tpu.memory_space<vmem>>
      %dma_wait3A_1305 = arith.constant 0 : i32
      %dma_wait3A_1306 = tpu.memref_slice %arg6[%mul3A_542, %dma_wait3A_1305] : memref<1000000x64xf32, #tpu.memory_space<hbm>> -> memref<8x64xf32, #tpu.memory_space<hbm>>
      %dma_wait3A_1307 = arith.constant 0 : i32
      %dma_wait3A_1308 = arith.constant 0 : i32
      %dma_wait3A_1309 = tpu.memref_slice %arg14[%dma_wait3A_1300, %dma_wait3A_1307, %dma_wait3A_1308] : memref<16x8x64xf32, #tpu.memory_space<vmem>> -> memref<1x8x64xf32, #tpu.memory_space<vmem>>
      %dma_wait3A_1310 = tpu.memref_squeeze %dma_wait3A_1309 : memref<1x8x64xf32, #tpu.memory_space<vmem>> -> memref<8x64xf32, #tpu.memory_space<vmem>>
      %dma_wait3A_1311 = arith.constant 0 : i32
      %dma_wait3A_1312 = tpu.memref_slice %arg6[%mul3A_542, %dma_wait3A_1311] : memref<1000000x64xf32, #tpu.memory_space<hbm>> -> memref<8x64xf32, #tpu.memory_space<hbm>>
      tpu.wait_dma2 semaphore(%arg17 : memref<!tpu.dma_semaphore, #tpu.memory_space<semaphore_mem>>) src(%dma_wait3A_1312 : memref<8x64xf32, #tpu.memory_space<hbm>>) dst(%dma_wait3A_1310 : memref<8x64xf32, #tpu.memory_space<vmem>>)
      %dma_wait3A_1313 = arith.constant 10 : i32
      %dma_wait3A_1314 = arith.constant 0 : i32
      %dma_wait3A_1315 = arith.constant 0 : i32
      %dma_wait3A_1316 = tpu.memref_slice %arg12[%dma_wait3A_1313, %dma_wait3A_1314, %dma_wait3A_1315] : memref<16x8x64xf32, #tpu.memory_space<vmem>> -> memref<1x8x64xf32, #tpu.memory_space<vmem>>
      %dma_wait3A_1317 = tpu.memref_squeeze %dma_wait3A_1316 : memref<1x8x64xf32, #tpu.memory_space<vmem>> -> memref<8x64xf32, #tpu.memory_space<vmem>>
      %dma_wait3A_1318 = arith.constant 0 : i32
      %dma_wait3A_1319 = tpu.memref_slice %arg5[%mul3A_587, %dma_wait3A_1318] : memref<1000000x64xf32, #tpu.memory_space<hbm>> -> memref<8x64xf32, #tpu.memory_space<hbm>>
      %dma_wait3A_1320 = arith.constant 0 : i32
      %dma_wait3A_1321 = arith.constant 0 : i32
      %dma_wait3A_1322 = tpu.memref_slice %arg12[%dma_wait3A_1313, %dma_wait3A_1320, %dma_wait3A_1321] : memref<16x8x64xf32, #tpu.memory_space<vmem>> -> memref<1x8x64xf32, #tpu.memory_space<vmem>>
      %dma_wait3A_1323 = tpu.memref_squeeze %dma_wait3A_1322 : memref<1x8x64xf32, #tpu.memory_space<vmem>> -> memref<8x64xf32, #tpu.memory_space<vmem>>
      %dma_wait3A_1324 = arith.constant 0 : i32
      %dma_wait3A_1325 = tpu.memref_slice %arg5[%mul3A_587, %dma_wait3A_1324] : memref<1000000x64xf32, #tpu.memory_space<hbm>> -> memref<8x64xf32, #tpu.memory_space<hbm>>
      tpu.wait_dma2 semaphore(%arg17 : memref<!tpu.dma_semaphore, #tpu.memory_space<semaphore_mem>>) src(%dma_wait3A_1325 : memref<8x64xf32, #tpu.memory_space<hbm>>) dst(%dma_wait3A_1323 : memref<8x64xf32, #tpu.memory_space<vmem>>)
      %dma_wait3A_1326 = arith.constant 10 : i32
      %dma_wait3A_1327 = arith.constant 0 : i32
      %dma_wait3A_1328 = arith.constant 0 : i32
      %dma_wait3A_1329 = tpu.memref_slice %arg13[%dma_wait3A_1326, %dma_wait3A_1327, %dma_wait3A_1328] : memref<16x8x64xf32, #tpu.memory_space<vmem>> -> memref<1x8x64xf32, #tpu.memory_space<vmem>>
      %dma_wait3A_1330 = tpu.memref_squeeze %dma_wait3A_1329 : memref<1x8x64xf32, #tpu.memory_space<vmem>> -> memref<8x64xf32, #tpu.memory_space<vmem>>
      %dma_wait3A_1331 = arith.constant 0 : i32
      %dma_wait3A_1332 = tpu.memref_slice %arg6[%mul3A_593, %dma_wait3A_1331] : memref<1000000x64xf32, #tpu.memory_space<hbm>> -> memref<8x64xf32, #tpu.memory_space<hbm>>
      %dma_wait3A_1333 = arith.constant 0 : i32
      %dma_wait3A_1334 = arith.constant 0 : i32
      %dma_wait3A_1335 = tpu.memref_slice %arg13[%dma_wait3A_1326, %dma_wait3A_1333, %dma_wait3A_1334] : memref<16x8x64xf32, #tpu.memory_space<vmem>> -> memref<1x8x64xf32, #tpu.memory_space<vmem>>
      %dma_wait3A_1336 = tpu.memref_squeeze %dma_wait3A_1335 : memref<1x8x64xf32, #tpu.memory_space<vmem>> -> memref<8x64xf32, #tpu.memory_space<vmem>>
      %dma_wait3A_1337 = arith.constant 0 : i32
      %dma_wait3A_1338 = tpu.memref_slice %arg6[%mul3A_593, %dma_wait3A_1337] : memref<1000000x64xf32, #tpu.memory_space<hbm>> -> memref<8x64xf32, #tpu.memory_space<hbm>>
      tpu.wait_dma2 semaphore(%arg17 : memref<!tpu.dma_semaphore, #tpu.memory_space<semaphore_mem>>) src(%dma_wait3A_1338 : memref<8x64xf32, #tpu.memory_space<hbm>>) dst(%dma_wait3A_1336 : memref<8x64xf32, #tpu.memory_space<vmem>>)
      %dma_wait3A_1339 = arith.constant 10 : i32
      %dma_wait3A_1340 = arith.constant 0 : i32
      %dma_wait3A_1341 = arith.constant 0 : i32
      %dma_wait3A_1342 = tpu.memref_slice %arg14[%dma_wait3A_1339, %dma_wait3A_1340, %dma_wait3A_1341] : memref<16x8x64xf32, #tpu.memory_space<vmem>> -> memref<1x8x64xf32, #tpu.memory_space<vmem>>
      %dma_wait3A_1343 = tpu.memref_squeeze %dma_wait3A_1342 : memref<1x8x64xf32, #tpu.memory_space<vmem>> -> memref<8x64xf32, #tpu.memory_space<vmem>>
      %dma_wait3A_1344 = arith.constant 0 : i32
      %dma_wait3A_1345 = tpu.memref_slice %arg6[%mul3A_599, %dma_wait3A_1344] : memref<1000000x64xf32, #tpu.memory_space<hbm>> -> memref<8x64xf32, #tpu.memory_space<hbm>>
      %dma_wait3A_1346 = arith.constant 0 : i32
      %dma_wait3A_1347 = arith.constant 0 : i32
      %dma_wait3A_1348 = tpu.memref_slice %arg14[%dma_wait3A_1339, %dma_wait3A_1346, %dma_wait3A_1347] : memref<16x8x64xf32, #tpu.memory_space<vmem>> -> memref<1x8x64xf32, #tpu.memory_space<vmem>>
      %dma_wait3A_1349 = tpu.memref_squeeze %dma_wait3A_1348 : memref<1x8x64xf32, #tpu.memory_space<vmem>> -> memref<8x64xf32, #tpu.memory_space<vmem>>
      %dma_wait3A_1350 = arith.constant 0 : i32
      %dma_wait3A_1351 = tpu.memref_slice %arg6[%mul3A_599, %dma_wait3A_1350] : memref<1000000x64xf32, #tpu.memory_space<hbm>> -> memref<8x64xf32, #tpu.memory_space<hbm>>
      tpu.wait_dma2 semaphore(%arg17 : memref<!tpu.dma_semaphore, #tpu.memory_space<semaphore_mem>>) src(%dma_wait3A_1351 : memref<8x64xf32, #tpu.memory_space<hbm>>) dst(%dma_wait3A_1349 : memref<8x64xf32, #tpu.memory_space<vmem>>)
      %dma_wait3A_1352 = arith.constant 11 : i32
      %dma_wait3A_1353 = arith.constant 0 : i32
      %dma_wait3A_1354 = arith.constant 0 : i32
      %dma_wait3A_1355 = tpu.memref_slice %arg12[%dma_wait3A_1352, %dma_wait3A_1353, %dma_wait3A_1354] : memref<16x8x64xf32, #tpu.memory_space<vmem>> -> memref<1x8x64xf32, #tpu.memory_space<vmem>>
      %dma_wait3A_1356 = tpu.memref_squeeze %dma_wait3A_1355 : memref<1x8x64xf32, #tpu.memory_space<vmem>> -> memref<8x64xf32, #tpu.memory_space<vmem>>
      %dma_wait3A_1357 = arith.constant 0 : i32
      %dma_wait3A_1358 = tpu.memref_slice %arg5[%mul3A_644, %dma_wait3A_1357] : memref<1000000x64xf32, #tpu.memory_space<hbm>> -> memref<8x64xf32, #tpu.memory_space<hbm>>
      %dma_wait3A_1359 = arith.constant 0 : i32
      %dma_wait3A_1360 = arith.constant 0 : i32
      %dma_wait3A_1361 = tpu.memref_slice %arg12[%dma_wait3A_1352, %dma_wait3A_1359, %dma_wait3A_1360] : memref<16x8x64xf32, #tpu.memory_space<vmem>> -> memref<1x8x64xf32, #tpu.memory_space<vmem>>
      %dma_wait3A_1362 = tpu.memref_squeeze %dma_wait3A_1361 : memref<1x8x64xf32, #tpu.memory_space<vmem>> -> memref<8x64xf32, #tpu.memory_space<vmem>>
      %dma_wait3A_1363 = arith.constant 0 : i32
      %dma_wait3A_1364 = tpu.memref_slice %arg5[%mul3A_644, %dma_wait3A_1363] : memref<1000000x64xf32, #tpu.memory_space<hbm>> -> memref<8x64xf32, #tpu.memory_space<hbm>>
      tpu.wait_dma2 semaphore(%arg17 : memref<!tpu.dma_semaphore, #tpu.memory_space<semaphore_mem>>) src(%dma_wait3A_1364 : memref<8x64xf32, #tpu.memory_space<hbm>>) dst(%dma_wait3A_1362 : memref<8x64xf32, #tpu.memory_space<vmem>>)
      %dma_wait3A_1365 = arith.constant 11 : i32
      %dma_wait3A_1366 = arith.constant 0 : i32
      %dma_wait3A_1367 = arith.constant 0 : i32
      %dma_wait3A_1368 = tpu.memref_slice %arg13[%dma_wait3A_1365, %dma_wait3A_1366, %dma_wait3A_1367] : memref<16x8x64xf32, #tpu.memory_space<vmem>> -> memref<1x8x64xf32, #tpu.memory_space<vmem>>
      %dma_wait3A_1369 = tpu.memref_squeeze %dma_wait3A_1368 : memref<1x8x64xf32, #tpu.memory_space<vmem>> -> memref<8x64xf32, #tpu.memory_space<vmem>>
      %dma_wait3A_1370 = arith.constant 0 : i32
      %dma_wait3A_1371 = tpu.memref_slice %arg6[%mul3A_650, %dma_wait3A_1370] : memref<1000000x64xf32, #tpu.memory_space<hbm>> -> memref<8x64xf32, #tpu.memory_space<hbm>>
      %dma_wait3A_1372 = arith.constant 0 : i32
      %dma_wait3A_1373 = arith.constant 0 : i32
      %dma_wait3A_1374 = tpu.memref_slice %arg13[%dma_wait3A_1365, %dma_wait3A_1372, %dma_wait3A_1373] : memref<16x8x64xf32, #tpu.memory_space<vmem>> -> memref<1x8x64xf32, #tpu.memory_space<vmem>>
      %dma_wait3A_1375 = tpu.memref_squeeze %dma_wait3A_1374 : memref<1x8x64xf32, #tpu.memory_space<vmem>> -> memref<8x64xf32, #tpu.memory_space<vmem>>
      %dma_wait3A_1376 = arith.constant 0 : i32
      %dma_wait3A_1377 = tpu.memref_slice %arg6[%mul3A_650, %dma_wait3A_1376] : memref<1000000x64xf32, #tpu.memory_space<hbm>> -> memref<8x64xf32, #tpu.memory_space<hbm>>
      tpu.wait_dma2 semaphore(%arg17 : memref<!tpu.dma_semaphore, #tpu.memory_space<semaphore_mem>>) src(%dma_wait3A_1377 : memref<8x64xf32, #tpu.memory_space<hbm>>) dst(%dma_wait3A_1375 : memref<8x64xf32, #tpu.memory_space<vmem>>)
      %dma_wait3A_1378 = arith.constant 11 : i32
      %dma_wait3A_1379 = arith.constant 0 : i32
      %dma_wait3A_1380 = arith.constant 0 : i32
      %dma_wait3A_1381 = tpu.memref_slice %arg14[%dma_wait3A_1378, %dma_wait3A_1379, %dma_wait3A_1380] : memref<16x8x64xf32, #tpu.memory_space<vmem>> -> memref<1x8x64xf32, #tpu.memory_space<vmem>>
      %dma_wait3A_1382 = tpu.memref_squeeze %dma_wait3A_1381 : memref<1x8x64xf32, #tpu.memory_space<vmem>> -> memref<8x64xf32, #tpu.memory_space<vmem>>
      %dma_wait3A_1383 = arith.constant 0 : i32
      %dma_wait3A_1384 = tpu.memref_slice %arg6[%mul3A_656, %dma_wait3A_1383] : memref<1000000x64xf32, #tpu.memory_space<hbm>> -> memref<8x64xf32, #tpu.memory_space<hbm>>
      %dma_wait3A_1385 = arith.constant 0 : i32
      %dma_wait3A_1386 = arith.constant 0 : i32
      %dma_wait3A_1387 = tpu.memref_slice %arg14[%dma_wait3A_1378, %dma_wait3A_1385, %dma_wait3A_1386] : memref<16x8x64xf32, #tpu.memory_space<vmem>> -> memref<1x8x64xf32, #tpu.memory_space<vmem>>
      %dma_wait3A_1388 = tpu.memref_squeeze %dma_wait3A_1387 : memref<1x8x64xf32, #tpu.memory_space<vmem>> -> memref<8x64xf32, #tpu.memory_space<vmem>>
      %dma_wait3A_1389 = arith.constant 0 : i32
      %dma_wait3A_1390 = tpu.memref_slice %arg6[%mul3A_656, %dma_wait3A_1389] : memref<1000000x64xf32, #tpu.memory_space<hbm>> -> memref<8x64xf32, #tpu.memory_space<hbm>>
      tpu.wait_dma2 semaphore(%arg17 : memref<!tpu.dma_semaphore, #tpu.memory_space<semaphore_mem>>) src(%dma_wait3A_1390 : memref<8x64xf32, #tpu.memory_space<hbm>>) dst(%dma_wait3A_1388 : memref<8x64xf32, #tpu.memory_space<vmem>>)
      %dma_wait3A_1391 = arith.constant 12 : i32
      %dma_wait3A_1392 = arith.constant 0 : i32
      %dma_wait3A_1393 = arith.constant 0 : i32
      %dma_wait3A_1394 = tpu.memref_slice %arg12[%dma_wait3A_1391, %dma_wait3A_1392, %dma_wait3A_1393] : memref<16x8x64xf32, #tpu.memory_space<vmem>> -> memref<1x8x64xf32, #tpu.memory_space<vmem>>
      %dma_wait3A_1395 = tpu.memref_squeeze %dma_wait3A_1394 : memref<1x8x64xf32, #tpu.memory_space<vmem>> -> memref<8x64xf32, #tpu.memory_space<vmem>>
      %dma_wait3A_1396 = arith.constant 0 : i32
      %dma_wait3A_1397 = tpu.memref_slice %arg5[%mul3A_701, %dma_wait3A_1396] : memref<1000000x64xf32, #tpu.memory_space<hbm>> -> memref<8x64xf32, #tpu.memory_space<hbm>>
      %dma_wait3A_1398 = arith.constant 0 : i32
      %dma_wait3A_1399 = arith.constant 0 : i32
      %dma_wait3A_1400 = tpu.memref_slice %arg12[%dma_wait3A_1391, %dma_wait3A_1398, %dma_wait3A_1399] : memref<16x8x64xf32, #tpu.memory_space<vmem>> -> memref<1x8x64xf32, #tpu.memory_space<vmem>>
      %dma_wait3A_1401 = tpu.memref_squeeze %dma_wait3A_1400 : memref<1x8x64xf32, #tpu.memory_space<vmem>> -> memref<8x64xf32, #tpu.memory_space<vmem>>
      %dma_wait3A_1402 = arith.constant 0 : i32
      %dma_wait3A_1403 = tpu.memref_slice %arg5[%mul3A_701, %dma_wait3A_1402] : memref<1000000x64xf32, #tpu.memory_space<hbm>> -> memref<8x64xf32, #tpu.memory_space<hbm>>
      tpu.wait_dma2 semaphore(%arg17 : memref<!tpu.dma_semaphore, #tpu.memory_space<semaphore_mem>>) src(%dma_wait3A_1403 : memref<8x64xf32, #tpu.memory_space<hbm>>) dst(%dma_wait3A_1401 : memref<8x64xf32, #tpu.memory_space<vmem>>)
      %dma_wait3A_1404 = arith.constant 12 : i32
      %dma_wait3A_1405 = arith.constant 0 : i32
      %dma_wait3A_1406 = arith.constant 0 : i32
      %dma_wait3A_1407 = tpu.memref_slice %arg13[%dma_wait3A_1404, %dma_wait3A_1405, %dma_wait3A_1406] : memref<16x8x64xf32, #tpu.memory_space<vmem>> -> memref<1x8x64xf32, #tpu.memory_space<vmem>>
      %dma_wait3A_1408 = tpu.memref_squeeze %dma_wait3A_1407 : memref<1x8x64xf32, #tpu.memory_space<vmem>> -> memref<8x64xf32, #tpu.memory_space<vmem>>
      %dma_wait3A_1409 = arith.constant 0 : i32
      %dma_wait3A_1410 = tpu.memref_slice %arg6[%mul3A_707, %dma_wait3A_1409] : memref<1000000x64xf32, #tpu.memory_space<hbm>> -> memref<8x64xf32, #tpu.memory_space<hbm>>
      %dma_wait3A_1411 = arith.constant 0 : i32
      %dma_wait3A_1412 = arith.constant 0 : i32
      %dma_wait3A_1413 = tpu.memref_slice %arg13[%dma_wait3A_1404, %dma_wait3A_1411, %dma_wait3A_1412] : memref<16x8x64xf32, #tpu.memory_space<vmem>> -> memref<1x8x64xf32, #tpu.memory_space<vmem>>
      %dma_wait3A_1414 = tpu.memref_squeeze %dma_wait3A_1413 : memref<1x8x64xf32, #tpu.memory_space<vmem>> -> memref<8x64xf32, #tpu.memory_space<vmem>>
      %dma_wait3A_1415 = arith.constant 0 : i32
      %dma_wait3A_1416 = tpu.memref_slice %arg6[%mul3A_707, %dma_wait3A_1415] : memref<1000000x64xf32, #tpu.memory_space<hbm>> -> memref<8x64xf32, #tpu.memory_space<hbm>>
      tpu.wait_dma2 semaphore(%arg17 : memref<!tpu.dma_semaphore, #tpu.memory_space<semaphore_mem>>) src(%dma_wait3A_1416 : memref<8x64xf32, #tpu.memory_space<hbm>>) dst(%dma_wait3A_1414 : memref<8x64xf32, #tpu.memory_space<vmem>>)
      %dma_wait3A_1417 = arith.constant 12 : i32
      %dma_wait3A_1418 = arith.constant 0 : i32
      %dma_wait3A_1419 = arith.constant 0 : i32
      %dma_wait3A_1420 = tpu.memref_slice %arg14[%dma_wait3A_1417, %dma_wait3A_1418, %dma_wait3A_1419] : memref<16x8x64xf32, #tpu.memory_space<vmem>> -> memref<1x8x64xf32, #tpu.memory_space<vmem>>
      %dma_wait3A_1421 = tpu.memref_squeeze %dma_wait3A_1420 : memref<1x8x64xf32, #tpu.memory_space<vmem>> -> memref<8x64xf32, #tpu.memory_space<vmem>>
      %dma_wait3A_1422 = arith.constant 0 : i32
      %dma_wait3A_1423 = tpu.memref_slice %arg6[%mul3A_713, %dma_wait3A_1422] : memref<1000000x64xf32, #tpu.memory_space<hbm>> -> memref<8x64xf32, #tpu.memory_space<hbm>>
      %dma_wait3A_1424 = arith.constant 0 : i32
      %dma_wait3A_1425 = arith.constant 0 : i32
      %dma_wait3A_1426 = tpu.memref_slice %arg14[%dma_wait3A_1417, %dma_wait3A_1424, %dma_wait3A_1425] : memref<16x8x64xf32, #tpu.memory_space<vmem>> -> memref<1x8x64xf32, #tpu.memory_space<vmem>>
      %dma_wait3A_1427 = tpu.memref_squeeze %dma_wait3A_1426 : memref<1x8x64xf32, #tpu.memory_space<vmem>> -> memref<8x64xf32, #tpu.memory_space<vmem>>
      %dma_wait3A_1428 = arith.constant 0 : i32
      %dma_wait3A_1429 = tpu.memref_slice %arg6[%mul3A_713, %dma_wait3A_1428] : memref<1000000x64xf32, #tpu.memory_space<hbm>> -> memref<8x64xf32, #tpu.memory_space<hbm>>
      tpu.wait_dma2 semaphore(%arg17 : memref<!tpu.dma_semaphore, #tpu.memory_space<semaphore_mem>>) src(%dma_wait3A_1429 : memref<8x64xf32, #tpu.memory_space<hbm>>) dst(%dma_wait3A_1427 : memref<8x64xf32, #tpu.memory_space<vmem>>)
      %dma_wait3A_1430 = arith.constant 13 : i32
      %dma_wait3A_1431 = arith.constant 0 : i32
      %dma_wait3A_1432 = arith.constant 0 : i32
      %dma_wait3A_1433 = tpu.memref_slice %arg12[%dma_wait3A_1430, %dma_wait3A_1431, %dma_wait3A_1432] : memref<16x8x64xf32, #tpu.memory_space<vmem>> -> memref<1x8x64xf32, #tpu.memory_space<vmem>>
      %dma_wait3A_1434 = tpu.memref_squeeze %dma_wait3A_1433 : memref<1x8x64xf32, #tpu.memory_space<vmem>> -> memref<8x64xf32, #tpu.memory_space<vmem>>
      %dma_wait3A_1435 = arith.constant 0 : i32
      %dma_wait3A_1436 = tpu.memref_slice %arg5[%mul3A_758, %dma_wait3A_1435] : memref<1000000x64xf32, #tpu.memory_space<hbm>> -> memref<8x64xf32, #tpu.memory_space<hbm>>
      %dma_wait3A_1437 = arith.constant 0 : i32
      %dma_wait3A_1438 = arith.constant 0 : i32
      %dma_wait3A_1439 = tpu.memref_slice %arg12[%dma_wait3A_1430, %dma_wait3A_1437, %dma_wait3A_1438] : memref<16x8x64xf32, #tpu.memory_space<vmem>> -> memref<1x8x64xf32, #tpu.memory_space<vmem>>
      %dma_wait3A_1440 = tpu.memref_squeeze %dma_wait3A_1439 : memref<1x8x64xf32, #tpu.memory_space<vmem>> -> memref<8x64xf32, #tpu.memory_space<vmem>>
      %dma_wait3A_1441 = arith.constant 0 : i32
      %dma_wait3A_1442 = tpu.memref_slice %arg5[%mul3A_758, %dma_wait3A_1441] : memref<1000000x64xf32, #tpu.memory_space<hbm>> -> memref<8x64xf32, #tpu.memory_space<hbm>>
      tpu.wait_dma2 semaphore(%arg17 : memref<!tpu.dma_semaphore, #tpu.memory_space<semaphore_mem>>) src(%dma_wait3A_1442 : memref<8x64xf32, #tpu.memory_space<hbm>>) dst(%dma_wait3A_1440 : memref<8x64xf32, #tpu.memory_space<vmem>>)
      %dma_wait3A_1443 = arith.constant 13 : i32
      %dma_wait3A_1444 = arith.constant 0 : i32
      %dma_wait3A_1445 = arith.constant 0 : i32
      %dma_wait3A_1446 = tpu.memref_slice %arg13[%dma_wait3A_1443, %dma_wait3A_1444, %dma_wait3A_1445] : memref<16x8x64xf32, #tpu.memory_space<vmem>> -> memref<1x8x64xf32, #tpu.memory_space<vmem>>
      %dma_wait3A_1447 = tpu.memref_squeeze %dma_wait3A_1446 : memref<1x8x64xf32, #tpu.memory_space<vmem>> -> memref<8x64xf32, #tpu.memory_space<vmem>>
      %dma_wait3A_1448 = arith.constant 0 : i32
      %dma_wait3A_1449 = tpu.memref_slice %arg6[%mul3A_764, %dma_wait3A_1448] : memref<1000000x64xf32, #tpu.memory_space<hbm>> -> memref<8x64xf32, #tpu.memory_space<hbm>>
      %dma_wait3A_1450 = arith.constant 0 : i32
      %dma_wait3A_1451 = arith.constant 0 : i32
      %dma_wait3A_1452 = tpu.memref_slice %arg13[%dma_wait3A_1443, %dma_wait3A_1450, %dma_wait3A_1451] : memref<16x8x64xf32, #tpu.memory_space<vmem>> -> memref<1x8x64xf32, #tpu.memory_space<vmem>>
      %dma_wait3A_1453 = tpu.memref_squeeze %dma_wait3A_1452 : memref<1x8x64xf32, #tpu.memory_space<vmem>> -> memref<8x64xf32, #tpu.memory_space<vmem>>
      %dma_wait3A_1454 = arith.constant 0 : i32
      %dma_wait3A_1455 = tpu.memref_slice %arg6[%mul3A_764, %dma_wait3A_1454] : memref<1000000x64xf32, #tpu.memory_space<hbm>> -> memref<8x64xf32, #tpu.memory_space<hbm>>
      tpu.wait_dma2 semaphore(%arg17 : memref<!tpu.dma_semaphore, #tpu.memory_space<semaphore_mem>>) src(%dma_wait3A_1455 : memref<8x64xf32, #tpu.memory_space<hbm>>) dst(%dma_wait3A_1453 : memref<8x64xf32, #tpu.memory_space<vmem>>)
      %dma_wait3A_1456 = arith.constant 13 : i32
      %dma_wait3A_1457 = arith.constant 0 : i32
      %dma_wait3A_1458 = arith.constant 0 : i32
      %dma_wait3A_1459 = tpu.memref_slice %arg14[%dma_wait3A_1456, %dma_wait3A_1457, %dma_wait3A_1458] : memref<16x8x64xf32, #tpu.memory_space<vmem>> -> memref<1x8x64xf32, #tpu.memory_space<vmem>>
      %dma_wait3A_1460 = tpu.memref_squeeze %dma_wait3A_1459 : memref<1x8x64xf32, #tpu.memory_space<vmem>> -> memref<8x64xf32, #tpu.memory_space<vmem>>
      %dma_wait3A_1461 = arith.constant 0 : i32
      %dma_wait3A_1462 = tpu.memref_slice %arg6[%mul3A_770, %dma_wait3A_1461] : memref<1000000x64xf32, #tpu.memory_space<hbm>> -> memref<8x64xf32, #tpu.memory_space<hbm>>
      %dma_wait3A_1463 = arith.constant 0 : i32
      %dma_wait3A_1464 = arith.constant 0 : i32
      %dma_wait3A_1465 = tpu.memref_slice %arg14[%dma_wait3A_1456, %dma_wait3A_1463, %dma_wait3A_1464] : memref<16x8x64xf32, #tpu.memory_space<vmem>> -> memref<1x8x64xf32, #tpu.memory_space<vmem>>
      %dma_wait3A_1466 = tpu.memref_squeeze %dma_wait3A_1465 : memref<1x8x64xf32, #tpu.memory_space<vmem>> -> memref<8x64xf32, #tpu.memory_space<vmem>>
      %dma_wait3A_1467 = arith.constant 0 : i32
      %dma_wait3A_1468 = tpu.memref_slice %arg6[%mul3A_770, %dma_wait3A_1467] : memref<1000000x64xf32, #tpu.memory_space<hbm>> -> memref<8x64xf32, #tpu.memory_space<hbm>>
      tpu.wait_dma2 semaphore(%arg17 : memref<!tpu.dma_semaphore, #tpu.memory_space<semaphore_mem>>) src(%dma_wait3A_1468 : memref<8x64xf32, #tpu.memory_space<hbm>>) dst(%dma_wait3A_1466 : memref<8x64xf32, #tpu.memory_space<vmem>>)
      %dma_wait3A_1469 = arith.constant 14 : i32
      %dma_wait3A_1470 = arith.constant 0 : i32
      %dma_wait3A_1471 = arith.constant 0 : i32
      %dma_wait3A_1472 = tpu.memref_slice %arg12[%dma_wait3A_1469, %dma_wait3A_1470, %dma_wait3A_1471] : memref<16x8x64xf32, #tpu.memory_space<vmem>> -> memref<1x8x64xf32, #tpu.memory_space<vmem>>
      %dma_wait3A_1473 = tpu.memref_squeeze %dma_wait3A_1472 : memref<1x8x64xf32, #tpu.memory_space<vmem>> -> memref<8x64xf32, #tpu.memory_space<vmem>>
      %dma_wait3A_1474 = arith.constant 0 : i32
      %dma_wait3A_1475 = tpu.memref_slice %arg5[%mul3A_815, %dma_wait3A_1474] : memref<1000000x64xf32, #tpu.memory_space<hbm>> -> memref<8x64xf32, #tpu.memory_space<hbm>>
      %dma_wait3A_1476 = arith.constant 0 : i32
      %dma_wait3A_1477 = arith.constant 0 : i32
      %dma_wait3A_1478 = tpu.memref_slice %arg12[%dma_wait3A_1469, %dma_wait3A_1476, %dma_wait3A_1477] : memref<16x8x64xf32, #tpu.memory_space<vmem>> -> memref<1x8x64xf32, #tpu.memory_space<vmem>>
      %dma_wait3A_1479 = tpu.memref_squeeze %dma_wait3A_1478 : memref<1x8x64xf32, #tpu.memory_space<vmem>> -> memref<8x64xf32, #tpu.memory_space<vmem>>
      %dma_wait3A_1480 = arith.constant 0 : i32
      %dma_wait3A_1481 = tpu.memref_slice %arg5[%mul3A_815, %dma_wait3A_1480] : memref<1000000x64xf32, #tpu.memory_space<hbm>> -> memref<8x64xf32, #tpu.memory_space<hbm>>
      tpu.wait_dma2 semaphore(%arg17 : memref<!tpu.dma_semaphore, #tpu.memory_space<semaphore_mem>>) src(%dma_wait3A_1481 : memref<8x64xf32, #tpu.memory_space<hbm>>) dst(%dma_wait3A_1479 : memref<8x64xf32, #tpu.memory_space<vmem>>)
      %dma_wait3A_1482 = arith.constant 14 : i32
      %dma_wait3A_1483 = arith.constant 0 : i32
      %dma_wait3A_1484 = arith.constant 0 : i32
      %dma_wait3A_1485 = tpu.memref_slice %arg13[%dma_wait3A_1482, %dma_wait3A_1483, %dma_wait3A_1484] : memref<16x8x64xf32, #tpu.memory_space<vmem>> -> memref<1x8x64xf32, #tpu.memory_space<vmem>>
      %dma_wait3A_1486 = tpu.memref_squeeze %dma_wait3A_1485 : memref<1x8x64xf32, #tpu.memory_space<vmem>> -> memref<8x64xf32, #tpu.memory_space<vmem>>
      %dma_wait3A_1487 = arith.constant 0 : i32
      %dma_wait3A_1488 = tpu.memref_slice %arg6[%mul3A_821, %dma_wait3A_1487] : memref<1000000x64xf32, #tpu.memory_space<hbm>> -> memref<8x64xf32, #tpu.memory_space<hbm>>
      %dma_wait3A_1489 = arith.constant 0 : i32
      %dma_wait3A_1490 = arith.constant 0 : i32
      %dma_wait3A_1491 = tpu.memref_slice %arg13[%dma_wait3A_1482, %dma_wait3A_1489, %dma_wait3A_1490] : memref<16x8x64xf32, #tpu.memory_space<vmem>> -> memref<1x8x64xf32, #tpu.memory_space<vmem>>
      %dma_wait3A_1492 = tpu.memref_squeeze %dma_wait3A_1491 : memref<1x8x64xf32, #tpu.memory_space<vmem>> -> memref<8x64xf32, #tpu.memory_space<vmem>>
      %dma_wait3A_1493 = arith.constant 0 : i32
      %dma_wait3A_1494 = tpu.memref_slice %arg6[%mul3A_821, %dma_wait3A_1493] : memref<1000000x64xf32, #tpu.memory_space<hbm>> -> memref<8x64xf32, #tpu.memory_space<hbm>>
      tpu.wait_dma2 semaphore(%arg17 : memref<!tpu.dma_semaphore, #tpu.memory_space<semaphore_mem>>) src(%dma_wait3A_1494 : memref<8x64xf32, #tpu.memory_space<hbm>>) dst(%dma_wait3A_1492 : memref<8x64xf32, #tpu.memory_space<vmem>>)
      %dma_wait3A_1495 = arith.constant 14 : i32
      %dma_wait3A_1496 = arith.constant 0 : i32
      %dma_wait3A_1497 = arith.constant 0 : i32
      %dma_wait3A_1498 = tpu.memref_slice %arg14[%dma_wait3A_1495, %dma_wait3A_1496, %dma_wait3A_1497] : memref<16x8x64xf32, #tpu.memory_space<vmem>> -> memref<1x8x64xf32, #tpu.memory_space<vmem>>
      %dma_wait3A_1499 = tpu.memref_squeeze %dma_wait3A_1498 : memref<1x8x64xf32, #tpu.memory_space<vmem>> -> memref<8x64xf32, #tpu.memory_space<vmem>>
      %dma_wait3A_1500 = arith.constant 0 : i32
      %dma_wait3A_1501 = tpu.memref_slice %arg6[%mul3A_827, %dma_wait3A_1500] : memref<1000000x64xf32, #tpu.memory_space<hbm>> -> memref<8x64xf32, #tpu.memory_space<hbm>>
      %dma_wait3A_1502 = arith.constant 0 : i32
      %dma_wait3A_1503 = arith.constant 0 : i32
      %dma_wait3A_1504 = tpu.memref_slice %arg14[%dma_wait3A_1495, %dma_wait3A_1502, %dma_wait3A_1503] : memref<16x8x64xf32, #tpu.memory_space<vmem>> -> memref<1x8x64xf32, #tpu.memory_space<vmem>>
      %dma_wait3A_1505 = tpu.memref_squeeze %dma_wait3A_1504 : memref<1x8x64xf32, #tpu.memory_space<vmem>> -> memref<8x64xf32, #tpu.memory_space<vmem>>
      %dma_wait3A_1506 = arith.constant 0 : i32
      %dma_wait3A_1507 = tpu.memref_slice %arg6[%mul3A_827, %dma_wait3A_1506] : memref<1000000x64xf32, #tpu.memory_space<hbm>> -> memref<8x64xf32, #tpu.memory_space<hbm>>
      tpu.wait_dma2 semaphore(%arg17 : memref<!tpu.dma_semaphore, #tpu.memory_space<semaphore_mem>>) src(%dma_wait3A_1507 : memref<8x64xf32, #tpu.memory_space<hbm>>) dst(%dma_wait3A_1505 : memref<8x64xf32, #tpu.memory_space<vmem>>)
      %dma_wait3A_1508 = arith.constant 15 : i32
      %dma_wait3A_1509 = arith.constant 0 : i32
      %dma_wait3A_1510 = arith.constant 0 : i32
      %dma_wait3A_1511 = tpu.memref_slice %arg12[%dma_wait3A_1508, %dma_wait3A_1509, %dma_wait3A_1510] : memref<16x8x64xf32, #tpu.memory_space<vmem>> -> memref<1x8x64xf32, #tpu.memory_space<vmem>>
      %dma_wait3A_1512 = tpu.memref_squeeze %dma_wait3A_1511 : memref<1x8x64xf32, #tpu.memory_space<vmem>> -> memref<8x64xf32, #tpu.memory_space<vmem>>
      %dma_wait3A_1513 = arith.constant 0 : i32
      %dma_wait3A_1514 = tpu.memref_slice %arg5[%mul3A_872, %dma_wait3A_1513] : memref<1000000x64xf32, #tpu.memory_space<hbm>> -> memref<8x64xf32, #tpu.memory_space<hbm>>
      %dma_wait3A_1515 = arith.constant 0 : i32
      %dma_wait3A_1516 = arith.constant 0 : i32
      %dma_wait3A_1517 = tpu.memref_slice %arg12[%dma_wait3A_1508, %dma_wait3A_1515, %dma_wait3A_1516] : memref<16x8x64xf32, #tpu.memory_space<vmem>> -> memref<1x8x64xf32, #tpu.memory_space<vmem>>
      %dma_wait3A_1518 = tpu.memref_squeeze %dma_wait3A_1517 : memref<1x8x64xf32, #tpu.memory_space<vmem>> -> memref<8x64xf32, #tpu.memory_space<vmem>>
      %dma_wait3A_1519 = arith.constant 0 : i32
      %dma_wait3A_1520 = tpu.memref_slice %arg5[%mul3A_872, %dma_wait3A_1519] : memref<1000000x64xf32, #tpu.memory_space<hbm>> -> memref<8x64xf32, #tpu.memory_space<hbm>>
      tpu.wait_dma2 semaphore(%arg17 : memref<!tpu.dma_semaphore, #tpu.memory_space<semaphore_mem>>) src(%dma_wait3A_1520 : memref<8x64xf32, #tpu.memory_space<hbm>>) dst(%dma_wait3A_1518 : memref<8x64xf32, #tpu.memory_space<vmem>>)
      %dma_wait3A_1521 = arith.constant 15 : i32
      %dma_wait3A_1522 = arith.constant 0 : i32
      %dma_wait3A_1523 = arith.constant 0 : i32
      %dma_wait3A_1524 = tpu.memref_slice %arg13[%dma_wait3A_1521, %dma_wait3A_1522, %dma_wait3A_1523] : memref<16x8x64xf32, #tpu.memory_space<vmem>> -> memref<1x8x64xf32, #tpu.memory_space<vmem>>
      %dma_wait3A_1525 = tpu.memref_squeeze %dma_wait3A_1524 : memref<1x8x64xf32, #tpu.memory_space<vmem>> -> memref<8x64xf32, #tpu.memory_space<vmem>>
      %dma_wait3A_1526 = arith.constant 0 : i32
      %dma_wait3A_1527 = tpu.memref_slice %arg6[%mul3A_878, %dma_wait3A_1526] : memref<1000000x64xf32, #tpu.memory_space<hbm>> -> memref<8x64xf32, #tpu.memory_space<hbm>>
      %dma_wait3A_1528 = arith.constant 0 : i32
      %dma_wait3A_1529 = arith.constant 0 : i32
      %dma_wait3A_1530 = tpu.memref_slice %arg13[%dma_wait3A_1521, %dma_wait3A_1528, %dma_wait3A_1529] : memref<16x8x64xf32, #tpu.memory_space<vmem>> -> memref<1x8x64xf32, #tpu.memory_space<vmem>>
      %dma_wait3A_1531 = tpu.memref_squeeze %dma_wait3A_1530 : memref<1x8x64xf32, #tpu.memory_space<vmem>> -> memref<8x64xf32, #tpu.memory_space<vmem>>
      %dma_wait3A_1532 = arith.constant 0 : i32
      %dma_wait3A_1533 = tpu.memref_slice %arg6[%mul3A_878, %dma_wait3A_1532] : memref<1000000x64xf32, #tpu.memory_space<hbm>> -> memref<8x64xf32, #tpu.memory_space<hbm>>
      tpu.wait_dma2 semaphore(%arg17 : memref<!tpu.dma_semaphore, #tpu.memory_space<semaphore_mem>>) src(%dma_wait3A_1533 : memref<8x64xf32, #tpu.memory_space<hbm>>) dst(%dma_wait3A_1531 : memref<8x64xf32, #tpu.memory_space<vmem>>)
      %dma_wait3A_1534 = arith.constant 15 : i32
      %dma_wait3A_1535 = arith.constant 0 : i32
      %dma_wait3A_1536 = arith.constant 0 : i32
      %dma_wait3A_1537 = tpu.memref_slice %arg14[%dma_wait3A_1534, %dma_wait3A_1535, %dma_wait3A_1536] : memref<16x8x64xf32, #tpu.memory_space<vmem>> -> memref<1x8x64xf32, #tpu.memory_space<vmem>>
      %dma_wait3A_1538 = tpu.memref_squeeze %dma_wait3A_1537 : memref<1x8x64xf32, #tpu.memory_space<vmem>> -> memref<8x64xf32, #tpu.memory_space<vmem>>
      %dma_wait3A_1539 = arith.constant 0 : i32
      %dma_wait3A_1540 = tpu.memref_slice %arg6[%mul3A_884, %dma_wait3A_1539] : memref<1000000x64xf32, #tpu.memory_space<hbm>> -> memref<8x64xf32, #tpu.memory_space<hbm>>
      %dma_wait3A_1541 = arith.constant 0 : i32
      %dma_wait3A_1542 = arith.constant 0 : i32
      %dma_wait3A_1543 = tpu.memref_slice %arg14[%dma_wait3A_1534, %dma_wait3A_1541, %dma_wait3A_1542] : memref<16x8x64xf32, #tpu.memory_space<vmem>> -> memref<1x8x64xf32, #tpu.memory_space<vmem>>
      %dma_wait3A_1544 = tpu.memref_squeeze %dma_wait3A_1543 : memref<1x8x64xf32, #tpu.memory_space<vmem>> -> memref<8x64xf32, #tpu.memory_space<vmem>>
      %dma_wait3A_1545 = arith.constant 0 : i32
      %dma_wait3A_1546 = tpu.memref_slice %arg6[%mul3A_884, %dma_wait3A_1545] : memref<1000000x64xf32, #tpu.memory_space<hbm>> -> memref<8x64xf32, #tpu.memory_space<hbm>>
      tpu.wait_dma2 semaphore(%arg17 : memref<!tpu.dma_semaphore, #tpu.memory_space<semaphore_mem>>) src(%dma_wait3A_1546 : memref<8x64xf32, #tpu.memory_space<hbm>>) dst(%dma_wait3A_1544 : memref<8x64xf32, #tpu.memory_space<vmem>>)
      %and3A = arith.constant 7 : i32
      %and3A_1547 = vector.broadcast %and3A : i32 to vector<16xi32>
      %and3A_1548 = arith.andi %get3A_11, %and3A_1547 : vector<16xi32>
      %and3A_1549 = arith.constant 7 : i32
      %and3A_1550 = vector.broadcast %and3A_1549 : i32 to vector<16xi32>
      %and3A_1551 = arith.andi %get3A_13, %and3A_1550 : vector<16xi32>
      %and3A_1552 = arith.constant 7 : i32
      %and3A_1553 = vector.broadcast %and3A_1552 : i32 to vector<16xi32>
      %and3A_1554 = arith.andi %get3A_15, %and3A_1553 : vector<16xi32>
      %broadcast_in_dim3A = arith.constant 0.000000e+00 : f32
      %broadcast_in_dim3A_1555 = vector.broadcast %broadcast_in_dim3A : f32 to vector<16xf32>
      %broadcast_in_dim3A_1556 = arith.constant 0.000000e+00 : f32
      %broadcast_in_dim3A_1557 = vector.broadcast %broadcast_in_dim3A_1556 : f32 to vector<16xf32>
      %broadcast_in_dim3A_1558 = arith.constant 0 : i32
      %broadcast_in_dim3A_1559 = vector.broadcast %broadcast_in_dim3A_1558 : i32 to vector<16xi32>
      %gather3A = tpu.vector_load_idx %arg12[%iota3A, %and3A_1548, %broadcast_in_dim3A_1559] : memref<16x8x64xf32, #tpu.memory_space<vmem>>[vector<16xi32>, vector<16xi32>, vector<16xi32>], vector<16xf32>,
      %gather3A_1560 = tpu.vector_load_idx %arg13[%iota3A, %and3A_1551, %broadcast_in_dim3A_1559] : memref<16x8x64xf32, #tpu.memory_space<vmem>>[vector<16xi32>, vector<16xi32>, vector<16xi32>], vector<16xf32>,
      %gather3A_1561 = tpu.vector_load_idx %arg14[%iota3A, %and3A_1554, %broadcast_in_dim3A_1559] : memref<16x8x64xf32, #tpu.memory_space<vmem>>[vector<16xi32>, vector<16xi32>, vector<16xi32>], vector<16xf32>,
      %mul3A_1562 = arith.mulf %gather3A, %gather3A_1560 : vector<16xf32>
      %add3A_1563 = arith.addf %broadcast_in_dim3A_1555, %mul3A_1562 : vector<16xf32>
      %mul3A_1564 = arith.mulf %gather3A, %gather3A_1561 : vector<16xf32>
      %add3A_1565 = arith.addf %broadcast_in_dim3A_1557, %mul3A_1564 : vector<16xf32>
      %broadcast_in_dim3A_1566 = arith.constant 1 : i32
      %broadcast_in_dim3A_1567 = vector.broadcast %broadcast_in_dim3A_1566 : i32 to vector<16xi32>
      %gather3A_1568 = tpu.vector_load_idx %arg12[%iota3A, %and3A_1548, %broadcast_in_dim3A_1567] : memref<16x8x64xf32, #tpu.memory_space<vmem>>[vector<16xi32>, vector<16xi32>, vector<16xi32>], vector<16xf32>,
      %gather3A_1569 = tpu.vector_load_idx %arg13[%iota3A, %and3A_1551, %broadcast_in_dim3A_1567] : memref<16x8x64xf32, #tpu.memory_space<vmem>>[vector<16xi32>, vector<16xi32>, vector<16xi32>], vector<16xf32>,
      %gather3A_1570 = tpu.vector_load_idx %arg14[%iota3A, %and3A_1554, %broadcast_in_dim3A_1567] : memref<16x8x64xf32, #tpu.memory_space<vmem>>[vector<16xi32>, vector<16xi32>, vector<16xi32>], vector<16xf32>,
      %mul3A_1571 = arith.mulf %gather3A_1568, %gather3A_1569 : vector<16xf32>
      %add3A_1572 = arith.addf %add3A_1563, %mul3A_1571 : vector<16xf32>
      %mul3A_1573 = arith.mulf %gather3A_1568, %gather3A_1570 : vector<16xf32>
      %add3A_1574 = arith.addf %add3A_1565, %mul3A_1573 : vector<16xf32>
      %broadcast_in_dim3A_1575 = arith.constant 2 : i32
      %broadcast_in_dim3A_1576 = vector.broadcast %broadcast_in_dim3A_1575 : i32 to vector<16xi32>
      %gather3A_1577 = tpu.vector_load_idx %arg12[%iota3A, %and3A_1548, %broadcast_in_dim3A_1576] : memref<16x8x64xf32, #tpu.memory_space<vmem>>[vector<16xi32>, vector<16xi32>, vector<16xi32>], vector<16xf32>,
      %gather3A_1578 = tpu.vector_load_idx %arg13[%iota3A, %and3A_1551, %broadcast_in_dim3A_1576] : memref<16x8x64xf32, #tpu.memory_space<vmem>>[vector<16xi32>, vector<16xi32>, vector<16xi32>], vector<16xf32>,
      %gather3A_1579 = tpu.vector_load_idx %arg14[%iota3A, %and3A_1554, %broadcast_in_dim3A_1576] : memref<16x8x64xf32, #tpu.memory_space<vmem>>[vector<16xi32>, vector<16xi32>, vector<16xi32>], vector<16xf32>,
      %mul3A_1580 = arith.mulf %gather3A_1577, %gather3A_1578 : vector<16xf32>
      %add3A_1581 = arith.addf %add3A_1572, %mul3A_1580 : vector<16xf32>
      %mul3A_1582 = arith.mulf %gather3A_1577, %gather3A_1579 : vector<16xf32>
      %add3A_1583 = arith.addf %add3A_1574, %mul3A_1582 : vector<16xf32>
      %broadcast_in_dim3A_1584 = arith.constant 3 : i32
      %broadcast_in_dim3A_1585 = vector.broadcast %broadcast_in_dim3A_1584 : i32 to vector<16xi32>
      %gather3A_1586 = tpu.vector_load_idx %arg12[%iota3A, %and3A_1548, %broadcast_in_dim3A_1585] : memref<16x8x64xf32, #tpu.memory_space<vmem>>[vector<16xi32>, vector<16xi32>, vector<16xi32>], vector<16xf32>,
      %gather3A_1587 = tpu.vector_load_idx %arg13[%iota3A, %and3A_1551, %broadcast_in_dim3A_1585] : memref<16x8x64xf32, #tpu.memory_space<vmem>>[vector<16xi32>, vector<16xi32>, vector<16xi32>], vector<16xf32>,
      %gather3A_1588 = tpu.vector_load_idx %arg14[%iota3A, %and3A_1554, %broadcast_in_dim3A_1585] : memref<16x8x64xf32, #tpu.memory_space<vmem>>[vector<16xi32>, vector<16xi32>, vector<16xi32>], vector<16xf32>,
      %mul3A_1589 = arith.mulf %gather3A_1586, %gather3A_1587 : vector<16xf32>
      %add3A_1590 = arith.addf %add3A_1581, %mul3A_1589 : vector<16xf32>
      %mul3A_1591 = arith.mulf %gather3A_1586, %gather3A_1588 : vector<16xf32>
      %add3A_1592 = arith.addf %add3A_1583, %mul3A_1591 : vector<16xf32>
      %broadcast_in_dim3A_1593 = arith.constant 4 : i32
      %broadcast_in_dim3A_1594 = vector.broadcast %broadcast_in_dim3A_1593 : i32 to vector<16xi32>
      %gather3A_1595 = tpu.vector_load_idx %arg12[%iota3A, %and3A_1548, %broadcast_in_dim3A_1594] : memref<16x8x64xf32, #tpu.memory_space<vmem>>[vector<16xi32>, vector<16xi32>, vector<16xi32>], vector<16xf32>,
      %gather3A_1596 = tpu.vector_load_idx %arg13[%iota3A, %and3A_1551, %broadcast_in_dim3A_1594] : memref<16x8x64xf32, #tpu.memory_space<vmem>>[vector<16xi32>, vector<16xi32>, vector<16xi32>], vector<16xf32>,
      %gather3A_1597 = tpu.vector_load_idx %arg14[%iota3A, %and3A_1554, %broadcast_in_dim3A_1594] : memref<16x8x64xf32, #tpu.memory_space<vmem>>[vector<16xi32>, vector<16xi32>, vector<16xi32>], vector<16xf32>,
      %mul3A_1598 = arith.mulf %gather3A_1595, %gather3A_1596 : vector<16xf32>
      %add3A_1599 = arith.addf %add3A_1590, %mul3A_1598 : vector<16xf32>
      %mul3A_1600 = arith.mulf %gather3A_1595, %gather3A_1597 : vector<16xf32>
      %add3A_1601 = arith.addf %add3A_1592, %mul3A_1600 : vector<16xf32>
      %broadcast_in_dim3A_1602 = arith.constant 5 : i32
      %broadcast_in_dim3A_1603 = vector.broadcast %broadcast_in_dim3A_1602 : i32 to vector<16xi32>
      %gather3A_1604 = tpu.vector_load_idx %arg12[%iota3A, %and3A_1548, %broadcast_in_dim3A_1603] : memref<16x8x64xf32, #tpu.memory_space<vmem>>[vector<16xi32>, vector<16xi32>, vector<16xi32>], vector<16xf32>,
      %gather3A_1605 = tpu.vector_load_idx %arg13[%iota3A, %and3A_1551, %broadcast_in_dim3A_1603] : memref<16x8x64xf32, #tpu.memory_space<vmem>>[vector<16xi32>, vector<16xi32>, vector<16xi32>], vector<16xf32>,
      %gather3A_1606 = tpu.vector_load_idx %arg14[%iota3A, %and3A_1554, %broadcast_in_dim3A_1603] : memref<16x8x64xf32, #tpu.memory_space<vmem>>[vector<16xi32>, vector<16xi32>, vector<16xi32>], vector<16xf32>,
      %mul3A_1607 = arith.mulf %gather3A_1604, %gather3A_1605 : vector<16xf32>
      %add3A_1608 = arith.addf %add3A_1599, %mul3A_1607 : vector<16xf32>
      %mul3A_1609 = arith.mulf %gather3A_1604, %gather3A_1606 : vector<16xf32>
      %add3A_1610 = arith.addf %add3A_1601, %mul3A_1609 : vector<16xf32>
      %broadcast_in_dim3A_1611 = arith.constant 6 : i32
      %broadcast_in_dim3A_1612 = vector.broadcast %broadcast_in_dim3A_1611 : i32 to vector<16xi32>
      %gather3A_1613 = tpu.vector_load_idx %arg12[%iota3A, %and3A_1548, %broadcast_in_dim3A_1612] : memref<16x8x64xf32, #tpu.memory_space<vmem>>[vector<16xi32>, vector<16xi32>, vector<16xi32>], vector<16xf32>,
      %gather3A_1614 = tpu.vector_load_idx %arg13[%iota3A, %and3A_1551, %broadcast_in_dim3A_1612] : memref<16x8x64xf32, #tpu.memory_space<vmem>>[vector<16xi32>, vector<16xi32>, vector<16xi32>], vector<16xf32>,
      %gather3A_1615 = tpu.vector_load_idx %arg14[%iota3A, %and3A_1554, %broadcast_in_dim3A_1612] : memref<16x8x64xf32, #tpu.memory_space<vmem>>[vector<16xi32>, vector<16xi32>, vector<16xi32>], vector<16xf32>,
      %mul3A_1616 = arith.mulf %gather3A_1613, %gather3A_1614 : vector<16xf32>
      %add3A_1617 = arith.addf %add3A_1608, %mul3A_1616 : vector<16xf32>
      %mul3A_1618 = arith.mulf %gather3A_1613, %gather3A_1615 : vector<16xf32>
      %add3A_1619 = arith.addf %add3A_1610, %mul3A_1618 : vector<16xf32>
      %broadcast_in_dim3A_1620 = arith.constant 7 : i32
      %broadcast_in_dim3A_1621 = vector.broadcast %broadcast_in_dim3A_1620 : i32 to vector<16xi32>
      %gather3A_1622 = tpu.vector_load_idx %arg12[%iota3A, %and3A_1548, %broadcast_in_dim3A_1621] : memref<16x8x64xf32, #tpu.memory_space<vmem>>[vector<16xi32>, vector<16xi32>, vector<16xi32>], vector<16xf32>,
      %gather3A_1623 = tpu.vector_load_idx %arg13[%iota3A, %and3A_1551, %broadcast_in_dim3A_1621] : memref<16x8x64xf32, #tpu.memory_space<vmem>>[vector<16xi32>, vector<16xi32>, vector<16xi32>], vector<16xf32>,
      %gather3A_1624 = tpu.vector_load_idx %arg14[%iota3A, %and3A_1554, %broadcast_in_dim3A_1621] : memref<16x8x64xf32, #tpu.memory_space<vmem>>[vector<16xi32>, vector<16xi32>, vector<16xi32>], vector<16xf32>,
      %mul3A_1625 = arith.mulf %gather3A_1622, %gather3A_1623 : vector<16xf32>
      %add3A_1626 = arith.addf %add3A_1617, %mul3A_1625 : vector<16xf32>
      %mul3A_1627 = arith.mulf %gather3A_1622, %gather3A_1624 : vector<16xf32>
      %add3A_1628 = arith.addf %add3A_1619, %mul3A_1627 : vector<16xf32>
      %broadcast_in_dim3A_1629 = arith.constant 8 : i32
      %broadcast_in_dim3A_1630 = vector.broadcast %broadcast_in_dim3A_1629 : i32 to vector<16xi32>
      %gather3A_1631 = tpu.vector_load_idx %arg12[%iota3A, %and3A_1548, %broadcast_in_dim3A_1630] : memref<16x8x64xf32, #tpu.memory_space<vmem>>[vector<16xi32>, vector<16xi32>, vector<16xi32>], vector<16xf32>,
      %gather3A_1632 = tpu.vector_load_idx %arg13[%iota3A, %and3A_1551, %broadcast_in_dim3A_1630] : memref<16x8x64xf32, #tpu.memory_space<vmem>>[vector<16xi32>, vector<16xi32>, vector<16xi32>], vector<16xf32>,
      %gather3A_1633 = tpu.vector_load_idx %arg14[%iota3A, %and3A_1554, %broadcast_in_dim3A_1630] : memref<16x8x64xf32, #tpu.memory_space<vmem>>[vector<16xi32>, vector<16xi32>, vector<16xi32>], vector<16xf32>,
      %mul3A_1634 = arith.mulf %gather3A_1631, %gather3A_1632 : vector<16xf32>
      %add3A_1635 = arith.addf %add3A_1626, %mul3A_1634 : vector<16xf32>
      %mul3A_1636 = arith.mulf %gather3A_1631, %gather3A_1633 : vector<16xf32>
      %add3A_1637 = arith.addf %add3A_1628, %mul3A_1636 : vector<16xf32>
      %broadcast_in_dim3A_1638 = arith.constant 9 : i32
      %broadcast_in_dim3A_1639 = vector.broadcast %broadcast_in_dim3A_1638 : i32 to vector<16xi32>
      %gather3A_1640 = tpu.vector_load_idx %arg12[%iota3A, %and3A_1548, %broadcast_in_dim3A_1639] : memref<16x8x64xf32, #tpu.memory_space<vmem>>[vector<16xi32>, vector<16xi32>, vector<16xi32>], vector<16xf32>,
      %gather3A_1641 = tpu.vector_load_idx %arg13[%iota3A, %and3A_1551, %broadcast_in_dim3A_1639] : memref<16x8x64xf32, #tpu.memory_space<vmem>>[vector<16xi32>, vector<16xi32>, vector<16xi32>], vector<16xf32>,
      %gather3A_1642 = tpu.vector_load_idx %arg14[%iota3A, %and3A_1554, %broadcast_in_dim3A_1639] : memref<16x8x64xf32, #tpu.memory_space<vmem>>[vector<16xi32>, vector<16xi32>, vector<16xi32>], vector<16xf32>,
      %mul3A_1643 = arith.mulf %gather3A_1640, %gather3A_1641 : vector<16xf32>
      %add3A_1644 = arith.addf %add3A_1635, %mul3A_1643 : vector<16xf32>
      %mul3A_1645 = arith.mulf %gather3A_1640, %gather3A_1642 : vector<16xf32>
      %add3A_1646 = arith.addf %add3A_1637, %mul3A_1645 : vector<16xf32>
      %broadcast_in_dim3A_1647 = arith.constant 10 : i32
      %broadcast_in_dim3A_1648 = vector.broadcast %broadcast_in_dim3A_1647 : i32 to vector<16xi32>
      %gather3A_1649 = tpu.vector_load_idx %arg12[%iota3A, %and3A_1548, %broadcast_in_dim3A_1648] : memref<16x8x64xf32, #tpu.memory_space<vmem>>[vector<16xi32>, vector<16xi32>, vector<16xi32>], vector<16xf32>,
      %gather3A_1650 = tpu.vector_load_idx %arg13[%iota3A, %and3A_1551, %broadcast_in_dim3A_1648] : memref<16x8x64xf32, #tpu.memory_space<vmem>>[vector<16xi32>, vector<16xi32>, vector<16xi32>], vector<16xf32>,
      %gather3A_1651 = tpu.vector_load_idx %arg14[%iota3A, %and3A_1554, %broadcast_in_dim3A_1648] : memref<16x8x64xf32, #tpu.memory_space<vmem>>[vector<16xi32>, vector<16xi32>, vector<16xi32>], vector<16xf32>,
      %mul3A_1652 = arith.mulf %gather3A_1649, %gather3A_1650 : vector<16xf32>
      %add3A_1653 = arith.addf %add3A_1644, %mul3A_1652 : vector<16xf32>
      %mul3A_1654 = arith.mulf %gather3A_1649, %gather3A_1651 : vector<16xf32>
      %add3A_1655 = arith.addf %add3A_1646, %mul3A_1654 : vector<16xf32>
      %broadcast_in_dim3A_1656 = arith.constant 11 : i32
      %broadcast_in_dim3A_1657 = vector.broadcast %broadcast_in_dim3A_1656 : i32 to vector<16xi32>
      %gather3A_1658 = tpu.vector_load_idx %arg12[%iota3A, %and3A_1548, %broadcast_in_dim3A_1657] : memref<16x8x64xf32, #tpu.memory_space<vmem>>[vector<16xi32>, vector<16xi32>, vector<16xi32>], vector<16xf32>,
      %gather3A_1659 = tpu.vector_load_idx %arg13[%iota3A, %and3A_1551, %broadcast_in_dim3A_1657] : memref<16x8x64xf32, #tpu.memory_space<vmem>>[vector<16xi32>, vector<16xi32>, vector<16xi32>], vector<16xf32>,
      %gather3A_1660 = tpu.vector_load_idx %arg14[%iota3A, %and3A_1554, %broadcast_in_dim3A_1657] : memref<16x8x64xf32, #tpu.memory_space<vmem>>[vector<16xi32>, vector<16xi32>, vector<16xi32>], vector<16xf32>,
      %mul3A_1661 = arith.mulf %gather3A_1658, %gather3A_1659 : vector<16xf32>
      %add3A_1662 = arith.addf %add3A_1653, %mul3A_1661 : vector<16xf32>
      %mul3A_1663 = arith.mulf %gather3A_1658, %gather3A_1660 : vector<16xf32>
      %add3A_1664 = arith.addf %add3A_1655, %mul3A_1663 : vector<16xf32>
      %broadcast_in_dim3A_1665 = arith.constant 12 : i32
      %broadcast_in_dim3A_1666 = vector.broadcast %broadcast_in_dim3A_1665 : i32 to vector<16xi32>
      %gather3A_1667 = tpu.vector_load_idx %arg12[%iota3A, %and3A_1548, %broadcast_in_dim3A_1666] : memref<16x8x64xf32, #tpu.memory_space<vmem>>[vector<16xi32>, vector<16xi32>, vector<16xi32>], vector<16xf32>,
      %gather3A_1668 = tpu.vector_load_idx %arg13[%iota3A, %and3A_1551, %broadcast_in_dim3A_1666] : memref<16x8x64xf32, #tpu.memory_space<vmem>>[vector<16xi32>, vector<16xi32>, vector<16xi32>], vector<16xf32>,
      %gather3A_1669 = tpu.vector_load_idx %arg14[%iota3A, %and3A_1554, %broadcast_in_dim3A_1666] : memref<16x8x64xf32, #tpu.memory_space<vmem>>[vector<16xi32>, vector<16xi32>, vector<16xi32>], vector<16xf32>,
      %mul3A_1670 = arith.mulf %gather3A_1667, %gather3A_1668 : vector<16xf32>
      %add3A_1671 = arith.addf %add3A_1662, %mul3A_1670 : vector<16xf32>
      %mul3A_1672 = arith.mulf %gather3A_1667, %gather3A_1669 : vector<16xf32>
      %add3A_1673 = arith.addf %add3A_1664, %mul3A_1672 : vector<16xf32>
      %broadcast_in_dim3A_1674 = arith.constant 13 : i32
      %broadcast_in_dim3A_1675 = vector.broadcast %broadcast_in_dim3A_1674 : i32 to vector<16xi32>
      %gather3A_1676 = tpu.vector_load_idx %arg12[%iota3A, %and3A_1548, %broadcast_in_dim3A_1675] : memref<16x8x64xf32, #tpu.memory_space<vmem>>[vector<16xi32>, vector<16xi32>, vector<16xi32>], vector<16xf32>,
      %gather3A_1677 = tpu.vector_load_idx %arg13[%iota3A, %and3A_1551, %broadcast_in_dim3A_1675] : memref<16x8x64xf32, #tpu.memory_space<vmem>>[vector<16xi32>, vector<16xi32>, vector<16xi32>], vector<16xf32>,
      %gather3A_1678 = tpu.vector_load_idx %arg14[%iota3A, %and3A_1554, %broadcast_in_dim3A_1675] : memref<16x8x64xf32, #tpu.memory_space<vmem>>[vector<16xi32>, vector<16xi32>, vector<16xi32>], vector<16xf32>,
      %mul3A_1679 = arith.mulf %gather3A_1676, %gather3A_1677 : vector<16xf32>
      %add3A_1680 = arith.addf %add3A_1671, %mul3A_1679 : vector<16xf32>
      %mul3A_1681 = arith.mulf %gather3A_1676, %gather3A_1678 : vector<16xf32>
      %add3A_1682 = arith.addf %add3A_1673, %mul3A_1681 : vector<16xf32>
      %broadcast_in_dim3A_1683 = arith.constant 14 : i32
      %broadcast_in_dim3A_1684 = vector.broadcast %broadcast_in_dim3A_1683 : i32 to vector<16xi32>
      %gather3A_1685 = tpu.vector_load_idx %arg12[%iota3A, %and3A_1548, %broadcast_in_dim3A_1684] : memref<16x8x64xf32, #tpu.memory_space<vmem>>[vector<16xi32>, vector<16xi32>, vector<16xi32>], vector<16xf32>,
      %gather3A_1686 = tpu.vector_load_idx %arg13[%iota3A, %and3A_1551, %broadcast_in_dim3A_1684] : memref<16x8x64xf32, #tpu.memory_space<vmem>>[vector<16xi32>, vector<16xi32>, vector<16xi32>], vector<16xf32>,
      %gather3A_1687 = tpu.vector_load_idx %arg14[%iota3A, %and3A_1554, %broadcast_in_dim3A_1684] : memref<16x8x64xf32, #tpu.memory_space<vmem>>[vector<16xi32>, vector<16xi32>, vector<16xi32>], vector<16xf32>,
      %mul3A_1688 = arith.mulf %gather3A_1685, %gather3A_1686 : vector<16xf32>
      %add3A_1689 = arith.addf %add3A_1680, %mul3A_1688 : vector<16xf32>
      %mul3A_1690 = arith.mulf %gather3A_1685, %gather3A_1687 : vector<16xf32>
      %add3A_1691 = arith.addf %add3A_1682, %mul3A_1690 : vector<16xf32>
      %broadcast_in_dim3A_1692 = arith.constant 15 : i32
      %broadcast_in_dim3A_1693 = vector.broadcast %broadcast_in_dim3A_1692 : i32 to vector<16xi32>
      %gather3A_1694 = tpu.vector_load_idx %arg12[%iota3A, %and3A_1548, %broadcast_in_dim3A_1693] : memref<16x8x64xf32, #tpu.memory_space<vmem>>[vector<16xi32>, vector<16xi32>, vector<16xi32>], vector<16xf32>,
      %gather3A_1695 = tpu.vector_load_idx %arg13[%iota3A, %and3A_1551, %broadcast_in_dim3A_1693] : memref<16x8x64xf32, #tpu.memory_space<vmem>>[vector<16xi32>, vector<16xi32>, vector<16xi32>], vector<16xf32>,
      %gather3A_1696 = tpu.vector_load_idx %arg14[%iota3A, %and3A_1554, %broadcast_in_dim3A_1693] : memref<16x8x64xf32, #tpu.memory_space<vmem>>[vector<16xi32>, vector<16xi32>, vector<16xi32>], vector<16xf32>,
      %mul3A_1697 = arith.mulf %gather3A_1694, %gather3A_1695 : vector<16xf32>
      %add3A_1698 = arith.addf %add3A_1689, %mul3A_1697 : vector<16xf32>
      %mul3A_1699 = arith.mulf %gather3A_1694, %gather3A_1696 : vector<16xf32>
      %add3A_1700 = arith.addf %add3A_1691, %mul3A_1699 : vector<16xf32>
      %broadcast_in_dim3A_1701 = arith.constant 16 : i32
      %broadcast_in_dim3A_1702 = vector.broadcast %broadcast_in_dim3A_1701 : i32 to vector<16xi32>
      %gather3A_1703 = tpu.vector_load_idx %arg12[%iota3A, %and3A_1548, %broadcast_in_dim3A_1702] : memref<16x8x64xf32, #tpu.memory_space<vmem>>[vector<16xi32>, vector<16xi32>, vector<16xi32>], vector<16xf32>,
      %gather3A_1704 = tpu.vector_load_idx %arg13[%iota3A, %and3A_1551, %broadcast_in_dim3A_1702] : memref<16x8x64xf32, #tpu.memory_space<vmem>>[vector<16xi32>, vector<16xi32>, vector<16xi32>], vector<16xf32>,
      %gather3A_1705 = tpu.vector_load_idx %arg14[%iota3A, %and3A_1554, %broadcast_in_dim3A_1702] : memref<16x8x64xf32, #tpu.memory_space<vmem>>[vector<16xi32>, vector<16xi32>, vector<16xi32>], vector<16xf32>,
      %mul3A_1706 = arith.mulf %gather3A_1703, %gather3A_1704 : vector<16xf32>
      %add3A_1707 = arith.addf %add3A_1698, %mul3A_1706 : vector<16xf32>
      %mul3A_1708 = arith.mulf %gather3A_1703, %gather3A_1705 : vector<16xf32>
      %add3A_1709 = arith.addf %add3A_1700, %mul3A_1708 : vector<16xf32>
      %broadcast_in_dim3A_1710 = arith.constant 17 : i32
      %broadcast_in_dim3A_1711 = vector.broadcast %broadcast_in_dim3A_1710 : i32 to vector<16xi32>
      %gather3A_1712 = tpu.vector_load_idx %arg12[%iota3A, %and3A_1548, %broadcast_in_dim3A_1711] : memref<16x8x64xf32, #tpu.memory_space<vmem>>[vector<16xi32>, vector<16xi32>, vector<16xi32>], vector<16xf32>,
      %gather3A_1713 = tpu.vector_load_idx %arg13[%iota3A, %and3A_1551, %broadcast_in_dim3A_1711] : memref<16x8x64xf32, #tpu.memory_space<vmem>>[vector<16xi32>, vector<16xi32>, vector<16xi32>], vector<16xf32>,
      %gather3A_1714 = tpu.vector_load_idx %arg14[%iota3A, %and3A_1554, %broadcast_in_dim3A_1711] : memref<16x8x64xf32, #tpu.memory_space<vmem>>[vector<16xi32>, vector<16xi32>, vector<16xi32>], vector<16xf32>,
      %mul3A_1715 = arith.mulf %gather3A_1712, %gather3A_1713 : vector<16xf32>
      %add3A_1716 = arith.addf %add3A_1707, %mul3A_1715 : vector<16xf32>
      %mul3A_1717 = arith.mulf %gather3A_1712, %gather3A_1714 : vector<16xf32>
      %add3A_1718 = arith.addf %add3A_1709, %mul3A_1717 : vector<16xf32>
      %broadcast_in_dim3A_1719 = arith.constant 18 : i32
      %broadcast_in_dim3A_1720 = vector.broadcast %broadcast_in_dim3A_1719 : i32 to vector<16xi32>
      %gather3A_1721 = tpu.vector_load_idx %arg12[%iota3A, %and3A_1548, %broadcast_in_dim3A_1720] : memref<16x8x64xf32, #tpu.memory_space<vmem>>[vector<16xi32>, vector<16xi32>, vector<16xi32>], vector<16xf32>,
      %gather3A_1722 = tpu.vector_load_idx %arg13[%iota3A, %and3A_1551, %broadcast_in_dim3A_1720] : memref<16x8x64xf32, #tpu.memory_space<vmem>>[vector<16xi32>, vector<16xi32>, vector<16xi32>], vector<16xf32>,
      %gather3A_1723 = tpu.vector_load_idx %arg14[%iota3A, %and3A_1554, %broadcast_in_dim3A_1720] : memref<16x8x64xf32, #tpu.memory_space<vmem>>[vector<16xi32>, vector<16xi32>, vector<16xi32>], vector<16xf32>,
      %mul3A_1724 = arith.mulf %gather3A_1721, %gather3A_1722 : vector<16xf32>
      %add3A_1725 = arith.addf %add3A_1716, %mul3A_1724 : vector<16xf32>
      %mul3A_1726 = arith.mulf %gather3A_1721, %gather3A_1723 : vector<16xf32>
      %add3A_1727 = arith.addf %add3A_1718, %mul3A_1726 : vector<16xf32>
      %broadcast_in_dim3A_1728 = arith.constant 19 : i32
      %broadcast_in_dim3A_1729 = vector.broadcast %broadcast_in_dim3A_1728 : i32 to vector<16xi32>
      %gather3A_1730 = tpu.vector_load_idx %arg12[%iota3A, %and3A_1548, %broadcast_in_dim3A_1729] : memref<16x8x64xf32, #tpu.memory_space<vmem>>[vector<16xi32>, vector<16xi32>, vector<16xi32>], vector<16xf32>,
      %gather3A_1731 = tpu.vector_load_idx %arg13[%iota3A, %and3A_1551, %broadcast_in_dim3A_1729] : memref<16x8x64xf32, #tpu.memory_space<vmem>>[vector<16xi32>, vector<16xi32>, vector<16xi32>], vector<16xf32>,
      %gather3A_1732 = tpu.vector_load_idx %arg14[%iota3A, %and3A_1554, %broadcast_in_dim3A_1729] : memref<16x8x64xf32, #tpu.memory_space<vmem>>[vector<16xi32>, vector<16xi32>, vector<16xi32>], vector<16xf32>,
      %mul3A_1733 = arith.mulf %gather3A_1730, %gather3A_1731 : vector<16xf32>
      %add3A_1734 = arith.addf %add3A_1725, %mul3A_1733 : vector<16xf32>
      %mul3A_1735 = arith.mulf %gather3A_1730, %gather3A_1732 : vector<16xf32>
      %add3A_1736 = arith.addf %add3A_1727, %mul3A_1735 : vector<16xf32>
      %broadcast_in_dim3A_1737 = arith.constant 20 : i32
      %broadcast_in_dim3A_1738 = vector.broadcast %broadcast_in_dim3A_1737 : i32 to vector<16xi32>
      %gather3A_1739 = tpu.vector_load_idx %arg12[%iota3A, %and3A_1548, %broadcast_in_dim3A_1738] : memref<16x8x64xf32, #tpu.memory_space<vmem>>[vector<16xi32>, vector<16xi32>, vector<16xi32>], vector<16xf32>,
      %gather3A_1740 = tpu.vector_load_idx %arg13[%iota3A, %and3A_1551, %broadcast_in_dim3A_1738] : memref<16x8x64xf32, #tpu.memory_space<vmem>>[vector<16xi32>, vector<16xi32>, vector<16xi32>], vector<16xf32>,
      %gather3A_1741 = tpu.vector_load_idx %arg14[%iota3A, %and3A_1554, %broadcast_in_dim3A_1738] : memref<16x8x64xf32, #tpu.memory_space<vmem>>[vector<16xi32>, vector<16xi32>, vector<16xi32>], vector<16xf32>,
      %mul3A_1742 = arith.mulf %gather3A_1739, %gather3A_1740 : vector<16xf32>
      %add3A_1743 = arith.addf %add3A_1734, %mul3A_1742 : vector<16xf32>
      %mul3A_1744 = arith.mulf %gather3A_1739, %gather3A_1741 : vector<16xf32>
      %add3A_1745 = arith.addf %add3A_1736, %mul3A_1744 : vector<16xf32>
      %broadcast_in_dim3A_1746 = arith.constant 21 : i32
      %broadcast_in_dim3A_1747 = vector.broadcast %broadcast_in_dim3A_1746 : i32 to vector<16xi32>
      %gather3A_1748 = tpu.vector_load_idx %arg12[%iota3A, %and3A_1548, %broadcast_in_dim3A_1747] : memref<16x8x64xf32, #tpu.memory_space<vmem>>[vector<16xi32>, vector<16xi32>, vector<16xi32>], vector<16xf32>,
      %gather3A_1749 = tpu.vector_load_idx %arg13[%iota3A, %and3A_1551, %broadcast_in_dim3A_1747] : memref<16x8x64xf32, #tpu.memory_space<vmem>>[vector<16xi32>, vector<16xi32>, vector<16xi32>], vector<16xf32>,
      %gather3A_1750 = tpu.vector_load_idx %arg14[%iota3A, %and3A_1554, %broadcast_in_dim3A_1747] : memref<16x8x64xf32, #tpu.memory_space<vmem>>[vector<16xi32>, vector<16xi32>, vector<16xi32>], vector<16xf32>,
      %mul3A_1751 = arith.mulf %gather3A_1748, %gather3A_1749 : vector<16xf32>
      %add3A_1752 = arith.addf %add3A_1743, %mul3A_1751 : vector<16xf32>
      %mul3A_1753 = arith.mulf %gather3A_1748, %gather3A_1750 : vector<16xf32>
      %add3A_1754 = arith.addf %add3A_1745, %mul3A_1753 : vector<16xf32>
      %broadcast_in_dim3A_1755 = arith.constant 22 : i32
      %broadcast_in_dim3A_1756 = vector.broadcast %broadcast_in_dim3A_1755 : i32 to vector<16xi32>
      %gather3A_1757 = tpu.vector_load_idx %arg12[%iota3A, %and3A_1548, %broadcast_in_dim3A_1756] : memref<16x8x64xf32, #tpu.memory_space<vmem>>[vector<16xi32>, vector<16xi32>, vector<16xi32>], vector<16xf32>,
      %gather3A_1758 = tpu.vector_load_idx %arg13[%iota3A, %and3A_1551, %broadcast_in_dim3A_1756] : memref<16x8x64xf32, #tpu.memory_space<vmem>>[vector<16xi32>, vector<16xi32>, vector<16xi32>], vector<16xf32>,
      %gather3A_1759 = tpu.vector_load_idx %arg14[%iota3A, %and3A_1554, %broadcast_in_dim3A_1756] : memref<16x8x64xf32, #tpu.memory_space<vmem>>[vector<16xi32>, vector<16xi32>, vector<16xi32>], vector<16xf32>,
      %mul3A_1760 = arith.mulf %gather3A_1757, %gather3A_1758 : vector<16xf32>
      %add3A_1761 = arith.addf %add3A_1752, %mul3A_1760 : vector<16xf32>
      %mul3A_1762 = arith.mulf %gather3A_1757, %gather3A_1759 : vector<16xf32>
      %add3A_1763 = arith.addf %add3A_1754, %mul3A_1762 : vector<16xf32>
      %broadcast_in_dim3A_1764 = arith.constant 23 : i32
      %broadcast_in_dim3A_1765 = vector.broadcast %broadcast_in_dim3A_1764 : i32 to vector<16xi32>
      %gather3A_1766 = tpu.vector_load_idx %arg12[%iota3A, %and3A_1548, %broadcast_in_dim3A_1765] : memref<16x8x64xf32, #tpu.memory_space<vmem>>[vector<16xi32>, vector<16xi32>, vector<16xi32>], vector<16xf32>,
      %gather3A_1767 = tpu.vector_load_idx %arg13[%iota3A, %and3A_1551, %broadcast_in_dim3A_1765] : memref<16x8x64xf32, #tpu.memory_space<vmem>>[vector<16xi32>, vector<16xi32>, vector<16xi32>], vector<16xf32>,
      %gather3A_1768 = tpu.vector_load_idx %arg14[%iota3A, %and3A_1554, %broadcast_in_dim3A_1765] : memref<16x8x64xf32, #tpu.memory_space<vmem>>[vector<16xi32>, vector<16xi32>, vector<16xi32>], vector<16xf32>,
      %mul3A_1769 = arith.mulf %gather3A_1766, %gather3A_1767 : vector<16xf32>
      %add3A_1770 = arith.addf %add3A_1761, %mul3A_1769 : vector<16xf32>
      %mul3A_1771 = arith.mulf %gather3A_1766, %gather3A_1768 : vector<16xf32>
      %add3A_1772 = arith.addf %add3A_1763, %mul3A_1771 : vector<16xf32>
      %broadcast_in_dim3A_1773 = arith.constant 24 : i32
      %broadcast_in_dim3A_1774 = vector.broadcast %broadcast_in_dim3A_1773 : i32 to vector<16xi32>
      %gather3A_1775 = tpu.vector_load_idx %arg12[%iota3A, %and3A_1548, %broadcast_in_dim3A_1774] : memref<16x8x64xf32, #tpu.memory_space<vmem>>[vector<16xi32>, vector<16xi32>, vector<16xi32>], vector<16xf32>,
      %gather3A_1776 = tpu.vector_load_idx %arg13[%iota3A, %and3A_1551, %broadcast_in_dim3A_1774] : memref<16x8x64xf32, #tpu.memory_space<vmem>>[vector<16xi32>, vector<16xi32>, vector<16xi32>], vector<16xf32>,
      %gather3A_1777 = tpu.vector_load_idx %arg14[%iota3A, %and3A_1554, %broadcast_in_dim3A_1774] : memref<16x8x64xf32, #tpu.memory_space<vmem>>[vector<16xi32>, vector<16xi32>, vector<16xi32>], vector<16xf32>,
      %mul3A_1778 = arith.mulf %gather3A_1775, %gather3A_1776 : vector<16xf32>
      %add3A_1779 = arith.addf %add3A_1770, %mul3A_1778 : vector<16xf32>
      %mul3A_1780 = arith.mulf %gather3A_1775, %gather3A_1777 : vector<16xf32>
      %add3A_1781 = arith.addf %add3A_1772, %mul3A_1780 : vector<16xf32>
      %broadcast_in_dim3A_1782 = arith.constant 25 : i32
      %broadcast_in_dim3A_1783 = vector.broadcast %broadcast_in_dim3A_1782 : i32 to vector<16xi32>
      %gather3A_1784 = tpu.vector_load_idx %arg12[%iota3A, %and3A_1548, %broadcast_in_dim3A_1783] : memref<16x8x64xf32, #tpu.memory_space<vmem>>[vector<16xi32>, vector<16xi32>, vector<16xi32>], vector<16xf32>,
      %gather3A_1785 = tpu.vector_load_idx %arg13[%iota3A, %and3A_1551, %broadcast_in_dim3A_1783] : memref<16x8x64xf32, #tpu.memory_space<vmem>>[vector<16xi32>, vector<16xi32>, vector<16xi32>], vector<16xf32>,
      %gather3A_1786 = tpu.vector_load_idx %arg14[%iota3A, %and3A_1554, %broadcast_in_dim3A_1783] : memref<16x8x64xf32, #tpu.memory_space<vmem>>[vector<16xi32>, vector<16xi32>, vector<16xi32>], vector<16xf32>,
      %mul3A_1787 = arith.mulf %gather3A_1784, %gather3A_1785 : vector<16xf32>
      %add3A_1788 = arith.addf %add3A_1779, %mul3A_1787 : vector<16xf32>
      %mul3A_1789 = arith.mulf %gather3A_1784, %gather3A_1786 : vector<16xf32>
      %add3A_1790 = arith.addf %add3A_1781, %mul3A_1789 : vector<16xf32>
      %broadcast_in_dim3A_1791 = arith.constant 26 : i32
      %broadcast_in_dim3A_1792 = vector.broadcast %broadcast_in_dim3A_1791 : i32 to vector<16xi32>
      %gather3A_1793 = tpu.vector_load_idx %arg12[%iota3A, %and3A_1548, %broadcast_in_dim3A_1792] : memref<16x8x64xf32, #tpu.memory_space<vmem>>[vector<16xi32>, vector<16xi32>, vector<16xi32>], vector<16xf32>,
      %gather3A_1794 = tpu.vector_load_idx %arg13[%iota3A, %and3A_1551, %broadcast_in_dim3A_1792] : memref<16x8x64xf32, #tpu.memory_space<vmem>>[vector<16xi32>, vector<16xi32>, vector<16xi32>], vector<16xf32>,
      %gather3A_1795 = tpu.vector_load_idx %arg14[%iota3A, %and3A_1554, %broadcast_in_dim3A_1792] : memref<16x8x64xf32, #tpu.memory_space<vmem>>[vector<16xi32>, vector<16xi32>, vector<16xi32>], vector<16xf32>,
      %mul3A_1796 = arith.mulf %gather3A_1793, %gather3A_1794 : vector<16xf32>
      %add3A_1797 = arith.addf %add3A_1788, %mul3A_1796 : vector<16xf32>
      %mul3A_1798 = arith.mulf %gather3A_1793, %gather3A_1795 : vector<16xf32>
      %add3A_1799 = arith.addf %add3A_1790, %mul3A_1798 : vector<16xf32>
      %broadcast_in_dim3A_1800 = arith.constant 27 : i32
      %broadcast_in_dim3A_1801 = vector.broadcast %broadcast_in_dim3A_1800 : i32 to vector<16xi32>
      %gather3A_1802 = tpu.vector_load_idx %arg12[%iota3A, %and3A_1548, %broadcast_in_dim3A_1801] : memref<16x8x64xf32, #tpu.memory_space<vmem>>[vector<16xi32>, vector<16xi32>, vector<16xi32>], vector<16xf32>,
      %gather3A_1803 = tpu.vector_load_idx %arg13[%iota3A, %and3A_1551, %broadcast_in_dim3A_1801] : memref<16x8x64xf32, #tpu.memory_space<vmem>>[vector<16xi32>, vector<16xi32>, vector<16xi32>], vector<16xf32>,
      %gather3A_1804 = tpu.vector_load_idx %arg14[%iota3A, %and3A_1554, %broadcast_in_dim3A_1801] : memref<16x8x64xf32, #tpu.memory_space<vmem>>[vector<16xi32>, vector<16xi32>, vector<16xi32>], vector<16xf32>,
      %mul3A_1805 = arith.mulf %gather3A_1802, %gather3A_1803 : vector<16xf32>
      %add3A_1806 = arith.addf %add3A_1797, %mul3A_1805 : vector<16xf32>
      %mul3A_1807 = arith.mulf %gather3A_1802, %gather3A_1804 : vector<16xf32>
      %add3A_1808 = arith.addf %add3A_1799, %mul3A_1807 : vector<16xf32>
      %broadcast_in_dim3A_1809 = arith.constant 28 : i32
      %broadcast_in_dim3A_1810 = vector.broadcast %broadcast_in_dim3A_1809 : i32 to vector<16xi32>
      %gather3A_1811 = tpu.vector_load_idx %arg12[%iota3A, %and3A_1548, %broadcast_in_dim3A_1810] : memref<16x8x64xf32, #tpu.memory_space<vmem>>[vector<16xi32>, vector<16xi32>, vector<16xi32>], vector<16xf32>,
      %gather3A_1812 = tpu.vector_load_idx %arg13[%iota3A, %and3A_1551, %broadcast_in_dim3A_1810] : memref<16x8x64xf32, #tpu.memory_space<vmem>>[vector<16xi32>, vector<16xi32>, vector<16xi32>], vector<16xf32>,
      %gather3A_1813 = tpu.vector_load_idx %arg14[%iota3A, %and3A_1554, %broadcast_in_dim3A_1810] : memref<16x8x64xf32, #tpu.memory_space<vmem>>[vector<16xi32>, vector<16xi32>, vector<16xi32>], vector<16xf32>,
      %mul3A_1814 = arith.mulf %gather3A_1811, %gather3A_1812 : vector<16xf32>
      %add3A_1815 = arith.addf %add3A_1806, %mul3A_1814 : vector<16xf32>
      %mul3A_1816 = arith.mulf %gather3A_1811, %gather3A_1813 : vector<16xf32>
      %add3A_1817 = arith.addf %add3A_1808, %mul3A_1816 : vector<16xf32>
      %broadcast_in_dim3A_1818 = arith.constant 29 : i32
      %broadcast_in_dim3A_1819 = vector.broadcast %broadcast_in_dim3A_1818 : i32 to vector<16xi32>
      %gather3A_1820 = tpu.vector_load_idx %arg12[%iota3A, %and3A_1548, %broadcast_in_dim3A_1819] : memref<16x8x64xf32, #tpu.memory_space<vmem>>[vector<16xi32>, vector<16xi32>, vector<16xi32>], vector<16xf32>,
      %gather3A_1821 = tpu.vector_load_idx %arg13[%iota3A, %and3A_1551, %broadcast_in_dim3A_1819] : memref<16x8x64xf32, #tpu.memory_space<vmem>>[vector<16xi32>, vector<16xi32>, vector<16xi32>], vector<16xf32>,
      %gather3A_1822 = tpu.vector_load_idx %arg14[%iota3A, %and3A_1554, %broadcast_in_dim3A_1819] : memref<16x8x64xf32, #tpu.memory_space<vmem>>[vector<16xi32>, vector<16xi32>, vector<16xi32>], vector<16xf32>,
      %mul3A_1823 = arith.mulf %gather3A_1820, %gather3A_1821 : vector<16xf32>
      %add3A_1824 = arith.addf %add3A_1815, %mul3A_1823 : vector<16xf32>
      %mul3A_1825 = arith.mulf %gather3A_1820, %gather3A_1822 : vector<16xf32>
      %add3A_1826 = arith.addf %add3A_1817, %mul3A_1825 : vector<16xf32>
      %broadcast_in_dim3A_1827 = arith.constant 30 : i32
      %broadcast_in_dim3A_1828 = vector.broadcast %broadcast_in_dim3A_1827 : i32 to vector<16xi32>
      %gather3A_1829 = tpu.vector_load_idx %arg12[%iota3A, %and3A_1548, %broadcast_in_dim3A_1828] : memref<16x8x64xf32, #tpu.memory_space<vmem>>[vector<16xi32>, vector<16xi32>, vector<16xi32>], vector<16xf32>,
      %gather3A_1830 = tpu.vector_load_idx %arg13[%iota3A, %and3A_1551, %broadcast_in_dim3A_1828] : memref<16x8x64xf32, #tpu.memory_space<vmem>>[vector<16xi32>, vector<16xi32>, vector<16xi32>], vector<16xf32>,
      %gather3A_1831 = tpu.vector_load_idx %arg14[%iota3A, %and3A_1554, %broadcast_in_dim3A_1828] : memref<16x8x64xf32, #tpu.memory_space<vmem>>[vector<16xi32>, vector<16xi32>, vector<16xi32>], vector<16xf32>,
      %mul3A_1832 = arith.mulf %gather3A_1829, %gather3A_1830 : vector<16xf32>
      %add3A_1833 = arith.addf %add3A_1824, %mul3A_1832 : vector<16xf32>
      %mul3A_1834 = arith.mulf %gather3A_1829, %gather3A_1831 : vector<16xf32>
      %add3A_1835 = arith.addf %add3A_1826, %mul3A_1834 : vector<16xf32>
      %broadcast_in_dim3A_1836 = arith.constant 31 : i32
      %broadcast_in_dim3A_1837 = vector.broadcast %broadcast_in_dim3A_1836 : i32 to vector<16xi32>
      %gather3A_1838 = tpu.vector_load_idx %arg12[%iota3A, %and3A_1548, %broadcast_in_dim3A_1837] : memref<16x8x64xf32, #tpu.memory_space<vmem>>[vector<16xi32>, vector<16xi32>, vector<16xi32>], vector<16xf32>,
      %gather3A_1839 = tpu.vector_load_idx %arg13[%iota3A, %and3A_1551, %broadcast_in_dim3A_1837] : memref<16x8x64xf32, #tpu.memory_space<vmem>>[vector<16xi32>, vector<16xi32>, vector<16xi32>], vector<16xf32>,
      %gather3A_1840 = tpu.vector_load_idx %arg14[%iota3A, %and3A_1554, %broadcast_in_dim3A_1837] : memref<16x8x64xf32, #tpu.memory_space<vmem>>[vector<16xi32>, vector<16xi32>, vector<16xi32>], vector<16xf32>,
      %mul3A_1841 = arith.mulf %gather3A_1838, %gather3A_1839 : vector<16xf32>
      %add3A_1842 = arith.addf %add3A_1833, %mul3A_1841 : vector<16xf32>
      %mul3A_1843 = arith.mulf %gather3A_1838, %gather3A_1840 : vector<16xf32>
      %add3A_1844 = arith.addf %add3A_1835, %mul3A_1843 : vector<16xf32>
      %broadcast_in_dim3A_1845 = arith.constant 32 : i32
      %broadcast_in_dim3A_1846 = vector.broadcast %broadcast_in_dim3A_1845 : i32 to vector<16xi32>
      %gather3A_1847 = tpu.vector_load_idx %arg12[%iota3A, %and3A_1548, %broadcast_in_dim3A_1846] : memref<16x8x64xf32, #tpu.memory_space<vmem>>[vector<16xi32>, vector<16xi32>, vector<16xi32>], vector<16xf32>,
      %gather3A_1848 = tpu.vector_load_idx %arg13[%iota3A, %and3A_1551, %broadcast_in_dim3A_1846] : memref<16x8x64xf32, #tpu.memory_space<vmem>>[vector<16xi32>, vector<16xi32>, vector<16xi32>], vector<16xf32>,
      %gather3A_1849 = tpu.vector_load_idx %arg14[%iota3A, %and3A_1554, %broadcast_in_dim3A_1846] : memref<16x8x64xf32, #tpu.memory_space<vmem>>[vector<16xi32>, vector<16xi32>, vector<16xi32>], vector<16xf32>,
      %mul3A_1850 = arith.mulf %gather3A_1847, %gather3A_1848 : vector<16xf32>
      %add3A_1851 = arith.addf %add3A_1842, %mul3A_1850 : vector<16xf32>
      %mul3A_1852 = arith.mulf %gather3A_1847, %gather3A_1849 : vector<16xf32>
      %add3A_1853 = arith.addf %add3A_1844, %mul3A_1852 : vector<16xf32>
      %broadcast_in_dim3A_1854 = arith.constant 33 : i32
      %broadcast_in_dim3A_1855 = vector.broadcast %broadcast_in_dim3A_1854 : i32 to vector<16xi32>
      %gather3A_1856 = tpu.vector_load_idx %arg12[%iota3A, %and3A_1548, %broadcast_in_dim3A_1855] : memref<16x8x64xf32, #tpu.memory_space<vmem>>[vector<16xi32>, vector<16xi32>, vector<16xi32>], vector<16xf32>,
      %gather3A_1857 = tpu.vector_load_idx %arg13[%iota3A, %and3A_1551, %broadcast_in_dim3A_1855] : memref<16x8x64xf32, #tpu.memory_space<vmem>>[vector<16xi32>, vector<16xi32>, vector<16xi32>], vector<16xf32>,
      %gather3A_1858 = tpu.vector_load_idx %arg14[%iota3A, %and3A_1554, %broadcast_in_dim3A_1855] : memref<16x8x64xf32, #tpu.memory_space<vmem>>[vector<16xi32>, vector<16xi32>, vector<16xi32>], vector<16xf32>,
      %mul3A_1859 = arith.mulf %gather3A_1856, %gather3A_1857 : vector<16xf32>
      %add3A_1860 = arith.addf %add3A_1851, %mul3A_1859 : vector<16xf32>
      %mul3A_1861 = arith.mulf %gather3A_1856, %gather3A_1858 : vector<16xf32>
      %add3A_1862 = arith.addf %add3A_1853, %mul3A_1861 : vector<16xf32>
      %broadcast_in_dim3A_1863 = arith.constant 34 : i32
      %broadcast_in_dim3A_1864 = vector.broadcast %broadcast_in_dim3A_1863 : i32 to vector<16xi32>
      %gather3A_1865 = tpu.vector_load_idx %arg12[%iota3A, %and3A_1548, %broadcast_in_dim3A_1864] : memref<16x8x64xf32, #tpu.memory_space<vmem>>[vector<16xi32>, vector<16xi32>, vector<16xi32>], vector<16xf32>,
      %gather3A_1866 = tpu.vector_load_idx %arg13[%iota3A, %and3A_1551, %broadcast_in_dim3A_1864] : memref<16x8x64xf32, #tpu.memory_space<vmem>>[vector<16xi32>, vector<16xi32>, vector<16xi32>], vector<16xf32>,
      %gather3A_1867 = tpu.vector_load_idx %arg14[%iota3A, %and3A_1554, %broadcast_in_dim3A_1864] : memref<16x8x64xf32, #tpu.memory_space<vmem>>[vector<16xi32>, vector<16xi32>, vector<16xi32>], vector<16xf32>,
      %mul3A_1868 = arith.mulf %gather3A_1865, %gather3A_1866 : vector<16xf32>
      %add3A_1869 = arith.addf %add3A_1860, %mul3A_1868 : vector<16xf32>
      %mul3A_1870 = arith.mulf %gather3A_1865, %gather3A_1867 : vector<16xf32>
      %add3A_1871 = arith.addf %add3A_1862, %mul3A_1870 : vector<16xf32>
      %broadcast_in_dim3A_1872 = arith.constant 35 : i32
      %broadcast_in_dim3A_1873 = vector.broadcast %broadcast_in_dim3A_1872 : i32 to vector<16xi32>
      %gather3A_1874 = tpu.vector_load_idx %arg12[%iota3A, %and3A_1548, %broadcast_in_dim3A_1873] : memref<16x8x64xf32, #tpu.memory_space<vmem>>[vector<16xi32>, vector<16xi32>, vector<16xi32>], vector<16xf32>,
      %gather3A_1875 = tpu.vector_load_idx %arg13[%iota3A, %and3A_1551, %broadcast_in_dim3A_1873] : memref<16x8x64xf32, #tpu.memory_space<vmem>>[vector<16xi32>, vector<16xi32>, vector<16xi32>], vector<16xf32>,
      %gather3A_1876 = tpu.vector_load_idx %arg14[%iota3A, %and3A_1554, %broadcast_in_dim3A_1873] : memref<16x8x64xf32, #tpu.memory_space<vmem>>[vector<16xi32>, vector<16xi32>, vector<16xi32>], vector<16xf32>,
      %mul3A_1877 = arith.mulf %gather3A_1874, %gather3A_1875 : vector<16xf32>
      %add3A_1878 = arith.addf %add3A_1869, %mul3A_1877 : vector<16xf32>
      %mul3A_1879 = arith.mulf %gather3A_1874, %gather3A_1876 : vector<16xf32>
      %add3A_1880 = arith.addf %add3A_1871, %mul3A_1879 : vector<16xf32>
      %broadcast_in_dim3A_1881 = arith.constant 36 : i32
      %broadcast_in_dim3A_1882 = vector.broadcast %broadcast_in_dim3A_1881 : i32 to vector<16xi32>
      %gather3A_1883 = tpu.vector_load_idx %arg12[%iota3A, %and3A_1548, %broadcast_in_dim3A_1882] : memref<16x8x64xf32, #tpu.memory_space<vmem>>[vector<16xi32>, vector<16xi32>, vector<16xi32>], vector<16xf32>,
      %gather3A_1884 = tpu.vector_load_idx %arg13[%iota3A, %and3A_1551, %broadcast_in_dim3A_1882] : memref<16x8x64xf32, #tpu.memory_space<vmem>>[vector<16xi32>, vector<16xi32>, vector<16xi32>], vector<16xf32>,
      %gather3A_1885 = tpu.vector_load_idx %arg14[%iota3A, %and3A_1554, %broadcast_in_dim3A_1882] : memref<16x8x64xf32, #tpu.memory_space<vmem>>[vector<16xi32>, vector<16xi32>, vector<16xi32>], vector<16xf32>,
      %mul3A_1886 = arith.mulf %gather3A_1883, %gather3A_1884 : vector<16xf32>
      %add3A_1887 = arith.addf %add3A_1878, %mul3A_1886 : vector<16xf32>
      %mul3A_1888 = arith.mulf %gather3A_1883, %gather3A_1885 : vector<16xf32>
      %add3A_1889 = arith.addf %add3A_1880, %mul3A_1888 : vector<16xf32>
      %broadcast_in_dim3A_1890 = arith.constant 37 : i32
      %broadcast_in_dim3A_1891 = vector.broadcast %broadcast_in_dim3A_1890 : i32 to vector<16xi32>
      %gather3A_1892 = tpu.vector_load_idx %arg12[%iota3A, %and3A_1548, %broadcast_in_dim3A_1891] : memref<16x8x64xf32, #tpu.memory_space<vmem>>[vector<16xi32>, vector<16xi32>, vector<16xi32>], vector<16xf32>,
      %gather3A_1893 = tpu.vector_load_idx %arg13[%iota3A, %and3A_1551, %broadcast_in_dim3A_1891] : memref<16x8x64xf32, #tpu.memory_space<vmem>>[vector<16xi32>, vector<16xi32>, vector<16xi32>], vector<16xf32>,
      %gather3A_1894 = tpu.vector_load_idx %arg14[%iota3A, %and3A_1554, %broadcast_in_dim3A_1891] : memref<16x8x64xf32, #tpu.memory_space<vmem>>[vector<16xi32>, vector<16xi32>, vector<16xi32>], vector<16xf32>,
      %mul3A_1895 = arith.mulf %gather3A_1892, %gather3A_1893 : vector<16xf32>
      %add3A_1896 = arith.addf %add3A_1887, %mul3A_1895 : vector<16xf32>
      %mul3A_1897 = arith.mulf %gather3A_1892, %gather3A_1894 : vector<16xf32>
      %add3A_1898 = arith.addf %add3A_1889, %mul3A_1897 : vector<16xf32>
      %broadcast_in_dim3A_1899 = arith.constant 38 : i32
      %broadcast_in_dim3A_1900 = vector.broadcast %broadcast_in_dim3A_1899 : i32 to vector<16xi32>
      %gather3A_1901 = tpu.vector_load_idx %arg12[%iota3A, %and3A_1548, %broadcast_in_dim3A_1900] : memref<16x8x64xf32, #tpu.memory_space<vmem>>[vector<16xi32>, vector<16xi32>, vector<16xi32>], vector<16xf32>,
      %gather3A_1902 = tpu.vector_load_idx %arg13[%iota3A, %and3A_1551, %broadcast_in_dim3A_1900] : memref<16x8x64xf32, #tpu.memory_space<vmem>>[vector<16xi32>, vector<16xi32>, vector<16xi32>], vector<16xf32>,
      %gather3A_1903 = tpu.vector_load_idx %arg14[%iota3A, %and3A_1554, %broadcast_in_dim3A_1900] : memref<16x8x64xf32, #tpu.memory_space<vmem>>[vector<16xi32>, vector<16xi32>, vector<16xi32>], vector<16xf32>,
      %mul3A_1904 = arith.mulf %gather3A_1901, %gather3A_1902 : vector<16xf32>
      %add3A_1905 = arith.addf %add3A_1896, %mul3A_1904 : vector<16xf32>
      %mul3A_1906 = arith.mulf %gather3A_1901, %gather3A_1903 : vector<16xf32>
      %add3A_1907 = arith.addf %add3A_1898, %mul3A_1906 : vector<16xf32>
      %broadcast_in_dim3A_1908 = arith.constant 39 : i32
      %broadcast_in_dim3A_1909 = vector.broadcast %broadcast_in_dim3A_1908 : i32 to vector<16xi32>
      %gather3A_1910 = tpu.vector_load_idx %arg12[%iota3A, %and3A_1548, %broadcast_in_dim3A_1909] : memref<16x8x64xf32, #tpu.memory_space<vmem>>[vector<16xi32>, vector<16xi32>, vector<16xi32>], vector<16xf32>,
      %gather3A_1911 = tpu.vector_load_idx %arg13[%iota3A, %and3A_1551, %broadcast_in_dim3A_1909] : memref<16x8x64xf32, #tpu.memory_space<vmem>>[vector<16xi32>, vector<16xi32>, vector<16xi32>], vector<16xf32>,
      %gather3A_1912 = tpu.vector_load_idx %arg14[%iota3A, %and3A_1554, %broadcast_in_dim3A_1909] : memref<16x8x64xf32, #tpu.memory_space<vmem>>[vector<16xi32>, vector<16xi32>, vector<16xi32>], vector<16xf32>,
      %mul3A_1913 = arith.mulf %gather3A_1910, %gather3A_1911 : vector<16xf32>
      %add3A_1914 = arith.addf %add3A_1905, %mul3A_1913 : vector<16xf32>
      %mul3A_1915 = arith.mulf %gather3A_1910, %gather3A_1912 : vector<16xf32>
      %add3A_1916 = arith.addf %add3A_1907, %mul3A_1915 : vector<16xf32>
      %broadcast_in_dim3A_1917 = arith.constant 40 : i32
      %broadcast_in_dim3A_1918 = vector.broadcast %broadcast_in_dim3A_1917 : i32 to vector<16xi32>
      %gather3A_1919 = tpu.vector_load_idx %arg12[%iota3A, %and3A_1548, %broadcast_in_dim3A_1918] : memref<16x8x64xf32, #tpu.memory_space<vmem>>[vector<16xi32>, vector<16xi32>, vector<16xi32>], vector<16xf32>,
      %gather3A_1920 = tpu.vector_load_idx %arg13[%iota3A, %and3A_1551, %broadcast_in_dim3A_1918] : memref<16x8x64xf32, #tpu.memory_space<vmem>>[vector<16xi32>, vector<16xi32>, vector<16xi32>], vector<16xf32>,
      %gather3A_1921 = tpu.vector_load_idx %arg14[%iota3A, %and3A_1554, %broadcast_in_dim3A_1918] : memref<16x8x64xf32, #tpu.memory_space<vmem>>[vector<16xi32>, vector<16xi32>, vector<16xi32>], vector<16xf32>,
      %mul3A_1922 = arith.mulf %gather3A_1919, %gather3A_1920 : vector<16xf32>
      %add3A_1923 = arith.addf %add3A_1914, %mul3A_1922 : vector<16xf32>
      %mul3A_1924 = arith.mulf %gather3A_1919, %gather3A_1921 : vector<16xf32>
      %add3A_1925 = arith.addf %add3A_1916, %mul3A_1924 : vector<16xf32>
      %broadcast_in_dim3A_1926 = arith.constant 41 : i32
      %broadcast_in_dim3A_1927 = vector.broadcast %broadcast_in_dim3A_1926 : i32 to vector<16xi32>
      %gather3A_1928 = tpu.vector_load_idx %arg12[%iota3A, %and3A_1548, %broadcast_in_dim3A_1927] : memref<16x8x64xf32, #tpu.memory_space<vmem>>[vector<16xi32>, vector<16xi32>, vector<16xi32>], vector<16xf32>,
      %gather3A_1929 = tpu.vector_load_idx %arg13[%iota3A, %and3A_1551, %broadcast_in_dim3A_1927] : memref<16x8x64xf32, #tpu.memory_space<vmem>>[vector<16xi32>, vector<16xi32>, vector<16xi32>], vector<16xf32>,
      %gather3A_1930 = tpu.vector_load_idx %arg14[%iota3A, %and3A_1554, %broadcast_in_dim3A_1927] : memref<16x8x64xf32, #tpu.memory_space<vmem>>[vector<16xi32>, vector<16xi32>, vector<16xi32>], vector<16xf32>,
      %mul3A_1931 = arith.mulf %gather3A_1928, %gather3A_1929 : vector<16xf32>
      %add3A_1932 = arith.addf %add3A_1923, %mul3A_1931 : vector<16xf32>
      %mul3A_1933 = arith.mulf %gather3A_1928, %gather3A_1930 : vector<16xf32>
      %add3A_1934 = arith.addf %add3A_1925, %mul3A_1933 : vector<16xf32>
      %broadcast_in_dim3A_1935 = arith.constant 42 : i32
      %broadcast_in_dim3A_1936 = vector.broadcast %broadcast_in_dim3A_1935 : i32 to vector<16xi32>
      %gather3A_1937 = tpu.vector_load_idx %arg12[%iota3A, %and3A_1548, %broadcast_in_dim3A_1936] : memref<16x8x64xf32, #tpu.memory_space<vmem>>[vector<16xi32>, vector<16xi32>, vector<16xi32>], vector<16xf32>,
      %gather3A_1938 = tpu.vector_load_idx %arg13[%iota3A, %and3A_1551, %broadcast_in_dim3A_1936] : memref<16x8x64xf32, #tpu.memory_space<vmem>>[vector<16xi32>, vector<16xi32>, vector<16xi32>], vector<16xf32>,
      %gather3A_1939 = tpu.vector_load_idx %arg14[%iota3A, %and3A_1554, %broadcast_in_dim3A_1936] : memref<16x8x64xf32, #tpu.memory_space<vmem>>[vector<16xi32>, vector<16xi32>, vector<16xi32>], vector<16xf32>,
      %mul3A_1940 = arith.mulf %gather3A_1937, %gather3A_1938 : vector<16xf32>
      %add3A_1941 = arith.addf %add3A_1932, %mul3A_1940 : vector<16xf32>
      %mul3A_1942 = arith.mulf %gather3A_1937, %gather3A_1939 : vector<16xf32>
      %add3A_1943 = arith.addf %add3A_1934, %mul3A_1942 : vector<16xf32>
      %broadcast_in_dim3A_1944 = arith.constant 43 : i32
      %broadcast_in_dim3A_1945 = vector.broadcast %broadcast_in_dim3A_1944 : i32 to vector<16xi32>
      %gather3A_1946 = tpu.vector_load_idx %arg12[%iota3A, %and3A_1548, %broadcast_in_dim3A_1945] : memref<16x8x64xf32, #tpu.memory_space<vmem>>[vector<16xi32>, vector<16xi32>, vector<16xi32>], vector<16xf32>,
      %gather3A_1947 = tpu.vector_load_idx %arg13[%iota3A, %and3A_1551, %broadcast_in_dim3A_1945] : memref<16x8x64xf32, #tpu.memory_space<vmem>>[vector<16xi32>, vector<16xi32>, vector<16xi32>], vector<16xf32>,
      %gather3A_1948 = tpu.vector_load_idx %arg14[%iota3A, %and3A_1554, %broadcast_in_dim3A_1945] : memref<16x8x64xf32, #tpu.memory_space<vmem>>[vector<16xi32>, vector<16xi32>, vector<16xi32>], vector<16xf32>,
      %mul3A_1949 = arith.mulf %gather3A_1946, %gather3A_1947 : vector<16xf32>
      %add3A_1950 = arith.addf %add3A_1941, %mul3A_1949 : vector<16xf32>
      %mul3A_1951 = arith.mulf %gather3A_1946, %gather3A_1948 : vector<16xf32>
      %add3A_1952 = arith.addf %add3A_1943, %mul3A_1951 : vector<16xf32>
      %broadcast_in_dim3A_1953 = arith.constant 44 : i32
      %broadcast_in_dim3A_1954 = vector.broadcast %broadcast_in_dim3A_1953 : i32 to vector<16xi32>
      %gather3A_1955 = tpu.vector_load_idx %arg12[%iota3A, %and3A_1548, %broadcast_in_dim3A_1954] : memref<16x8x64xf32, #tpu.memory_space<vmem>>[vector<16xi32>, vector<16xi32>, vector<16xi32>], vector<16xf32>,
      %gather3A_1956 = tpu.vector_load_idx %arg13[%iota3A, %and3A_1551, %broadcast_in_dim3A_1954] : memref<16x8x64xf32, #tpu.memory_space<vmem>>[vector<16xi32>, vector<16xi32>, vector<16xi32>], vector<16xf32>,
      %gather3A_1957 = tpu.vector_load_idx %arg14[%iota3A, %and3A_1554, %broadcast_in_dim3A_1954] : memref<16x8x64xf32, #tpu.memory_space<vmem>>[vector<16xi32>, vector<16xi32>, vector<16xi32>], vector<16xf32>,
      %mul3A_1958 = arith.mulf %gather3A_1955, %gather3A_1956 : vector<16xf32>
      %add3A_1959 = arith.addf %add3A_1950, %mul3A_1958 : vector<16xf32>
      %mul3A_1960 = arith.mulf %gather3A_1955, %gather3A_1957 : vector<16xf32>
      %add3A_1961 = arith.addf %add3A_1952, %mul3A_1960 : vector<16xf32>
      %broadcast_in_dim3A_1962 = arith.constant 45 : i32
      %broadcast_in_dim3A_1963 = vector.broadcast %broadcast_in_dim3A_1962 : i32 to vector<16xi32>
      %gather3A_1964 = tpu.vector_load_idx %arg12[%iota3A, %and3A_1548, %broadcast_in_dim3A_1963] : memref<16x8x64xf32, #tpu.memory_space<vmem>>[vector<16xi32>, vector<16xi32>, vector<16xi32>], vector<16xf32>,
      %gather3A_1965 = tpu.vector_load_idx %arg13[%iota3A, %and3A_1551, %broadcast_in_dim3A_1963] : memref<16x8x64xf32, #tpu.memory_space<vmem>>[vector<16xi32>, vector<16xi32>, vector<16xi32>], vector<16xf32>,
      %gather3A_1966 = tpu.vector_load_idx %arg14[%iota3A, %and3A_1554, %broadcast_in_dim3A_1963] : memref<16x8x64xf32, #tpu.memory_space<vmem>>[vector<16xi32>, vector<16xi32>, vector<16xi32>], vector<16xf32>,
      %mul3A_1967 = arith.mulf %gather3A_1964, %gather3A_1965 : vector<16xf32>
      %add3A_1968 = arith.addf %add3A_1959, %mul3A_1967 : vector<16xf32>
      %mul3A_1969 = arith.mulf %gather3A_1964, %gather3A_1966 : vector<16xf32>
      %add3A_1970 = arith.addf %add3A_1961, %mul3A_1969 : vector<16xf32>
      %broadcast_in_dim3A_1971 = arith.constant 46 : i32
      %broadcast_in_dim3A_1972 = vector.broadcast %broadcast_in_dim3A_1971 : i32 to vector<16xi32>
      %gather3A_1973 = tpu.vector_load_idx %arg12[%iota3A, %and3A_1548, %broadcast_in_dim3A_1972] : memref<16x8x64xf32, #tpu.memory_space<vmem>>[vector<16xi32>, vector<16xi32>, vector<16xi32>], vector<16xf32>,
      %gather3A_1974 = tpu.vector_load_idx %arg13[%iota3A, %and3A_1551, %broadcast_in_dim3A_1972] : memref<16x8x64xf32, #tpu.memory_space<vmem>>[vector<16xi32>, vector<16xi32>, vector<16xi32>], vector<16xf32>,
      %gather3A_1975 = tpu.vector_load_idx %arg14[%iota3A, %and3A_1554, %broadcast_in_dim3A_1972] : memref<16x8x64xf32, #tpu.memory_space<vmem>>[vector<16xi32>, vector<16xi32>, vector<16xi32>], vector<16xf32>,
      %mul3A_1976 = arith.mulf %gather3A_1973, %gather3A_1974 : vector<16xf32>
      %add3A_1977 = arith.addf %add3A_1968, %mul3A_1976 : vector<16xf32>
      %mul3A_1978 = arith.mulf %gather3A_1973, %gather3A_1975 : vector<16xf32>
      %add3A_1979 = arith.addf %add3A_1970, %mul3A_1978 : vector<16xf32>
      %broadcast_in_dim3A_1980 = arith.constant 47 : i32
      %broadcast_in_dim3A_1981 = vector.broadcast %broadcast_in_dim3A_1980 : i32 to vector<16xi32>
      %gather3A_1982 = tpu.vector_load_idx %arg12[%iota3A, %and3A_1548, %broadcast_in_dim3A_1981] : memref<16x8x64xf32, #tpu.memory_space<vmem>>[vector<16xi32>, vector<16xi32>, vector<16xi32>], vector<16xf32>,
      %gather3A_1983 = tpu.vector_load_idx %arg13[%iota3A, %and3A_1551, %broadcast_in_dim3A_1981] : memref<16x8x64xf32, #tpu.memory_space<vmem>>[vector<16xi32>, vector<16xi32>, vector<16xi32>], vector<16xf32>,
      %gather3A_1984 = tpu.vector_load_idx %arg14[%iota3A, %and3A_1554, %broadcast_in_dim3A_1981] : memref<16x8x64xf32, #tpu.memory_space<vmem>>[vector<16xi32>, vector<16xi32>, vector<16xi32>], vector<16xf32>,
      %mul3A_1985 = arith.mulf %gather3A_1982, %gather3A_1983 : vector<16xf32>
      %add3A_1986 = arith.addf %add3A_1977, %mul3A_1985 : vector<16xf32>
      %mul3A_1987 = arith.mulf %gather3A_1982, %gather3A_1984 : vector<16xf32>
      %add3A_1988 = arith.addf %add3A_1979, %mul3A_1987 : vector<16xf32>
      %broadcast_in_dim3A_1989 = arith.constant 48 : i32
      %broadcast_in_dim3A_1990 = vector.broadcast %broadcast_in_dim3A_1989 : i32 to vector<16xi32>
      %gather3A_1991 = tpu.vector_load_idx %arg12[%iota3A, %and3A_1548, %broadcast_in_dim3A_1990] : memref<16x8x64xf32, #tpu.memory_space<vmem>>[vector<16xi32>, vector<16xi32>, vector<16xi32>], vector<16xf32>,
      %gather3A_1992 = tpu.vector_load_idx %arg13[%iota3A, %and3A_1551, %broadcast_in_dim3A_1990] : memref<16x8x64xf32, #tpu.memory_space<vmem>>[vector<16xi32>, vector<16xi32>, vector<16xi32>], vector<16xf32>,
      %gather3A_1993 = tpu.vector_load_idx %arg14[%iota3A, %and3A_1554, %broadcast_in_dim3A_1990] : memref<16x8x64xf32, #tpu.memory_space<vmem>>[vector<16xi32>, vector<16xi32>, vector<16xi32>], vector<16xf32>,
      %mul3A_1994 = arith.mulf %gather3A_1991, %gather3A_1992 : vector<16xf32>
      %add3A_1995 = arith.addf %add3A_1986, %mul3A_1994 : vector<16xf32>
      %mul3A_1996 = arith.mulf %gather3A_1991, %gather3A_1993 : vector<16xf32>
      %add3A_1997 = arith.addf %add3A_1988, %mul3A_1996 : vector<16xf32>
      %broadcast_in_dim3A_1998 = arith.constant 49 : i32
      %broadcast_in_dim3A_1999 = vector.broadcast %broadcast_in_dim3A_1998 : i32 to vector<16xi32>
      %gather3A_2000 = tpu.vector_load_idx %arg12[%iota3A, %and3A_1548, %broadcast_in_dim3A_1999] : memref<16x8x64xf32, #tpu.memory_space<vmem>>[vector<16xi32>, vector<16xi32>, vector<16xi32>], vector<16xf32>,
      %gather3A_2001 = tpu.vector_load_idx %arg13[%iota3A, %and3A_1551, %broadcast_in_dim3A_1999] : memref<16x8x64xf32, #tpu.memory_space<vmem>>[vector<16xi32>, vector<16xi32>, vector<16xi32>], vector<16xf32>,
      %gather3A_2002 = tpu.vector_load_idx %arg14[%iota3A, %and3A_1554, %broadcast_in_dim3A_1999] : memref<16x8x64xf32, #tpu.memory_space<vmem>>[vector<16xi32>, vector<16xi32>, vector<16xi32>], vector<16xf32>,
      %mul3A_2003 = arith.mulf %gather3A_2000, %gather3A_2001 : vector<16xf32>
      %add3A_2004 = arith.addf %add3A_1995, %mul3A_2003 : vector<16xf32>
      %mul3A_2005 = arith.mulf %gather3A_2000, %gather3A_2002 : vector<16xf32>
      %add3A_2006 = arith.addf %add3A_1997, %mul3A_2005 : vector<16xf32>
      %broadcast_in_dim3A_2007 = arith.constant 50 : i32
      %broadcast_in_dim3A_2008 = vector.broadcast %broadcast_in_dim3A_2007 : i32 to vector<16xi32>
      %gather3A_2009 = tpu.vector_load_idx %arg12[%iota3A, %and3A_1548, %broadcast_in_dim3A_2008] : memref<16x8x64xf32, #tpu.memory_space<vmem>>[vector<16xi32>, vector<16xi32>, vector<16xi32>], vector<16xf32>,
      %gather3A_2010 = tpu.vector_load_idx %arg13[%iota3A, %and3A_1551, %broadcast_in_dim3A_2008] : memref<16x8x64xf32, #tpu.memory_space<vmem>>[vector<16xi32>, vector<16xi32>, vector<16xi32>], vector<16xf32>,
      %gather3A_2011 = tpu.vector_load_idx %arg14[%iota3A, %and3A_1554, %broadcast_in_dim3A_2008] : memref<16x8x64xf32, #tpu.memory_space<vmem>>[vector<16xi32>, vector<16xi32>, vector<16xi32>], vector<16xf32>,
      %mul3A_2012 = arith.mulf %gather3A_2009, %gather3A_2010 : vector<16xf32>
      %add3A_2013 = arith.addf %add3A_2004, %mul3A_2012 : vector<16xf32>
      %mul3A_2014 = arith.mulf %gather3A_2009, %gather3A_2011 : vector<16xf32>
      %add3A_2015 = arith.addf %add3A_2006, %mul3A_2014 : vector<16xf32>
      %broadcast_in_dim3A_2016 = arith.constant 51 : i32
      %broadcast_in_dim3A_2017 = vector.broadcast %broadcast_in_dim3A_2016 : i32 to vector<16xi32>
      %gather3A_2018 = tpu.vector_load_idx %arg12[%iota3A, %and3A_1548, %broadcast_in_dim3A_2017] : memref<16x8x64xf32, #tpu.memory_space<vmem>>[vector<16xi32>, vector<16xi32>, vector<16xi32>], vector<16xf32>,
      %gather3A_2019 = tpu.vector_load_idx %arg13[%iota3A, %and3A_1551, %broadcast_in_dim3A_2017] : memref<16x8x64xf32, #tpu.memory_space<vmem>>[vector<16xi32>, vector<16xi32>, vector<16xi32>], vector<16xf32>,
      %gather3A_2020 = tpu.vector_load_idx %arg14[%iota3A, %and3A_1554, %broadcast_in_dim3A_2017] : memref<16x8x64xf32, #tpu.memory_space<vmem>>[vector<16xi32>, vector<16xi32>, vector<16xi32>], vector<16xf32>,
      %mul3A_2021 = arith.mulf %gather3A_2018, %gather3A_2019 : vector<16xf32>
      %add3A_2022 = arith.addf %add3A_2013, %mul3A_2021 : vector<16xf32>
      %mul3A_2023 = arith.mulf %gather3A_2018, %gather3A_2020 : vector<16xf32>
      %add3A_2024 = arith.addf %add3A_2015, %mul3A_2023 : vector<16xf32>
      %broadcast_in_dim3A_2025 = arith.constant 52 : i32
      %broadcast_in_dim3A_2026 = vector.broadcast %broadcast_in_dim3A_2025 : i32 to vector<16xi32>
      %gather3A_2027 = tpu.vector_load_idx %arg12[%iota3A, %and3A_1548, %broadcast_in_dim3A_2026] : memref<16x8x64xf32, #tpu.memory_space<vmem>>[vector<16xi32>, vector<16xi32>, vector<16xi32>], vector<16xf32>,
      %gather3A_2028 = tpu.vector_load_idx %arg13[%iota3A, %and3A_1551, %broadcast_in_dim3A_2026] : memref<16x8x64xf32, #tpu.memory_space<vmem>>[vector<16xi32>, vector<16xi32>, vector<16xi32>], vector<16xf32>,
      %gather3A_2029 = tpu.vector_load_idx %arg14[%iota3A, %and3A_1554, %broadcast_in_dim3A_2026] : memref<16x8x64xf32, #tpu.memory_space<vmem>>[vector<16xi32>, vector<16xi32>, vector<16xi32>], vector<16xf32>,
      %mul3A_2030 = arith.mulf %gather3A_2027, %gather3A_2028 : vector<16xf32>
      %add3A_2031 = arith.addf %add3A_2022, %mul3A_2030 : vector<16xf32>
      %mul3A_2032 = arith.mulf %gather3A_2027, %gather3A_2029 : vector<16xf32>
      %add3A_2033 = arith.addf %add3A_2024, %mul3A_2032 : vector<16xf32>
      %broadcast_in_dim3A_2034 = arith.constant 53 : i32
      %broadcast_in_dim3A_2035 = vector.broadcast %broadcast_in_dim3A_2034 : i32 to vector<16xi32>
      %gather3A_2036 = tpu.vector_load_idx %arg12[%iota3A, %and3A_1548, %broadcast_in_dim3A_2035] : memref<16x8x64xf32, #tpu.memory_space<vmem>>[vector<16xi32>, vector<16xi32>, vector<16xi32>], vector<16xf32>,
      %gather3A_2037 = tpu.vector_load_idx %arg13[%iota3A, %and3A_1551, %broadcast_in_dim3A_2035] : memref<16x8x64xf32, #tpu.memory_space<vmem>>[vector<16xi32>, vector<16xi32>, vector<16xi32>], vector<16xf32>,
      %gather3A_2038 = tpu.vector_load_idx %arg14[%iota3A, %and3A_1554, %broadcast_in_dim3A_2035] : memref<16x8x64xf32, #tpu.memory_space<vmem>>[vector<16xi32>, vector<16xi32>, vector<16xi32>], vector<16xf32>,
      %mul3A_2039 = arith.mulf %gather3A_2036, %gather3A_2037 : vector<16xf32>
      %add3A_2040 = arith.addf %add3A_2031, %mul3A_2039 : vector<16xf32>
      %mul3A_2041 = arith.mulf %gather3A_2036, %gather3A_2038 : vector<16xf32>
      %add3A_2042 = arith.addf %add3A_2033, %mul3A_2041 : vector<16xf32>
      %broadcast_in_dim3A_2043 = arith.constant 54 : i32
      %broadcast_in_dim3A_2044 = vector.broadcast %broadcast_in_dim3A_2043 : i32 to vector<16xi32>
      %gather3A_2045 = tpu.vector_load_idx %arg12[%iota3A, %and3A_1548, %broadcast_in_dim3A_2044] : memref<16x8x64xf32, #tpu.memory_space<vmem>>[vector<16xi32>, vector<16xi32>, vector<16xi32>], vector<16xf32>,
      %gather3A_2046 = tpu.vector_load_idx %arg13[%iota3A, %and3A_1551, %broadcast_in_dim3A_2044] : memref<16x8x64xf32, #tpu.memory_space<vmem>>[vector<16xi32>, vector<16xi32>, vector<16xi32>], vector<16xf32>,
      %gather3A_2047 = tpu.vector_load_idx %arg14[%iota3A, %and3A_1554, %broadcast_in_dim3A_2044] : memref<16x8x64xf32, #tpu.memory_space<vmem>>[vector<16xi32>, vector<16xi32>, vector<16xi32>], vector<16xf32>,
      %mul3A_2048 = arith.mulf %gather3A_2045, %gather3A_2046 : vector<16xf32>
      %add3A_2049 = arith.addf %add3A_2040, %mul3A_2048 : vector<16xf32>
      %mul3A_2050 = arith.mulf %gather3A_2045, %gather3A_2047 : vector<16xf32>
      %add3A_2051 = arith.addf %add3A_2042, %mul3A_2050 : vector<16xf32>
      %broadcast_in_dim3A_2052 = arith.constant 55 : i32
      %broadcast_in_dim3A_2053 = vector.broadcast %broadcast_in_dim3A_2052 : i32 to vector<16xi32>
      %gather3A_2054 = tpu.vector_load_idx %arg12[%iota3A, %and3A_1548, %broadcast_in_dim3A_2053] : memref<16x8x64xf32, #tpu.memory_space<vmem>>[vector<16xi32>, vector<16xi32>, vector<16xi32>], vector<16xf32>,
      %gather3A_2055 = tpu.vector_load_idx %arg13[%iota3A, %and3A_1551, %broadcast_in_dim3A_2053] : memref<16x8x64xf32, #tpu.memory_space<vmem>>[vector<16xi32>, vector<16xi32>, vector<16xi32>], vector<16xf32>,
      %gather3A_2056 = tpu.vector_load_idx %arg14[%iota3A, %and3A_1554, %broadcast_in_dim3A_2053] : memref<16x8x64xf32, #tpu.memory_space<vmem>>[vector<16xi32>, vector<16xi32>, vector<16xi32>], vector<16xf32>,
      %mul3A_2057 = arith.mulf %gather3A_2054, %gather3A_2055 : vector<16xf32>
      %add3A_2058 = arith.addf %add3A_2049, %mul3A_2057 : vector<16xf32>
      %mul3A_2059 = arith.mulf %gather3A_2054, %gather3A_2056 : vector<16xf32>
      %add3A_2060 = arith.addf %add3A_2051, %mul3A_2059 : vector<16xf32>
      %broadcast_in_dim3A_2061 = arith.constant 56 : i32
      %broadcast_in_dim3A_2062 = vector.broadcast %broadcast_in_dim3A_2061 : i32 to vector<16xi32>
      %gather3A_2063 = tpu.vector_load_idx %arg12[%iota3A, %and3A_1548, %broadcast_in_dim3A_2062] : memref<16x8x64xf32, #tpu.memory_space<vmem>>[vector<16xi32>, vector<16xi32>, vector<16xi32>], vector<16xf32>,
      %gather3A_2064 = tpu.vector_load_idx %arg13[%iota3A, %and3A_1551, %broadcast_in_dim3A_2062] : memref<16x8x64xf32, #tpu.memory_space<vmem>>[vector<16xi32>, vector<16xi32>, vector<16xi32>], vector<16xf32>,
      %gather3A_2065 = tpu.vector_load_idx %arg14[%iota3A, %and3A_1554, %broadcast_in_dim3A_2062] : memref<16x8x64xf32, #tpu.memory_space<vmem>>[vector<16xi32>, vector<16xi32>, vector<16xi32>], vector<16xf32>,
      %mul3A_2066 = arith.mulf %gather3A_2063, %gather3A_2064 : vector<16xf32>
      %add3A_2067 = arith.addf %add3A_2058, %mul3A_2066 : vector<16xf32>
      %mul3A_2068 = arith.mulf %gather3A_2063, %gather3A_2065 : vector<16xf32>
      %add3A_2069 = arith.addf %add3A_2060, %mul3A_2068 : vector<16xf32>
      %broadcast_in_dim3A_2070 = arith.constant 57 : i32
      %broadcast_in_dim3A_2071 = vector.broadcast %broadcast_in_dim3A_2070 : i32 to vector<16xi32>
      %gather3A_2072 = tpu.vector_load_idx %arg12[%iota3A, %and3A_1548, %broadcast_in_dim3A_2071] : memref<16x8x64xf32, #tpu.memory_space<vmem>>[vector<16xi32>, vector<16xi32>, vector<16xi32>], vector<16xf32>,
      %gather3A_2073 = tpu.vector_load_idx %arg13[%iota3A, %and3A_1551, %broadcast_in_dim3A_2071] : memref<16x8x64xf32, #tpu.memory_space<vmem>>[vector<16xi32>, vector<16xi32>, vector<16xi32>], vector<16xf32>,
      %gather3A_2074 = tpu.vector_load_idx %arg14[%iota3A, %and3A_1554, %broadcast_in_dim3A_2071] : memref<16x8x64xf32, #tpu.memory_space<vmem>>[vector<16xi32>, vector<16xi32>, vector<16xi32>], vector<16xf32>,
      %mul3A_2075 = arith.mulf %gather3A_2072, %gather3A_2073 : vector<16xf32>
      %add3A_2076 = arith.addf %add3A_2067, %mul3A_2075 : vector<16xf32>
      %mul3A_2077 = arith.mulf %gather3A_2072, %gather3A_2074 : vector<16xf32>
      %add3A_2078 = arith.addf %add3A_2069, %mul3A_2077 : vector<16xf32>
      %broadcast_in_dim3A_2079 = arith.constant 58 : i32
      %broadcast_in_dim3A_2080 = vector.broadcast %broadcast_in_dim3A_2079 : i32 to vector<16xi32>
      %gather3A_2081 = tpu.vector_load_idx %arg12[%iota3A, %and3A_1548, %broadcast_in_dim3A_2080] : memref<16x8x64xf32, #tpu.memory_space<vmem>>[vector<16xi32>, vector<16xi32>, vector<16xi32>], vector<16xf32>,
      %gather3A_2082 = tpu.vector_load_idx %arg13[%iota3A, %and3A_1551, %broadcast_in_dim3A_2080] : memref<16x8x64xf32, #tpu.memory_space<vmem>>[vector<16xi32>, vector<16xi32>, vector<16xi32>], vector<16xf32>,
      %gather3A_2083 = tpu.vector_load_idx %arg14[%iota3A, %and3A_1554, %broadcast_in_dim3A_2080] : memref<16x8x64xf32, #tpu.memory_space<vmem>>[vector<16xi32>, vector<16xi32>, vector<16xi32>], vector<16xf32>,
      %mul3A_2084 = arith.mulf %gather3A_2081, %gather3A_2082 : vector<16xf32>
      %add3A_2085 = arith.addf %add3A_2076, %mul3A_2084 : vector<16xf32>
      %mul3A_2086 = arith.mulf %gather3A_2081, %gather3A_2083 : vector<16xf32>
      %add3A_2087 = arith.addf %add3A_2078, %mul3A_2086 : vector<16xf32>
      %broadcast_in_dim3A_2088 = arith.constant 59 : i32
      %broadcast_in_dim3A_2089 = vector.broadcast %broadcast_in_dim3A_2088 : i32 to vector<16xi32>
      %gather3A_2090 = tpu.vector_load_idx %arg12[%iota3A, %and3A_1548, %broadcast_in_dim3A_2089] : memref<16x8x64xf32, #tpu.memory_space<vmem>>[vector<16xi32>, vector<16xi32>, vector<16xi32>], vector<16xf32>,
      %gather3A_2091 = tpu.vector_load_idx %arg13[%iota3A, %and3A_1551, %broadcast_in_dim3A_2089] : memref<16x8x64xf32, #tpu.memory_space<vmem>>[vector<16xi32>, vector<16xi32>, vector<16xi32>], vector<16xf32>,
      %gather3A_2092 = tpu.vector_load_idx %arg14[%iota3A, %and3A_1554, %broadcast_in_dim3A_2089] : memref<16x8x64xf32, #tpu.memory_space<vmem>>[vector<16xi32>, vector<16xi32>, vector<16xi32>], vector<16xf32>,
      %mul3A_2093 = arith.mulf %gather3A_2090, %gather3A_2091 : vector<16xf32>
      %add3A_2094 = arith.addf %add3A_2085, %mul3A_2093 : vector<16xf32>
      %mul3A_2095 = arith.mulf %gather3A_2090, %gather3A_2092 : vector<16xf32>
      %add3A_2096 = arith.addf %add3A_2087, %mul3A_2095 : vector<16xf32>
      %broadcast_in_dim3A_2097 = arith.constant 60 : i32
      %broadcast_in_dim3A_2098 = vector.broadcast %broadcast_in_dim3A_2097 : i32 to vector<16xi32>
      %gather3A_2099 = tpu.vector_load_idx %arg12[%iota3A, %and3A_1548, %broadcast_in_dim3A_2098] : memref<16x8x64xf32, #tpu.memory_space<vmem>>[vector<16xi32>, vector<16xi32>, vector<16xi32>], vector<16xf32>,
      %gather3A_2100 = tpu.vector_load_idx %arg13[%iota3A, %and3A_1551, %broadcast_in_dim3A_2098] : memref<16x8x64xf32, #tpu.memory_space<vmem>>[vector<16xi32>, vector<16xi32>, vector<16xi32>], vector<16xf32>,
      %gather3A_2101 = tpu.vector_load_idx %arg14[%iota3A, %and3A_1554, %broadcast_in_dim3A_2098] : memref<16x8x64xf32, #tpu.memory_space<vmem>>[vector<16xi32>, vector<16xi32>, vector<16xi32>], vector<16xf32>,
      %mul3A_2102 = arith.mulf %gather3A_2099, %gather3A_2100 : vector<16xf32>
      %add3A_2103 = arith.addf %add3A_2094, %mul3A_2102 : vector<16xf32>
      %mul3A_2104 = arith.mulf %gather3A_2099, %gather3A_2101 : vector<16xf32>
      %add3A_2105 = arith.addf %add3A_2096, %mul3A_2104 : vector<16xf32>
      %broadcast_in_dim3A_2106 = arith.constant 61 : i32
      %broadcast_in_dim3A_2107 = vector.broadcast %broadcast_in_dim3A_2106 : i32 to vector<16xi32>
      %gather3A_2108 = tpu.vector_load_idx %arg12[%iota3A, %and3A_1548, %broadcast_in_dim3A_2107] : memref<16x8x64xf32, #tpu.memory_space<vmem>>[vector<16xi32>, vector<16xi32>, vector<16xi32>], vector<16xf32>,
      %gather3A_2109 = tpu.vector_load_idx %arg13[%iota3A, %and3A_1551, %broadcast_in_dim3A_2107] : memref<16x8x64xf32, #tpu.memory_space<vmem>>[vector<16xi32>, vector<16xi32>, vector<16xi32>], vector<16xf32>,
      %gather3A_2110 = tpu.vector_load_idx %arg14[%iota3A, %and3A_1554, %broadcast_in_dim3A_2107] : memref<16x8x64xf32, #tpu.memory_space<vmem>>[vector<16xi32>, vector<16xi32>, vector<16xi32>], vector<16xf32>,
      %mul3A_2111 = arith.mulf %gather3A_2108, %gather3A_2109 : vector<16xf32>
      %add3A_2112 = arith.addf %add3A_2103, %mul3A_2111 : vector<16xf32>
      %mul3A_2113 = arith.mulf %gather3A_2108, %gather3A_2110 : vector<16xf32>
      %add3A_2114 = arith.addf %add3A_2105, %mul3A_2113 : vector<16xf32>
      %broadcast_in_dim3A_2115 = arith.constant 62 : i32
      %broadcast_in_dim3A_2116 = vector.broadcast %broadcast_in_dim3A_2115 : i32 to vector<16xi32>
      %gather3A_2117 = tpu.vector_load_idx %arg12[%iota3A, %and3A_1548, %broadcast_in_dim3A_2116] : memref<16x8x64xf32, #tpu.memory_space<vmem>>[vector<16xi32>, vector<16xi32>, vector<16xi32>], vector<16xf32>,
      %gather3A_2118 = tpu.vector_load_idx %arg13[%iota3A, %and3A_1551, %broadcast_in_dim3A_2116] : memref<16x8x64xf32, #tpu.memory_space<vmem>>[vector<16xi32>, vector<16xi32>, vector<16xi32>], vector<16xf32>,
      %gather3A_2119 = tpu.vector_load_idx %arg14[%iota3A, %and3A_1554, %broadcast_in_dim3A_2116] : memref<16x8x64xf32, #tpu.memory_space<vmem>>[vector<16xi32>, vector<16xi32>, vector<16xi32>], vector<16xf32>,
      %mul3A_2120 = arith.mulf %gather3A_2117, %gather3A_2118 : vector<16xf32>
      %add3A_2121 = arith.addf %add3A_2112, %mul3A_2120 : vector<16xf32>
      %mul3A_2122 = arith.mulf %gather3A_2117, %gather3A_2119 : vector<16xf32>
      %add3A_2123 = arith.addf %add3A_2114, %mul3A_2122 : vector<16xf32>
      %broadcast_in_dim3A_2124 = arith.constant 63 : i32
      %broadcast_in_dim3A_2125 = vector.broadcast %broadcast_in_dim3A_2124 : i32 to vector<16xi32>
      %gather3A_2126 = tpu.vector_load_idx %arg12[%iota3A, %and3A_1548, %broadcast_in_dim3A_2125] : memref<16x8x64xf32, #tpu.memory_space<vmem>>[vector<16xi32>, vector<16xi32>, vector<16xi32>], vector<16xf32>,
      %gather3A_2127 = tpu.vector_load_idx %arg13[%iota3A, %and3A_1551, %broadcast_in_dim3A_2125] : memref<16x8x64xf32, #tpu.memory_space<vmem>>[vector<16xi32>, vector<16xi32>, vector<16xi32>], vector<16xf32>,
      %gather3A_2128 = tpu.vector_load_idx %arg14[%iota3A, %and3A_1554, %broadcast_in_dim3A_2125] : memref<16x8x64xf32, #tpu.memory_space<vmem>>[vector<16xi32>, vector<16xi32>, vector<16xi32>], vector<16xf32>,
      %mul3A_2129 = arith.mulf %gather3A_2126, %gather3A_2127 : vector<16xf32>
      %add3A_2130 = arith.addf %add3A_2121, %mul3A_2129 : vector<16xf32>
      %mul3A_2131 = arith.mulf %gather3A_2126, %gather3A_2128 : vector<16xf32>
      %add3A_2132 = arith.addf %add3A_2123, %mul3A_2131 : vector<16xf32>
      %swap3A = arith.index_cast %mul3A_10 : i32 to index
      %swap3A_2133 = tpu.vector_load %arg15[%swap3A] {strides = array<i32>} : memref<512xf32, #tpu.memory_space<vmem>>, vector<16xf32>,
      tpu.vector_store %arg15[%swap3A], %add3A_2130 {strides = array<i32>} : memref<512xf32, #tpu.memory_space<vmem>>, vector<16xf32>,
      %swap3A_2134 = arith.index_cast %mul3A_10 : i32 to index
      %swap3A_2135 = tpu.vector_load %arg16[%swap3A_2134] {strides = array<i32>} : memref<512xf32, #tpu.memory_space<vmem>>, vector<16xf32>,
      tpu.vector_store %arg16[%swap3A_2134], %add3A_2132 {strides = array<i32>} : memref<512xf32, #tpu.memory_space<vmem>>, vector<16xf32>,
    }
    %scan3A_7 = arith.constant 32 : i32
    "tpu.region"() ({
      %run_scoped3A = tpu.sem_alloc : memref<!tpu.dma_semaphore, #tpu.memory_space<semaphore_mem>>
      %dma_start3A = tpu.memref_slice %arg7[%mul3A_2] : memref<16384xf32, #tpu.memory_space<hbm>> -> memref<512xf32, #tpu.memory_space<hbm>>
      %dma_start3A_8 = tpu.memref_slice %arg7[%mul3A_2] : memref<16384xf32, #tpu.memory_space<hbm>> -> memref<512xf32, #tpu.memory_space<hbm>>
      tpu.enqueue_dma source(%arg15 : memref<512xf32, #tpu.memory_space<vmem>>) target(%dma_start3A_8 : memref<512xf32, #tpu.memory_space<hbm>>) target_semaphore(%run_scoped3A : memref<!tpu.dma_semaphore, #tpu.memory_space<semaphore_mem>>)
      %dma_wait3A = tpu.memref_slice %arg7[%mul3A_2] : memref<16384xf32, #tpu.memory_space<hbm>> -> memref<512xf32, #tpu.memory_space<hbm>>
      %dma_wait3A_9 = tpu.memref_slice %arg7[%mul3A_2] : memref<16384xf32, #tpu.memory_space<hbm>> -> memref<512xf32, #tpu.memory_space<hbm>>
      tpu.wait_dma2 semaphore(%run_scoped3A : memref<!tpu.dma_semaphore, #tpu.memory_space<semaphore_mem>>) src(%arg15 : memref<512xf32, #tpu.memory_space<vmem>>) dst(%dma_wait3A_9 : memref<512xf32, #tpu.memory_space<hbm>>)
      tpu.yield
    }) : () -> ()
    "tpu.region"() ({
      %run_scoped3A = tpu.sem_alloc : memref<!tpu.dma_semaphore, #tpu.memory_space<semaphore_mem>>
      %dma_start3A = tpu.memref_slice %arg8[%mul3A_2] : memref<16384xf32, #tpu.memory_space<hbm>> -> memref<512xf32, #tpu.memory_space<hbm>>
      %dma_start3A_8 = tpu.memref_slice %arg8[%mul3A_2] : memref<16384xf32, #tpu.memory_space<hbm>> -> memref<512xf32, #tpu.memory_space<hbm>>
      tpu.enqueue_dma source(%arg16 : memref<512xf32, #tpu.memory_space<vmem>>) target(%dma_start3A_8 : memref<512xf32, #tpu.memory_space<hbm>>) target_semaphore(%run_scoped3A : memref<!tpu.dma_semaphore, #tpu.memory_space<semaphore_mem>>)
      %dma_wait3A = tpu.memref_slice %arg8[%mul3A_2] : memref<16384xf32, #tpu.memory_space<hbm>> -> memref<512xf32, #tpu.memory_space<hbm>>
      %dma_wait3A_9 = tpu.memref_slice %arg8[%mul3A_2] : memref<16384xf32, #tpu.memory_space<hbm>> -> memref<512xf32, #tpu.memory_space<hbm>>
      tpu.wait_dma2 semaphore(%run_scoped3A : memref<!tpu.dma_semaphore, #tpu.memory_space<semaphore_mem>>) src(%arg16 : memref<512xf32, #tpu.memory_space<vmem>>) dst(%dma_wait3A_9 : memref<512xf32, #tpu.memory_space<hbm>>)
      tpu.yield
    }) : () -> ()
    return
  }
}

</mosaic_0001>

<sc_bundles>
// kernel: kernel.3.cloned.1.call-start
scs
__scs_entry_jumppad:
0x0: {  	(pc) =	sbr.rel $0x88, $3  }
0x1: {  	(tag) =	ssettag $0x0;
	lr =	simm.s32 $0x1  }
0x2: {  	[smem:$0x3F9C] =	sst lr;
	_ =	strace $0xD0000000  }
0x3: {  	_ = 	snop  }
0x4: {  	_ = 	snop  }
0x5: {  	_ = 	snop  }
0x6: {  	_ = 	snop  }
0x7: {  	_ = 	snop  }
__scs_overlays_trampoline_lowered:
0x8: {  	[smem:$0x3FAB] =	sst s0  }
0x9: {  	[smem:$0x3FAC] =	sst s1  }
0xa: {  	[smem:$0x3FAD] =	sst s2  }
0xb: {  	[smem:$0x3FAE] =	sst s3  }
0xc: {  	[smem:$0x3FAF] =	sst s4  }
0xd: {  	[smem:$0x3FB0] =	sst s5  }
0xe: {  	[smem:$0x3FB1] =	sst s6  }
0xf: {  	[smem:$0x3FB2] =	sst s7  }
0x10: {  	[smem:$0x3FB3] =	sst s8  }
0x11: {  	[smem:$0x3FB4] =	sst s9;
	s0 =	simm.s32 @!p0 $0x0  }
0x12: {  	s1 =	sld [smem:$0x3F9A];
	s0 =	simm.s32 @p0 $0x1  }
0x13: {  	[smem:$0x3FB5] =	sst s0;
	s0 =	simm.s32 @!p1 $0x0  }
0x14: {  	s2 =	sld [smem:$0x3F99];
	s0 =	simm.s32 @p1 $0x1  }
0x15: {  	[smem:$0x3FB6] =	sst s0;
	s0 =	simm.s32 @!p2 $0x0  }
0x16: {  	s3 =	sld [smem:$0x3FDB];
	s0 =	simm.s32 @p2 $0x1  }
0x17: {  	s4 =	simm.s32 $0x1BF5;
	[smem:$0x3FB8] =	sst s0  }
0x18: {  	s0 =	sld [smem:$0x3F9B];
	_ =	swait.ge [sflag:s4], $0x0  }
0x19: {  	s7 =	sld [smem:$0x3F9C]  }
0x1a: {  	s8 =	sadd.s32 $0xFFFFE003, lr  }
0x1b: {  	s9 =	sadd.s32 $0xFFFFFEF7, lr;
	s5 =	simm.s32 $0xFFFFFFFF;
	p2 =	slt.u32 s8, $0xFFFFF086  }
0x1c: {  	p1 =	slt.u32 s9, $0xF7A;
	s5 =	simm.s32 @!p2 $0x0  }
0x1d: {  	s5 =	simm.s32 @p1 $0x1;
	p0 =	seq.s32 s7, s2  }
0x1e: {  	s7 =	smul.u32 @!p0 $0xF7A, s2;
	p2 =	seq.s32 @!p0 s5, $0x0  }
0x1f: {  	s9 =	smul.u32 $0xF7A, s1;
	s8 =	simm.s32 @!p0 $0x1BF5;
	p2 =	por !p2, p0  }
0x20: {  	[sflag:s8] =	ssyncset.s32 @!p0 $0xFFFFF086;
	s6 =	sadd.s32 @!p0 s3, s7;
	s7 =	simm.s32 @!p0 $0x108  }
0x21: {  	s3 =	sadd.s32 s3, s9;
	s6 =	sadd.s32 @!p0 $0x88, s6;
	s7 =	simm.s32 @p2 $0x1082  }
0x22: {  	[simem:s7], [sflag:s8] =	dma.local @!p0 [hbm:s6], $0xF7A  }
0x23: {  	s9 =	sor.u32 $0xD0000000, s2;
	s6 =	simm.s32 $0x108;
	_ =	swait.ge @!p0 [sflag:s8], $0x0  }
0x24: {  	s3 =	sadd.s32 $0x88, s3;
	s6 =	simm.s32 @!p1 $0x1082;
	[sflag:s4] =	ssyncset.s32 $0xFFFFF086  }
0x25: {  	[simem:s6], [sflag:s4] =	dma.local [hbm:s3], $0xF7A  }
0x26: {  	[smem:$0x3F9C] =	sst s1;
	(tag) =	ssettag s2;
	_ =	strace s9  }
0x27: {  	s1 =	sld [smem:$0x3FAC]  }
0x28: {  	s2 =	sld [smem:$0x3FAD]  }
0x29: {  	s4 =	sld [smem:$0x3FAF]  }
0x2a: {  	p0 =	seq.s32 s5, $0x0;
	s5 =	sld [smem:$0x3FB0]  }
0x2b: {  	s6 =	sld [smem:$0x3FB1]  }
0x2c: {  	s7 =	sld [smem:$0x3FB2]  }
0x2d: {  	s3 =	simm.s32 $0x108;
	s8 =	sld [smem:$0x3FB3]  }
0x2e: {  	s3 =	simm.s32 @!p0 $0x1082;
	s9 =	sld [smem:$0x3FB4]  }
0x2f: {  	lr =	sadd.s32 s0, s3;
	s0 =	sld [smem:$0x3FAB]  }
0x30: {  	s3 =	sld [smem:$0x3FAE]  }
0x31: {  	[smem:$0x3FB7] =	sst s10  }
0x32: {  	s10 =	sld [smem:$0x3FB5];
	_ =	sdelay $0x3  }
0x33: {  	p0 =	seq.s32 s10, $0x1;
	s10 =	sld [smem:$0x3FB7];
	_ =	sdelay $0x3  }
0x34: {  	[smem:$0x3FB7] =	sst s10  }
0x35: {  	s10 =	sld [smem:$0x3FB6];
	_ =	sdelay $0x3  }
0x36: {  	p1 =	seq.s32 s10, $0x1;
	s10 =	sld [smem:$0x3FB7];
	_ =	sdelay $0x3  }
0x37: {  	[smem:$0x3FB7] =	sst s10  }
0x38: {  	s10 =	sld [smem:$0x3FB8]  }
0x39: {  	_ = 	snop;
	(pc) =	sbr.ind lr, $3  }
0x3a: {  	_ = 	snop  }
0x3b: {  	_ = 	snop  }
0x3c: {  	p2 =	seq.s32 s10, $0x1;
	s10 =	sld [smem:$0x3FB7]  }
0x3d: {  	_ =	shalt  }
0x3e: {  	_ =	shalt  }
0x3f: {  	_ =	shalt  }
0x40: {  	_ =	shalt  }
0x41: {  	_ =	shalt  }
0x42: {  	_ =	shalt  }
0x43: {  	_ =	shalt  }
0x44: {  	_ =	shalt  }
0x45: {  	_ =	shalt  }
0x46: {  	_ =	shalt  }
0x47: {  	_ =	shalt  }
0x48: {  	_ =	shalt  }
0x49: {  	_ =	shalt  }
0x4a: {  	_ =	shalt  }
0x4b: {  	_ =	shalt  }
0x4c: {  	_ =	shalt  }
0x4d: {  	_ =	shalt  }
0x4e: {  	_ =	shalt  }
0x4f: {  	_ =	shalt  }
0x50: {  	_ =	shalt  }
0x51: {  	_ =	shalt  }
0x52: {  	_ =	shalt  }
0x53: {  	_ =	shalt  }
0x54: {  	_ =	shalt  }
0x55: {  	_ =	shalt  }
0x56: {  	_ =	shalt  }
0x57: {  	_ =	shalt  }
0x58: {  	_ =	shalt  }
0x59: {  	_ =	shalt  }
0x5a: {  	_ =	shalt  }
0x5b: {  	_ =	shalt  }
0x5c: {  	_ =	shalt  }
0x5d: {  	_ =	shalt  }
0x5e: {  	_ =	shalt  }
0x5f: {  	_ =	shalt  }
0x60: {  	_ =	shalt  }
0x61: {  	_ =	shalt  }
0x62: {  	_ =	shalt  }
0x63: {  	_ =	shalt  }
0x64: {  	_ =	shalt  }
0x65: {  	_ =	shalt  }
0x66: {  	_ =	shalt  }
0x67: {  	_ =	shalt  }
0x68: {  	_ =	shalt  }
0x69: {  	_ =	shalt  }
0x6a: {  	_ =	shalt  }
0x6b: {  	_ =	shalt  }
0x6c: {  	_ =	shalt  }
0x6d: {  	_ =	shalt  }
0x6e: {  	_ =	shalt  }
0x6f: {  	_ =	shalt  }
0x70: {  	_ =	shalt  }
0x71: {  	_ =	shalt  }
0x72: {  	_ =	shalt  }
0x73: {  	_ =	shalt  }
0x74: {  	_ =	shalt  }
0x75: {  	_ =	shalt  }
0x76: {  	_ =	shalt  }
0x77: {  	_ =	shalt  }
0x78: {  	_ =	shalt  }
0x79: {  	_ =	shalt  }
0x7a: {  	_ =	shalt  }
0x7b: {  	_ =	shalt  }
0x7c: {  	_ =	shalt  }
0x7d: {  	_ =	shalt  }
0x7e: {  	_ =	shalt  }
0x7f: {  	_ =	shalt  }
0x80: {  	_ =	shalt  }
0x81: {  	_ =	shalt  }
0x82: {  	_ =	shalt  }
0x83: {  	_ =	shalt  }
0x84: {  	_ =	shalt  }
0x85: {  	_ =	shalt  }
0x86: {  	_ =	shalt  }
0x87: {  	_ =	shalt  }
.Lfunc_end0:
.L_simem_size_0:
called_computation_lowered:
.L_overlay_start_0:
0x88: {  	s2 =	sld [smem:$0x3FD9]  }
0x89: {  	s3 =	sld [smem:$0x3FFE];
	_ =	sdelay $0x1  }
0x8a: {  	s1 =	srdreg.scid  }
0x8b: {  	s0 =	sand.u32 $0x1, s1  }
0x8c: {  	s14 =	sshll.u32 s0, $0xA;
	s2 =	sadd.s32 s3, s2  }
0x8d: {  	s2 =	sadd.s32 s2, s14  }
0x8e: {  	[smem:$0x3FC3] =	sst s2  }
0x8f: {  	_ = 	snop  }
0x90: {  	s2 =	sld [smem:$0x3FD0]  }
0x91: {  	s15 =	sld [smem:$0x3FC9]  }
0x92: {  	s4 =	sld [smem:$0x3FC8]  }
0x93: {  	s6 =	simm.s32 $0xA;
	s7 =	simm.s32 $0x10;
	s5 =	sld [smem:$0x3FC7]  }
0x94: {  	[smem:s7], [sflag:s6] =	dma.local [hbm:s2], $0x1  }
0x95: {  	_ =	swait.eq [sflag:s6], $0x1  }
0x96: {  	[sflag:s6] =	ssyncset.done $0x0  }
0x97: {  	s16 =	sld [smem:$0x10];
	[sflag:s6] =	ssyncadd.s32 $0xFFFFFFFF  }
0x98: {  	s17 =	sld [smem:$0x11];
	(tm) =	ssettm $0x1  }
0x99: {  	s18 =	sld [smem:$0x3FFB];
	_ =	sdelay $0x3  }
0x9a: {  	_ =	strace s18  }
0x9b: {  	s7 =	sld [smem:$0x3FFC];
	_ =	sdelay $0x3  }
0x9c: {  	_ =	strace s7  }
0x9d: {  	s7 =	sld [smem:$0x3FFD];
	_ =	sdelay $0x3  }
0x9e: {  	_ =	strace s7  }
0x9f: {  	_ =	strace $0x8FFFFFFF  }
0xa0: {  	s19 =	sld [smem:$0x3FDB];
	_ =	sdelay $0x1  }
0xa1: {  	s8 =	simm.s32 $_scs_section_size  }
0xa2: {  	s9 =	simm.s32 $_size__tile_overlayer_lowered;
	s10 =	simm.s32 $_tile_overlayer_lowered  }
0xa3: {  	s22 =	simm.s32 $0x1BFF;
	s21 =	sshll.u32 s10, $0x1;
	s7 =	sadd.s32 s8, s19  }
0xa4: {  	s11 =	simm.s32 $0x0;
	s20 =	sshll.u32 s9, $0x1;
	s9 =	sadd.s32 s21, s7  }
0xa5: {  	[timem:s11], [sflag:s22] =	dma.local [hbm:s9], s20  }
0xa6: {  	_ =	swait.ge [sflag:s22], s20  }
0xa7: {  	s8 =	ssub.s32 $0x0, s20;
	[sflag:s22] =	ssyncset.done $0x0  }
0xa8: {  	[sflag:s22] =	ssyncadd.s32 s8;
	_ =	sdelay $0x1  }
0xa9: {  	s23 =	simm.s32 $0x1B8B  }
0xaa: {  	_ =	swait.ge [sflag:s23], $0x1  }
0xab: {  	[sflag:s23] =	ssyncset.done $0x0  }
0xac: {  	s25 =	simm.s32 $0x1B8E;
	s24 =	sld [smem:$0x3FFE];
	[sflag:s23] =	ssyncadd.s32 $0xFFFFFFFF  }
0xad: {  	s26 =	simm.s32 $execute0_lowered;
	[smem:$0x3FD2] =	sst s25  }
0xae: {  	s9 =	sshll.u32 s26, $0x1;
	_ =	strace $0x80000046;
	[dreg:$0x1] =	wrdreg $0xFFFFFFFF  }
0xaf: {  	s28 =	simm.s32 $_size_execute0_lowered;
	s7 =	sadd.s32 s7, s9;
	[dreg:$0x0] =	wrdreg $0x0  }
0xb0: {  	s9 =	sshll.u32 s28, $0x1;
	[dreg:$0x2] =	wrdreg s7  }
0xb1: {  	[dreg:$0x3] =	wrdreg s9  }
0xb2: {  	[dreg:$0x4] =	wrdreg $0xC0  }
0xb3: {  	_ =	task [dreg:s11], $0x5FFFF  }
0xb4: {  	[dreg:$0x1] =	wrdreg $0xFFFFFFFF  }
0xb5: {  	[dreg:$0x0] =	wrdreg $0x60  }
0xb6: {  	[dreg:$0x2] =	wrdreg s15  }
0xb7: {  	[dreg:$0x3] =	wrdreg s4  }
0xb8: {  	[dreg:$0x4] =	wrdreg s5  }
0xb9: {  	[dreg:$0x5] =	wrdreg s24  }
0xba: {  	[dreg:$0x6] =	wrdreg s16  }
0xbb: {  	[dreg:$0x7] =	wrdreg s17  }
0xbc: {  	[dreg:$0x8] =	wrdreg $0x9  }
0xbd: {  	_ =	task.clear_ibuf [dreg:s11], $0x9FFFF;
	_ =	strace $0x90000046  }
0xbe: {  	s29 =	simm.s32 $0x9;
	_ =	strace $0x80000048  }
0xbf: {  	_ =	swait.ge [sflag:s29], $0x1  }
0xc0: {  	[sflag:s29] =	ssyncadd.s32 $0xFFFFFFFF  }
0xc1: {  	_ =	strace $0x90000048  }
0xc2: {  	_ =	sfence  }
0xc3: {  	s30 =	sld [smem:$0x0];
	_ =	sdelay $0x2  }
0xc4: {  	s31 =	sshll.u32 s1, $0xD;
	s1 =	sshrl.u32 s1, $0x2  }
0xc5: {  	s3 =	sand.u32 $0x4000, s31;
	s1 =	sadd.s32 s1, s30  }
0xc6: {  	s0 =	sor.u32 s3, s0;
	s1 =	sshll.u32 s1, $0x11  }
0xc7: {  	s0 =	sor.u32 s1, s0  }
0xc8: {  	s0 =	sadd.s32 $0x8F2B, s0  }
0xc9: {  	[sflag:s0] =	ssyncadd.remote.s32 $0x1  }
0xca: {  	_ =	sfence.sel $0xFFFF  }
0xcb: {  	[dreg:$0x0] =	wrdreg $0xFFFFFFFF;
	(pc) =	sbr.abs _section_cstart, $3  }
0xcc: {  	[dreg:$0x1] =	wrdreg $0xFFFFFFFF  }
0xcd: {  	_ =	task.clear_ibuf [dreg:s11], $0x2FFFF;
	_ =	strace $0x9FFFFFFF  }
0xce: {  	(tm) =	ssettm $0x7FFFFFFF  }
0xcf: {  	_ =	shalt  }
tec
execute0_lowered:
.L_overlay_start_1:
0x0: {  	(tag) =	ssettag $0x1  }
0x1: {  	s5 =	rddreg [dreg:$0x0]  }
0x2: {  	s6 =	rddreg [dreg:$0x1]  }
0x3: {  	s7 =	rddreg [dreg:$0x2]  }
0x4: {  	s3 =	rddreg [dreg:$0x3]  }
0x5: {  	s8 =	rddreg [dreg:$0x4];
	v0 =	vlaneseq.u32  }
0x6: {  	s9 =	rddreg [dreg:$0x5];
	s1 =	simm.s32 $0x0;
	v7 =	vmul.u32 $0x400, v0  }
0x7: {  	[smem:$0x7FF] =	sst s1  }
0x8: {  	s0 =	rddreg [dreg:$0x6];
	_ =	strace $0x80000047;
	v0 =	vor.u32 $0xF, v7;
	[tilespmem:$0x1FDC0] =	vst v7  }
0x9: {  	v30 =	vor.u32 $0x10, v7;
	[tilespmem:$0x1FC40] =	vst v0  }
0xa: {  	v31 =	vor.u32 $0x11, v7;
	[tilespmem:$0x1FC50] =	vst v30  }
0xb: {  	v32 =	vor.u32 $0x12, v7;
	[tilespmem:$0x1FC60] =	vst v31  }
0xc: {  	v34 =	vor.u32 $0x13, v7;
	[tilespmem:$0x1FC70] =	vst v32  }
0xd: {  	v35 =	vor.u32 $0x14, v7;
	[tilespmem:$0x1FC80] =	vst v34  }
0xe: {  	v37 =	vor.u32 $0x15, v7;
	[tilespmem:$0x1FC90] =	vst v35  }
0xf: {  	v38 =	vor.u32 $0x16, v7;
	[tilespmem:$0x1FCA0] =	vst v37  }
0x10: {  	v39 =	vor.u32 $0x17, v7;
	[tilespmem:$0x1FCB0] =	vst v38  }
0x11: {  	s2 =	simm.s32 $0xA00;
	v40 =	vor.u32 $0x18, v7;
	[tilespmem:$0x1FCC0] =	vst v39  }
0x12: {  	s14 =	simm.s32 $0x4A00;
	[dreg:$0x7] =	wrdreg s2;
	v41 =	vor.u32 $0x19, v7;
	[tilespmem:$0x1FCD0] =	vst v40  }
0x13: {  	s15 =	simm.s32 $0x8A00;
	[dreg:$0x8] =	wrdreg s14;
	v43 =	vor.u32 $0x1A, v7;
	[tilespmem:$0x1FCE0] =	vst v41  }
0x14: {  	s16 =	simm.s32 $0xE00;
	[dreg:$0x9] =	wrdreg s15;
	v44 =	vor.u32 $0x1B, v7;
	[tilespmem:$0x1FCF0] =	vst v43  }
0x15: {  	s17 =	simm.s32 $0x4E00;
	[dreg:$0xa] =	wrdreg s16;
	v46 =	vor.u32 $0x1C, v7;
	[tilespmem:$0x1FD00] =	vst v44  }
0x16: {  	s18 =	simm.s32 $0x8E00;
	[dreg:$0xb] =	wrdreg s17;
	v47 =	vor.u32 $0x1D, v7;
	[tilespmem:$0x1FD10] =	vst v46  }
0x17: {  	s19 =	simm.s32 $0x1200;
	[dreg:$0xc] =	wrdreg s18;
	v48 =	vor.u32 $0x21, v7;
	[tilespmem:$0x1FD20] =	vst v47  }
0x18: {  	s20 =	simm.s32 $0x5200;
	[dreg:$0xd] =	wrdreg s19;
	v49 =	vor.u32 $0x23, v7;
	[tilespmem:$0x1FD30] =	vst v48  }
0x19: {  	s21 =	simm.s32 $0x9200;
	[dreg:$0xe] =	wrdreg s20;
	v50 =	vor.u32 $0x24, v7;
	[tilespmem:$0x1FD40] =	vst v49  }
0x1a: {  	s22 =	simm.s32 $0x1600;
	[dreg:$0xf] =	wrdreg s21;
	v51 =	vor.u32 $0x25, v7;
	[tilespmem:$0x1FD50] =	vst v50  }
0x1b: {  	s23 =	simm.s32 $0x5600;
	[dreg:$0x10] =	wrdreg s22;
	v52 =	vor.u32 $0x26, v7;
	[tilespmem:$0x1FD60] =	vst v51  }
0x1c: {  	s24 =	simm.s32 $0x9600;
	[dreg:$0x11] =	wrdreg s23;
	v54 =	vor.u32 $0x27, v7;
	[tilespmem:$0x1FD70] =	vst v52  }
0x1d: {  	s25 =	simm.s32 $0x1A00;
	[dreg:$0x12] =	wrdreg s24;
	v57 =	vor.u32 $0x28, v7;
	[tilespmem:$0x1FD80] =	vst v54  }
0x1e: {  	s26 =	simm.s32 $0x5A00;
	[dreg:$0x13] =	wrdreg s25;
	v58 =	vor.u32 $0x29, v7;
	[tilespmem:$0x1FD90] =	vst v57  }
0x1f: {  	s28 =	simm.s32 $0x9A00;
	[dreg:$0x14] =	wrdreg s26;
	v61 =	vor.u32 $0x2A, v7;
	[tilespmem:$0x1FDA0] =	vst v58  }
0x20: {  	s29 =	simm.s32 $0x1E00;
	[dreg:$0x15] =	wrdreg s28;
	v9 =	vor.u32 $0x1, v7;
	[tilespmem:$0x1FDB0] =	vst v61  }
0x21: {  	s30 =	simm.s32 $0x5E00;
	[dreg:$0x16] =	wrdreg s29;
	v11 =	vor.u32 $0x2, v7;
	[tilespmem:$0x1FDD0] =	vst v9  }
0x22: {  	s31 =	simm.s32 $0x9E00;
	[dreg:$0x17] =	wrdreg s30;
	v13 =	vor.u32 $0x3, v7;
	[tilespmem:$0x1FDE0] =	vst v11  }
0x23: {  	s4 =	simm.s32 $0x2200;
	[dreg:$0x18] =	wrdreg s31;
	v18 =	vor.u32 $0x4, v7;
	[tilespmem:$0x1FDF0] =	vst v13  }
0x24: {  	s10 =	simm.s32 $0x6200;
	[dreg:$0x19] =	wrdreg s4;
	v24 =	vor.u32 $0x5, v7;
	[tilespmem:$0x1FE00] =	vst v18  }
0x25: {  	s11 =	simm.s32 $0xA200;
	[dreg:$0x1a] =	wrdreg s10;
	v26 =	vor.u32 $0x6, v7;
	[tilespmem:$0x1FE10] =	vst v24  }
0x26: {  	s12 =	simm.s32 $0x2600;
	[dreg:$0x1b] =	wrdreg s11;
	v27 =	vor.u32 $0x7, v7;
	[tilespmem:$0x1FE20] =	vst v26  }
0x27: {  	s13 =	simm.s32 $0xA600;
	[dreg:$0x1c] =	wrdreg s12;
	v33 =	vor.u32 $0x8, v7;
	[tilespmem:$0x1FE30] =	vst v27  }
0x28: {  	s4 =	simm.s32 $0x6600;
	[dreg:$0x1e] =	wrdreg s13;
	v36 =	vor.u32 $0x9, v7;
	[tilespmem:$0x1FE40] =	vst v33  }
0x29: {  	s14 =	simm.s32 $0x2A00;
	[dreg:$0x1d] =	wrdreg s4;
	v42 =	vor.u32 $0xA, v7;
	[tilespmem:$0x1FE50] =	vst v36  }
0x2a: {  	s11 =	simm.s32 $0x6A00;
	[dreg:$0x1f] =	wrdreg s14;
	v45 =	vor.u32 $0xB, v7;
	[tilespmem:$0x1FE60] =	vst v42  }
0x2b: {  	s15 =	simm.s32 $0xAA00;
	[smem:$0x7EA] =	sst s11;
	v55 =	vor.u32 $0xC, v7;
	[tilespmem:$0x1FE70] =	vst v45  }
0x2c: {  	s16 =	simm.s32 $0x2E00;
	[smem:$0x7EB] =	sst s15;
	v56 =	vor.u32 $0xD, v7;
	[tilespmem:$0x1FE80] =	vst v55  }
0x2d: {  	s17 =	simm.s32 $0x6E00;
	[smem:$0x7EC] =	sst s16;
	v53 =	vor.u32 $0xE, v7;
	[tilespmem:$0x1FE90] =	vst v56  }
0x2e: {  	s18 =	simm.s32 $0xAE00;
	[smem:$0x7ED] =	sst s17;
	v29 =	vor.u32 $0x3B, v7;
	[tilespmem:$0x1FEA0] =	vst v53  }
0x2f: {  	s19 =	simm.s32 $0x3200;
	[smem:$0x7EE] =	sst s18;
	v28 =	vor.u32 $0x3C, v7;
	[tilespmem:$0x1FFB0] =	vst v29  }
0x30: {  	s21 =	simm.s32 $0x7200;
	[smem:$0x7EF] =	sst s19;
	v25 =	vor.u32 $0x3E, v7;
	[tilespmem:$0x1FFC0] =	vst v28  }
0x31: {  	s22 =	simm.s32 $0xB200;
	[smem:$0x7F0] =	sst s21;
	v21 =	vor.u32 $0x3F, v7;
	[tilespmem:$0x1FFE0] =	vst v25  }
0x32: {  	s23 =	simm.s32 $0x3600;
	[smem:$0x7F1] =	sst s22;
	v57 =	vor.u32 $0x2B, v7;
	[tilespmem:$0x1FFF0] =	vst v21  }
0x33: {  	s24 =	simm.s32 $0x7600;
	[smem:$0x7F2] =	sst s23;
	v54 =	vor.u32 $0x2C, v7;
	[tilespmem:$0x1FEB0] =	vst v57  }
0x34: {  	s2 =	sadd.s32 $0x600, s3;
	s25 =	simm.s32 $0xB600;
	[smem:$0x7F3] =	sst s24;
	v50 =	vor.u32 $0x2D, v7;
	[tilespmem:$0x1FEC0] =	vst v54  }
0x35: {  	s3 =	sadd.s32 $0xF42A00, s3;
	s26 =	simm.s32 $0x3A00;
	[smem:$0x7F4] =	sst s25;
	v48 =	vor.u32 $0x2E, v7;
	[tilespmem:$0x1FED0] =	vst v50  }
0x36: {  	s10 =	srdreg.scid;
	s28 =	simm.s32 $0x7A00;
	[smem:$0x7F5] =	sst s26;
	v49 =	vor.u32 $0x2F, v7;
	[tilespmem:$0x1FEE0] =	vst v48  }
0x37: {  	s29 =	simm.s32 $0xBA00;
	s30 =	simm.s32 $0x3E00;
	[smem:$0x7F6] =	sst s28;
	v47 =	vor.u32 $0x30, v7;
	[tilespmem:$0x1FEF0] =	vst v49  }
0x38: {  	s31 =	simm.s32 $0x7E00;
	s4 =	stileid.u32;
	[smem:$0x7F7] =	sst s29;
	v41 =	vor.u32 $0x31, v7;
	[tilespmem:$0x1FF00] =	vst v47  }
0x39: {  	s10 =	sand.u32 $0x1, s10;
	s11 =	simm.s32 $0x2;
	[smem:$0x7F8] =	sst s30;
	v43 =	vor.u32 $0x32, v7;
	[tilespmem:$0x1FF10] =	vst v41  }
0x3a: {  	[smem:$0x7F9] =	sst s31;
	s14 =	simm.s32 $0xBE00;
	s15 =	simm.s32 $0x4200;
	v44 =	vor.u32 $0x33, v7;
	[tilespmem:$0x1FF20] =	vst v43  }
0x3b: {  	s16 =	simm.s32 $0x8200;
	s17 =	simm.s32 $0xC200;
	s18 =	simm.s32 $0xC600;
	v51 =	vor.u32 $0x34, v7;
	[tilespmem:$0x1FF30] =	vst v44  }
0x3c: {  	s19 =	simm.s32 $0xC800;
	s12 =	ssub.s32 $0x2, s10;
	[smem:$0x7FA] =	sst s14;
	v38 =	vor.u32 $0x35, v7;
	[tilespmem:$0x1FF40] =	vst v51  }
0x3d: {  	s20 =	sshll.u32 s4, $0x7;
	s10 =	sshll.u32 s10, $0x6;
	[smem:$0x7FB] =	sst s15;
	v39 =	vor.u32 $0x36, v7;
	[tilespmem:$0x1FF50] =	vst v38  }
0x3e: {  	s14 =	simm.s32 $0x600;
	s15 =	simm.s32 $0x4600;
	[smem:$0x7FC] =	sst s16;
	v35 =	vor.u32 $0x37, v7;
	[tilespmem:$0x1FF60] =	vst v39  }
0x3f: {  	v37 =	vor.u32 $0x38, v7;
	s16 =	simm.s32 $0x8600;
	[smem:$0x7FD] =	sst s17;
	s17 =	simm.s32 $0x1;
	[tilespmem:$0x1FF70] =	vst v35  }
0x40: {  	v32 =	vor.u32 $0x39, v7;
	s13 =	sshrl.u32 s12, $0x1;
	s10 =	sor.u32 s10, s20;
	s20 =	simm.s32 $0x0;
	[tilespmem:$0x1FF80] =	vst v37  }
0x41: {  	v30 =	vor.u32 $0x3A, v7;
	[tilespmem:$0x1FF90] =	vst v32;
	s12 =	ssub.s32 s12, s13;
	s5 =	sadd.s32 s5, s10;
	s6 =	sadd.s32 s6, s10  }
0x42: {  	v63 =	vor.u32 $0x1E, v7;
	v31 =	vor.u32 $0x3D, v7;
	[tilespmem:$0x1FFA0] =	vst v30;
	s7 =	sadd.s32 s7, s10;
	s8 =	sadd.s32 s8, s10;
	s9 =	sadd.s32 s9, s10  }
0x43: {  	v59 =	vor.u32 $0x1F, v7;
	v60 =	vor.u32 $0x20, v7;
	v62 =	vor.u32 $0x22, v7;
	[tilespmem:$0x1FFD0] =	vst v31;
	s13 =	simm.s32 $0x400;
	s10 =	smax.u32 s12, $0x1;
	s12 =	simm.s32 $0x200  }
.LBB2_1:
0x44: {  	[tilespmem:s1], [sflag:$0x2] =	stream.linear.gather [hbm4b:s5+s1], $0x200, $0x38;
	[tilespmem:$0xCA00] =	vst v63  }
0x45: {  	_ =	swait.ge [sflag:s11], $0x200  }
0x46: {  	[sflag:s11] =	ssyncset.done $0x0  }
0x47: {  	[sflag:s11] =	ssyncadd.s32 $0xFFFFFE00  }
0x48: {  	[tilespmem:s12], [sflag:$0x2] =	stream.linear.gather [hbm4b:s6+s1], $0x200, $0x38;
	[tilespmem:$0xCA00] =	vst v63  }
0x49: {  	_ =	swait.ge [sflag:s11], $0x200  }
0x4a: {  	[sflag:s11] =	ssyncset.done $0x0  }
0x4b: {  	[sflag:s11] =	ssyncadd.s32 $0xFFFFFE00  }
0x4c: {  	[tilespmem:s13], [sflag:$0x2] =	stream.linear.gather [hbm4b:s7+s1], $0x200, $0x38;
	[tilespmem:$0xCA00] =	vst v63  }
0x4d: {  	_ =	swait.ge [sflag:s11], $0x200  }
0x4e: {  	[sflag:s11] =	ssyncset.done $0x0  }
0x4f: {  	s21 =	simm.s32 $0x0;
	[sflag:s11] =	ssyncadd.s32 $0xFFFFFE00  }
.LBB2_2:
0x50: {  	s22 =	sshra.s32 s21, $0x2  }
0x51: {  	v1 =	vld [tilespmem:s22+$0x0];
	_ =	sdelay $0x1  }
0x52: {  	v2 =	vld [tilespmem:s22+$0x200];
	_ =	sdelay $0x2  }
0x53: {  	v6 =	vshll.u32 v1, $0x4  }
0x54: {  	v3 =	vld [tilespmem:s22+$0x400];
	(v2sf) =	vpush v6, $0x0  }
0x55: {  	v5 =	vshll.u32 v2, $0x4  }
0x56: {  	(v2sf) =	vpush v5, $0x0;
	_ =	sdelay $0x2  }
0x57: {  	v4 =	vshll.u32 v3, $0x4  }
0x58: {  	(v2sf) =	vpush v4, $0x0;
	_ =	sdelay $0x2  }
0x59: {  	(v2sf) =	vpush v6, $0x1;
	_ =	sdelay $0x5  }
0x5a: {  	s23 =	spop (v2sf);
	(v2sf) =	vpush v5, $0x1;
	_ =	sdelay $0x1  }
0x5b: {  	s26 =	spop (v2sf);
	(v2sf) =	vpush v4, $0x1;
	_ =	sdelay $0x3  }
0x5c: {  	s28 =	spop (v2sf);
	(v2sf) =	vpush v6, $0x2;
	_ =	sdelay $0x2  }
0x5d: {  	s29 =	spop (v2sf);
	(v2sf) =	vpush v5, $0x2;
	_ =	sdelay $0x1  }
0x5e: {  	s23 =	sand.u32 $0xFFFFF80, s23  }
0x5f: {  	s23 =	sadd.s32 s2, s23  }
0x60: {  	[tilespmem:s14], [sflag:$0x1] =	stream.linear.gather [hbm4b:s23+s1], $0x400, $0x38;
	[tilespmem:$0xCA00] =	vst v63  }
0x61: {  	s23 =	sand.u32 $0xFFFFF80, s26  }
0x62: {  	s23 =	sadd.s32 s3, s23;
	s30 =	spop (v2sf);
	(v2sf) =	vpush v4, $0x2  }
0x63: {  	[tilespmem:s15], [sflag:$0x1] =	stream.linear.gather [hbm4b:s23+s1], $0x400, $0x38;
	[tilespmem:$0xCA00] =	vst v63  }
0x64: {  	s25 =	spop (v2sf);
	(v2sf) =	vpush v6, $0x3  }
0x65: {  	s23 =	sand.u32 $0xFFFFF80, s28  }
0x66: {  	s23 =	sadd.s32 s3, s23  }
0x67: {  	[tilespmem:s16], [sflag:$0x1] =	stream.linear.gather [hbm4b:s23+s1], $0x400, $0x38;
	[tilespmem:$0xCA00] =	vst v63  }
0x68: {  	s23 =	sand.u32 $0xFFFFF80, s29;
	s28 =	spop (v2sf);
	(v2sf) =	vpush v5, $0x3  }
0x69: {  	s24 =	rddreg [dreg:$0x7];
	s23 =	sadd.s32 s2, s23  }
0x6a: {  	[tilespmem:s24], [sflag:$0x1] =	stream.linear.gather [hbm4b:s23+s1], $0x400, $0x38;
	[tilespmem:$0xCA00] =	vst v63  }
0x6b: {  	s23 =	sand.u32 $0xFFFFF80, s30;
	s30 =	spop (v2sf);
	(v2sf) =	vpush v4, $0x3;
	_ =	sdelay $0x2  }
0x6c: {  	s31 =	rddreg [dreg:$0x8];
	s23 =	sadd.s32 s3, s23  }
0x6d: {  	[tilespmem:s31], [sflag:$0x1] =	stream.linear.gather [hbm4b:s23+s1], $0x400, $0x38;
	[tilespmem:$0xCA00] =	vst v63  }
0x6e: {  	s23 =	sand.u32 $0xFFFFF80, s25  }
0x6f: {  	s26 =	rddreg [dreg:$0x9];
	s23 =	sadd.s32 s3, s23;
	s25 =	spop (v2sf);
	(v2sf) =	vpush v6, $0x4  }
0x70: {  	[tilespmem:s26], [sflag:$0x1] =	stream.linear.gather [hbm4b:s23+s1], $0x400, $0x38;
	[tilespmem:$0xCA00] =	vst v63  }
0x71: {  	s23 =	sand.u32 $0xFFFFF80, s28;
	s28 =	spop (v2sf);
	(v2sf) =	vpush v5, $0x4  }
0x72: {  	s29 =	rddreg [dreg:$0xa];
	s23 =	sadd.s32 s2, s23  }
0x73: {  	[tilespmem:s29], [sflag:$0x1] =	stream.linear.gather [hbm4b:s23+s1], $0x400, $0x38;
	[tilespmem:$0xCA00] =	vst v63  }
0x74: {  	s23 =	sand.u32 $0xFFFFF80, s30  }
0x75: {  	s31 =	rddreg [dreg:$0xb];
	s23 =	sadd.s32 s3, s23;
	s30 =	spop (v2sf);
	(v2sf) =	vpush v4, $0x4  }
0x76: {  	[tilespmem:s31], [sflag:$0x1] =	stream.linear.gather [hbm4b:s23+s1], $0x400, $0x38;
	[tilespmem:$0xCA00] =	vst v63  }
0x77: {  	s23 =	sand.u32 $0xFFFFF80, s25  }
0x78: {  	s26 =	rddreg [dreg:$0xc];
	s23 =	sadd.s32 s3, s23;
	s25 =	spop (v2sf);
	(v2sf) =	vpush v6, $0x5  }
0x79: {  	[tilespmem:s26], [sflag:$0x1] =	stream.linear.gather [hbm4b:s23+s1], $0x400, $0x38;
	[tilespmem:$0xCA00] =	vst v63  }
0x7a: {  	s23 =	sand.u32 $0xFFFFF80, s28  }
0x7b: {  	s29 =	rddreg [dreg:$0xd];
	s23 =	sadd.s32 s2, s23  }
0x7c: {  	[tilespmem:s29], [sflag:$0x1] =	stream.linear.gather [hbm4b:s23+s1], $0x400, $0x38;
	[tilespmem:$0xCA00] =	vst v63  }
0x7d: {  	s23 =	sand.u32 $0xFFFFF80, s30  }
0x7e: {  	s31 =	rddreg [dreg:$0xe];
	s23 =	sadd.s32 s3, s23;
	s28 =	spop (v2sf);
	(v2sf) =	vpush v5, $0x5  }
0x7f: {  	[tilespmem:s31], [sflag:$0x1] =	stream.linear.gather [hbm4b:s23+s1], $0x400, $0x38;
	[tilespmem:$0xCA00] =	vst v63  }
0x80: {  	s23 =	sand.u32 $0xFFFFF80, s25;
	s30 =	spop (v2sf);
	(v2sf) =	vpush v4, $0x5  }
0x81: {  	s26 =	rddreg [dreg:$0xf];
	s23 =	sadd.s32 s3, s23  }
0x82: {  	[tilespmem:s26], [sflag:$0x1] =	stream.linear.gather [hbm4b:s23+s1], $0x400, $0x38;
	[tilespmem:$0xCA00] =	vst v63  }
0x83: {  	s23 =	sand.u32 $0xFFFFF80, s28  }
0x84: {  	s29 =	rddreg [dreg:$0x10];
	s23 =	sadd.s32 s2, s23;
	s25 =	spop (v2sf)  }
0x85: {  	(v2sf) =	vpush v6, $0x6;
	[tilespmem:s29], [sflag:$0x1] =	stream.linear.gather [hbm4b:s23+s1], $0x400, $0x38;
	[tilespmem:$0xCA00] =	vst v63  }
0x86: {  	s23 =	sand.u32 $0xFFFFF80, s30  }
0x87: {  	s31 =	rddreg [dreg:$0x11];
	s28 =	spop (v2sf);
	(v2sf) =	vpush v5, $0x6;
	s23 =	sadd.s32 s3, s23  }
0x88: {  	[tilespmem:s31], [sflag:$0x1] =	stream.linear.gather [hbm4b:s23+s1], $0x400, $0x38;
	[tilespmem:$0xCA00] =	vst v63  }
0x89: {  	s23 =	sand.u32 $0xFFFFF80, s25  }
0x8a: {  	s26 =	rddreg [dreg:$0x12];
	s23 =	sadd.s32 s3, s23  }
0x8b: {  	[tilespmem:s26], [sflag:$0x1] =	stream.linear.gather [hbm4b:s23+s1], $0x400, $0x38;
	[tilespmem:$0xCA00] =	vst v63  }
0x8c: {  	s23 =	sand.u32 $0xFFFFF80, s28  }
0x8d: {  	s29 =	rddreg [dreg:$0x13];
	s23 =	sadd.s32 s2, s23;
	s30 =	spop (v2sf);
	(v2sf) =	vpush v4, $0x6  }
0x8e: {  	[tilespmem:s29], [sflag:$0x1] =	stream.linear.gather [hbm4b:s23+s1], $0x400, $0x38;
	[tilespmem:$0xCA00] =	vst v63  }
0x8f: {  	s25 =	spop (v2sf);
	(v2sf) =	vpush v6, $0x7  }
0x90: {  	s23 =	sand.u32 $0xFFFFF80, s30  }
0x91: {  	s31 =	rddreg [dreg:$0x14];
	s23 =	sadd.s32 s3, s23  }
0x92: {  	[tilespmem:s31], [sflag:$0x1] =	stream.linear.gather [hbm4b:s23+s1], $0x400, $0x38;
	[tilespmem:$0xCA00] =	vst v63  }
0x93: {  	s23 =	sand.u32 $0xFFFFF80, s25  }
0x94: {  	s26 =	rddreg [dreg:$0x15];
	s28 =	spop (v2sf);
	(v2sf) =	vpush v5, $0x7;
	s23 =	sadd.s32 s3, s23  }
0x95: {  	[tilespmem:s26], [sflag:$0x1] =	stream.linear.gather [hbm4b:s23+s1], $0x400, $0x38;
	[tilespmem:$0xCA00] =	vst v63  }
0x96: {  	s30 =	spop (v2sf);
	(v2sf) =	vpush v4, $0x7;
	s23 =	sand.u32 $0xFFFFF80, s28  }
0x97: {  	s29 =	rddreg [dreg:$0x16];
	s23 =	sadd.s32 s2, s23  }
0x98: {  	[tilespmem:s29], [sflag:$0x1] =	stream.linear.gather [hbm4b:s23+s1], $0x400, $0x38;
	[tilespmem:$0xCA00] =	vst v63  }
0x99: {  	s23 =	sand.u32 $0xFFFFF80, s30  }
0x9a: {  	s31 =	rddreg [dreg:$0x17];
	s23 =	sadd.s32 s3, s23  }
0x9b: {  	[tilespmem:s31], [sflag:$0x1] =	stream.linear.gather [hbm4b:s23+s1], $0x400, $0x38;
	[tilespmem:$0xCA00] =	vst v63  }
0x9c: {  	s25 =	spop (v2sf);
	(v2sf) =	vpush v6, $0x8  }
0x9d: {  	s23 =	sand.u32 $0xFFFFF80, s25  }
0x9e: {  	s26 =	rddreg [dreg:$0x18];
	s28 =	spop (v2sf);
	(v2sf) =	vpush v5, $0x8;
	s23 =	sadd.s32 s3, s23  }
0x9f: {  	[tilespmem:s26], [sflag:$0x1] =	stream.linear.gather [hbm4b:s23+s1], $0x400, $0x38;
	[tilespmem:$0xCA00] =	vst v63  }
0xa0: {  	s23 =	sand.u32 $0xFFFFF80, s28  }
0xa1: {  	s29 =	rddreg [dreg:$0x19];
	s23 =	sadd.s32 s2, s23  }
0xa2: {  	[tilespmem:s29], [sflag:$0x1] =	stream.linear.gather [hbm4b:s23+s1], $0x400, $0x38;
	[tilespmem:$0xCA00] =	vst v63  }
0xa3: {  	s23 =	spop (v2sf);
	(v2sf) =	vpush v4, $0x8;
	_ =	sdelay $0x1  }
0xa4: {  	s30 =	spop (v2sf);
	(v2sf) =	vpush v6, $0x9;
	_ =	sdelay $0x5  }
0xa5: {  	s25 =	spop (v2sf);
	(v2sf) =	vpush v5, $0x9;
	_ =	sdelay $0x1  }
0xa6: {  	s28 =	spop (v2sf);
	(v2sf) =	vpush v4, $0x9  }
0xa7: {  	s23 =	sand.u32 $0xFFFFF80, s23  }
0xa8: {  	s24 =	rddreg [dreg:$0x1a];
	s23 =	sadd.s32 s3, s23  }
0xa9: {  	[tilespmem:s24], [sflag:$0x1] =	stream.linear.gather [hbm4b:s23+s1], $0x400, $0x38;
	[tilespmem:$0xCA00] =	vst v63  }
0xaa: {  	s23 =	sand.u32 $0xFFFFF80, s30  }
0xab: {  	s31 =	rddreg [dreg:$0x1b];
	s23 =	sadd.s32 s3, s23;
	s30 =	spop (v2sf);
	(v2sf) =	vpush v6, $0xA  }
0xac: {  	[tilespmem:s31], [sflag:$0x1] =	stream.linear.gather [hbm4b:s23+s1], $0x400, $0x38;
	[tilespmem:$0xCA00] =	vst v63  }
0xad: {  	s23 =	sand.u32 $0xFFFFF80, s25;
	s25 =	spop (v2sf);
	(v2sf) =	vpush v5, $0xA  }
0xae: {  	s26 =	rddreg [dreg:$0x1c];
	s23 =	sadd.s32 s2, s23  }
0xaf: {  	[tilespmem:s26], [sflag:$0x1] =	stream.linear.gather [hbm4b:s23+s1], $0x400, $0x38;
	[tilespmem:$0xCA00] =	vst v63  }
0xb0: {  	s23 =	sand.u32 $0xFFFFF80, s28  }
0xb1: {  	s29 =	rddreg [dreg:$0x1d];
	s23 =	sadd.s32 s3, s23  }
0xb2: {  	[tilespmem:s29], [sflag:$0x1] =	stream.linear.gather [hbm4b:s23+s1], $0x400, $0x38;
	[tilespmem:$0xCA00] =	vst v63  }
0xb3: {  	s28 =	spop (v2sf);
	(v2sf) =	vpush v4, $0xA  }
0xb4: {  	s23 =	sand.u32 $0xFFFFF80, s30  }
0xb5: {  	s31 =	rddreg [dreg:$0x1e];
	s23 =	sadd.s32 s3, s23;
	s30 =	spop (v2sf);
	(v2sf) =	vpush v6, $0xB  }
0xb6: {  	[tilespmem:s31], [sflag:$0x1] =	stream.linear.gather [hbm4b:s23+s1], $0x400, $0x38;
	[tilespmem:$0xCA00] =	vst v63  }
0xb7: {  	s23 =	sand.u32 $0xFFFFF80, s25  }
0xb8: {  	s26 =	rddreg [dreg:$0x1f];
	s23 =	sadd.s32 s2, s23  }
0xb9: {  	[tilespmem:s26], [sflag:$0x1] =	stream.linear.gather [hbm4b:s23+s1], $0x400, $0x38;
	[tilespmem:$0xCA00] =	vst v63  }
0xba: {  	s29 =	sld [smem:$0x7EA];
	s25 =	spop (v2sf);
	(v2sf) =	vpush v5, $0xB  }
0xbb: {  	s23 =	sand.u32 $0xFFFFF80, s28  }
0xbc: {  	s31 =	sld [smem:$0x7EB];
	s23 =	sadd.s32 s3, s23;
	s28 =	spop (v2sf);
	(v2sf) =	vpush v4, $0xB  }
0xbd: {  	[tilespmem:s29], [sflag:$0x1] =	stream.linear.gather [hbm4b:s23+s1], $0x400, $0x38;
	[tilespmem:$0xCA00] =	vst v63  }
0xbe: {  	s23 =	sand.u32 $0xFFFFF80, s30  }
0xbf: {  	s26 =	sld [smem:$0x7EC];
	s23 =	sadd.s32 s3, s23  }
0xc0: {  	[tilespmem:s31], [sflag:$0x1] =	stream.linear.gather [hbm4b:s23+s1], $0x400, $0x38;
	[tilespmem:$0xCA00] =	vst v63  }
0xc1: {  	s23 =	sand.u32 $0xFFFFF80, s25  }
0xc2: {  	s23 =	sadd.s32 s2, s23;
	s30 =	spop (v2sf);
	(v2sf) =	vpush v6, $0xC  }
0xc3: {  	[tilespmem:s26], [sflag:$0x1] =	stream.linear.gather [hbm4b:s23+s1], $0x400, $0x38;
	[tilespmem:$0xCA00] =	vst v63  }
0xc4: {  	s29 =	sld [smem:$0x7ED];
	s25 =	spop (v2sf);
	(v2sf) =	vpush v5, $0xC  }
0xc5: {  	s23 =	sand.u32 $0xFFFFF80, s28  }
0xc6: {  	s31 =	sld [smem:$0x7EE];
	s23 =	sadd.s32 s3, s23  }
0xc7: {  	[tilespmem:s29], [sflag:$0x1] =	stream.linear.gather [hbm4b:s23+s1], $0x400, $0x38;
	[tilespmem:$0xCA00] =	vst v63  }
0xc8: {  	s23 =	sand.u32 $0xFFFFF80, s30  }
0xc9: {  	s26 =	sld [smem:$0x7EF];
	s23 =	sadd.s32 s3, s23;
	s28 =	spop (v2sf);
	(v2sf) =	vpush v4, $0xC  }
0xca: {  	[tilespmem:s31], [sflag:$0x1] =	stream.linear.gather [hbm4b:s23+s1], $0x400, $0x38;
	[tilespmem:$0xCA00] =	vst v63  }
0xcb: {  	s23 =	sand.u32 $0xFFFFF80, s25;
	s30 =	spop (v2sf);
	(v2sf) =	vpush v6, $0xD  }
0xcc: {  	s29 =	sld [smem:$0x7F0];
	s23 =	sadd.s32 s2, s23  }
0xcd: {  	[tilespmem:s26], [sflag:$0x1] =	stream.linear.gather [hbm4b:s23+s1], $0x400, $0x38;
	[tilespmem:$0xCA00] =	vst v63  }
0xce: {  	s23 =	sand.u32 $0xFFFFF80, s28  }
0xcf: {  	s23 =	sadd.s32 s3, s23  }
0xd0: {  	[tilespmem:s29], [sflag:$0x1] =	stream.linear.gather [hbm4b:s23+s1], $0x400, $0x38;
	[tilespmem:$0xCA00] =	vst v63  }
0xd1: {  	s31 =	sld [smem:$0x7F1];
	s25 =	spop (v2sf);
	(v2sf) =	vpush v5, $0xD  }
0xd2: {  	s23 =	sand.u32 $0xFFFFF80, s30  }
0xd3: {  	s26 =	sld [smem:$0x7F2];
	s23 =	sadd.s32 s3, s23;
	s28 =	spop (v2sf);
	(v2sf) =	vpush v4, $0xD  }
0xd4: {  	[tilespmem:s31], [sflag:$0x1] =	stream.linear.gather [hbm4b:s23+s1], $0x400, $0x38;
	[tilespmem:$0xCA00] =	vst v63  }
0xd5: {  	s23 =	sand.u32 $0xFFFFF80, s25  }
0xd6: {  	s23 =	sadd.s32 s2, s23  }
0xd7: {  	[tilespmem:s26], [sflag:$0x1] =	stream.linear.gather [hbm4b:s23+s1], $0x400, $0x38;
	[tilespmem:$0xCA00] =	vst v63  }
0xd8: {  	s29 =	sld [smem:$0x7F3];
	s30 =	spop (v2sf);
	(v2sf) =	vpush v6, $0xE  }
0xd9: {  	s23 =	sand.u32 $0xFFFFF80, s28  }
0xda: {  	s31 =	sld [smem:$0x7F4];
	s23 =	sadd.s32 s3, s23;
	s25 =	spop (v2sf);
	(v2sf) =	vpush v5, $0xE  }
0xdb: {  	[tilespmem:s29], [sflag:$0x1] =	stream.linear.gather [hbm4b:s23+s1], $0x400, $0x38;
	[tilespmem:$0xCA00] =	vst v63  }
0xdc: {  	s23 =	sand.u32 $0xFFFFF80, s30  }
0xdd: {  	s26 =	sld [smem:$0x7F5];
	s23 =	sadd.s32 s3, s23  }
0xde: {  	[tilespmem:s31], [sflag:$0x1] =	stream.linear.gather [hbm4b:s23+s1], $0x400, $0x38;
	[tilespmem:$0xCA00] =	vst v63  }
0xdf: {  	s23 =	sand.u32 $0xFFFFF80, s25  }
0xe0: {  	s23 =	sadd.s32 s2, s23;
	s28 =	spop (v2sf);
	(v2sf) =	vpush v4, $0xE  }
0xe1: {  	[tilespmem:s26], [sflag:$0x1] =	stream.linear.gather [hbm4b:s23+s1], $0x400, $0x38;
	[tilespmem:$0xCA00] =	vst v63  }
0xe2: {  	s29 =	sld [smem:$0x7F6];
	s30 =	spop (v2sf);
	(v2sf) =	vpush v6, $0xF  }
0xe3: {  	s23 =	sand.u32 $0xFFFFF80, s28  }
0xe4: {  	s31 =	sld [smem:$0x7F7];
	s23 =	sadd.s32 s3, s23  }
0xe5: {  	[tilespmem:s29], [sflag:$0x1] =	stream.linear.gather [hbm4b:s23+s1], $0x400, $0x38;
	[tilespmem:$0xCA00] =	vst v63  }
0xe6: {  	s23 =	sand.u32 $0xFFFFF80, s30  }
0xe7: {  	s26 =	sld [smem:$0x7F8];
	s23 =	sadd.s32 s3, s23;
	s25 =	spop (v2sf);
	(v2sf) =	vpush v5, $0xF  }
0xe8: {  	[tilespmem:s31], [sflag:$0x1] =	stream.linear.gather [hbm4b:s23+s1], $0x400, $0x38;
	[tilespmem:$0xCA00] =	vst v63  }
0xe9: {  	s23 =	sand.u32 $0xFFFFF80, s25;
	s28 =	spop (v2sf);
	(v2sf) =	vpush v4, $0xF  }
0xea: {  	s29 =	sld [smem:$0x7F9];
	s23 =	sadd.s32 s2, s23  }
0xeb: {  	[tilespmem:s26], [sflag:$0x1] =	stream.linear.gather [hbm4b:s23+s1], $0x400, $0x38;
	[tilespmem:$0xCA00] =	vst v63  }
0xec: {  	s23 =	sand.u32 $0xFFFFF80, s28  }
0xed: {  	s23 =	sadd.s32 s3, s23  }
0xee: {  	[tilespmem:s29], [sflag:$0x1] =	stream.linear.gather [hbm4b:s23+s1], $0x400, $0x38;
	[tilespmem:$0xCA00] =	vst v63  }
0xef: {  	s31 =	sld [smem:$0x7FA];
	s30 =	spop (v2sf)  }
0xf0: {  	s23 =	sand.u32 $0xFFFFF80, s30  }
0xf1: {  	s26 =	sld [smem:$0x7FB];
	s25 =	spop (v2sf);
	s23 =	sadd.s32 s3, s23  }
0xf2: {  	[tilespmem:s31], [sflag:$0x1] =	stream.linear.gather [hbm4b:s23+s1], $0x400, $0x38;
	[tilespmem:$0xCA00] =	vst v63  }
0xf3: {  	s23 =	sand.u32 $0xFFFFF80, s25  }
0xf4: {  	s23 =	sadd.s32 s2, s23  }
0xf5: {  	[tilespmem:s26], [sflag:$0x1] =	stream.linear.gather [hbm4b:s23+s1], $0x400, $0x38;
	[tilespmem:$0xCA00] =	vst v63  }
0xf6: {  	s29 =	sld [smem:$0x7FC];
	s28 =	spop (v2sf)  }
0xf7: {  	s23 =	sand.u32 $0xFFFFF80, s28  }
0xf8: {  	s31 =	sld [smem:$0x7FD];
	s30 =	spop (v2sf);
	s23 =	sadd.s32 s3, s23  }
0xf9: {  	[tilespmem:s29], [sflag:$0x1] =	stream.linear.gather [hbm4b:s23+s1], $0x400, $0x38;
	[tilespmem:$0xCA00] =	vst v63  }
0xfa: {  	s23 =	sand.u32 $0xFFFFF80, s30  }
0xfb: {  	s23 =	sadd.s32 s3, s23  }
0xfc: {  	[tilespmem:s31], [sflag:$0x1] =	stream.linear.gather [hbm4b:s23+s1], $0x400, $0x38;
	[tilespmem:$0xCA00] =	vst v63  }
0xfd: {  	_ =	swait.ge [sflag:s17], $0x400  }
0xfe: {  	[sflag:s17] =	ssyncset.done $0x0  }
0xff: {  	[sflag:s17] =	ssyncadd.s32 $0xFFFFFC00  }
0x100: {  	_ =	swait.ge [sflag:s17], $0x400  }
0x101: {  	[sflag:s17] =	ssyncset.done $0x0  }
0x102: {  	[sflag:s17] =	ssyncadd.s32 $0xFFFFFC00  }
0x103: {  	_ =	swait.ge [sflag:s17], $0x400  }
0x104: {  	[sflag:s17] =	ssyncset.done $0x0  }
0x105: {  	[sflag:s17] =	ssyncadd.s32 $0xFFFFFC00  }
0x106: {  	_ =	swait.ge [sflag:s17], $0x400  }
0x107: {  	[sflag:s17] =	ssyncset.done $0x0  }
0x108: {  	[sflag:s17] =	ssyncadd.s32 $0xFFFFFC00  }
0x109: {  	_ =	swait.ge [sflag:s17], $0x400  }
0x10a: {  	[sflag:s17] =	ssyncset.done $0x0  }
0x10b: {  	[sflag:s17] =	ssyncadd.s32 $0xFFFFFC00  }
0x10c: {  	_ =	swait.ge [sflag:s17], $0x400  }
0x10d: {  	[sflag:s17] =	ssyncset.done $0x0  }
0x10e: {  	[sflag:s17] =	ssyncadd.s32 $0xFFFFFC00  }
0x10f: {  	_ =	swait.ge [sflag:s17], $0x400  }
0x110: {  	[sflag:s17] =	ssyncset.done $0x0  }
0x111: {  	[sflag:s17] =	ssyncadd.s32 $0xFFFFFC00  }
0x112: {  	_ =	swait.ge [sflag:s17], $0x400  }
0x113: {  	[sflag:s17] =	ssyncset.done $0x0  }
0x114: {  	[sflag:s17] =	ssyncadd.s32 $0xFFFFFC00  }
0x115: {  	_ =	swait.ge [sflag:s17], $0x400  }
0x116: {  	[sflag:s17] =	ssyncset.done $0x0  }
0x117: {  	[sflag:s17] =	ssyncadd.s32 $0xFFFFFC00  }
0x118: {  	_ =	swait.ge [sflag:s17], $0x400  }
0x119: {  	[sflag:s17] =	ssyncset.done $0x0  }
0x11a: {  	[sflag:s17] =	ssyncadd.s32 $0xFFFFFC00  }
0x11b: {  	_ =	swait.ge [sflag:s17], $0x400  }
0x11c: {  	[sflag:s17] =	ssyncset.done $0x0  }
0x11d: {  	[sflag:s17] =	ssyncadd.s32 $0xFFFFFC00  }
0x11e: {  	_ =	swait.ge [sflag:s17], $0x400  }
0x11f: {  	[sflag:s17] =	ssyncset.done $0x0  }
0x120: {  	[sflag:s17] =	ssyncadd.s32 $0xFFFFFC00  }
0x121: {  	_ =	swait.ge [sflag:s17], $0x400  }
0x122: {  	[sflag:s17] =	ssyncset.done $0x0  }
0x123: {  	[sflag:s17] =	ssyncadd.s32 $0xFFFFFC00  }
0x124: {  	_ =	swait.ge [sflag:s17], $0x400  }
0x125: {  	[sflag:s17] =	ssyncset.done $0x0  }
0x126: {  	[sflag:s17] =	ssyncadd.s32 $0xFFFFFC00  }
0x127: {  	_ =	swait.ge [sflag:s17], $0x400  }
0x128: {  	[sflag:s17] =	ssyncset.done $0x0  }
0x129: {  	[sflag:s17] =	ssyncadd.s32 $0xFFFFFC00  }
0x12a: {  	_ =	swait.ge [sflag:s17], $0x400  }
0x12b: {  	[sflag:s17] =	ssyncset.done $0x0  }
0x12c: {  	[sflag:s17] =	ssyncadd.s32 $0xFFFFFC00  }
0x12d: {  	_ =	swait.ge [sflag:s17], $0x400  }
0x12e: {  	[sflag:s17] =	ssyncset.done $0x0  }
0x12f: {  	[sflag:s17] =	ssyncadd.s32 $0xFFFFFC00  }
0x130: {  	_ =	swait.ge [sflag:s17], $0x400  }
0x131: {  	[sflag:s17] =	ssyncset.done $0x0  }
0x132: {  	[sflag:s17] =	ssyncadd.s32 $0xFFFFFC00  }
0x133: {  	_ =	swait.ge [sflag:s17], $0x400  }
0x134: {  	[sflag:s17] =	ssyncset.done $0x0  }
0x135: {  	[sflag:s17] =	ssyncadd.s32 $0xFFFFFC00  }
0x136: {  	_ =	swait.ge [sflag:s17], $0x400  }
0x137: {  	[sflag:s17] =	ssyncset.done $0x0  }
0x138: {  	[sflag:s17] =	ssyncadd.s32 $0xFFFFFC00  }
0x139: {  	_ =	swait.ge [sflag:s17], $0x400  }
0x13a: {  	[sflag:s17] =	ssyncset.done $0x0  }
0x13b: {  	[sflag:s17] =	ssyncadd.s32 $0xFFFFFC00  }
0x13c: {  	_ =	swait.ge [sflag:s17], $0x400  }
0x13d: {  	[sflag:s17] =	ssyncset.done $0x0  }
0x13e: {  	[sflag:s17] =	ssyncadd.s32 $0xFFFFFC00  }
0x13f: {  	_ =	swait.ge [sflag:s17], $0x400  }
0x140: {  	[sflag:s17] =	ssyncset.done $0x0  }
0x141: {  	[sflag:s17] =	ssyncadd.s32 $0xFFFFFC00  }
0x142: {  	_ =	swait.ge [sflag:s17], $0x400  }
0x143: {  	[sflag:s17] =	ssyncset.done $0x0  }
0x144: {  	[sflag:s17] =	ssyncadd.s32 $0xFFFFFC00  }
0x145: {  	_ =	swait.ge [sflag:s17], $0x400  }
0x146: {  	[sflag:s17] =	ssyncset.done $0x0  }
0x147: {  	[sflag:s17] =	ssyncadd.s32 $0xFFFFFC00  }
0x148: {  	_ =	swait.ge [sflag:s17], $0x400  }
0x149: {  	[sflag:s17] =	ssyncset.done $0x0  }
0x14a: {  	[sflag:s17] =	ssyncadd.s32 $0xFFFFFC00  }
0x14b: {  	_ =	swait.ge [sflag:s17], $0x400  }
0x14c: {  	[sflag:s17] =	ssyncset.done $0x0  }
0x14d: {  	[sflag:s17] =	ssyncadd.s32 $0xFFFFFC00  }
0x14e: {  	_ =	swait.ge [sflag:s17], $0x400  }
0x14f: {  	[sflag:s17] =	ssyncset.done $0x0  }
0x150: {  	[sflag:s17] =	ssyncadd.s32 $0xFFFFFC00  }
0x151: {  	_ =	swait.ge [sflag:s17], $0x400  }
0x152: {  	[sflag:s17] =	ssyncset.done $0x0  }
0x153: {  	[sflag:s17] =	ssyncadd.s32 $0xFFFFFC00  }
0x154: {  	_ =	swait.ge [sflag:s17], $0x400  }
0x155: {  	[sflag:s17] =	ssyncset.done $0x0  }
0x156: {  	[sflag:s17] =	ssyncadd.s32 $0xFFFFFC00  }
0x157: {  	_ =	swait.ge [sflag:s17], $0x400  }
0x158: {  	[sflag:s17] =	ssyncset.done $0x0  }
0x159: {  	[sflag:s17] =	ssyncadd.s32 $0xFFFFFC00  }
0x15a: {  	_ =	swait.ge [sflag:s17], $0x400  }
0x15b: {  	[sflag:s17] =	ssyncset.done $0x0  }
0x15c: {  	[sflag:s17] =	ssyncadd.s32 $0xFFFFFC00  }
0x15d: {  	_ =	swait.ge [sflag:s17], $0x400  }
0x15e: {  	[sflag:s17] =	ssyncset.done $0x0  }
0x15f: {  	[sflag:s17] =	ssyncadd.s32 $0xFFFFFC00  }
0x160: {  	_ =	swait.ge [sflag:s17], $0x400  }
0x161: {  	[sflag:s17] =	ssyncset.done $0x0  }
0x162: {  	[sflag:s17] =	ssyncadd.s32 $0xFFFFFC00  }
0x163: {  	_ =	swait.ge [sflag:s17], $0x400  }
0x164: {  	[sflag:s17] =	ssyncset.done $0x0  }
0x165: {  	[sflag:s17] =	ssyncadd.s32 $0xFFFFFC00  }
0x166: {  	_ =	swait.ge [sflag:s17], $0x400  }
0x167: {  	[sflag:s17] =	ssyncset.done $0x0  }
0x168: {  	[sflag:s17] =	ssyncadd.s32 $0xFFFFFC00  }
0x169: {  	_ =	swait.ge [sflag:s17], $0x400  }
0x16a: {  	[sflag:s17] =	ssyncset.done $0x0  }
0x16b: {  	[sflag:s17] =	ssyncadd.s32 $0xFFFFFC00  }
0x16c: {  	_ =	swait.ge [sflag:s17], $0x400  }
0x16d: {  	[sflag:s17] =	ssyncset.done $0x0  }
0x16e: {  	[sflag:s17] =	ssyncadd.s32 $0xFFFFFC00  }
0x16f: {  	_ =	swait.ge [sflag:s17], $0x400  }
0x170: {  	[sflag:s17] =	ssyncset.done $0x0  }
0x171: {  	[sflag:s17] =	ssyncadd.s32 $0xFFFFFC00  }
0x172: {  	_ =	swait.ge [sflag:s17], $0x400  }
0x173: {  	[sflag:s17] =	ssyncset.done $0x0  }
0x174: {  	[sflag:s17] =	ssyncadd.s32 $0xFFFFFC00  }
0x175: {  	_ =	swait.ge [sflag:s17], $0x400  }
0x176: {  	[sflag:s17] =	ssyncset.done $0x0  }
0x177: {  	[sflag:s17] =	ssyncadd.s32 $0xFFFFFC00  }
0x178: {  	_ =	swait.ge [sflag:s17], $0x400  }
0x179: {  	[sflag:s17] =	ssyncset.done $0x0  }
0x17a: {  	[sflag:s17] =	ssyncadd.s32 $0xFFFFFC00  }
0x17b: {  	_ =	swait.ge [sflag:s17], $0x400  }
0x17c: {  	[sflag:s17] =	ssyncset.done $0x0  }
0x17d: {  	[sflag:s17] =	ssyncadd.s32 $0xFFFFFC00  }
0x17e: {  	_ =	swait.ge [sflag:s17], $0x400  }
0x17f: {  	[sflag:s17] =	ssyncset.done $0x0  }
0x180: {  	[sflag:s17] =	ssyncadd.s32 $0xFFFFFC00  }
0x181: {  	_ =	swait.ge [sflag:s17], $0x400  }
0x182: {  	[sflag:s17] =	ssyncset.done $0x0  }
0x183: {  	[sflag:s17] =	ssyncadd.s32 $0xFFFFFC00  }
0x184: {  	_ =	swait.ge [sflag:s17], $0x400  }
0x185: {  	[sflag:s17] =	ssyncset.done $0x0  }
0x186: {  	v0 =	vshll.u32 v1, $0x7;
	[sflag:s17] =	ssyncadd.s32 $0xFFFFFC00  }
0x187: {  	v1 =	vand.u32 $0x380, v0;
	_ =	swait.ge [sflag:s17], $0x400  }
0x188: {  	v23 =	vshll.u32 v2, $0x7;
	v6 =	vor.u32 v9, v1;
	[sflag:s17] =	ssyncset.done $0x0  }
0x189: {  	v2 =	vand.u32 $0x380, v23;
	[sflag:s17] =	ssyncadd.s32 $0xFFFFFC00  }
0x18a: {  	v30 =	vshll.u32 v3, $0x7;
	v5 =	vor.u32 v7, v2;
	_ =	swait.ge [sflag:s17], $0x400  }
0x18b: {  	v3 =	vand.u32 $0x380, v30;
	v8 =	vor.u32 v9, v2;
	[sflag:s17] =	ssyncset.done $0x0  }
0x18c: {  	v10 =	vor.u32 v9, v3;
	[sflag:s17] =	ssyncadd.s32 $0xFFFFFC00  }
0x18d: {  	v9 =	vld.idx.msk [tilespmem:v6+s14+$0x0], $0xffff;
	v6 =	vor.u32 v11, v3;
	_ =	sdelay $0x1  }
0x18e: {  	v22 =	vld.idx.msk [tilespmem:v5+s15+$0x0], $0xffff;
	v5 =	vor.u32 v11, v1  }
0x18f: {  	v17 =	vld.idx.msk [tilespmem:v8+s15+$0x0], $0xffff;
	v8 =	vor.u32 v13, v1  }
0x190: {  	v20 =	vld.idx.msk [tilespmem:v10+s16+$0x0], $0xffff;
	v10 =	vor.u32 v13, v2  }
0x191: {  	v28 =	vld.idx.msk [tilespmem:v6+s16+$0x0], $0xffff;
	v6 =	vor.u32 v18, v2  }
0x192: {  	v15 =	vor.u32 v18, v1  }
0x193: {  	v14 =	vld.idx.msk [tilespmem:v5+s14+$0x0], $0xffff;
	v5 =	vor.u32 v13, v3  }
0x194: {  	v30 =	vld.idx.msk [tilespmem:v8+s14+$0x0], $0xffff;
	v8 =	vor.u32 v18, v3  }
0x195: {  	v29 =	vld.idx.msk [tilespmem:v10+s15+$0x0], $0xffff;
	v10 =	vor.u32 v24, v1  }
0x196: {  	v34 =	vld.idx.msk [tilespmem:v6+s15+$0x0], $0xffff;
	v6 =	vor.u32 v26, v1  }
0x197: {  	v23 =	vld.idx.msk [tilespmem:v15+s14+$0x0], $0xffff;
	v15 =	vor.u32 v24, v3  }
0x198: {  	v35 =	vld.idx.msk [tilespmem:v5+s16+$0x0], $0xffff;
	v5 =	vor.u32 v24, v2  }
0x199: {  	v39 =	vld.idx.msk [tilespmem:v8+s16+$0x0], $0xffff;
	v8 =	vor.u32 v26, v2  }
0x19a: {  	v32 =	vld.idx.msk [tilespmem:v10+s14+$0x0], $0xffff;
	v10 =	vor.u32 v26, v3  }
0x19b: {  	v48 =	vld.idx.msk [tilespmem:v6+s14+$0x0], $0xffff;
	v6 =	vor.u32 v27, v3  }
0x19c: {  	v40 =	vld.idx.msk [tilespmem:v15+s16+$0x0], $0xffff;
	v15 =	vor.u32 v27, v2  }
0x19d: {  	v37 =	vld.idx.msk [tilespmem:v5+s15+$0x0], $0xffff;
	v5 =	vor.u32 v27, v1  }
0x19e: {  	v38 =	vld.idx.msk [tilespmem:v8+s15+$0x0], $0xffff;
	v8 =	vor.u32 v33, v1  }
0x19f: {  	v49 =	vld.idx.msk [tilespmem:v10+s16+$0x0], $0xffff;
	v10 =	vor.u32 v33, v2  }
0x1a0: {  	v57 =	vld.idx.msk [tilespmem:v6+s16+$0x0], $0xffff;
	v6 =	vor.u32 v36, v2  }
0x1a1: {  	v43 =	vld.idx.msk [tilespmem:v15+s15+$0x0], $0xffff;
	v15 =	vor.u32 v36, v1  }
0x1a2: {  	v41 =	vld.idx.msk [tilespmem:v5+s14+$0x0], $0xffff;
	v5 =	vor.u32 v33, v3  }
0x1a3: {  	v50 =	vld.idx.msk [tilespmem:v8+s14+$0x0], $0xffff;
	v8 =	vor.u32 v36, v3  }
0x1a4: {  	v44 =	vld.idx.msk [tilespmem:v10+s15+$0x0], $0xffff;
	v10 =	vor.u32 v42, v1  }
0x1a5: {  	v46 =	vld.idx.msk [tilespmem:v6+s15+$0x0], $0xffff;
	v6 =	vor.u32 v45, v1  }
0x1a6: {  	v54 =	vld.idx.msk [tilespmem:v15+s14+$0x0], $0xffff  }
0x1a7: {  	v58 =	vld.idx.msk [tilespmem:v5+s16+$0x0], $0xffff;
	v5 =	vor.u32 v42, v2  }
0x1a8: {  	v15 =	vor.u32 v42, v3;
	v61 =	vld.idx.msk [tilespmem:v8+s16+$0x0], $0xffff  }
0x1a9: {  	v51 =	vld.idx.msk [tilespmem:v10+s14+$0x0], $0xffff;
	v10 =	vor.u32 v45, v3  }
0x1aa: {  	v8 =	vor.u32 v45, v2;
	v45 =	vld.idx.msk [tilespmem:v6+s14+$0x0], $0xffff;
	v6 =	vor.u32 v55, v3;
	_ =	sdelay $0x1  }
0x1ab: {  	v47 =	vld.idx.msk [tilespmem:v5+s15+$0x0], $0xffff;
	v5 =	vor.u32 v55, v1  }
0x1ac: {  	v16 =	vmov v53;
	v53 =	vld.idx.msk [tilespmem:v15+s16+$0x0], $0xffff;
	v15 =	vor.u32 v55, v2  }
0x1ad: {  	v55 =	vld.idx.msk [tilespmem:v10+s16+$0x0], $0xffff;
	v10 =	vor.u32 v56, v2  }
0x1ae: {  	v31 =	vld.idx.msk [tilespmem:v6+s16+$0x0], $0xffff  }
0x1af: {  	v52 =	vld.idx.msk [tilespmem:v8+s15+$0x0], $0xffff  }
0x1b0: {  	v4 =	vor.u32 v7, v1;
	v42 =	vld.idx.msk [tilespmem:v5+s14+$0x0], $0xffff  }
0x1b1: {  	v8 =	vor.u32 v56, v1;
	v5 =	vor.u32 v56, v3;
	v56 =	vld.idx.msk [tilespmem:v15+s15+$0x0], $0xffff  }
0x1b2: {  	v15 =	vor.u32 v16, v1;
	v33 =	vld.idx.msk [tilespmem:v10+s15+$0x0], $0xffff  }
0x1b3: {  	v6 =	vor.u32 v16, v2;
	[tilespmem:$0x1FAC0] =	vst v31;
	v31 =	vld [tilespmem:$0x1FC40];
	_ =	sdelay $0x1  }
0x1b4: {  	v21 =	vld.idx.msk [tilespmem:v4+s14+$0x0], $0xffff  }
0x1b5: {  	v4 =	vld.idx.msk [tilespmem:v5+s16+$0x0], $0xffff  }
0x1b6: {  	[tilespmem:$0x1FAD0] =	vst v33;
	v33 =	vld.idx.msk [tilespmem:v15+s14+$0x0], $0xffff  }
0x1b7: {  	v10 =	vor.u32 v31, v1;
	v5 =	vor.u32 v31, v2;
	v15 =	vor.u32 v31, v3;
	v31 =	vld.idx.msk [tilespmem:v6+s15+$0x0], $0xffff;
	_ =	sdelay $0x2  }
0x1b8: {  	v36 =	vld.idx.msk [tilespmem:v8+s14+$0x0], $0xffff;
	v8 =	vor.u32 v16, v3;
	_ =	sdelay $0x1  }
0x1b9: {  	[tilespmem:$0x1FAF0] =	vst v31;
	v31 =	vld [tilespmem:$0x1FC50];
	_ =	sdelay $0x2  }
0x1ba: {  	[tilespmem:$0x1FAE0] =	vst v4;
	v4 =	vld.idx.msk [tilespmem:v8+s16+$0x0], $0xffff  }
0x1bb: {  	v27 =	vld.idx.msk [tilespmem:v10+s14+$0x0], $0xffff  }
0x1bc: {  	v6 =	vor.u32 v31, v1;
	v8 =	vor.u32 v31, v2;
	v10 =	vor.u32 v31, v3;
	v31 =	vld.idx.msk [tilespmem:v5+s15+$0x0], $0xffff;
	_ =	sdelay $0x4  }
0x1bd: {  	[tilespmem:$0x1FB10] =	vst v31;
	v31 =	vld [tilespmem:$0x1FC60];
	_ =	sdelay $0x2  }
0x1be: {  	[tilespmem:$0x1FB00] =	vst v4;
	v4 =	vld.idx.msk [tilespmem:v15+s16+$0x0], $0xffff  }
0x1bf: {  	v24 =	vld.idx.msk [tilespmem:v6+s14+$0x0], $0xffff  }
0x1c0: {  	v5 =	vor.u32 v31, v1;
	v15 =	vor.u32 v31, v2;
	v6 =	vor.u32 v31, v3;
	v31 =	vld.idx.msk [tilespmem:v8+s15+$0x0], $0xffff;
	_ =	sdelay $0x4  }
0x1c1: {  	[tilespmem:$0x1FB30] =	vst v31;
	v31 =	vld [tilespmem:$0x1FC70];
	_ =	sdelay $0x2  }
0x1c2: {  	[tilespmem:$0x1FB20] =	vst v4;
	v4 =	vld.idx.msk [tilespmem:v10+s16+$0x0], $0xffff  }
0x1c3: {  	v18 =	vld.idx.msk [tilespmem:v5+s14+$0x0], $0xffff  }
0x1c4: {  	v8 =	vor.u32 v31, v1;
	v10 =	vor.u32 v31, v2;
	v5 =	vor.u32 v31, v3;
	v31 =	vld.idx.msk [tilespmem:v15+s15+$0x0], $0xffff;
	_ =	sdelay $0x2  }
0x1c5: {  	[tilespmem:$0x1FB40] =	vst v4;
	v4 =	vld.idx.msk [tilespmem:v6+s16+$0x0], $0xffff;
	_ =	sdelay $0x1  }
0x1c6: {  	[tilespmem:$0x1FB50] =	vst v31;
	v31 =	vld [tilespmem:$0x1FC80];
	_ =	sdelay $0x2  }
0x1c7: {  	[tilespmem:$0x1FB60] =	vst v4;
	v4 =	vld [tilespmem:$0x1FC90]  }
0x1c8: {  	v15 =	vld.idx.msk [tilespmem:v8+s14+$0x0], $0xffff  }
0x1c9: {  	v26 =	vor.u32 v31, v1;
	v6 =	vor.u32 v31, v2;
	v8 =	vor.u32 v31, v3;
	v31 =	vld.idx.msk [tilespmem:v10+s15+$0x0], $0xffff  }
0x1ca: {  	v0 =	vor.u32 v7, v3;
	v5 =	vld.idx.msk [tilespmem:v5+s16+$0x0], $0xffff  }
0x1cb: {  	v12 =	vor.u32 v11, v2;
	_ =	sdelay $0x2  }
0x1cc: {  	[tilespmem:$0x1FB70] =	vst v31;
	v31 =	vor.u32 v4, v1  }
0x1cd: {  	v19 =	vld.idx.msk [tilespmem:v0+s16+$0x0], $0xffff;
	[tilespmem:$0x1FB80] =	vst v5;
	v5 =	vor.u32 v4, v2  }
0x1ce: {  	v25 =	vld.idx.msk [tilespmem:v12+s15+$0x0], $0xffff  }
0x1cf: {  	v12 =	vld [tilespmem:$0x1FCA0]  }
0x1d0: {  	v7 =	vld.idx.msk [tilespmem:v8+s16+$0x0], $0xffff  }
0x1d1: {  	v16 =	vld.idx.msk [tilespmem:v31+s14+$0x0], $0xffff  }
0x1d2: {  	v4 =	vor.u32 v4, v3;
	v31 =	vld.idx.msk [tilespmem:v5+s15+$0x0], $0xffff;
	_ =	sdelay $0x2  }
0x1d3: {  	v19 =	vmul.f32 v19, v21  }
0x1d4: {  	v17 =	vmul.f32 v17, v9;
	[tilespmem:$0x1FB90] =	vst v7  }
0x1d5: {  	v9 =	vmul.f32 v20, v9;
	v19 =	vadd.f32 $0.0e+00, v19;
	v7 =	vor.u32 v12, v2;
	[tilespmem:$0x1FBA0] =	vst v31;
	v31 =	vld.idx.msk [tilespmem:v4+s16+$0x0], $0xffff;
	_ =	sdelay $0x1  }
0x1d6: {  	v9 =	vadd.f32 v9, v19;
	v19 =	vmul.f32 v28, v14;
	v11 =	vld.idx.msk [tilespmem:v26+s14+$0x0], $0xffff  }
0x1d7: {  	v26 =	vld.idx.msk [tilespmem:v6+s15+$0x0], $0xffff;
	v6 =	vor.u32 v12, v1  }
0x1d8: {  	v13 =	vor.u32 v12, v3;
	v9 =	vadd.f32 v19, v9;
	v19 =	vmul.f32 v35, v30;
	v8 =	vld [tilespmem:$0x1FCB0]  }
0x1d9: {  	[tilespmem:$0x1FBB0] =	vst v31;
	v31 =	vld.idx.msk [tilespmem:v7+s15+$0x0], $0xffff  }
0x1da: {  	v9 =	vadd.f32 v19, v9;
	v19 =	vmul.f32 v39, v23;
	_ =	sdelay $0x1  }
0x1db: {  	v9 =	vadd.f32 v19, v9;
	v19 =	vmul.f32 v40, v32;
	v12 =	vld.idx.msk [tilespmem:v6+s14+$0x0], $0xffff  }
0x1dc: {  	v5 =	vor.u32 v8, v1;
	v6 =	vor.u32 v8, v3;
	v4 =	vor.u32 v8, v2;
	v8 =	vld.idx.msk [tilespmem:v13+s16+$0x0], $0xffff  }
0x1dd: {  	v9 =	vadd.f32 v19, v9;
	v19 =	vmul.f32 v49, v48;
	[tilespmem:$0x1FBC0] =	vst v31;
	v31 =	vld [tilespmem:$0x1FCC0];
	_ =	sdelay $0x1  }
0x1de: {  	v9 =	vadd.f32 v19, v9;
	v19 =	vmul.f32 v57, v41;
	_ =	sdelay $0x1  }
0x1df: {  	v9 =	vadd.f32 v19, v9;
	v19 =	vmul.f32 v58, v50;
	v13 =	vld.idx.msk [tilespmem:v5+s14+$0x0], $0xffff;
	[tilespmem:$0x1FBD0] =	vst v8  }
0x1e0: {  	v7 =	vor.u32 v31, v1;
	v8 =	vor.u32 v31, v2;
	v5 =	vor.u32 v31, v3;
	v31 =	vld.idx.msk [tilespmem:v4+s15+$0x0], $0xffff  }
0x1e1: {  	v0 =	vld [tilespmem:$0x1FCD0];
	v9 =	vadd.f32 v19, v9;
	v19 =	vmul.f32 v61, v54  }
0x1e2: {  	v20 =	vmul.f32 v25, v14;
	v4 =	vld.idx.msk [tilespmem:v6+s16+$0x0], $0xffff  }
0x1e3: {  	v25 =	vor.u32 v59, v2;
	v9 =	vadd.f32 v19, v9;
	v19 =	vmul.f32 v53, v51  }
0x1e4: {  	v35 =	vld [tilespmem:$0x1FD00]  }
0x1e5: {  	v9 =	vadd.f32 v19, v9;
	v19 =	vmul.f32 v55, v45;
	[tilespmem:$0x1FBE0] =	vst v31;
	v31 =	vld.idx.msk [tilespmem:v7+s14+$0x0], $0xffff  }
0x1e6: {  	v10 =	vor.u32 v0, v1;
	v6 =	vor.u32 v0, v2;
	v7 =	vor.u32 v0, v3;
	v0 =	vld [tilespmem:$0x1FCE0]  }
0x1e7: {  	[tilespmem:$0x1FBF0] =	vst v4;
	v4 =	vmul.f32 v22, v21;
	v22 =	vld.idx.msk [tilespmem:v8+s15+$0x0], $0xffff  }
0x1e8: {  	v19 =	vadd.f32 v19, v9;
	v9 =	vld.idx.msk [tilespmem:v25+s15+$0x0], $0xffff  }
0x1e9: {  	v21 =	vadd.f32 $0.0e+00, v4;
	v4 =	vld.idx.msk [tilespmem:v5+s16+$0x0], $0xffff  }
0x1ea: {  	v53 =	vld [tilespmem:$0x1FAE0]  }
0x1eb: {  	v17 =	vadd.f32 v17, v21;
	v21 =	vld.idx.msk [tilespmem:v6+s15+$0x0], $0xffff;
	v8 =	vor.u32 v0, v1  }
0x1ec: {  	[tilespmem:$0x1FC00] =	vst v22;
	v5 =	vor.u32 v0, v2;
	v22 =	vld.idx.msk [tilespmem:v10+s14+$0x0], $0xffff  }
0x1ed: {  	v7 =	vld.idx.msk [tilespmem:v7+s16+$0x0], $0xffff;
	v17 =	vadd.f32 v20, v17;
	v20 =	vmul.f32 v29, v30  }
0x1ee: {  	[tilespmem:$0x1FC10] =	vst v4;
	v4 =	vor.u32 v0, v3;
	v0 =	vld [tilespmem:$0x1FCF0]  }
0x1ef: {  	v10 =	vld [tilespmem:$0x1FB30];
	v17 =	vadd.f32 v20, v17;
	v20 =	vmul.f32 v34, v23  }
0x1f0: {  	v14 =	vld.idx.msk [tilespmem:v8+s14+$0x0], $0xffff  }
0x1f1: {  	v30 =	vld.idx.msk [tilespmem:v5+s15+$0x0], $0xffff;
	v5 =	vor.u32 v35, v1;
	v17 =	vadd.f32 v20, v17;
	v20 =	vmul.f32 v37, v32  }
0x1f2: {  	v37 =	vld [tilespmem:$0x1FD10]  }
0x1f3: {  	v6 =	vor.u32 v0, v1;
	v4 =	vld.idx.msk [tilespmem:v4+s16+$0x0], $0xffff;
	v17 =	vadd.f32 v20, v17;
	v20 =	vmul.f32 v38, v48  }
0x1f4: {  	[tilespmem:$0x1FC20] =	vst v7;
	v7 =	vor.u32 v0, v2;
	v38 =	vld [tilespmem:$0x1FD20]  }
0x1f5: {  	v8 =	vor.u32 v0, v3;
	v17 =	vadd.f32 v20, v17;
	v20 =	vmul.f32 v43, v41;
	v43 =	vld [tilespmem:$0x1FD30]  }
0x1f6: {  	v32 =	vld.idx.msk [tilespmem:v5+s14+$0x0], $0xffff  }
0x1f7: {  	v17 =	vadd.f32 v20, v17;
	v20 =	vmul.f32 v44, v50;
	v44 =	vld [tilespmem:$0x1FB20]  }
0x1f8: {  	v5 =	vor.u32 v37, v3;
	v23 =	vld.idx.msk [tilespmem:v6+s14+$0x0], $0xffff  }
0x1f9: {  	v39 =	vld.idx.msk [tilespmem:v7+s15+$0x0], $0xffff  }
0x1fa: {  	[tilespmem:$0x1FC30] =	vst v4;
	v4 =	vor.u32 v35, v2;
	v40 =	vld.idx.msk [tilespmem:v8+s16+$0x0], $0xffff  }
0x1fb: {  	v6 =	vor.u32 v35, v3;
	v7 =	vor.u32 v37, v1;
	v8 =	vor.u32 v37, v2;
	v37 =	vld [tilespmem:$0x1FAF0]  }
0x1fc: {  	v17 =	vadd.f32 v20, v17;
	v20 =	vmul.f32 v46, v54;
	v46 =	vld [tilespmem:$0x1FD40]  }
0x1fd: {  	v58 =	vld.idx.msk [tilespmem:v5+s16+$0x0], $0xffff  }
0x1fe: {  	v17 =	vadd.f32 v20, v17;
	v20 =	vmul.f32 v47, v51;
	v47 =	vld [tilespmem:$0x1FAC0]  }
0x1ff: {  	v48 =	vld.idx.msk [tilespmem:v4+s15+$0x0], $0xffff;
	v4 =	vor.u32 v38, v1  }
0x200: {  	v49 =	vld.idx.msk [tilespmem:v6+s16+$0x0], $0xffff  }
0x201: {  	v57 =	vld.idx.msk [tilespmem:v8+s15+$0x0], $0xffff;
	v8 =	vor.u32 v63, v1  }
0x202: {  	v41 =	vld.idx.msk [tilespmem:v7+s14+$0x0], $0xffff;
	v7 =	vor.u32 v38, v3  }
0x203: {  	v5 =	vor.u32 v63, v2;
	v17 =	vadd.f32 v20, v17;
	v20 =	vmul.f32 v52, v45;
	v52 =	vld [tilespmem:$0x1FAD0]  }
0x204: {  	v50 =	vld.idx.msk [tilespmem:v4+s14+$0x0], $0xffff;
	v4 =	vor.u32 v63, v3  }
0x205: {  	v6 =	vor.u32 v38, v2;
	v38 =	vld [tilespmem:$0x1FB00]  }
0x206: {  	v51 =	vld.idx.msk [tilespmem:v8+s14+$0x0], $0xffff;
	v8 =	vor.u32 v59, v3  }
0x207: {  	v61 =	vld.idx.msk [tilespmem:v7+s16+$0x0], $0xffff  }
0x208: {  	v7 =	vld.idx.msk [tilespmem:v5+s15+$0x0], $0xffff;
	v5 =	vor.u32 v60, v1  }
0x209: {  	v28 =	vor.u32 v60, v2;
	v55 =	vld.idx.msk [tilespmem:v4+s16+$0x0], $0xffff;
	v4 =	vadd.f32 v20, v17;
	v17 =	vmul.f32 v56, v42  }
0x20a: {  	v20 =	vmul.f32 v47, v42;
	v47 =	vmul.f32 v10, v24;
	v10 =	vld [tilespmem:$0x1FB40]  }
0x20b: {  	v17 =	vadd.f32 v17, v4;
	v4 =	vld.idx.msk [tilespmem:v8+s16+$0x0], $0xffff  }
0x20c: {  	v25 =	vor.u32 v43, v1;
	v56 =	vor.u32 v43, v3;
	v8 =	vor.u32 v43, v2;
	v43 =	vld [tilespmem:$0x1FB10]  }
0x20d: {  	v29 =	vmul.f32 v52, v36;
	v19 =	vadd.f32 v20, v19;
	v20 =	vmul.f32 v53, v36;
	v36 =	vld.idx.msk [tilespmem:v5+s14+$0x0], $0xffff  }
0x20e: {  	v5 =	vld.idx.msk [tilespmem:v28+s15+$0x0], $0xffff;
	v28 =	vor.u32 v62, v1  }
0x20f: {  	v53 =	vld [tilespmem:$0x1FB50];
	v17 =	vadd.f32 v29, v17;
	v29 =	vmul.f32 v37, v33  }
0x210: {  	v19 =	vadd.f32 v20, v19;
	v20 =	vmul.f32 v38, v33;
	v52 =	vmul.f32 v10, v24;
	v10 =	vld [tilespmem:$0x1FB60]  }
0x211: {  	v33 =	vld.idx.msk [tilespmem:v25+s14+$0x0], $0xffff;
	v17 =	vadd.f32 v29, v17;
	v29 =	vmul.f32 v43, v27  }
0x212: {  	v19 =	vadd.f32 v20, v19;
	v20 =	vmul.f32 v44, v27;
	v27 =	vld.idx.msk [tilespmem:v8+s15+$0x0], $0xffff  }
0x213: {  	v34 =	vor.u32 v46, v2;
	v24 =	vld.idx.msk [tilespmem:v28+s14+$0x0], $0xffff;
	v29 =	vadd.f32 v29, v17  }
0x214: {  	v25 =	vor.u32 v62, v3;
	v8 =	vor.u32 v46, v1;
	v28 =	vor.u32 v46, v3;
	v46 =	vld [tilespmem:$0x1FD50]  }
0x215: {  	v29 =	vadd.f32 v47, v29;
	v47 =	vmul.f32 v10, v18;
	v10 =	vld [tilespmem:$0x1FB70]  }
0x216: {  	v42 =	vor.u32 v62, v2  }
0x217: {  	v20 =	vadd.f32 v20, v19  }
0x218: {  	v17 =	vld.idx.msk [tilespmem:v56+s16+$0x0], $0xffff;
	v56 =	vmul.f32 v53, v18  }
0x219: {  	v38 =	vadd.f32 v52, v20;
	v20 =	vld.idx.msk [tilespmem:v25+s16+$0x0], $0xffff  }
0x21a: {  	v53 =	vor.u32 v46, v1;
	v25 =	vadd.f32 v56, v29;
	v29 =	vmul.f32 v10, v15;
	v10 =	vld [tilespmem:$0x1FB90]  }
0x21b: {  	v19 =	vld.idx.msk [tilespmem:v42+s15+$0x0], $0xffff  }
0x21c: {  	v42 =	vld [tilespmem:$0x1FB80]  }
0x21d: {  	v18 =	vld.idx.msk [tilespmem:v8+s14+$0x0], $0xffff;
	v8 =	vor.u32 v46, v3  }
0x21e: {  	v52 =	vor.u32 v46, v2;
	v46 =	vld [tilespmem:$0x1FD60]  }
0x21f: {  	v56 =	vadd.f32 v47, v38;
	v47 =	vmul.f32 v10, v11;
	v10 =	vld.idx.msk [tilespmem:v53+s14+$0x0], $0xffff  }
0x220: {  	v53 =	vld [tilespmem:$0x1FBA0]  }
0x221: {  	v44 =	vmul.f32 v42, v15;
	v15 =	vld.idx.msk [tilespmem:v34+s15+$0x0], $0xffff  }
0x222: {  	v38 =	vld.idx.msk [tilespmem:v8+s16+$0x0], $0xffff  }
0x223: {  	v26 =	vmul.f32 v26, v11;
	v29 =	vadd.f32 v29, v25;
	v11 =	vld [tilespmem:$0x1FBB0]  }
0x224: {  	v8 =	vld [tilespmem:$0x1FBC0]  }
0x225: {  	v34 =	vor.u32 v46, v1;
	v26 =	vadd.f32 v26, v29;
	v29 =	vmul.f32 v53, v16;
	v53 =	vld [tilespmem:$0x1FBD0]  }
0x226: {  	v37 =	vadd.f32 v44, v56;
	v56 =	vld [tilespmem:$0x1FD70]  }
0x227: {  	v54 =	vld.idx.msk [tilespmem:v6+s15+$0x0], $0xffff  }
0x228: {  	v42 =	vld.idx.msk [tilespmem:v52+s15+$0x0], $0xffff;
	v37 =	vadd.f32 v47, v37;
	v11 =	vmul.f32 v11, v16  }
0x229: {  	v6 =	vor.u32 v59, v1;
	v16 =	vld [tilespmem:$0x1FBE0];
	v26 =	vadd.f32 v29, v26  }
0x22a: {  	v29 =	vmul.f32 v8, v12;
	v8 =	vld.idx.msk [tilespmem:v34+s14+$0x0], $0xffff;
	v11 =	vadd.f32 v11, v37;
	v12 =	vmul.f32 v53, v12  }
0x22b: {  	v52 =	vor.u32 v56, v1;
	v44 =	vor.u32 v56, v2;
	v34 =	vor.u32 v56, v3;
	v56 =	vld [tilespmem:$0x1FD80]  }
0x22c: {  	v11 =	vadd.f32 v12, v11;
	v12 =	vld [tilespmem:$0x1FBF0]  }
0x22d: {  	v53 =	vld [tilespmem:$0x1FD90];
	_ =	sdelay $0x1  }
0x22e: {  	v45 =	vld.idx.msk [tilespmem:v6+s14+$0x0], $0xffff;
	v6 =	vor.u32 v60, v3  }
0x22f: {  	v35 =	vor.u32 v46, v3;
	v25 =	vld.idx.msk [tilespmem:v28+s16+$0x0], $0xffff;
	v28 =	vor.u32 v46, v2;
	v26 =	vadd.f32 v29, v26  }
0x230: {  	v29 =	vmul.f32 v16, v13;
	v37 =	vor.u32 v56, v1;
	v12 =	vmul.f32 v12, v13  }
0x231: {  	v46 =	vor.u32 v56, v2;
	v43 =	vor.u32 v56, v3;
	v56 =	vor.u32 v53, v2;
	v13 =	vld.idx.msk [tilespmem:v52+s14+$0x0], $0xffff  }
0x232: {  	v11 =	vadd.f32 v12, v11;
	v12 =	vld [tilespmem:$0x1FC10]  }
0x233: {  	v52 =	vld [tilespmem:$0x1FC00]  }
0x234: {  	v6 =	vld.idx.msk [tilespmem:v6+s16+$0x0], $0xffff  }
0x235: {  	v16 =	vld.idx.msk [tilespmem:v34+s16+$0x0], $0xffff  }
0x236: {  	v34 =	vld.idx.msk [tilespmem:v56+s15+$0x0], $0xffff  }
0x237: {  	v56 =	vld [tilespmem:$0x1FDB0];
	v12 =	vmul.f32 v12, v31  }
0x238: {  	v26 =	vadd.f32 v29, v26;
	v29 =	vmul.f32 v52, v31;
	v31 =	vld [tilespmem:$0x1FC20]  }
0x239: {  	v11 =	vadd.f32 v12, v11;
	v12 =	vld.idx.msk [tilespmem:v46+s15+$0x0], $0xffff  }
0x23a: {  	v21 =	vmul.f32 v21, v22;
	v26 =	vadd.f32 v29, v26;
	v46 =	vld [tilespmem:$0x1FDA0]  }
0x23b: {  	v9 =	vmul.f32 v9, v45;
	v4 =	vmul.f32 v4, v45;
	v45 =	vld [tilespmem:$0x1FE70]  }
0x23c: {  	v35 =	vld.idx.msk [tilespmem:v35+s16+$0x0], $0xffff;
	v21 =	vadd.f32 v21, v26;
	v26 =	vmul.f32 v30, v14  }
0x23d: {  	v28 =	vld.idx.msk [tilespmem:v28+s15+$0x0], $0xffff  }
0x23e: {  	v44 =	vld.idx.msk [tilespmem:v44+s15+$0x0], $0xffff;
	v21 =	vadd.f32 v26, v21;
	v26 =	vmul.f32 v39, v23;
	v39 =	vor.u32 v56, v1  }
0x23f: {  	v29 =	vld.idx.msk [tilespmem:v37+s14+$0x0], $0xffff;
	v0 =	vmul.f32 v31, v22;
	v52 =	vor.u32 v46, v1  }
0x240: {  	v30 =	vld.idx.msk [tilespmem:v43+s16+$0x0], $0xffff;
	v21 =	vadd.f32 v26, v21;
	v26 =	vmul.f32 v48, v32  }
0x241: {  	v0 =	vadd.f32 v0, v11;
	v11 =	vld [tilespmem:$0x1FC30]  }
0x242: {  	v47 =	vor.u32 v53, v1;
	v21 =	vadd.f32 v26, v21;
	v26 =	vmul.f32 v57, v41;
	v57 =	vld [tilespmem:$0x1FED0]  }
0x243: {  	v37 =	vor.u32 v53, v3;
	v39 =	vld.idx.msk [tilespmem:v39+s14+$0x0], $0xffff  }
0x244: {  	v31 =	vor.u32 v46, v3;
	v22 =	vld.idx.msk [tilespmem:v52+s14+$0x0], $0xffff  }
0x245: {  	v53 =	vor.u32 v46, v2;
	v21 =	vadd.f32 v26, v21;
	v26 =	vmul.f32 v54, v50;
	v52 =	vld [tilespmem:$0x1FEB0]  }
0x246: {  	v54 =	vld [tilespmem:$0x1FEC0];
	v11 =	vmul.f32 v11, v14  }
0x247: {  	v7 =	vmul.f32 v7, v51;
	v14 =	vld.idx.msk [tilespmem:v47+s14+$0x0], $0xffff;
	v21 =	vadd.f32 v26, v21  }
0x248: {  	v0 =	vadd.f32 v11, v0;
	v11 =	vmul.f32 v40, v23;
	v23 =	vld.idx.msk [tilespmem:v37+s16+$0x0], $0xffff;
	v37 =	vor.u32 v56, v2  }
0x249: {  	v31 =	vld.idx.msk [tilespmem:v31+s16+$0x0], $0xffff;
	v40 =	vor.u32 v56, v3;
	v7 =	vadd.f32 v7, v21  }
0x24a: {  	v0 =	vadd.f32 v11, v0;
	v11 =	vmul.f32 v49, v32;
	v32 =	vld.idx.msk [tilespmem:v53+s15+$0x0], $0xffff;
	v43 =	vor.u32 v52, v1  }
0x24b: {  	v5 =	vmul.f32 v5, v36;
	v53 =	vld [tilespmem:$0x1FEB0];
	v7 =	vadd.f32 v9, v7  }
0x24c: {  	v56 =	vor.u32 v54, v1;
	v49 =	vld [tilespmem:$0x1FF10];
	v0 =	vadd.f32 v11, v0;
	v11 =	vmul.f32 v58, v41  }
0x24d: {  	v58 =	vor.u32 v54, v2;
	v5 =	vadd.f32 v5, v7;
	v7 =	vmul.f32 v27, v33;
	v37 =	vld.idx.msk [tilespmem:v37+s15+$0x0], $0xffff  }
0x24e: {  	v40 =	vld.idx.msk [tilespmem:v40+s16+$0x0], $0xffff;
	v0 =	vadd.f32 v11, v0;
	v11 =	vmul.f32 v61, v50;
	v61 =	vor.u32 v54, v3  }
0x24f: {  	v54 =	vor.u32 v57, v2;
	v5 =	vadd.f32 v7, v5;
	v7 =	vmul.f32 v19, v24;
	v26 =	vld.idx.msk [tilespmem:v43+s14+$0x0], $0xffff  }
0x250: {  	v46 =	vor.u32 v53, v2;
	v0 =	vadd.f32 v11, v0;
	v11 =	vmul.f32 v55, v51;
	v51 =	vld [tilespmem:$0x1FF40]  }
0x251: {  	v41 =	vor.u32 v53, v3;
	v53 =	vor.u32 v57, v1;
	v55 =	vor.u32 v57, v3;
	v57 =	vld [tilespmem:$0x1FEE0]  }
0x252: {  	v43 =	vld [tilespmem:$0x1FF20]  }
0x253: {  	v5 =	vadd.f32 v7, v5;
	v7 =	vmul.f32 v15, v18;
	v9 =	vld.idx.msk [tilespmem:v58+s15+$0x0], $0xffff  }
0x254: {  	v0 =	vadd.f32 v11, v0;
	v11 =	vld.idx.msk [tilespmem:v56+s14+$0x0], $0xffff  }
0x255: {  	v5 =	vadd.f32 v7, v5;
	v7 =	vmul.f32 v42, v10;
	v42 =	vld [tilespmem:$0x1FE60]  }
0x256: {  	v46 =	vld.idx.msk [tilespmem:v46+s15+$0x0], $0xffff  }
0x257: {  	v21 =	vld.idx.msk [tilespmem:v41+s16+$0x0], $0xffff  }
0x258: {  	v0 =	vadd.f32 v4, v0;
	v4 =	vmul.f32 v6, v36;
	v6 =	vld.idx.msk [tilespmem:v61+s16+$0x0], $0xffff  }
0x259: {  	v27 =	vld.idx.msk [tilespmem:v53+s14+$0x0], $0xffff  }
0x25a: {  	v61 =	vld [tilespmem:$0x1FEF0];
	v5 =	vadd.f32 v7, v5;
	v7 =	vmul.f32 v28, v8;
	v28 =	vor.u32 v49, v2  }
0x25b: {  	v53 =	vld [tilespmem:$0x1FEA0];
	v58 =	vor.u32 v57, v1  }
0x25c: {  	v19 =	vld.idx.msk [tilespmem:v55+s16+$0x0], $0xffff  }
0x25d: {  	v36 =	vor.u32 v57, v2;
	v55 =	vld [tilespmem:$0x1FE80]  }
0x25e: {  	v50 =	vor.u32 v57, v3;
	v0 =	vadd.f32 v4, v0;
	v4 =	vmul.f32 v17, v33;
	v17 =	vld.idx.msk [tilespmem:v54+s15+$0x0], $0xffff  }
0x25f: {  	v5 =	vadd.f32 v7, v5;
	v7 =	vmul.f32 v44, v13;
	v28 =	vld.idx.msk [tilespmem:v28+s15+$0x0], $0xffff  }
0x260: {  	v0 =	vadd.f32 v4, v0;
	v4 =	vmul.f32 v20, v24;
	v56 =	vor.u32 v61, v1;
	v20 =	vld.idx.msk [tilespmem:v58+s14+$0x0], $0xffff  }
0x261: {  	v57 =	vor.u32 v61, v2;
	v58 =	vld [tilespmem:$0x1FF00]  }
0x262: {  	v5 =	vadd.f32 v7, v5;
	v7 =	vmul.f32 v12, v29;
	v24 =	vor.u32 v61, v3;
	v15 =	vld.idx.msk [tilespmem:v36+s15+$0x0], $0xffff  }
0x263: {  	v0 =	vadd.f32 v4, v0;
	v4 =	vmul.f32 v25, v18;
	v18 =	vld.idx.msk [tilespmem:v50+s16+$0x0], $0xffff  }
0x264: {  	v5 =	vadd.f32 v7, v5;
	v7 =	vmul.f32 v34, v14;
	v36 =	vld [tilespmem:$0x1FE50]  }
0x265: {  	v50 =	vor.u32 v49, v1;
	v0 =	vadd.f32 v4, v0;
	v4 =	vmul.f32 v38, v10;
	v33 =	vld.idx.msk [tilespmem:v56+s14+$0x0], $0xffff  }
0x266: {  	v5 =	vadd.f32 v7, v5;
	v7 =	vmul.f32 v32, v22;
	v10 =	vld.idx.msk [tilespmem:v57+s15+$0x0], $0xffff  }
0x267: {  	v24 =	vld.idx.msk [tilespmem:v24+s16+$0x0], $0xffff;
	v0 =	vadd.f32 v4, v0;
	v4 =	vmul.f32 v35, v8;
	v57 =	vor.u32 v49, v3  }
0x268: {  	v49 =	vor.u32 v51, v2;
	v5 =	vadd.f32 v7, v5;
	v7 =	vmul.f32 v37, v39;
	v56 =	vld [tilespmem:$0x1FE90]  }
0x269: {  	v61 =	vor.u32 v58, v1;
	v25 =	vor.u32 v58, v2;
	v48 =	vor.u32 v58, v3;
	v58 =	vld [tilespmem:$0x1FF30]  }
0x26a: {  	v47 =	vor.u32 v51, v1;
	v12 =	vld.idx.msk [tilespmem:v50+s14+$0x0], $0xffff;
	v0 =	vadd.f32 v4, v0;
	v4 =	vmul.f32 v16, v13  }
0x26b: {  	v50 =	vor.u32 v51, v3;
	v51 =	vld [tilespmem:$0x1FF60];
	v5 =	vadd.f32 v7, v5;
	v7 =	vmul.f32 v46, v26  }
0x26c: {  	v0 =	vadd.f32 v4, v0;
	v4 =	vmul.f32 v30, v29;
	v30 =	vld.idx.msk [tilespmem:v57+s16+$0x0], $0xffff  }
0x26d: {  	v5 =	vadd.f32 v7, v5;
	v7 =	vmul.f32 v9, v11;
	v9 =	vld.idx.msk [tilespmem:v49+s15+$0x0], $0xffff  }
0x26e: {  	v8 =	vld.idx.msk [tilespmem:v61+s14+$0x0], $0xffff  }
0x26f: {  	v16 =	vor.u32 v43, v2;
	v25 =	vld.idx.msk [tilespmem:v25+s15+$0x0], $0xffff  }
0x270: {  	v41 =	vor.u32 v43, v3;
	v13 =	vld.idx.msk [tilespmem:v48+s16+$0x0], $0xffff  }
0x271: {  	v61 =	vor.u32 v43, v1;
	v29 =	vor.u32 v58, v1;
	v43 =	vor.u32 v58, v2;
	v48 =	vld [tilespmem:$0x1FF50]  }
0x272: {  	v0 =	vadd.f32 v4, v0;
	v4 =	vmul.f32 v23, v14;
	v44 =	vor.u32 v58, v3;
	v58 =	vld.idx.msk [tilespmem:v47+s14+$0x0], $0xffff  }
0x273: {  	v47 =	vld [tilespmem:$0x1FFA0]  }
0x274: {  	v16 =	vld.idx.msk [tilespmem:v16+s15+$0x0], $0xffff;
	v0 =	vadd.f32 v4, v0;
	v4 =	vmul.f32 v31, v22  }
0x275: {  	v22 =	vld.idx.msk [tilespmem:v41+s16+$0x0], $0xffff  }
0x276: {  	v0 =	vadd.f32 v4, v0;
	v4 =	vmul.f32 v40, v39;
	v40 =	vld [tilespmem:$0x1FF70]  }
0x277: {  	v14 =	vld.idx.msk [tilespmem:v61+s14+$0x0], $0xffff  }
0x278: {  	v5 =	vadd.f32 v7, v5;
	v7 =	vmul.f32 v17, v27;
	v29 =	vld.idx.msk [tilespmem:v29+s14+$0x0], $0xffff  }
0x279: {  	v34 =	vld.idx.msk [tilespmem:v43+s15+$0x0], $0xffff  }
0x27a: {  	v5 =	vadd.f32 v7, v5;
	v7 =	vmul.f32 v15, v20;
	v52 =	vor.u32 v48, v1;
	v23 =	vld.idx.msk [tilespmem:v44+s16+$0x0], $0xffff  }
0x27b: {  	v57 =	vor.u32 v48, v2;
	v43 =	vld [tilespmem:$0x1FF80];
	v0 =	vadd.f32 v4, v0;
	v4 =	vmul.f32 v21, v26  }
0x27c: {  	v5 =	vadd.f32 v7, v5;
	v7 =	vmul.f32 v10, v33;
	v44 =	vld [tilespmem:$0x1FF90];
	v26 =	vor.u32 v48, v3  }
0x27d: {  	v61 =	vor.u32 v51, v1;
	v48 =	vld [tilespmem:$0x1FFD0];
	v0 =	vadd.f32 v4, v0;
	v4 =	vmul.f32 v6, v11  }
0x27e: {  	v5 =	vadd.f32 v7, v5;
	v7 =	vmul.f32 v25, v8;
	v6 =	vld.idx.msk [tilespmem:v50+s16+$0x0], $0xffff  }
0x27f: {  	v11 =	vor.u32 v51, v2;
	v17 =	vld.idx.msk [tilespmem:v52+s14+$0x0], $0xffff;
	v0 =	vadd.f32 v4, v0;
	v4 =	vmul.f32 v19, v27  }
0x280: {  	v41 =	vor.u32 v51, v3;
	v5 =	vadd.f32 v7, v5;
	v7 =	vmul.f32 v28, v12;
	v19 =	vld.idx.msk [tilespmem:v57+s15+$0x0], $0xffff  }
0x281: {  	v27 =	vor.u32 v40, v1;
	v15 =	vld.idx.msk [tilespmem:v26+s16+$0x0], $0xffff;
	v0 =	vadd.f32 v4, v0;
	v4 =	vmul.f32 v18, v20  }
0x282: {  	v46 =	vor.u32 v43, v2;
	v5 =	vadd.f32 v7, v5;
	v7 =	vmul.f32 v16, v14;
	v18 =	vld.idx.msk [tilespmem:v61+s14+$0x0], $0xffff  }
0x283: {  	v26 =	vor.u32 v40, v2;
	v61 =	vld [tilespmem:$0x1FFF0];
	v0 =	vadd.f32 v4, v0;
	v4 =	vmul.f32 v24, v33  }
0x284: {  	v49 =	vor.u32 v47, v2;
	v5 =	vadd.f32 v7, v5;
	v7 =	vmul.f32 v34, v29;
	v10 =	vld.idx.msk [tilespmem:v11+s15+$0x0], $0xffff  }
0x285: {  	v20 =	vor.u32 v40, v3;
	v24 =	vld.idx.msk [tilespmem:v41+s16+$0x0], $0xffff;
	v0 =	vadd.f32 v4, v0;
	v4 =	vmul.f32 v13, v8  }
0x286: {  	v5 =	vadd.f32 v7, v5;
	v7 =	vmul.f32 v9, v58;
	v25 =	vld.idx.msk [tilespmem:v27+s14+$0x0], $0xffff  }
0x287: {  	v11 =	vor.u32 v43, v1;
	v16 =	vld.idx.msk [tilespmem:v46+s15+$0x0], $0xffff;
	v0 =	vadd.f32 v4, v0;
	v4 =	vmul.f32 v30, v12  }
0x288: {  	v28 =	vor.u32 v47, v1;
	v27 =	vor.u32 v43, v3;
	v8 =	vld.idx.msk [tilespmem:v26+s15+$0x0], $0xffff;
	v5 =	vadd.f32 v7, v5  }
0x289: {  	v7 =	vmul.f32 v19, v17;
	v19 =	vld.idx.msk [tilespmem:v49+s15+$0x0], $0xffff;
	v0 =	vadd.f32 v4, v0;
	v4 =	vmul.f32 v22, v14  }
0x28a: {  	v20 =	vld.idx.msk [tilespmem:v20+s16+$0x0], $0xffff  }
0x28b: {  	v26 =	vor.u32 v44, v2;
	v0 =	vadd.f32 v4, v0;
	v4 =	vmul.f32 v23, v29;
	v29 =	vld [tilespmem:$0x1FFB0]  }
0x28c: {  	v11 =	vld.idx.msk [tilespmem:v11+s14+$0x0], $0xffff;
	v12 =	vor.u32 v44, v3  }
0x28d: {  	v13 =	vor.u32 v44, v1;
	v14 =	vld.idx.msk [tilespmem:v27+s16+$0x0], $0xffff  }
0x28e: {  	v27 =	vor.u32 v47, v3;
	v0 =	vadd.f32 v4, v0;
	v4 =	vmul.f32 v6, v58;
	v6 =	vld.idx.msk [tilespmem:v28+s14+$0x0], $0xffff  }
0x28f: {  	v28 =	vld [tilespmem:$0x1FFC0]  }
0x290: {  	v50 =	vld.idx.msk [tilespmem:v26+s15+$0x0], $0xffff;
	v0 =	vadd.f32 v4, v0;
	v4 =	vmul.f32 v15, v17;
	v26 =	vor.u32 v29, v1  }
0x291: {  	v5 =	vadd.f32 v7, v5;
	v7 =	vmul.f32 v10, v18;
	v9 =	vld.idx.msk [tilespmem:v12+s16+$0x0], $0xffff;
	v12 =	vor.u32 v29, v2  }
0x292: {  	v13 =	vld.idx.msk [tilespmem:v13+s14+$0x0], $0xffff;
	v51 =	vor.u32 v29, v3;
	v0 =	vadd.f32 v4, v0;
	v4 =	vmul.f32 v24, v18  }
0x293: {  	v5 =	vadd.f32 v7, v5;
	v7 =	vmul.f32 v8, v25;
	v15 =	vld.idx.msk [tilespmem:v27+s16+$0x0], $0xffff;
	v18 =	vor.u32 v48, v1  }
0x294: {  	v17 =	vor.u32 v28, v2;
	v0 =	vadd.f32 v4, v0;
	v4 =	vmul.f32 v20, v25;
	v25 =	vld [tilespmem:$0x1FFE0]  }
0x295: {  	v52 =	vor.u32 v28, v1;
	v10 =	vld.idx.msk [tilespmem:v26+s14+$0x0], $0xffff  }
0x296: {  	v54 =	vor.u32 v48, v2;
	v12 =	vld.idx.msk [tilespmem:v12+s15+$0x0], $0xffff  }
0x297: {  	v57 =	vor.u32 v48, v3;
	v8 =	vld.idx.msk [tilespmem:v51+s16+$0x0], $0xffff  }
0x298: {  	v5 =	vadd.f32 v7, v5;
	v7 =	vmul.f32 v16, v11;
	v26 =	vor.u32 v28, v3;
	v18 =	vld.idx.msk [tilespmem:v18+s14+$0x0], $0xffff  }
0x299: {  	v0 =	vadd.f32 v4, v0;
	v4 =	vmul.f32 v14, v11;
	v16 =	vld.idx.msk [tilespmem:v17+s15+$0x0], $0xffff;
	v17 =	vor.u32 v25, v1  }
0x29a: {  	v5 =	vadd.f32 v7, v5;
	v7 =	vmul.f32 v50, v13;
	v20 =	vld.idx.msk [tilespmem:v52+s14+$0x0], $0xffff;
	v14 =	vor.u32 v25, v2  }
0x29b: {  	v0 =	vadd.f32 v4, v0;
	v4 =	vmul.f32 v9, v13;
	v9 =	vld.idx.msk [tilespmem:v54+s15+$0x0], $0xffff;
	v58 =	vor.u32 v25, v3  }
0x29c: {  	v13 =	vld.idx.msk [tilespmem:v57+s16+$0x0], $0xffff;
	v1 =	vor.u32 v61, v1  }
0x29d: {  	v5 =	vadd.f32 v7, v5;
	v7 =	vmul.f32 v19, v6;
	v2 =	vor.u32 v61, v2;
	v11 =	vld.idx.msk [tilespmem:v26+s16+$0x0], $0xffff  }
0x29e: {  	v3 =	vor.u32 v61, v3;
	v0 =	vadd.f32 v4, v0;
	v4 =	vmul.f32 v15, v6;
	v6 =	vld.idx.msk [tilespmem:v17+s14+$0x0], $0xffff  }
0x29f: {  	v5 =	vadd.f32 v7, v5;
	v7 =	vmul.f32 v12, v10;
	v12 =	vld.idx.msk [tilespmem:v14+s15+$0x0], $0xffff  }
0x2a0: {  	v0 =	vadd.f32 v4, v0;
	v4 =	vmul.f32 v8, v10;
	v8 =	vld.idx.msk [tilespmem:v58+s16+$0x0], $0xffff  }
0x2a1: {  	v5 =	vadd.f32 v7, v5;
	v7 =	vmul.f32 v16, v20;
	v1 =	vld.idx.msk [tilespmem:v1+s14+$0x0], $0xffff  }
0x2a2: {  	v0 =	vadd.f32 v4, v0;
	v2 =	vld.idx.msk [tilespmem:v2+s15+$0x0], $0xffff;
	v4 =	vmul.f32 v11, v20  }
0x2a3: {  	v3 =	vld.idx.msk [tilespmem:v3+s16+$0x0], $0xffff;
	v5 =	vadd.f32 v7, v5;
	v7 =	vmul.f32 v9, v18  }
0x2a4: {  	v33 =	vld [tilespmem:$0x1FE40];
	v0 =	vadd.f32 v4, v0;
	v4 =	vmul.f32 v13, v18  }
0x2a5: {  	v27 =	vld [tilespmem:$0x1FE30];
	v5 =	vadd.f32 v7, v5;
	v7 =	vmul.f32 v12, v6  }
0x2a6: {  	v24 =	vld [tilespmem:$0x1FE10];
	v0 =	vadd.f32 v4, v0;
	v4 =	vmul.f32 v8, v6  }
0x2a7: {  	p0 =	sne.s32 s21, $0x7C0;
	v26 =	vld [tilespmem:$0x1FE20];
	v2 =	vmul.f32 v2, v1;
	v5 =	vadd.f32 v7, v5  }
.Ltmp0:
0x2a8: {  	v9 =	vld [tilespmem:$0x1FDD0];
	v1 =	vmul.f32 v3, v1;
	v0 =	vadd.f32 v4, v0;
	(pc) =	sbr.rel @p0 .LBB2_2-.Ltmp0, $4  }
0x2a9: {  	v11 =	vld [tilespmem:$0x1FDE0];
	v2 =	vadd.f32 v2, v5  }
0x2aa: {  	v18 =	vld [tilespmem:$0x1FE00];
	v0 =	vadd.f32 v1, v0  }
0x2ab: {  	v13 =	vld [tilespmem:$0x1FDF0];
	[tilespmem:s22+$0xC600] =	vst v2  }
0x2ac: {  	s21 =	sadd.s32 $0x40, s21;
	v7 =	vld [tilespmem:$0x1FDC0];
	[tilespmem:s22+$0xC800] =	vst v0  }
0x2ad: {  	[hbm4b:s8+s1] =	stream.linear.scatter [tilespmem:s18], [sflag:$0x2], $0x200, $0x38;
	[tilespmem:$0xCA00] =	vst v63  }
0x2ae: {  	s20 =	sadd.s32 $0x1, s20;
	_ =	swait.ge [sflag:s11], $0x200  }
0x2af: {  	p0 =	sne.s32 s20, s10;
	[sflag:s11] =	ssyncset.done $0x0  }
.Ltmp1:
0x2b0: {  	[sflag:s11] =	ssyncadd.s32 $0xFFFFFE00;
	(pc) =	sbr.rel @p0 .LBB2_1-.Ltmp1, $4  }
0x2b1: {  	[hbm4b:s9+s1] =	stream.linear.scatter [tilespmem:s19], [sflag:$0x2], $0x200, $0x38;
	[tilespmem:$0xCA00] =	vst v63  }
0x2b2: {  	_ =	swait.ge [sflag:s11], $0x200  }
0x2b3: {  	[sflag:s11] =	ssyncset.done $0x0  }
0x2b4: {  	[sflag:s11] =	ssyncadd.s32 $0xFFFFFE00  }
0x2b5: {  	_ =	sfence.sel $0x180000  }
0x2b6: {  	[bflag:$0x0] =	sbarrier.arrive $0xFFFF  }
0x2b7: {  	p0 =	sne.s32 s4, $0x0;
	_ =	strace $0x90000047  }
0x2b8: {  	s0 =	sadd.s32 @!p0 $0x100000, s0;
	[bflag:$0x2] =	sbarrier.arrive $0xFFFF  }
0x2b9: {  	[sflag:s0] =	ssyncadd.tile.s32 @!p0 $0x1;
	_ =	shalt  }
.Lfunc_end2:
_tile_overlayer_lowered:
.L_overlay_start_2:
0x2ba: {  	(tag) =	ssettag $0x2  }
0x2bb: {  	s0 =	rddreg [dreg:$0x0];
	s2 =	stileid.u32  }
0x2bc: {  	s1 =	rddreg [dreg:$0x1];
	p0 =	sne.s32 s2, $0x0  }
0x2bd: {  	s3 =	rddreg [dreg:$0x2];
	[bflag:$0x3] =	sbarrier.arrive $0xFFFF;
	s2 =	simm.s32 @!p0 $0x1C02  }
0x2be: {  	[timem:s3], [sflag:s2] =	dma.local @!p0 [hbm:s0], s1  }
0x2bf: {  	s0 =	simm.s32 @!p0 $0x2  }
0x2c0: {  	_ =	swait.ge @!p0 [sflag:s0], s1  }
0x2c1: {  	s1 =	ssub.s32 @!p0 $0x0, s1;
	[sflag:s0] =	ssyncset.done @!p0 $0x0  }
0x2c2: {  	[sflag:s0] =	ssyncadd.s32 @!p0 s1  }
0x2c3: {  	[bflag:$0x3] =	sbarrier.arrive $0xFFFF  }
0x2c4: {  	_ =	shalt  }

</sc_bundles>
